<compile_context>
chip_gen: v7x
topology: tpu7x:2x2x1
jax: 0.10.2.dev20260603
libtpu: 0.0.44.dev20260713+nightly
codegen_flags: <defaults>
</compile_context>

<pallas_src>
import functools

import jax
import jax.numpy as jnp
from jax import lax
from jax.experimental import pallas as pl
from jax.experimental.pallas import tpu as pltpu
from jax.experimental.pallas import tpu_sc as plsc

NUM_EMBEDDINGS = 1000000
D = 64
BATCH = 4096
HIST = 200

_info = plsc.get_sparse_core_info()
NC = _info.num_cores
NS = _info.num_subcores
NW = NC * NS
L = _info.num_lanes

C = BATCH // NW
NQ = C // L

NKFULL = NUM_EMBEDDINGS // 128
NTAIL = NUM_EMBEDDINGS - NKFULL * 128
W2ROWS = NUM_EMBEDDINGS // 2
NB = 4


@functools.partial(
    pl.kernel,
    out_type=jax.ShapeDtypeStruct((W2ROWS, 2 * D), jnp.float32),
    mesh=plsc.VectorSubcoreMesh(core_axis_name="c", subcore_axis_name="s"),
    scratch_types=[
        pltpu.VMEM((NB, D, 128), jnp.float32),
        pltpu.VMEM((NB, D, 128), jnp.float32),
        pltpu.SemaphoreType.DMA((NB,)),
        pltpu.SemaphoreType.DMA((NB,)),
    ],
    compiler_params=pltpu.CompilerParams(
        use_tc_tiling_on_sc=True, needs_layout_passes=False),
)
def _retile(wt_hbm, wtail_hbm, w2_hbm, b_v, o_v, gsem, wsem):
    wid = lax.axis_index("s") * NC + lax.axis_index("c")
    nk = jnp.where(wid < NKFULL % NW, NKFULL // NW + 1, NKFULL // NW)

    def load(j, b):
        k = wid + NW * j
        return pltpu.make_async_copy(
            wt_hbm.at[:, pl.ds(128 * k, 128)], b_v.at[b], gsem.at[b])

    def write(j, b):
        k = wid + NW * j
        return pltpu.make_async_copy(
            o_v.at[b], w2_hbm.at[pl.ds(D * k, D)], wsem.at[b])

    lanes = lax.iota(jnp.int32, L)

    def transpose_block(b):
        src = b_v.at[b]
        dst = o_v.at[b]

        def rloop(r, carry):
            r2 = (r + lanes) & (D - 1)
            i2 = r2 + r2
            vals = [
                plsc.load_gather(
                    src, [(L * q) % D + lanes, i2 + (q // (NQ // 2))])
                for q in range(NQ)
            ]
            for q in range(NQ):
                plsc.store_scatter(dst, [r2, lanes + L * q], vals[q])
            return carry

        lax.fori_loop(0, D, rloop, 0)

    for i in range(NB - 1):
        @pl.when(nk > i)
        def _():
            load(i, i).start()

    def body(p, carry):
        for b in range(NB):
            j = NB * p + b

            @pl.when(j < nk)
            def _():
                @pl.when(j >= NB)
                def _():
                    write(j - NB, b).wait()
                load(j, b).wait()
                transpose_block(b)
                write(j, b).start()

                @pl.when(j + NB - 1 < nk)
                def _():
                    load(j + NB - 1, (b + NB - 1) % NB).start()
        return carry

    lax.fori_loop(0, (NKFULL // NW + 1 + NB - 1) // NB, body, 0)

    for b in range(NB):
        write(0, b).wait()

    @pl.when(wid == NW - 1)
    def _():
        pltpu.sync_copy(wtail_hbm, b_v.at[0])
        transpose_block(0)
        pltpu.sync_copy(o_v.at[0, pl.ds(0, NTAIL // 2)],
                        w2_hbm.at[pl.ds(D * NKFULL, NTAIL // 2)])


@functools.partial(
    pl.kernel,
    out_type=jax.ShapeDtypeStruct((HIST, D // 8, BATCH // C, 8, C),
                                  jnp.float32),
    mesh=plsc.VectorSubcoreMesh(core_axis_name="c", subcore_axis_name="s"),
    scratch_types=[
        pltpu.VMEM((HIST, C), jnp.int32),
        pltpu.VMEM((NB, C, D), jnp.float32),
        pltpu.VMEM((NB, D // 8, 8, C), jnp.float32),
        pltpu.SemaphoreType.DMA((NB,)),
        pltpu.SemaphoreType.DMA((NB,)),
    ],
    compiler_params=pltpu.CompilerParams(
        use_tc_tiling_on_sc=False, needs_layout_passes=False),
)
def _emb_lookup(ids_hbm, table_hbm, out_hbm, r_v, g_v, o_v, gsem, wsem):
    wid = lax.axis_index("s") * NC + lax.axis_index("c")
    col0 = wid * C

    pltpu.sync_copy(ids_hbm.at[:, pl.ds(col0, C)], r_v)

    def gather(u, b):
        return pltpu.make_async_copy(
            table_hbm.at[r_v.at[u]], g_v.at[b], gsem.at[b])

    def write(u, b):
        return pltpu.make_async_copy(
            o_v.at[b], out_hbm.at[u, :, wid], wsem.at[b])

    lanes = lax.iota(jnp.int32, L)

    def transpose_unit(b):
        src = g_v.at[b]
        dst = o_v.at[b]

        def dloop(dd, carry):
            d2 = (dd + lanes) & (D - 1)
            dhi = lax.shift_right_logical(d2, 3)
            dlo = d2 & 7
            vals = [
                plsc.load_gather(src, [lanes + L * q, d2]) for q in range(NQ)
            ]
            for q in range(NQ):
                plsc.store_scatter(dst, [dhi, dlo, lanes + L * q], vals[q])
            return carry

        lax.fori_loop(0, D, dloop, 0)

    for i in range(NB - 1):
        gather(i, i).start()

    def outer(p, carry):
        for b in range(NB):
            u = NB * p + b

            @pl.when(p > 0)
            def _():
                write(u - NB, b).wait()
            gather(u, b).wait()
            transpose_unit(b)
            write(u, b).start()

            if b == 0:
                gather(u + NB - 1, (b + NB - 1) % NB).start()
            else:
                @pl.when(p < HIST // NB - 1)
                def _():
                    gather(u + NB - 1, (b + NB - 1) % NB).start()
        return carry

    lax.fori_loop(0, HIST // NB, outer, 0)
    for b in range(NB):
        write(HIST - NB + b, b).wait()


def kernel(token_ids, weight):
    ids_t = token_ids.T.astype(jnp.int32)
    wtail = jnp.pad(weight[NKFULL * 128:].T, ((0, 0), (0, 128 - NTAIL)))
    w2 = _retile(weight.T, wtail)
    table = w2.reshape(NUM_EMBEDDINGS, D)
    out5 = _emb_lookup(ids_t, table)
    return out5.transpose(2, 4, 0, 1, 3).reshape(BATCH, HIST, D)

# --- scband reference (transcript-rebuilt; emitter-appended) ---
"""Pipeline reference for scband-embedding-61186104098968 (READ-ONLY COPY).

The authoritative reference and input builder live on the scoring server;
editing this copy changes nothing except your own understanding.
"""

import jax, jax.numpy as jnp
import numpy as np

NUM_EMBEDDINGS = 1000000
EMBEDDING_DIM = 64
BATCH = 4096
HIST_LEN = 200


def setup_inputs(seed: int = 0) -> dict:
    key = jax.random.key(seed)
    k_idx, k_w = jax.random.split(key)
    token_ids = jax.random.randint(k_idx, (BATCH, HIST_LEN), 0, NUM_EMBEDDINGS, dtype=jnp.int64 if jax.config.read('jax_enable_x64') else jnp.int32)
    weight = jax.random.normal(k_w, (NUM_EMBEDDINGS, EMBEDDING_DIM), dtype=jnp.float32)
    return {"token_ids": token_ids, "weight": weight}


def reference(token_ids, weight):
    # Faithful to torch.nn.Embedding forward (no max_norm in default config):
    # plain row gather from the embedding table.
    return jnp.take(weight, token_ids, axis=0)

if __name__ == "__main__":
    import jax
    _d = setup_inputs()
    print(jax.jit(kernel)(*tuple(_d.values())))

</pallas_src>

<mosaic_0001>
#map = affine_map<(d0, d1) -> (0, 0)>
module attributes {stable_mosaic.version = 14 : i64} {
  func.func @_retile(%arg0: i32, %arg1: i32, %arg2: memref<64x1000000xf32, #tpu.memory_space<hbm>>, %arg3: memref<64x128xf32, #tpu.memory_space<hbm>>, %arg4: memref<500000x128xf32, #tpu.memory_space<hbm>>, %arg5: memref<4x64x128xf32, #tpu.memory_space<vmem>>, %arg6: memref<4x64x128xf32, #tpu.memory_space<vmem>>, %arg7: memref<4x!tpu.dma_semaphore, #tpu.memory_space<semaphore_mem>>, %arg8: memref<4x!tpu.dma_semaphore, #tpu.memory_space<semaphore_mem>>) attributes {dimension_semantics = [#tpu.dimension_semantics<core_parallel>, #tpu.dimension_semantics<subcore_parallel>], iteration_bounds = array<i64: 2, 16>, scalar_prefetch = 0 : i64, scratch_operands = 4 : i64, tpu.core_type = #tpu.core_type<sc_vector_subcore>, window_params = [{transform_indices = #map}, {transform_indices = #map}, {transform_indices = #map}]} {
    %mul3A = arith.constant 2 : i32
    %mul3A_0 = arith.muli %arg1, %mul3A : i32
    %add3A = arith.addi %mul3A_0, %arg0 : i32
    %lt3A = arith.constant 4 : i32
    %lt3A_1 = arith.cmpi slt, %add3A, %lt3A : i32
    %jit3A = arith.constant 245 : i32
    %jit3A_2 = arith.constant 244 : i32
    %select_n3A = arith.select %lt3A_1, %jit3A, %jit3A_2 : i32
    %iota3A = tpu.iota {dimensions = array<i32: 0>} : vector<16xi32>
    %gt3A = arith.constant 0 : i32
    %gt3A_3 = arith.cmpi sgt, %select_n3A, %gt3A : i32
    %convert_element_type3A = arith.extui %gt3A_3 : i1 to i32
    %cond3A = arith.constant 0 : i32
    %cond3A_4 = arith.cmpi ne, %convert_element_type3A, %cond3A : i32
    scf.if %cond3A_4 {
      %add3A_103 = arith.constant 0 : i32
      %add3A_104 = arith.addi %add3A, %add3A_103 : i32
      %mul3A_105 = arith.constant 128 : i32
      %mul3A_106 = arith.muli %mul3A_105, %add3A_104 : i32
      %dma_start3A = arith.constant 0 : i32
      %dma_start3A_107 = arith.constant 0 : i32
      %dma_start3A_108 = arith.constant 0 : i32
      %dma_start3A_109 = arith.constant 0 : i32
      %dma_start3A_110 = tpu.memref_slice %arg5[%dma_start3A, %dma_start3A_108, %dma_start3A_109] : memref<4x64x128xf32, #tpu.memory_space<vmem>> -> memref<1x64x128xf32, #tpu.memory_space<vmem>>
      %dma_start3A_111 = tpu.memref_squeeze %dma_start3A_110 : memref<1x64x128xf32, #tpu.memory_space<vmem>> -> memref<64x128xf32, #tpu.memory_space<vmem>>
      %dma_start3A_112 = arith.constant 0 : i32
      %dma_start3A_113 = tpu.memref_slice %arg2[%dma_start3A_112, %mul3A_106] : memref<64x1000000xf32, #tpu.memory_space<hbm>> -> memref<64x128xf32, #tpu.memory_space<hbm>>
      %dma_start3A_114 = tpu.memref_slice %arg7[%dma_start3A_107] : memref<4x!tpu.dma_semaphore, #tpu.memory_space<semaphore_mem>> -> memref<1x!tpu.dma_semaphore, #tpu.memory_space<semaphore_mem>>
      %dma_start3A_115 = tpu.memref_squeeze %dma_start3A_114 : memref<1x!tpu.dma_semaphore, #tpu.memory_space<semaphore_mem>> -> memref<!tpu.dma_semaphore, #tpu.memory_space<semaphore_mem>>
      %dma_start3A_116 = arith.constant 0 : i32
      %dma_start3A_117 = arith.constant 0 : i32
      %dma_start3A_118 = tpu.memref_slice %arg5[%dma_start3A, %dma_start3A_116, %dma_start3A_117] : memref<4x64x128xf32, #tpu.memory_space<vmem>> -> memref<1x64x128xf32, #tpu.memory_space<vmem>>
      %dma_start3A_119 = tpu.memref_squeeze %dma_start3A_118 : memref<1x64x128xf32, #tpu.memory_space<vmem>> -> memref<64x128xf32, #tpu.memory_space<vmem>>
      %dma_start3A_120 = arith.constant 0 : i32
      %dma_start3A_121 = tpu.memref_slice %arg2[%dma_start3A_120, %mul3A_106] : memref<64x1000000xf32, #tpu.memory_space<hbm>> -> memref<64x128xf32, #tpu.memory_space<hbm>>
      tpu.enqueue_dma source(%dma_start3A_121 : memref<64x128xf32, #tpu.memory_space<hbm>>) target(%dma_start3A_119 : memref<64x128xf32, #tpu.memory_space<vmem>>) target_semaphore(%dma_start3A_115 : memref<!tpu.dma_semaphore, #tpu.memory_space<semaphore_mem>>)
    } else {
    }
    %gt3A_5 = arith.constant 1 : i32
    %gt3A_6 = arith.cmpi sgt, %select_n3A, %gt3A_5 : i32
    %convert_element_type3A_7 = arith.extui %gt3A_6 : i1 to i32
    %cond3A_8 = arith.constant 0 : i32
    %cond3A_9 = arith.cmpi ne, %convert_element_type3A_7, %cond3A_8 : i32
    scf.if %cond3A_9 {
      %add3A_103 = arith.constant 32 : i32
      %add3A_104 = arith.addi %add3A, %add3A_103 : i32
      %mul3A_105 = arith.constant 128 : i32
      %mul3A_106 = arith.muli %mul3A_105, %add3A_104 : i32
      %dma_start3A = arith.constant 1 : i32
      %dma_start3A_107 = arith.constant 1 : i32
      %dma_start3A_108 = arith.constant 0 : i32
      %dma_start3A_109 = arith.constant 0 : i32
      %dma_start3A_110 = tpu.memref_slice %arg5[%dma_start3A, %dma_start3A_108, %dma_start3A_109] : memref<4x64x128xf32, #tpu.memory_space<vmem>> -> memref<1x64x128xf32, #tpu.memory_space<vmem>>
      %dma_start3A_111 = tpu.memref_squeeze %dma_start3A_110 : memref<1x64x128xf32, #tpu.memory_space<vmem>> -> memref<64x128xf32, #tpu.memory_space<vmem>>
      %dma_start3A_112 = arith.constant 0 : i32
      %dma_start3A_113 = tpu.memref_slice %arg2[%dma_start3A_112, %mul3A_106] : memref<64x1000000xf32, #tpu.memory_space<hbm>> -> memref<64x128xf32, #tpu.memory_space<hbm>>
      %dma_start3A_114 = tpu.memref_slice %arg7[%dma_start3A_107] : memref<4x!tpu.dma_semaphore, #tpu.memory_space<semaphore_mem>> -> memref<1x!tpu.dma_semaphore, #tpu.memory_space<semaphore_mem>>
      %dma_start3A_115 = tpu.memref_squeeze %dma_start3A_114 : memref<1x!tpu.dma_semaphore, #tpu.memory_space<semaphore_mem>> -> memref<!tpu.dma_semaphore, #tpu.memory_space<semaphore_mem>>
      %dma_start3A_116 = arith.constant 0 : i32
      %dma_start3A_117 = arith.constant 0 : i32
      %dma_start3A_118 = tpu.memref_slice %arg5[%dma_start3A, %dma_start3A_116, %dma_start3A_117] : memref<4x64x128xf32, #tpu.memory_space<vmem>> -> memref<1x64x128xf32, #tpu.memory_space<vmem>>
      %dma_start3A_119 = tpu.memref_squeeze %dma_start3A_118 : memref<1x64x128xf32, #tpu.memory_space<vmem>> -> memref<64x128xf32, #tpu.memory_space<vmem>>
      %dma_start3A_120 = arith.constant 0 : i32
      %dma_start3A_121 = tpu.memref_slice %arg2[%dma_start3A_120, %mul3A_106] : memref<64x1000000xf32, #tpu.memory_space<hbm>> -> memref<64x128xf32, #tpu.memory_space<hbm>>
      tpu.enqueue_dma source(%dma_start3A_121 : memref<64x128xf32, #tpu.memory_space<hbm>>) target(%dma_start3A_119 : memref<64x128xf32, #tpu.memory_space<vmem>>) target_semaphore(%dma_start3A_115 : memref<!tpu.dma_semaphore, #tpu.memory_space<semaphore_mem>>)
    } else {
    }
    %gt3A_10 = arith.constant 2 : i32
    %gt3A_11 = arith.cmpi sgt, %select_n3A, %gt3A_10 : i32
    %convert_element_type3A_12 = arith.extui %gt3A_11 : i1 to i32
    %cond3A_13 = arith.constant 0 : i32
    %cond3A_14 = arith.cmpi ne, %convert_element_type3A_12, %cond3A_13 : i32
    scf.if %cond3A_14 {
      %add3A_103 = arith.constant 64 : i32
      %add3A_104 = arith.addi %add3A, %add3A_103 : i32
      %mul3A_105 = arith.constant 128 : i32
      %mul3A_106 = arith.muli %mul3A_105, %add3A_104 : i32
      %dma_start3A = arith.constant 2 : i32
      %dma_start3A_107 = arith.constant 2 : i32
      %dma_start3A_108 = arith.constant 0 : i32
      %dma_start3A_109 = arith.constant 0 : i32
      %dma_start3A_110 = tpu.memref_slice %arg5[%dma_start3A, %dma_start3A_108, %dma_start3A_109] : memref<4x64x128xf32, #tpu.memory_space<vmem>> -> memref<1x64x128xf32, #tpu.memory_space<vmem>>
      %dma_start3A_111 = tpu.memref_squeeze %dma_start3A_110 : memref<1x64x128xf32, #tpu.memory_space<vmem>> -> memref<64x128xf32, #tpu.memory_space<vmem>>
      %dma_start3A_112 = arith.constant 0 : i32
      %dma_start3A_113 = tpu.memref_slice %arg2[%dma_start3A_112, %mul3A_106] : memref<64x1000000xf32, #tpu.memory_space<hbm>> -> memref<64x128xf32, #tpu.memory_space<hbm>>
      %dma_start3A_114 = tpu.memref_slice %arg7[%dma_start3A_107] : memref<4x!tpu.dma_semaphore, #tpu.memory_space<semaphore_mem>> -> memref<1x!tpu.dma_semaphore, #tpu.memory_space<semaphore_mem>>
      %dma_start3A_115 = tpu.memref_squeeze %dma_start3A_114 : memref<1x!tpu.dma_semaphore, #tpu.memory_space<semaphore_mem>> -> memref<!tpu.dma_semaphore, #tpu.memory_space<semaphore_mem>>
      %dma_start3A_116 = arith.constant 0 : i32
      %dma_start3A_117 = arith.constant 0 : i32
      %dma_start3A_118 = tpu.memref_slice %arg5[%dma_start3A, %dma_start3A_116, %dma_start3A_117] : memref<4x64x128xf32, #tpu.memory_space<vmem>> -> memref<1x64x128xf32, #tpu.memory_space<vmem>>
      %dma_start3A_119 = tpu.memref_squeeze %dma_start3A_118 : memref<1x64x128xf32, #tpu.memory_space<vmem>> -> memref<64x128xf32, #tpu.memory_space<vmem>>
      %dma_start3A_120 = arith.constant 0 : i32
      %dma_start3A_121 = tpu.memref_slice %arg2[%dma_start3A_120, %mul3A_106] : memref<64x1000000xf32, #tpu.memory_space<hbm>> -> memref<64x128xf32, #tpu.memory_space<hbm>>
      tpu.enqueue_dma source(%dma_start3A_121 : memref<64x128xf32, #tpu.memory_space<hbm>>) target(%dma_start3A_119 : memref<64x128xf32, #tpu.memory_space<vmem>>) target_semaphore(%dma_start3A_115 : memref<!tpu.dma_semaphore, #tpu.memory_space<semaphore_mem>>)
    } else {
    }
    %scan3A = arith.constant 0 : i32
    %scan3A_15 = arith.constant 0 : i32
    %scan3A_16 = arith.constant 62 : i32
    %scan3A_17 = arith.addi %scan3A_15, %scan3A_16 : i32
    %scan3A_18 = arith.constant 1 : i32
    scf.for %scan3A_103 = %scan3A_15 to %scan3A_17 step %scan3A_18  : i32 {
      %mul3A_104 = arith.constant 4 : i32
      %mul3A_105 = arith.muli %mul3A_104, %scan3A_103 : i32
      %add3A_106 = arith.constant 0 : i32
      %add3A_107 = arith.addi %mul3A_105, %add3A_106 : i32
      %lt3A_108 = arith.cmpi slt, %add3A_107, %select_n3A : i32
      %convert_element_type3A_109 = arith.extui %lt3A_108 : i1 to i32
      %cond3A_110 = arith.constant 0 : i32
      %cond3A_111 = arith.cmpi ne, %convert_element_type3A_109, %cond3A_110 : i32
      scf.if %cond3A_111 {
        %ge3A = arith.constant 4 : i32
        %ge3A_136 = arith.cmpi sge, %add3A_107, %ge3A : i32
        %convert_element_type3A_137 = arith.extui %ge3A_136 : i1 to i32
        %cond3A_138 = arith.constant 0 : i32
        %cond3A_139 = arith.cmpi ne, %convert_element_type3A_137, %cond3A_138 : i32
        scf.if %cond3A_139 {
          %sub3A_196 = arith.constant 4 : i32
          %sub3A_197 = arith.subi %add3A_107, %sub3A_196 : i32
          %mul3A_198 = arith.constant 32 : i32
          %mul3A_199 = arith.muli %mul3A_198, %sub3A_197 : i32
          %add3A_200 = arith.addi %add3A, %mul3A_199 : i32
          %mul3A_201 = arith.constant 64 : i32
          %mul3A_202 = arith.muli %mul3A_201, %add3A_200 : i32
          %dma_wait3A_203 = arith.constant 0 : i32
          %dma_wait3A_204 = arith.constant 0 : i32
          %dma_wait3A_205 = arith.constant 0 : i32
          %dma_wait3A_206 = arith.constant 0 : i32
          %dma_wait3A_207 = tpu.memref_slice %arg6[%dma_wait3A_203, %dma_wait3A_205, %dma_wait3A_206] : memref<4x64x128xf32, #tpu.memory_space<vmem>> -> memref<1x64x128xf32, #tpu.memory_space<vmem>>
          %dma_wait3A_208 = tpu.memref_squeeze %dma_wait3A_207 : memref<1x64x128xf32, #tpu.memory_space<vmem>> -> memref<64x128xf32, #tpu.memory_space<vmem>>
          %dma_wait3A_209 = arith.constant 0 : i32
          %dma_wait3A_210 = tpu.memref_slice %arg4[%mul3A_202, %dma_wait3A_209] : memref<500000x128xf32, #tpu.memory_space<hbm>> -> memref<64x128xf32, #tpu.memory_space<hbm>>
          %dma_wait3A_211 = tpu.memref_slice %arg8[%dma_wait3A_204] : memref<4x!tpu.dma_semaphore, #tpu.memory_space<semaphore_mem>> -> memref<1x!tpu.dma_semaphore, #tpu.memory_space<semaphore_mem>>
          %dma_wait3A_212 = tpu.memref_squeeze %dma_wait3A_211 : memref<1x!tpu.dma_semaphore, #tpu.memory_space<semaphore_mem>> -> memref<!tpu.dma_semaphore, #tpu.memory_space<semaphore_mem>>
          %dma_wait3A_213 = arith.constant 0 : i32
          %dma_wait3A_214 = tpu.memref_slice %arg4[%mul3A_202, %dma_wait3A_213] : memref<500000x128xf32, #tpu.memory_space<hbm>> -> memref<64x128xf32, #tpu.memory_space<hbm>>
          %dma_wait3A_215 = arith.constant 0 : i32
          %dma_wait3A_216 = arith.constant 0 : i32
          %dma_wait3A_217 = tpu.memref_slice %arg6[%dma_wait3A_203, %dma_wait3A_215, %dma_wait3A_216] : memref<4x64x128xf32, #tpu.memory_space<vmem>> -> memref<1x64x128xf32, #tpu.memory_space<vmem>>
          %dma_wait3A_218 = tpu.memref_squeeze %dma_wait3A_217 : memref<1x64x128xf32, #tpu.memory_space<vmem>> -> memref<64x128xf32, #tpu.memory_space<vmem>>
          tpu.wait_dma2 semaphore(%dma_wait3A_212 : memref<!tpu.dma_semaphore, #tpu.memory_space<semaphore_mem>>) src(%dma_wait3A_218 : memref<64x128xf32, #tpu.memory_space<vmem>>) dst(%dma_wait3A_214 : memref<64x128xf32, #tpu.memory_space<hbm>>)
        } else {
        }
        %mul3A_140 = arith.constant 32 : i32
        %mul3A_141 = arith.muli %mul3A_140, %add3A_107 : i32
        %add3A_142 = arith.addi %add3A, %mul3A_141 : i32
        %mul3A_143 = arith.constant 128 : i32
        %mul3A_144 = arith.muli %mul3A_143, %add3A_142 : i32
        %dma_wait3A_145 = arith.constant 0 : i32
        %dma_wait3A_146 = arith.constant 0 : i32
        %dma_wait3A_147 = arith.constant 0 : i32
        %dma_wait3A_148 = arith.constant 0 : i32
        %dma_wait3A_149 = tpu.memref_slice %arg5[%dma_wait3A_145, %dma_wait3A_147, %dma_wait3A_148] : memref<4x64x128xf32, #tpu.memory_space<vmem>> -> memref<1x64x128xf32, #tpu.memory_space<vmem>>
        %dma_wait3A_150 = tpu.memref_squeeze %dma_wait3A_149 : memref<1x64x128xf32, #tpu.memory_space<vmem>> -> memref<64x128xf32, #tpu.memory_space<vmem>>
        %dma_wait3A_151 = arith.constant 0 : i32
        %dma_wait3A_152 = tpu.memref_slice %arg2[%dma_wait3A_151, %mul3A_144] : memref<64x1000000xf32, #tpu.memory_space<hbm>> -> memref<64x128xf32, #tpu.memory_space<hbm>>
        %dma_wait3A_153 = tpu.memref_slice %arg7[%dma_wait3A_146] : memref<4x!tpu.dma_semaphore, #tpu.memory_space<semaphore_mem>> -> memref<1x!tpu.dma_semaphore, #tpu.memory_space<semaphore_mem>>
        %dma_wait3A_154 = tpu.memref_squeeze %dma_wait3A_153 : memref<1x!tpu.dma_semaphore, #tpu.memory_space<semaphore_mem>> -> memref<!tpu.dma_semaphore, #tpu.memory_space<semaphore_mem>>
        %dma_wait3A_155 = arith.constant 0 : i32
        %dma_wait3A_156 = arith.constant 0 : i32
        %dma_wait3A_157 = tpu.memref_slice %arg5[%dma_wait3A_145, %dma_wait3A_155, %dma_wait3A_156] : memref<4x64x128xf32, #tpu.memory_space<vmem>> -> memref<1x64x128xf32, #tpu.memory_space<vmem>>
        %dma_wait3A_158 = tpu.memref_squeeze %dma_wait3A_157 : memref<1x64x128xf32, #tpu.memory_space<vmem>> -> memref<64x128xf32, #tpu.memory_space<vmem>>
        %dma_wait3A_159 = arith.constant 0 : i32
        %dma_wait3A_160 = tpu.memref_slice %arg2[%dma_wait3A_159, %mul3A_144] : memref<64x1000000xf32, #tpu.memory_space<hbm>> -> memref<64x128xf32, #tpu.memory_space<hbm>>
        tpu.wait_dma2 semaphore(%dma_wait3A_154 : memref<!tpu.dma_semaphore, #tpu.memory_space<semaphore_mem>>) src(%dma_wait3A_160 : memref<64x128xf32, #tpu.memory_space<hbm>>) dst(%dma_wait3A_158 : memref<64x128xf32, #tpu.memory_space<vmem>>)
        %scan3A_161 = arith.constant 0 : i32
        %scan3A_162 = arith.constant 0 : i32
        %scan3A_163 = arith.constant 0 : i32
        %scan3A_164 = arith.constant 0 : i32
        %scan3A_165 = arith.constant 64 : i32
        %scan3A_166 = arith.addi %scan3A_164, %scan3A_165 : i32
        %scan3A_167 = arith.constant 1 : i32
        scf.for %scan3A_196 = %scan3A_164 to %scan3A_166 step %scan3A_167  : i32 {
          %add3A_197 = vector.broadcast %scan3A_196 : i32 to vector<16xi32>
          %add3A_198 = arith.addi %add3A_197, %iota3A : vector<16xi32>
          %and3A = arith.constant 63 : i32
          %and3A_199 = vector.broadcast %and3A : i32 to vector<16xi32>
          %and3A_200 = arith.andi %add3A_198, %and3A_199 : vector<16xi32>
          %add3A_201 = arith.addi %and3A_200, %and3A_200 : vector<16xi32>
          %add3A_202 = arith.constant 0 : i32
          %add3A_203 = vector.broadcast %add3A_202 : i32 to vector<16xi32>
          %add3A_204 = arith.addi %add3A_203, %iota3A : vector<16xi32>
          %add3A_205 = arith.constant 0 : i32
          %add3A_206 = vector.broadcast %add3A_205 : i32 to vector<16xi32>
          %add3A_207 = arith.addi %add3A_201, %add3A_206 : vector<16xi32>
          %gather3A = arith.constant 0 : i32
          %gather3A_208 = arith.constant 0 : i32
          %gather3A_209 = tpu.memref_slice %arg5[%scan3A_162, %gather3A, %gather3A_208] : memref<4x64x128xf32, #tpu.memory_space<vmem>> -> memref<1x64x128xf32, #tpu.memory_space<vmem>>
          %gather3A_210 = tpu.memref_squeeze %gather3A_209 : memref<1x64x128xf32, #tpu.memory_space<vmem>> -> memref<64x128xf32, #tpu.memory_space<vmem>>
          %gather3A_211 = tpu.vector_load_idx %gather3A_210[%add3A_204, %add3A_207] : memref<64x128xf32, #tpu.memory_space<vmem>>[vector<16xi32>, vector<16xi32>], vector<16xf32>,
          %add3A_212 = arith.constant 16 : i32
          %add3A_213 = vector.broadcast %add3A_212 : i32 to vector<16xi32>
          %add3A_214 = arith.addi %add3A_213, %iota3A : vector<16xi32>
          %add3A_215 = arith.constant 0 : i32
          %add3A_216 = vector.broadcast %add3A_215 : i32 to vector<16xi32>
          %add3A_217 = arith.addi %add3A_201, %add3A_216 : vector<16xi32>
          %gather3A_218 = arith.constant 0 : i32
          %gather3A_219 = arith.constant 0 : i32
          %gather3A_220 = tpu.memref_slice %arg5[%scan3A_162, %gather3A_218, %gather3A_219] : memref<4x64x128xf32, #tpu.memory_space<vmem>> -> memref<1x64x128xf32, #tpu.memory_space<vmem>>
          %gather3A_221 = tpu.memref_squeeze %gather3A_220 : memref<1x64x128xf32, #tpu.memory_space<vmem>> -> memref<64x128xf32, #tpu.memory_space<vmem>>
          %gather3A_222 = tpu.vector_load_idx %gather3A_221[%add3A_214, %add3A_217] : memref<64x128xf32, #tpu.memory_space<vmem>>[vector<16xi32>, vector<16xi32>], vector<16xf32>,
          %add3A_223 = arith.constant 32 : i32
          %add3A_224 = vector.broadcast %add3A_223 : i32 to vector<16xi32>
          %add3A_225 = arith.addi %add3A_224, %iota3A : vector<16xi32>
          %add3A_226 = arith.constant 0 : i32
          %add3A_227 = vector.broadcast %add3A_226 : i32 to vector<16xi32>
          %add3A_228 = arith.addi %add3A_201, %add3A_227 : vector<16xi32>
          %gather3A_229 = arith.constant 0 : i32
          %gather3A_230 = arith.constant 0 : i32
          %gather3A_231 = tpu.memref_slice %arg5[%scan3A_162, %gather3A_229, %gather3A_230] : memref<4x64x128xf32, #tpu.memory_space<vmem>> -> memref<1x64x128xf32, #tpu.memory_space<vmem>>
          %gather3A_232 = tpu.memref_squeeze %gather3A_231 : memref<1x64x128xf32, #tpu.memory_space<vmem>> -> memref<64x128xf32, #tpu.memory_space<vmem>>
          %gather3A_233 = tpu.vector_load_idx %gather3A_232[%add3A_225, %add3A_228] : memref<64x128xf32, #tpu.memory_space<vmem>>[vector<16xi32>, vector<16xi32>], vector<16xf32>,
          %add3A_234 = arith.constant 48 : i32
          %add3A_235 = vector.broadcast %add3A_234 : i32 to vector<16xi32>
          %add3A_236 = arith.addi %add3A_235, %iota3A : vector<16xi32>
          %add3A_237 = arith.constant 0 : i32
          %add3A_238 = vector.broadcast %add3A_237 : i32 to vector<16xi32>
          %add3A_239 = arith.addi %add3A_201, %add3A_238 : vector<16xi32>
          %gather3A_240 = arith.constant 0 : i32
          %gather3A_241 = arith.constant 0 : i32
          %gather3A_242 = tpu.memref_slice %arg5[%scan3A_162, %gather3A_240, %gather3A_241] : memref<4x64x128xf32, #tpu.memory_space<vmem>> -> memref<1x64x128xf32, #tpu.memory_space<vmem>>
          %gather3A_243 = tpu.memref_squeeze %gather3A_242 : memref<1x64x128xf32, #tpu.memory_space<vmem>> -> memref<64x128xf32, #tpu.memory_space<vmem>>
          %gather3A_244 = tpu.vector_load_idx %gather3A_243[%add3A_236, %add3A_239] : memref<64x128xf32, #tpu.memory_space<vmem>>[vector<16xi32>, vector<16xi32>], vector<16xf32>,
          %add3A_245 = arith.constant 0 : i32
          %add3A_246 = vector.broadcast %add3A_245 : i32 to vector<16xi32>
          %add3A_247 = arith.addi %add3A_246, %iota3A : vector<16xi32>
          %add3A_248 = arith.constant 1 : i32
          %add3A_249 = vector.broadcast %add3A_248 : i32 to vector<16xi32>
          %add3A_250 = arith.addi %add3A_201, %add3A_249 : vector<16xi32>
          %gather3A_251 = arith.constant 0 : i32
          %gather3A_252 = arith.constant 0 : i32
          %gather3A_253 = tpu.memref_slice %arg5[%scan3A_162, %gather3A_251, %gather3A_252] : memref<4x64x128xf32, #tpu.memory_space<vmem>> -> memref<1x64x128xf32, #tpu.memory_space<vmem>>
          %gather3A_254 = tpu.memref_squeeze %gather3A_253 : memref<1x64x128xf32, #tpu.memory_space<vmem>> -> memref<64x128xf32, #tpu.memory_space<vmem>>
          %gather3A_255 = tpu.vector_load_idx %gather3A_254[%add3A_247, %add3A_250] : memref<64x128xf32, #tpu.memory_space<vmem>>[vector<16xi32>, vector<16xi32>], vector<16xf32>,
          %add3A_256 = arith.constant 16 : i32
          %add3A_257 = vector.broadcast %add3A_256 : i32 to vector<16xi32>
          %add3A_258 = arith.addi %add3A_257, %iota3A : vector<16xi32>
          %add3A_259 = arith.constant 1 : i32
          %add3A_260 = vector.broadcast %add3A_259 : i32 to vector<16xi32>
          %add3A_261 = arith.addi %add3A_201, %add3A_260 : vector<16xi32>
          %gather3A_262 = arith.constant 0 : i32
          %gather3A_263 = arith.constant 0 : i32
          %gather3A_264 = tpu.memref_slice %arg5[%scan3A_162, %gather3A_262, %gather3A_263] : memref<4x64x128xf32, #tpu.memory_space<vmem>> -> memref<1x64x128xf32, #tpu.memory_space<vmem>>
          %gather3A_265 = tpu.memref_squeeze %gather3A_264 : memref<1x64x128xf32, #tpu.memory_space<vmem>> -> memref<64x128xf32, #tpu.memory_space<vmem>>
          %gather3A_266 = tpu.vector_load_idx %gather3A_265[%add3A_258, %add3A_261] : memref<64x128xf32, #tpu.memory_space<vmem>>[vector<16xi32>, vector<16xi32>], vector<16xf32>,
          %add3A_267 = arith.constant 32 : i32
          %add3A_268 = vector.broadcast %add3A_267 : i32 to vector<16xi32>
          %add3A_269 = arith.addi %add3A_268, %iota3A : vector<16xi32>
          %add3A_270 = arith.constant 1 : i32
          %add3A_271 = vector.broadcast %add3A_270 : i32 to vector<16xi32>
          %add3A_272 = arith.addi %add3A_201, %add3A_271 : vector<16xi32>
          %gather3A_273 = arith.constant 0 : i32
          %gather3A_274 = arith.constant 0 : i32
          %gather3A_275 = tpu.memref_slice %arg5[%scan3A_162, %gather3A_273, %gather3A_274] : memref<4x64x128xf32, #tpu.memory_space<vmem>> -> memref<1x64x128xf32, #tpu.memory_space<vmem>>
          %gather3A_276 = tpu.memref_squeeze %gather3A_275 : memref<1x64x128xf32, #tpu.memory_space<vmem>> -> memref<64x128xf32, #tpu.memory_space<vmem>>
          %gather3A_277 = tpu.vector_load_idx %gather3A_276[%add3A_269, %add3A_272] : memref<64x128xf32, #tpu.memory_space<vmem>>[vector<16xi32>, vector<16xi32>], vector<16xf32>,
          %add3A_278 = arith.constant 48 : i32
          %add3A_279 = vector.broadcast %add3A_278 : i32 to vector<16xi32>
          %add3A_280 = arith.addi %add3A_279, %iota3A : vector<16xi32>
          %add3A_281 = arith.constant 1 : i32
          %add3A_282 = vector.broadcast %add3A_281 : i32 to vector<16xi32>
          %add3A_283 = arith.addi %add3A_201, %add3A_282 : vector<16xi32>
          %gather3A_284 = arith.constant 0 : i32
          %gather3A_285 = arith.constant 0 : i32
          %gather3A_286 = tpu.memref_slice %arg5[%scan3A_162, %gather3A_284, %gather3A_285] : memref<4x64x128xf32, #tpu.memory_space<vmem>> -> memref<1x64x128xf32, #tpu.memory_space<vmem>>
          %gather3A_287 = tpu.memref_squeeze %gather3A_286 : memref<1x64x128xf32, #tpu.memory_space<vmem>> -> memref<64x128xf32, #tpu.memory_space<vmem>>
          %gather3A_288 = tpu.vector_load_idx %gather3A_287[%add3A_280, %add3A_283] : memref<64x128xf32, #tpu.memory_space<vmem>>[vector<16xi32>, vector<16xi32>], vector<16xf32>,
          %add3A_289 = arith.constant 0 : i32
          %add3A_290 = vector.broadcast %add3A_289 : i32 to vector<16xi32>
          %add3A_291 = arith.addi %iota3A, %add3A_290 : vector<16xi32>
          %scatter3A = arith.constant 0 : i32
          %scatter3A_292 = arith.constant 0 : i32
          %scatter3A_293 = tpu.memref_slice %arg6[%scan3A_163, %scatter3A, %scatter3A_292] : memref<4x64x128xf32, #tpu.memory_space<vmem>> -> memref<1x64x128xf32, #tpu.memory_space<vmem>>
          %scatter3A_294 = tpu.memref_squeeze %scatter3A_293 : memref<1x64x128xf32, #tpu.memory_space<vmem>> -> memref<64x128xf32, #tpu.memory_space<vmem>>
          tpu.vector_store_idx %scatter3A_294[%and3A_200, %add3A_291], %gather3A_211 : memref<64x128xf32, #tpu.memory_space<vmem>>[vector<16xi32>, vector<16xi32>], vector<16xf32>,
          %add3A_295 = arith.constant 16 : i32
          %add3A_296 = vector.broadcast %add3A_295 : i32 to vector<16xi32>
          %add3A_297 = arith.addi %iota3A, %add3A_296 : vector<16xi32>
          %scatter3A_298 = arith.constant 0 : i32
          %scatter3A_299 = arith.constant 0 : i32
          %scatter3A_300 = tpu.memref_slice %arg6[%scan3A_163, %scatter3A_298, %scatter3A_299] : memref<4x64x128xf32, #tpu.memory_space<vmem>> -> memref<1x64x128xf32, #tpu.memory_space<vmem>>
          %scatter3A_301 = tpu.memref_squeeze %scatter3A_300 : memref<1x64x128xf32, #tpu.memory_space<vmem>> -> memref<64x128xf32, #tpu.memory_space<vmem>>
          tpu.vector_store_idx %scatter3A_301[%and3A_200, %add3A_297], %gather3A_222 : memref<64x128xf32, #tpu.memory_space<vmem>>[vector<16xi32>, vector<16xi32>], vector<16xf32>,
          %add3A_302 = arith.constant 32 : i32
          %add3A_303 = vector.broadcast %add3A_302 : i32 to vector<16xi32>
          %add3A_304 = arith.addi %iota3A, %add3A_303 : vector<16xi32>
          %scatter3A_305 = arith.constant 0 : i32
          %scatter3A_306 = arith.constant 0 : i32
          %scatter3A_307 = tpu.memref_slice %arg6[%scan3A_163, %scatter3A_305, %scatter3A_306] : memref<4x64x128xf32, #tpu.memory_space<vmem>> -> memref<1x64x128xf32, #tpu.memory_space<vmem>>
          %scatter3A_308 = tpu.memref_squeeze %scatter3A_307 : memref<1x64x128xf32, #tpu.memory_space<vmem>> -> memref<64x128xf32, #tpu.memory_space<vmem>>
          tpu.vector_store_idx %scatter3A_308[%and3A_200, %add3A_304], %gather3A_233 : memref<64x128xf32, #tpu.memory_space<vmem>>[vector<16xi32>, vector<16xi32>], vector<16xf32>,
          %add3A_309 = arith.constant 48 : i32
          %add3A_310 = vector.broadcast %add3A_309 : i32 to vector<16xi32>
          %add3A_311 = arith.addi %iota3A, %add3A_310 : vector<16xi32>
          %scatter3A_312 = arith.constant 0 : i32
          %scatter3A_313 = arith.constant 0 : i32
          %scatter3A_314 = tpu.memref_slice %arg6[%scan3A_163, %scatter3A_312, %scatter3A_313] : memref<4x64x128xf32, #tpu.memory_space<vmem>> -> memref<1x64x128xf32, #tpu.memory_space<vmem>>
          %scatter3A_315 = tpu.memref_squeeze %scatter3A_314 : memref<1x64x128xf32, #tpu.memory_space<vmem>> -> memref<64x128xf32, #tpu.memory_space<vmem>>
          tpu.vector_store_idx %scatter3A_315[%and3A_200, %add3A_311], %gather3A_244 : memref<64x128xf32, #tpu.memory_space<vmem>>[vector<16xi32>, vector<16xi32>], vector<16xf32>,
          %add3A_316 = arith.constant 64 : i32
          %add3A_317 = vector.broadcast %add3A_316 : i32 to vector<16xi32>
          %add3A_318 = arith.addi %iota3A, %add3A_317 : vector<16xi32>
          %scatter3A_319 = arith.constant 0 : i32
          %scatter3A_320 = arith.constant 0 : i32
          %scatter3A_321 = tpu.memref_slice %arg6[%scan3A_163, %scatter3A_319, %scatter3A_320] : memref<4x64x128xf32, #tpu.memory_space<vmem>> -> memref<1x64x128xf32, #tpu.memory_space<vmem>>
          %scatter3A_322 = tpu.memref_squeeze %scatter3A_321 : memref<1x64x128xf32, #tpu.memory_space<vmem>> -> memref<64x128xf32, #tpu.memory_space<vmem>>
          tpu.vector_store_idx %scatter3A_322[%and3A_200, %add3A_318], %gather3A_255 : memref<64x128xf32, #tpu.memory_space<vmem>>[vector<16xi32>, vector<16xi32>], vector<16xf32>,
          %add3A_323 = arith.constant 80 : i32
          %add3A_324 = vector.broadcast %add3A_323 : i32 to vector<16xi32>
          %add3A_325 = arith.addi %iota3A, %add3A_324 : vector<16xi32>
          %scatter3A_326 = arith.constant 0 : i32
          %scatter3A_327 = arith.constant 0 : i32
          %scatter3A_328 = tpu.memref_slice %arg6[%scan3A_163, %scatter3A_326, %scatter3A_327] : memref<4x64x128xf32, #tpu.memory_space<vmem>> -> memref<1x64x128xf32, #tpu.memory_space<vmem>>
          %scatter3A_329 = tpu.memref_squeeze %scatter3A_328 : memref<1x64x128xf32, #tpu.memory_space<vmem>> -> memref<64x128xf32, #tpu.memory_space<vmem>>
          tpu.vector_store_idx %scatter3A_329[%and3A_200, %add3A_325], %gather3A_266 : memref<64x128xf32, #tpu.memory_space<vmem>>[vector<16xi32>, vector<16xi32>], vector<16xf32>,
          %add3A_330 = arith.constant 96 : i32
          %add3A_331 = vector.broadcast %add3A_330 : i32 to vector<16xi32>
          %add3A_332 = arith.addi %iota3A, %add3A_331 : vector<16xi32>
          %scatter3A_333 = arith.constant 0 : i32
          %scatter3A_334 = arith.constant 0 : i32
          %scatter3A_335 = tpu.memref_slice %arg6[%scan3A_163, %scatter3A_333, %scatter3A_334] : memref<4x64x128xf32, #tpu.memory_space<vmem>> -> memref<1x64x128xf32, #tpu.memory_space<vmem>>
          %scatter3A_336 = tpu.memref_squeeze %scatter3A_335 : memref<1x64x128xf32, #tpu.memory_space<vmem>> -> memref<64x128xf32, #tpu.memory_space<vmem>>
          tpu.vector_store_idx %scatter3A_336[%and3A_200, %add3A_332], %gather3A_277 : memref<64x128xf32, #tpu.memory_space<vmem>>[vector<16xi32>, vector<16xi32>], vector<16xf32>,
          %add3A_337 = arith.constant 112 : i32
          %add3A_338 = vector.broadcast %add3A_337 : i32 to vector<16xi32>
          %add3A_339 = arith.addi %iota3A, %add3A_338 : vector<16xi32>
          %scatter3A_340 = arith.constant 0 : i32
          %scatter3A_341 = arith.constant 0 : i32
          %scatter3A_342 = tpu.memref_slice %arg6[%scan3A_163, %scatter3A_340, %scatter3A_341] : memref<4x64x128xf32, #tpu.memory_space<vmem>> -> memref<1x64x128xf32, #tpu.memory_space<vmem>>
          %scatter3A_343 = tpu.memref_squeeze %scatter3A_342 : memref<1x64x128xf32, #tpu.memory_space<vmem>> -> memref<64x128xf32, #tpu.memory_space<vmem>>
          tpu.vector_store_idx %scatter3A_343[%and3A_200, %add3A_339], %gather3A_288 : memref<64x128xf32, #tpu.memory_space<vmem>>[vector<16xi32>, vector<16xi32>], vector<16xf32>,
        }
        %scan3A_168 = arith.constant 64 : i32
        %mul3A_169 = arith.constant 32 : i32
        %mul3A_170 = arith.muli %mul3A_169, %add3A_107 : i32
        %add3A_171 = arith.addi %add3A, %mul3A_170 : i32
        %mul3A_172 = arith.constant 64 : i32
        %mul3A_173 = arith.muli %mul3A_172, %add3A_171 : i32
        %dma_start3A = arith.constant 0 : i32
        %dma_start3A_174 = arith.constant 0 : i32
        %dma_start3A_175 = arith.constant 0 : i32
        %dma_start3A_176 = arith.constant 0 : i32
        %dma_start3A_177 = tpu.memref_slice %arg6[%dma_start3A, %dma_start3A_175, %dma_start3A_176] : memref<4x64x128xf32, #tpu.memory_space<vmem>> -> memref<1x64x128xf32, #tpu.memory_space<vmem>>
        %dma_start3A_178 = tpu.memref_squeeze %dma_start3A_177 : memref<1x64x128xf32, #tpu.memory_space<vmem>> -> memref<64x128xf32, #tpu.memory_space<vmem>>
        %dma_start3A_179 = arith.constant 0 : i32
        %dma_start3A_180 = tpu.memref_slice %arg4[%mul3A_173, %dma_start3A_179] : memref<500000x128xf32, #tpu.memory_space<hbm>> -> memref<64x128xf32, #tpu.memory_space<hbm>>
        %dma_start3A_181 = tpu.memref_slice %arg8[%dma_start3A_174] : memref<4x!tpu.dma_semaphore, #tpu.memory_space<semaphore_mem>> -> memref<1x!tpu.dma_semaphore, #tpu.memory_space<semaphore_mem>>
        %dma_start3A_182 = tpu.memref_squeeze %dma_start3A_181 : memref<1x!tpu.dma_semaphore, #tpu.memory_space<semaphore_mem>> -> memref<!tpu.dma_semaphore, #tpu.memory_space<semaphore_mem>>
        %dma_start3A_183 = arith.constant 0 : i32
        %dma_start3A_184 = tpu.memref_slice %arg4[%mul3A_173, %dma_start3A_183] : memref<500000x128xf32, #tpu.memory_space<hbm>> -> memref<64x128xf32, #tpu.memory_space<hbm>>
        %dma_start3A_185 = arith.constant 0 : i32
        %dma_start3A_186 = arith.constant 0 : i32
        %dma_start3A_187 = tpu.memref_slice %arg6[%dma_start3A, %dma_start3A_185, %dma_start3A_186] : memref<4x64x128xf32, #tpu.memory_space<vmem>> -> memref<1x64x128xf32, #tpu.memory_space<vmem>>
        %dma_start3A_188 = tpu.memref_squeeze %dma_start3A_187 : memref<1x64x128xf32, #tpu.memory_space<vmem>> -> memref<64x128xf32, #tpu.memory_space<vmem>>
        tpu.enqueue_dma source(%dma_start3A_188 : memref<64x128xf32, #tpu.memory_space<vmem>>) target(%dma_start3A_184 : memref<64x128xf32, #tpu.memory_space<hbm>>) target_semaphore(%dma_start3A_182 : memref<!tpu.dma_semaphore, #tpu.memory_space<semaphore_mem>>)
        %add3A_189 = arith.constant 4 : i32
        %add3A_190 = arith.addi %add3A_107, %add3A_189 : i32
        %sub3A = arith.constant 1 : i32
        %sub3A_191 = arith.subi %add3A_190, %sub3A : i32
        %lt3A_192 = arith.cmpi slt, %sub3A_191, %select_n3A : i32
        %convert_element_type3A_193 = arith.extui %lt3A_192 : i1 to i32
        %cond3A_194 = arith.constant 0 : i32
        %cond3A_195 = arith.cmpi ne, %convert_element_type3A_193, %cond3A_194 : i32
        scf.if %cond3A_195 {
          %add3A_196 = arith.constant 4 : i32
          %add3A_197 = arith.addi %add3A_107, %add3A_196 : i32
          %sub3A_198 = arith.constant 1 : i32
          %sub3A_199 = arith.subi %add3A_197, %sub3A_198 : i32
          %mul3A_200 = arith.constant 32 : i32
          %mul3A_201 = arith.muli %mul3A_200, %sub3A_199 : i32
          %add3A_202 = arith.addi %add3A, %mul3A_201 : i32
          %mul3A_203 = arith.constant 128 : i32
          %mul3A_204 = arith.muli %mul3A_203, %add3A_202 : i32
          %dma_start3A_205 = arith.constant 3 : i32
          %dma_start3A_206 = arith.constant 3 : i32
          %dma_start3A_207 = arith.constant 0 : i32
          %dma_start3A_208 = arith.constant 0 : i32
          %dma_start3A_209 = tpu.memref_slice %arg5[%dma_start3A_205, %dma_start3A_207, %dma_start3A_208] : memref<4x64x128xf32, #tpu.memory_space<vmem>> -> memref<1x64x128xf32, #tpu.memory_space<vmem>>
          %dma_start3A_210 = tpu.memref_squeeze %dma_start3A_209 : memref<1x64x128xf32, #tpu.memory_space<vmem>> -> memref<64x128xf32, #tpu.memory_space<vmem>>
          %dma_start3A_211 = arith.constant 0 : i32
          %dma_start3A_212 = tpu.memref_slice %arg2[%dma_start3A_211, %mul3A_204] : memref<64x1000000xf32, #tpu.memory_space<hbm>> -> memref<64x128xf32, #tpu.memory_space<hbm>>
          %dma_start3A_213 = tpu.memref_slice %arg7[%dma_start3A_206] : memref<4x!tpu.dma_semaphore, #tpu.memory_space<semaphore_mem>> -> memref<1x!tpu.dma_semaphore, #tpu.memory_space<semaphore_mem>>
          %dma_start3A_214 = tpu.memref_squeeze %dma_start3A_213 : memref<1x!tpu.dma_semaphore, #tpu.memory_space<semaphore_mem>> -> memref<!tpu.dma_semaphore, #tpu.memory_space<semaphore_mem>>
          %dma_start3A_215 = arith.constant 0 : i32
          %dma_start3A_216 = arith.constant 0 : i32
          %dma_start3A_217 = tpu.memref_slice %arg5[%dma_start3A_205, %dma_start3A_215, %dma_start3A_216] : memref<4x64x128xf32, #tpu.memory_space<vmem>> -> memref<1x64x128xf32, #tpu.memory_space<vmem>>
          %dma_start3A_218 = tpu.memref_squeeze %dma_start3A_217 : memref<1x64x128xf32, #tpu.memory_space<vmem>> -> memref<64x128xf32, #tpu.memory_space<vmem>>
          %dma_start3A_219 = arith.constant 0 : i32
          %dma_start3A_220 = tpu.memref_slice %arg2[%dma_start3A_219, %mul3A_204] : memref<64x1000000xf32, #tpu.memory_space<hbm>> -> memref<64x128xf32, #tpu.memory_space<hbm>>
          tpu.enqueue_dma source(%dma_start3A_220 : memref<64x128xf32, #tpu.memory_space<hbm>>) target(%dma_start3A_218 : memref<64x128xf32, #tpu.memory_space<vmem>>) target_semaphore(%dma_start3A_214 : memref<!tpu.dma_semaphore, #tpu.memory_space<semaphore_mem>>)
        } else {
        }
      } else {
      }
      %mul3A_112 = arith.constant 4 : i32
      %mul3A_113 = arith.muli %mul3A_112, %scan3A_103 : i32
      %add3A_114 = arith.constant 1 : i32
      %add3A_115 = arith.addi %mul3A_113, %add3A_114 : i32
      %lt3A_116 = arith.cmpi slt, %add3A_115, %select_n3A : i32
      %convert_element_type3A_117 = arith.extui %lt3A_116 : i1 to i32
      %cond3A_118 = arith.constant 0 : i32
      %cond3A_119 = arith.cmpi ne, %convert_element_type3A_117, %cond3A_118 : i32
      scf.if %cond3A_119 {
        %ge3A = arith.constant 4 : i32
        %ge3A_136 = arith.cmpi sge, %add3A_115, %ge3A : i32
        %convert_element_type3A_137 = arith.extui %ge3A_136 : i1 to i32
        %cond3A_138 = arith.constant 0 : i32
        %cond3A_139 = arith.cmpi ne, %convert_element_type3A_137, %cond3A_138 : i32
        scf.if %cond3A_139 {
          %sub3A_196 = arith.constant 4 : i32
          %sub3A_197 = arith.subi %add3A_115, %sub3A_196 : i32
          %mul3A_198 = arith.constant 32 : i32
          %mul3A_199 = arith.muli %mul3A_198, %sub3A_197 : i32
          %add3A_200 = arith.addi %add3A, %mul3A_199 : i32
          %mul3A_201 = arith.constant 64 : i32
          %mul3A_202 = arith.muli %mul3A_201, %add3A_200 : i32
          %dma_wait3A_203 = arith.constant 1 : i32
          %dma_wait3A_204 = arith.constant 1 : i32
          %dma_wait3A_205 = arith.constant 0 : i32
          %dma_wait3A_206 = arith.constant 0 : i32
          %dma_wait3A_207 = tpu.memref_slice %arg6[%dma_wait3A_203, %dma_wait3A_205, %dma_wait3A_206] : memref<4x64x128xf32, #tpu.memory_space<vmem>> -> memref<1x64x128xf32, #tpu.memory_space<vmem>>
          %dma_wait3A_208 = tpu.memref_squeeze %dma_wait3A_207 : memref<1x64x128xf32, #tpu.memory_space<vmem>> -> memref<64x128xf32, #tpu.memory_space<vmem>>
          %dma_wait3A_209 = arith.constant 0 : i32
          %dma_wait3A_210 = tpu.memref_slice %arg4[%mul3A_202, %dma_wait3A_209] : memref<500000x128xf32, #tpu.memory_space<hbm>> -> memref<64x128xf32, #tpu.memory_space<hbm>>
          %dma_wait3A_211 = tpu.memref_slice %arg8[%dma_wait3A_204] : memref<4x!tpu.dma_semaphore, #tpu.memory_space<semaphore_mem>> -> memref<1x!tpu.dma_semaphore, #tpu.memory_space<semaphore_mem>>
          %dma_wait3A_212 = tpu.memref_squeeze %dma_wait3A_211 : memref<1x!tpu.dma_semaphore, #tpu.memory_space<semaphore_mem>> -> memref<!tpu.dma_semaphore, #tpu.memory_space<semaphore_mem>>
          %dma_wait3A_213 = arith.constant 0 : i32
          %dma_wait3A_214 = tpu.memref_slice %arg4[%mul3A_202, %dma_wait3A_213] : memref<500000x128xf32, #tpu.memory_space<hbm>> -> memref<64x128xf32, #tpu.memory_space<hbm>>
          %dma_wait3A_215 = arith.constant 0 : i32
          %dma_wait3A_216 = arith.constant 0 : i32
          %dma_wait3A_217 = tpu.memref_slice %arg6[%dma_wait3A_203, %dma_wait3A_215, %dma_wait3A_216] : memref<4x64x128xf32, #tpu.memory_space<vmem>> -> memref<1x64x128xf32, #tpu.memory_space<vmem>>
          %dma_wait3A_218 = tpu.memref_squeeze %dma_wait3A_217 : memref<1x64x128xf32, #tpu.memory_space<vmem>> -> memref<64x128xf32, #tpu.memory_space<vmem>>
          tpu.wait_dma2 semaphore(%dma_wait3A_212 : memref<!tpu.dma_semaphore, #tpu.memory_space<semaphore_mem>>) src(%dma_wait3A_218 : memref<64x128xf32, #tpu.memory_space<vmem>>) dst(%dma_wait3A_214 : memref<64x128xf32, #tpu.memory_space<hbm>>)
        } else {
        }
        %mul3A_140 = arith.constant 32 : i32
        %mul3A_141 = arith.muli %mul3A_140, %add3A_115 : i32
        %add3A_142 = arith.addi %add3A, %mul3A_141 : i32
        %mul3A_143 = arith.constant 128 : i32
        %mul3A_144 = arith.muli %mul3A_143, %add3A_142 : i32
        %dma_wait3A_145 = arith.constant 1 : i32
        %dma_wait3A_146 = arith.constant 1 : i32
        %dma_wait3A_147 = arith.constant 0 : i32
        %dma_wait3A_148 = arith.constant 0 : i32
        %dma_wait3A_149 = tpu.memref_slice %arg5[%dma_wait3A_145, %dma_wait3A_147, %dma_wait3A_148] : memref<4x64x128xf32, #tpu.memory_space<vmem>> -> memref<1x64x128xf32, #tpu.memory_space<vmem>>
        %dma_wait3A_150 = tpu.memref_squeeze %dma_wait3A_149 : memref<1x64x128xf32, #tpu.memory_space<vmem>> -> memref<64x128xf32, #tpu.memory_space<vmem>>
        %dma_wait3A_151 = arith.constant 0 : i32
        %dma_wait3A_152 = tpu.memref_slice %arg2[%dma_wait3A_151, %mul3A_144] : memref<64x1000000xf32, #tpu.memory_space<hbm>> -> memref<64x128xf32, #tpu.memory_space<hbm>>
        %dma_wait3A_153 = tpu.memref_slice %arg7[%dma_wait3A_146] : memref<4x!tpu.dma_semaphore, #tpu.memory_space<semaphore_mem>> -> memref<1x!tpu.dma_semaphore, #tpu.memory_space<semaphore_mem>>
        %dma_wait3A_154 = tpu.memref_squeeze %dma_wait3A_153 : memref<1x!tpu.dma_semaphore, #tpu.memory_space<semaphore_mem>> -> memref<!tpu.dma_semaphore, #tpu.memory_space<semaphore_mem>>
        %dma_wait3A_155 = arith.constant 0 : i32
        %dma_wait3A_156 = arith.constant 0 : i32
        %dma_wait3A_157 = tpu.memref_slice %arg5[%dma_wait3A_145, %dma_wait3A_155, %dma_wait3A_156] : memref<4x64x128xf32, #tpu.memory_space<vmem>> -> memref<1x64x128xf32, #tpu.memory_space<vmem>>
        %dma_wait3A_158 = tpu.memref_squeeze %dma_wait3A_157 : memref<1x64x128xf32, #tpu.memory_space<vmem>> -> memref<64x128xf32, #tpu.memory_space<vmem>>
        %dma_wait3A_159 = arith.constant 0 : i32
        %dma_wait3A_160 = tpu.memref_slice %arg2[%dma_wait3A_159, %mul3A_144] : memref<64x1000000xf32, #tpu.memory_space<hbm>> -> memref<64x128xf32, #tpu.memory_space<hbm>>
        tpu.wait_dma2 semaphore(%dma_wait3A_154 : memref<!tpu.dma_semaphore, #tpu.memory_space<semaphore_mem>>) src(%dma_wait3A_160 : memref<64x128xf32, #tpu.memory_space<hbm>>) dst(%dma_wait3A_158 : memref<64x128xf32, #tpu.memory_space<vmem>>)
        %scan3A_161 = arith.constant 0 : i32
        %scan3A_162 = arith.constant 1 : i32
        %scan3A_163 = arith.constant 1 : i32
        %scan3A_164 = arith.constant 0 : i32
        %scan3A_165 = arith.constant 64 : i32
        %scan3A_166 = arith.addi %scan3A_164, %scan3A_165 : i32
        %scan3A_167 = arith.constant 1 : i32
        scf.for %scan3A_196 = %scan3A_164 to %scan3A_166 step %scan3A_167  : i32 {
          %add3A_197 = vector.broadcast %scan3A_196 : i32 to vector<16xi32>
          %add3A_198 = arith.addi %add3A_197, %iota3A : vector<16xi32>
          %and3A = arith.constant 63 : i32
          %and3A_199 = vector.broadcast %and3A : i32 to vector<16xi32>
          %and3A_200 = arith.andi %add3A_198, %and3A_199 : vector<16xi32>
          %add3A_201 = arith.addi %and3A_200, %and3A_200 : vector<16xi32>
          %add3A_202 = arith.constant 0 : i32
          %add3A_203 = vector.broadcast %add3A_202 : i32 to vector<16xi32>
          %add3A_204 = arith.addi %add3A_203, %iota3A : vector<16xi32>
          %add3A_205 = arith.constant 0 : i32
          %add3A_206 = vector.broadcast %add3A_205 : i32 to vector<16xi32>
          %add3A_207 = arith.addi %add3A_201, %add3A_206 : vector<16xi32>
          %gather3A = arith.constant 0 : i32
          %gather3A_208 = arith.constant 0 : i32
          %gather3A_209 = tpu.memref_slice %arg5[%scan3A_162, %gather3A, %gather3A_208] : memref<4x64x128xf32, #tpu.memory_space<vmem>> -> memref<1x64x128xf32, #tpu.memory_space<vmem>>
          %gather3A_210 = tpu.memref_squeeze %gather3A_209 : memref<1x64x128xf32, #tpu.memory_space<vmem>> -> memref<64x128xf32, #tpu.memory_space<vmem>>
          %gather3A_211 = tpu.vector_load_idx %gather3A_210[%add3A_204, %add3A_207] : memref<64x128xf32, #tpu.memory_space<vmem>>[vector<16xi32>, vector<16xi32>], vector<16xf32>,
          %add3A_212 = arith.constant 16 : i32
          %add3A_213 = vector.broadcast %add3A_212 : i32 to vector<16xi32>
          %add3A_214 = arith.addi %add3A_213, %iota3A : vector<16xi32>
          %add3A_215 = arith.constant 0 : i32
          %add3A_216 = vector.broadcast %add3A_215 : i32 to vector<16xi32>
          %add3A_217 = arith.addi %add3A_201, %add3A_216 : vector<16xi32>
          %gather3A_218 = arith.constant 0 : i32
          %gather3A_219 = arith.constant 0 : i32
          %gather3A_220 = tpu.memref_slice %arg5[%scan3A_162, %gather3A_218, %gather3A_219] : memref<4x64x128xf32, #tpu.memory_space<vmem>> -> memref<1x64x128xf32, #tpu.memory_space<vmem>>
          %gather3A_221 = tpu.memref_squeeze %gather3A_220 : memref<1x64x128xf32, #tpu.memory_space<vmem>> -> memref<64x128xf32, #tpu.memory_space<vmem>>
          %gather3A_222 = tpu.vector_load_idx %gather3A_221[%add3A_214, %add3A_217] : memref<64x128xf32, #tpu.memory_space<vmem>>[vector<16xi32>, vector<16xi32>], vector<16xf32>,
          %add3A_223 = arith.constant 32 : i32
          %add3A_224 = vector.broadcast %add3A_223 : i32 to vector<16xi32>
          %add3A_225 = arith.addi %add3A_224, %iota3A : vector<16xi32>
          %add3A_226 = arith.constant 0 : i32
          %add3A_227 = vector.broadcast %add3A_226 : i32 to vector<16xi32>
          %add3A_228 = arith.addi %add3A_201, %add3A_227 : vector<16xi32>
          %gather3A_229 = arith.constant 0 : i32
          %gather3A_230 = arith.constant 0 : i32
          %gather3A_231 = tpu.memref_slice %arg5[%scan3A_162, %gather3A_229, %gather3A_230] : memref<4x64x128xf32, #tpu.memory_space<vmem>> -> memref<1x64x128xf32, #tpu.memory_space<vmem>>
          %gather3A_232 = tpu.memref_squeeze %gather3A_231 : memref<1x64x128xf32, #tpu.memory_space<vmem>> -> memref<64x128xf32, #tpu.memory_space<vmem>>
          %gather3A_233 = tpu.vector_load_idx %gather3A_232[%add3A_225, %add3A_228] : memref<64x128xf32, #tpu.memory_space<vmem>>[vector<16xi32>, vector<16xi32>], vector<16xf32>,
          %add3A_234 = arith.constant 48 : i32
          %add3A_235 = vector.broadcast %add3A_234 : i32 to vector<16xi32>
          %add3A_236 = arith.addi %add3A_235, %iota3A : vector<16xi32>
          %add3A_237 = arith.constant 0 : i32
          %add3A_238 = vector.broadcast %add3A_237 : i32 to vector<16xi32>
          %add3A_239 = arith.addi %add3A_201, %add3A_238 : vector<16xi32>
          %gather3A_240 = arith.constant 0 : i32
          %gather3A_241 = arith.constant 0 : i32
          %gather3A_242 = tpu.memref_slice %arg5[%scan3A_162, %gather3A_240, %gather3A_241] : memref<4x64x128xf32, #tpu.memory_space<vmem>> -> memref<1x64x128xf32, #tpu.memory_space<vmem>>
          %gather3A_243 = tpu.memref_squeeze %gather3A_242 : memref<1x64x128xf32, #tpu.memory_space<vmem>> -> memref<64x128xf32, #tpu.memory_space<vmem>>
          %gather3A_244 = tpu.vector_load_idx %gather3A_243[%add3A_236, %add3A_239] : memref<64x128xf32, #tpu.memory_space<vmem>>[vector<16xi32>, vector<16xi32>], vector<16xf32>,
          %add3A_245 = arith.constant 0 : i32
          %add3A_246 = vector.broadcast %add3A_245 : i32 to vector<16xi32>
          %add3A_247 = arith.addi %add3A_246, %iota3A : vector<16xi32>
          %add3A_248 = arith.constant 1 : i32
          %add3A_249 = vector.broadcast %add3A_248 : i32 to vector<16xi32>
          %add3A_250 = arith.addi %add3A_201, %add3A_249 : vector<16xi32>
          %gather3A_251 = arith.constant 0 : i32
          %gather3A_252 = arith.constant 0 : i32
          %gather3A_253 = tpu.memref_slice %arg5[%scan3A_162, %gather3A_251, %gather3A_252] : memref<4x64x128xf32, #tpu.memory_space<vmem>> -> memref<1x64x128xf32, #tpu.memory_space<vmem>>
          %gather3A_254 = tpu.memref_squeeze %gather3A_253 : memref<1x64x128xf32, #tpu.memory_space<vmem>> -> memref<64x128xf32, #tpu.memory_space<vmem>>
          %gather3A_255 = tpu.vector_load_idx %gather3A_254[%add3A_247, %add3A_250] : memref<64x128xf32, #tpu.memory_space<vmem>>[vector<16xi32>, vector<16xi32>], vector<16xf32>,
          %add3A_256 = arith.constant 16 : i32
          %add3A_257 = vector.broadcast %add3A_256 : i32 to vector<16xi32>
          %add3A_258 = arith.addi %add3A_257, %iota3A : vector<16xi32>
          %add3A_259 = arith.constant 1 : i32
          %add3A_260 = vector.broadcast %add3A_259 : i32 to vector<16xi32>
          %add3A_261 = arith.addi %add3A_201, %add3A_260 : vector<16xi32>
          %gather3A_262 = arith.constant 0 : i32
          %gather3A_263 = arith.constant 0 : i32
          %gather3A_264 = tpu.memref_slice %arg5[%scan3A_162, %gather3A_262, %gather3A_263] : memref<4x64x128xf32, #tpu.memory_space<vmem>> -> memref<1x64x128xf32, #tpu.memory_space<vmem>>
          %gather3A_265 = tpu.memref_squeeze %gather3A_264 : memref<1x64x128xf32, #tpu.memory_space<vmem>> -> memref<64x128xf32, #tpu.memory_space<vmem>>
          %gather3A_266 = tpu.vector_load_idx %gather3A_265[%add3A_258, %add3A_261] : memref<64x128xf32, #tpu.memory_space<vmem>>[vector<16xi32>, vector<16xi32>], vector<16xf32>,
          %add3A_267 = arith.constant 32 : i32
          %add3A_268 = vector.broadcast %add3A_267 : i32 to vector<16xi32>
          %add3A_269 = arith.addi %add3A_268, %iota3A : vector<16xi32>
          %add3A_270 = arith.constant 1 : i32
          %add3A_271 = vector.broadcast %add3A_270 : i32 to vector<16xi32>
          %add3A_272 = arith.addi %add3A_201, %add3A_271 : vector<16xi32>
          %gather3A_273 = arith.constant 0 : i32
          %gather3A_274 = arith.constant 0 : i32
          %gather3A_275 = tpu.memref_slice %arg5[%scan3A_162, %gather3A_273, %gather3A_274] : memref<4x64x128xf32, #tpu.memory_space<vmem>> -> memref<1x64x128xf32, #tpu.memory_space<vmem>>
          %gather3A_276 = tpu.memref_squeeze %gather3A_275 : memref<1x64x128xf32, #tpu.memory_space<vmem>> -> memref<64x128xf32, #tpu.memory_space<vmem>>
          %gather3A_277 = tpu.vector_load_idx %gather3A_276[%add3A_269, %add3A_272] : memref<64x128xf32, #tpu.memory_space<vmem>>[vector<16xi32>, vector<16xi32>], vector<16xf32>,
          %add3A_278 = arith.constant 48 : i32
          %add3A_279 = vector.broadcast %add3A_278 : i32 to vector<16xi32>
          %add3A_280 = arith.addi %add3A_279, %iota3A : vector<16xi32>
          %add3A_281 = arith.constant 1 : i32
          %add3A_282 = vector.broadcast %add3A_281 : i32 to vector<16xi32>
          %add3A_283 = arith.addi %add3A_201, %add3A_282 : vector<16xi32>
          %gather3A_284 = arith.constant 0 : i32
          %gather3A_285 = arith.constant 0 : i32
          %gather3A_286 = tpu.memref_slice %arg5[%scan3A_162, %gather3A_284, %gather3A_285] : memref<4x64x128xf32, #tpu.memory_space<vmem>> -> memref<1x64x128xf32, #tpu.memory_space<vmem>>
          %gather3A_287 = tpu.memref_squeeze %gather3A_286 : memref<1x64x128xf32, #tpu.memory_space<vmem>> -> memref<64x128xf32, #tpu.memory_space<vmem>>
          %gather3A_288 = tpu.vector_load_idx %gather3A_287[%add3A_280, %add3A_283] : memref<64x128xf32, #tpu.memory_space<vmem>>[vector<16xi32>, vector<16xi32>], vector<16xf32>,
          %add3A_289 = arith.constant 0 : i32
          %add3A_290 = vector.broadcast %add3A_289 : i32 to vector<16xi32>
          %add3A_291 = arith.addi %iota3A, %add3A_290 : vector<16xi32>
          %scatter3A = arith.constant 0 : i32
          %scatter3A_292 = arith.constant 0 : i32
          %scatter3A_293 = tpu.memref_slice %arg6[%scan3A_163, %scatter3A, %scatter3A_292] : memref<4x64x128xf32, #tpu.memory_space<vmem>> -> memref<1x64x128xf32, #tpu.memory_space<vmem>>
          %scatter3A_294 = tpu.memref_squeeze %scatter3A_293 : memref<1x64x128xf32, #tpu.memory_space<vmem>> -> memref<64x128xf32, #tpu.memory_space<vmem>>
          tpu.vector_store_idx %scatter3A_294[%and3A_200, %add3A_291], %gather3A_211 : memref<64x128xf32, #tpu.memory_space<vmem>>[vector<16xi32>, vector<16xi32>], vector<16xf32>,
          %add3A_295 = arith.constant 16 : i32
          %add3A_296 = vector.broadcast %add3A_295 : i32 to vector<16xi32>
          %add3A_297 = arith.addi %iota3A, %add3A_296 : vector<16xi32>
          %scatter3A_298 = arith.constant 0 : i32
          %scatter3A_299 = arith.constant 0 : i32
          %scatter3A_300 = tpu.memref_slice %arg6[%scan3A_163, %scatter3A_298, %scatter3A_299] : memref<4x64x128xf32, #tpu.memory_space<vmem>> -> memref<1x64x128xf32, #tpu.memory_space<vmem>>
          %scatter3A_301 = tpu.memref_squeeze %scatter3A_300 : memref<1x64x128xf32, #tpu.memory_space<vmem>> -> memref<64x128xf32, #tpu.memory_space<vmem>>
          tpu.vector_store_idx %scatter3A_301[%and3A_200, %add3A_297], %gather3A_222 : memref<64x128xf32, #tpu.memory_space<vmem>>[vector<16xi32>, vector<16xi32>], vector<16xf32>,
          %add3A_302 = arith.constant 32 : i32
          %add3A_303 = vector.broadcast %add3A_302 : i32 to vector<16xi32>
          %add3A_304 = arith.addi %iota3A, %add3A_303 : vector<16xi32>
          %scatter3A_305 = arith.constant 0 : i32
          %scatter3A_306 = arith.constant 0 : i32
          %scatter3A_307 = tpu.memref_slice %arg6[%scan3A_163, %scatter3A_305, %scatter3A_306] : memref<4x64x128xf32, #tpu.memory_space<vmem>> -> memref<1x64x128xf32, #tpu.memory_space<vmem>>
          %scatter3A_308 = tpu.memref_squeeze %scatter3A_307 : memref<1x64x128xf32, #tpu.memory_space<vmem>> -> memref<64x128xf32, #tpu.memory_space<vmem>>
          tpu.vector_store_idx %scatter3A_308[%and3A_200, %add3A_304], %gather3A_233 : memref<64x128xf32, #tpu.memory_space<vmem>>[vector<16xi32>, vector<16xi32>], vector<16xf32>,
          %add3A_309 = arith.constant 48 : i32
          %add3A_310 = vector.broadcast %add3A_309 : i32 to vector<16xi32>
          %add3A_311 = arith.addi %iota3A, %add3A_310 : vector<16xi32>
          %scatter3A_312 = arith.constant 0 : i32
          %scatter3A_313 = arith.constant 0 : i32
          %scatter3A_314 = tpu.memref_slice %arg6[%scan3A_163, %scatter3A_312, %scatter3A_313] : memref<4x64x128xf32, #tpu.memory_space<vmem>> -> memref<1x64x128xf32, #tpu.memory_space<vmem>>
          %scatter3A_315 = tpu.memref_squeeze %scatter3A_314 : memref<1x64x128xf32, #tpu.memory_space<vmem>> -> memref<64x128xf32, #tpu.memory_space<vmem>>
          tpu.vector_store_idx %scatter3A_315[%and3A_200, %add3A_311], %gather3A_244 : memref<64x128xf32, #tpu.memory_space<vmem>>[vector<16xi32>, vector<16xi32>], vector<16xf32>,
          %add3A_316 = arith.constant 64 : i32
          %add3A_317 = vector.broadcast %add3A_316 : i32 to vector<16xi32>
          %add3A_318 = arith.addi %iota3A, %add3A_317 : vector<16xi32>
          %scatter3A_319 = arith.constant 0 : i32
          %scatter3A_320 = arith.constant 0 : i32
          %scatter3A_321 = tpu.memref_slice %arg6[%scan3A_163, %scatter3A_319, %scatter3A_320] : memref<4x64x128xf32, #tpu.memory_space<vmem>> -> memref<1x64x128xf32, #tpu.memory_space<vmem>>
          %scatter3A_322 = tpu.memref_squeeze %scatter3A_321 : memref<1x64x128xf32, #tpu.memory_space<vmem>> -> memref<64x128xf32, #tpu.memory_space<vmem>>
          tpu.vector_store_idx %scatter3A_322[%and3A_200, %add3A_318], %gather3A_255 : memref<64x128xf32, #tpu.memory_space<vmem>>[vector<16xi32>, vector<16xi32>], vector<16xf32>,
          %add3A_323 = arith.constant 80 : i32
          %add3A_324 = vector.broadcast %add3A_323 : i32 to vector<16xi32>
          %add3A_325 = arith.addi %iota3A, %add3A_324 : vector<16xi32>
          %scatter3A_326 = arith.constant 0 : i32
          %scatter3A_327 = arith.constant 0 : i32
          %scatter3A_328 = tpu.memref_slice %arg6[%scan3A_163, %scatter3A_326, %scatter3A_327] : memref<4x64x128xf32, #tpu.memory_space<vmem>> -> memref<1x64x128xf32, #tpu.memory_space<vmem>>
          %scatter3A_329 = tpu.memref_squeeze %scatter3A_328 : memref<1x64x128xf32, #tpu.memory_space<vmem>> -> memref<64x128xf32, #tpu.memory_space<vmem>>
          tpu.vector_store_idx %scatter3A_329[%and3A_200, %add3A_325], %gather3A_266 : memref<64x128xf32, #tpu.memory_space<vmem>>[vector<16xi32>, vector<16xi32>], vector<16xf32>,
          %add3A_330 = arith.constant 96 : i32
          %add3A_331 = vector.broadcast %add3A_330 : i32 to vector<16xi32>
          %add3A_332 = arith.addi %iota3A, %add3A_331 : vector<16xi32>
          %scatter3A_333 = arith.constant 0 : i32
          %scatter3A_334 = arith.constant 0 : i32
          %scatter3A_335 = tpu.memref_slice %arg6[%scan3A_163, %scatter3A_333, %scatter3A_334] : memref<4x64x128xf32, #tpu.memory_space<vmem>> -> memref<1x64x128xf32, #tpu.memory_space<vmem>>
          %scatter3A_336 = tpu.memref_squeeze %scatter3A_335 : memref<1x64x128xf32, #tpu.memory_space<vmem>> -> memref<64x128xf32, #tpu.memory_space<vmem>>
          tpu.vector_store_idx %scatter3A_336[%and3A_200, %add3A_332], %gather3A_277 : memref<64x128xf32, #tpu.memory_space<vmem>>[vector<16xi32>, vector<16xi32>], vector<16xf32>,
          %add3A_337 = arith.constant 112 : i32
          %add3A_338 = vector.broadcast %add3A_337 : i32 to vector<16xi32>
          %add3A_339 = arith.addi %iota3A, %add3A_338 : vector<16xi32>
          %scatter3A_340 = arith.constant 0 : i32
          %scatter3A_341 = arith.constant 0 : i32
          %scatter3A_342 = tpu.memref_slice %arg6[%scan3A_163, %scatter3A_340, %scatter3A_341] : memref<4x64x128xf32, #tpu.memory_space<vmem>> -> memref<1x64x128xf32, #tpu.memory_space<vmem>>
          %scatter3A_343 = tpu.memref_squeeze %scatter3A_342 : memref<1x64x128xf32, #tpu.memory_space<vmem>> -> memref<64x128xf32, #tpu.memory_space<vmem>>
          tpu.vector_store_idx %scatter3A_343[%and3A_200, %add3A_339], %gather3A_288 : memref<64x128xf32, #tpu.memory_space<vmem>>[vector<16xi32>, vector<16xi32>], vector<16xf32>,
        }
        %scan3A_168 = arith.constant 64 : i32
        %mul3A_169 = arith.constant 32 : i32
        %mul3A_170 = arith.muli %mul3A_169, %add3A_115 : i32
        %add3A_171 = arith.addi %add3A, %mul3A_170 : i32
        %mul3A_172 = arith.constant 64 : i32
        %mul3A_173 = arith.muli %mul3A_172, %add3A_171 : i32
        %dma_start3A = arith.constant 1 : i32
        %dma_start3A_174 = arith.constant 1 : i32
        %dma_start3A_175 = arith.constant 0 : i32
        %dma_start3A_176 = arith.constant 0 : i32
        %dma_start3A_177 = tpu.memref_slice %arg6[%dma_start3A, %dma_start3A_175, %dma_start3A_176] : memref<4x64x128xf32, #tpu.memory_space<vmem>> -> memref<1x64x128xf32, #tpu.memory_space<vmem>>
        %dma_start3A_178 = tpu.memref_squeeze %dma_start3A_177 : memref<1x64x128xf32, #tpu.memory_space<vmem>> -> memref<64x128xf32, #tpu.memory_space<vmem>>
        %dma_start3A_179 = arith.constant 0 : i32
        %dma_start3A_180 = tpu.memref_slice %arg4[%mul3A_173, %dma_start3A_179] : memref<500000x128xf32, #tpu.memory_space<hbm>> -> memref<64x128xf32, #tpu.memory_space<hbm>>
        %dma_start3A_181 = tpu.memref_slice %arg8[%dma_start3A_174] : memref<4x!tpu.dma_semaphore, #tpu.memory_space<semaphore_mem>> -> memref<1x!tpu.dma_semaphore, #tpu.memory_space<semaphore_mem>>
        %dma_start3A_182 = tpu.memref_squeeze %dma_start3A_181 : memref<1x!tpu.dma_semaphore, #tpu.memory_space<semaphore_mem>> -> memref<!tpu.dma_semaphore, #tpu.memory_space<semaphore_mem>>
        %dma_start3A_183 = arith.constant 0 : i32
        %dma_start3A_184 = tpu.memref_slice %arg4[%mul3A_173, %dma_start3A_183] : memref<500000x128xf32, #tpu.memory_space<hbm>> -> memref<64x128xf32, #tpu.memory_space<hbm>>
        %dma_start3A_185 = arith.constant 0 : i32
        %dma_start3A_186 = arith.constant 0 : i32
        %dma_start3A_187 = tpu.memref_slice %arg6[%dma_start3A, %dma_start3A_185, %dma_start3A_186] : memref<4x64x128xf32, #tpu.memory_space<vmem>> -> memref<1x64x128xf32, #tpu.memory_space<vmem>>
        %dma_start3A_188 = tpu.memref_squeeze %dma_start3A_187 : memref<1x64x128xf32, #tpu.memory_space<vmem>> -> memref<64x128xf32, #tpu.memory_space<vmem>>
        tpu.enqueue_dma source(%dma_start3A_188 : memref<64x128xf32, #tpu.memory_space<vmem>>) target(%dma_start3A_184 : memref<64x128xf32, #tpu.memory_space<hbm>>) target_semaphore(%dma_start3A_182 : memref<!tpu.dma_semaphore, #tpu.memory_space<semaphore_mem>>)
        %add3A_189 = arith.constant 4 : i32
        %add3A_190 = arith.addi %add3A_115, %add3A_189 : i32
        %sub3A = arith.constant 1 : i32
        %sub3A_191 = arith.subi %add3A_190, %sub3A : i32
        %lt3A_192 = arith.cmpi slt, %sub3A_191, %select_n3A : i32
        %convert_element_type3A_193 = arith.extui %lt3A_192 : i1 to i32
        %cond3A_194 = arith.constant 0 : i32
        %cond3A_195 = arith.cmpi ne, %convert_element_type3A_193, %cond3A_194 : i32
        scf.if %cond3A_195 {
          %add3A_196 = arith.constant 4 : i32
          %add3A_197 = arith.addi %add3A_115, %add3A_196 : i32
          %sub3A_198 = arith.constant 1 : i32
          %sub3A_199 = arith.subi %add3A_197, %sub3A_198 : i32
          %mul3A_200 = arith.constant 32 : i32
          %mul3A_201 = arith.muli %mul3A_200, %sub3A_199 : i32
          %add3A_202 = arith.addi %add3A, %mul3A_201 : i32
          %mul3A_203 = arith.constant 128 : i32
          %mul3A_204 = arith.muli %mul3A_203, %add3A_202 : i32
          %dma_start3A_205 = arith.constant 0 : i32
          %dma_start3A_206 = arith.constant 0 : i32
          %dma_start3A_207 = arith.constant 0 : i32
          %dma_start3A_208 = arith.constant 0 : i32
          %dma_start3A_209 = tpu.memref_slice %arg5[%dma_start3A_205, %dma_start3A_207, %dma_start3A_208] : memref<4x64x128xf32, #tpu.memory_space<vmem>> -> memref<1x64x128xf32, #tpu.memory_space<vmem>>
          %dma_start3A_210 = tpu.memref_squeeze %dma_start3A_209 : memref<1x64x128xf32, #tpu.memory_space<vmem>> -> memref<64x128xf32, #tpu.memory_space<vmem>>
          %dma_start3A_211 = arith.constant 0 : i32
          %dma_start3A_212 = tpu.memref_slice %arg2[%dma_start3A_211, %mul3A_204] : memref<64x1000000xf32, #tpu.memory_space<hbm>> -> memref<64x128xf32, #tpu.memory_space<hbm>>
          %dma_start3A_213 = tpu.memref_slice %arg7[%dma_start3A_206] : memref<4x!tpu.dma_semaphore, #tpu.memory_space<semaphore_mem>> -> memref<1x!tpu.dma_semaphore, #tpu.memory_space<semaphore_mem>>
          %dma_start3A_214 = tpu.memref_squeeze %dma_start3A_213 : memref<1x!tpu.dma_semaphore, #tpu.memory_space<semaphore_mem>> -> memref<!tpu.dma_semaphore, #tpu.memory_space<semaphore_mem>>
          %dma_start3A_215 = arith.constant 0 : i32
          %dma_start3A_216 = arith.constant 0 : i32
          %dma_start3A_217 = tpu.memref_slice %arg5[%dma_start3A_205, %dma_start3A_215, %dma_start3A_216] : memref<4x64x128xf32, #tpu.memory_space<vmem>> -> memref<1x64x128xf32, #tpu.memory_space<vmem>>
          %dma_start3A_218 = tpu.memref_squeeze %dma_start3A_217 : memref<1x64x128xf32, #tpu.memory_space<vmem>> -> memref<64x128xf32, #tpu.memory_space<vmem>>
          %dma_start3A_219 = arith.constant 0 : i32
          %dma_start3A_220 = tpu.memref_slice %arg2[%dma_start3A_219, %mul3A_204] : memref<64x1000000xf32, #tpu.memory_space<hbm>> -> memref<64x128xf32, #tpu.memory_space<hbm>>
          tpu.enqueue_dma source(%dma_start3A_220 : memref<64x128xf32, #tpu.memory_space<hbm>>) target(%dma_start3A_218 : memref<64x128xf32, #tpu.memory_space<vmem>>) target_semaphore(%dma_start3A_214 : memref<!tpu.dma_semaphore, #tpu.memory_space<semaphore_mem>>)
        } else {
        }
      } else {
      }
      %mul3A_120 = arith.constant 4 : i32
      %mul3A_121 = arith.muli %mul3A_120, %scan3A_103 : i32
      %add3A_122 = arith.constant 2 : i32
      %add3A_123 = arith.addi %mul3A_121, %add3A_122 : i32
      %lt3A_124 = arith.cmpi slt, %add3A_123, %select_n3A : i32
      %convert_element_type3A_125 = arith.extui %lt3A_124 : i1 to i32
      %cond3A_126 = arith.constant 0 : i32
      %cond3A_127 = arith.cmpi ne, %convert_element_type3A_125, %cond3A_126 : i32
      scf.if %cond3A_127 {
        %ge3A = arith.constant 4 : i32
        %ge3A_136 = arith.cmpi sge, %add3A_123, %ge3A : i32
        %convert_element_type3A_137 = arith.extui %ge3A_136 : i1 to i32
        %cond3A_138 = arith.constant 0 : i32
        %cond3A_139 = arith.cmpi ne, %convert_element_type3A_137, %cond3A_138 : i32
        scf.if %cond3A_139 {
          %sub3A_196 = arith.constant 4 : i32
          %sub3A_197 = arith.subi %add3A_123, %sub3A_196 : i32
          %mul3A_198 = arith.constant 32 : i32
          %mul3A_199 = arith.muli %mul3A_198, %sub3A_197 : i32
          %add3A_200 = arith.addi %add3A, %mul3A_199 : i32
          %mul3A_201 = arith.constant 64 : i32
          %mul3A_202 = arith.muli %mul3A_201, %add3A_200 : i32
          %dma_wait3A_203 = arith.constant 2 : i32
          %dma_wait3A_204 = arith.constant 2 : i32
          %dma_wait3A_205 = arith.constant 0 : i32
          %dma_wait3A_206 = arith.constant 0 : i32
          %dma_wait3A_207 = tpu.memref_slice %arg6[%dma_wait3A_203, %dma_wait3A_205, %dma_wait3A_206] : memref<4x64x128xf32, #tpu.memory_space<vmem>> -> memref<1x64x128xf32, #tpu.memory_space<vmem>>
          %dma_wait3A_208 = tpu.memref_squeeze %dma_wait3A_207 : memref<1x64x128xf32, #tpu.memory_space<vmem>> -> memref<64x128xf32, #tpu.memory_space<vmem>>
          %dma_wait3A_209 = arith.constant 0 : i32
          %dma_wait3A_210 = tpu.memref_slice %arg4[%mul3A_202, %dma_wait3A_209] : memref<500000x128xf32, #tpu.memory_space<hbm>> -> memref<64x128xf32, #tpu.memory_space<hbm>>
          %dma_wait3A_211 = tpu.memref_slice %arg8[%dma_wait3A_204] : memref<4x!tpu.dma_semaphore, #tpu.memory_space<semaphore_mem>> -> memref<1x!tpu.dma_semaphore, #tpu.memory_space<semaphore_mem>>
          %dma_wait3A_212 = tpu.memref_squeeze %dma_wait3A_211 : memref<1x!tpu.dma_semaphore, #tpu.memory_space<semaphore_mem>> -> memref<!tpu.dma_semaphore, #tpu.memory_space<semaphore_mem>>
          %dma_wait3A_213 = arith.constant 0 : i32
          %dma_wait3A_214 = tpu.memref_slice %arg4[%mul3A_202, %dma_wait3A_213] : memref<500000x128xf32, #tpu.memory_space<hbm>> -> memref<64x128xf32, #tpu.memory_space<hbm>>
          %dma_wait3A_215 = arith.constant 0 : i32
          %dma_wait3A_216 = arith.constant 0 : i32
          %dma_wait3A_217 = tpu.memref_slice %arg6[%dma_wait3A_203, %dma_wait3A_215, %dma_wait3A_216] : memref<4x64x128xf32, #tpu.memory_space<vmem>> -> memref<1x64x128xf32, #tpu.memory_space<vmem>>
          %dma_wait3A_218 = tpu.memref_squeeze %dma_wait3A_217 : memref<1x64x128xf32, #tpu.memory_space<vmem>> -> memref<64x128xf32, #tpu.memory_space<vmem>>
          tpu.wait_dma2 semaphore(%dma_wait3A_212 : memref<!tpu.dma_semaphore, #tpu.memory_space<semaphore_mem>>) src(%dma_wait3A_218 : memref<64x128xf32, #tpu.memory_space<vmem>>) dst(%dma_wait3A_214 : memref<64x128xf32, #tpu.memory_space<hbm>>)
        } else {
        }
        %mul3A_140 = arith.constant 32 : i32
        %mul3A_141 = arith.muli %mul3A_140, %add3A_123 : i32
        %add3A_142 = arith.addi %add3A, %mul3A_141 : i32
        %mul3A_143 = arith.constant 128 : i32
        %mul3A_144 = arith.muli %mul3A_143, %add3A_142 : i32
        %dma_wait3A_145 = arith.constant 2 : i32
        %dma_wait3A_146 = arith.constant 2 : i32
        %dma_wait3A_147 = arith.constant 0 : i32
        %dma_wait3A_148 = arith.constant 0 : i32
        %dma_wait3A_149 = tpu.memref_slice %arg5[%dma_wait3A_145, %dma_wait3A_147, %dma_wait3A_148] : memref<4x64x128xf32, #tpu.memory_space<vmem>> -> memref<1x64x128xf32, #tpu.memory_space<vmem>>
        %dma_wait3A_150 = tpu.memref_squeeze %dma_wait3A_149 : memref<1x64x128xf32, #tpu.memory_space<vmem>> -> memref<64x128xf32, #tpu.memory_space<vmem>>
        %dma_wait3A_151 = arith.constant 0 : i32
        %dma_wait3A_152 = tpu.memref_slice %arg2[%dma_wait3A_151, %mul3A_144] : memref<64x1000000xf32, #tpu.memory_space<hbm>> -> memref<64x128xf32, #tpu.memory_space<hbm>>
        %dma_wait3A_153 = tpu.memref_slice %arg7[%dma_wait3A_146] : memref<4x!tpu.dma_semaphore, #tpu.memory_space<semaphore_mem>> -> memref<1x!tpu.dma_semaphore, #tpu.memory_space<semaphore_mem>>
        %dma_wait3A_154 = tpu.memref_squeeze %dma_wait3A_153 : memref<1x!tpu.dma_semaphore, #tpu.memory_space<semaphore_mem>> -> memref<!tpu.dma_semaphore, #tpu.memory_space<semaphore_mem>>
        %dma_wait3A_155 = arith.constant 0 : i32
        %dma_wait3A_156 = arith.constant 0 : i32
        %dma_wait3A_157 = tpu.memref_slice %arg5[%dma_wait3A_145, %dma_wait3A_155, %dma_wait3A_156] : memref<4x64x128xf32, #tpu.memory_space<vmem>> -> memref<1x64x128xf32, #tpu.memory_space<vmem>>
        %dma_wait3A_158 = tpu.memref_squeeze %dma_wait3A_157 : memref<1x64x128xf32, #tpu.memory_space<vmem>> -> memref<64x128xf32, #tpu.memory_space<vmem>>
        %dma_wait3A_159 = arith.constant 0 : i32
        %dma_wait3A_160 = tpu.memref_slice %arg2[%dma_wait3A_159, %mul3A_144] : memref<64x1000000xf32, #tpu.memory_space<hbm>> -> memref<64x128xf32, #tpu.memory_space<hbm>>
        tpu.wait_dma2 semaphore(%dma_wait3A_154 : memref<!tpu.dma_semaphore, #tpu.memory_space<semaphore_mem>>) src(%dma_wait3A_160 : memref<64x128xf32, #tpu.memory_space<hbm>>) dst(%dma_wait3A_158 : memref<64x128xf32, #tpu.memory_space<vmem>>)
        %scan3A_161 = arith.constant 0 : i32
        %scan3A_162 = arith.constant 2 : i32
        %scan3A_163 = arith.constant 2 : i32
        %scan3A_164 = arith.constant 0 : i32
        %scan3A_165 = arith.constant 64 : i32
        %scan3A_166 = arith.addi %scan3A_164, %scan3A_165 : i32
        %scan3A_167 = arith.constant 1 : i32
        scf.for %scan3A_196 = %scan3A_164 to %scan3A_166 step %scan3A_167  : i32 {
          %add3A_197 = vector.broadcast %scan3A_196 : i32 to vector<16xi32>
          %add3A_198 = arith.addi %add3A_197, %iota3A : vector<16xi32>
          %and3A = arith.constant 63 : i32
          %and3A_199 = vector.broadcast %and3A : i32 to vector<16xi32>
          %and3A_200 = arith.andi %add3A_198, %and3A_199 : vector<16xi32>
          %add3A_201 = arith.addi %and3A_200, %and3A_200 : vector<16xi32>
          %add3A_202 = arith.constant 0 : i32
          %add3A_203 = vector.broadcast %add3A_202 : i32 to vector<16xi32>
          %add3A_204 = arith.addi %add3A_203, %iota3A : vector<16xi32>
          %add3A_205 = arith.constant 0 : i32
          %add3A_206 = vector.broadcast %add3A_205 : i32 to vector<16xi32>
          %add3A_207 = arith.addi %add3A_201, %add3A_206 : vector<16xi32>
          %gather3A = arith.constant 0 : i32
          %gather3A_208 = arith.constant 0 : i32
          %gather3A_209 = tpu.memref_slice %arg5[%scan3A_162, %gather3A, %gather3A_208] : memref<4x64x128xf32, #tpu.memory_space<vmem>> -> memref<1x64x128xf32, #tpu.memory_space<vmem>>
          %gather3A_210 = tpu.memref_squeeze %gather3A_209 : memref<1x64x128xf32, #tpu.memory_space<vmem>> -> memref<64x128xf32, #tpu.memory_space<vmem>>
          %gather3A_211 = tpu.vector_load_idx %gather3A_210[%add3A_204, %add3A_207] : memref<64x128xf32, #tpu.memory_space<vmem>>[vector<16xi32>, vector<16xi32>], vector<16xf32>,
          %add3A_212 = arith.constant 16 : i32
          %add3A_213 = vector.broadcast %add3A_212 : i32 to vector<16xi32>
          %add3A_214 = arith.addi %add3A_213, %iota3A : vector<16xi32>
          %add3A_215 = arith.constant 0 : i32
          %add3A_216 = vector.broadcast %add3A_215 : i32 to vector<16xi32>
          %add3A_217 = arith.addi %add3A_201, %add3A_216 : vector<16xi32>
          %gather3A_218 = arith.constant 0 : i32
          %gather3A_219 = arith.constant 0 : i32
          %gather3A_220 = tpu.memref_slice %arg5[%scan3A_162, %gather3A_218, %gather3A_219] : memref<4x64x128xf32, #tpu.memory_space<vmem>> -> memref<1x64x128xf32, #tpu.memory_space<vmem>>
          %gather3A_221 = tpu.memref_squeeze %gather3A_220 : memref<1x64x128xf32, #tpu.memory_space<vmem>> -> memref<64x128xf32, #tpu.memory_space<vmem>>
          %gather3A_222 = tpu.vector_load_idx %gather3A_221[%add3A_214, %add3A_217] : memref<64x128xf32, #tpu.memory_space<vmem>>[vector<16xi32>, vector<16xi32>], vector<16xf32>,
          %add3A_223 = arith.constant 32 : i32
          %add3A_224 = vector.broadcast %add3A_223 : i32 to vector<16xi32>
          %add3A_225 = arith.addi %add3A_224, %iota3A : vector<16xi32>
          %add3A_226 = arith.constant 0 : i32
          %add3A_227 = vector.broadcast %add3A_226 : i32 to vector<16xi32>
          %add3A_228 = arith.addi %add3A_201, %add3A_227 : vector<16xi32>
          %gather3A_229 = arith.constant 0 : i32
          %gather3A_230 = arith.constant 0 : i32
          %gather3A_231 = tpu.memref_slice %arg5[%scan3A_162, %gather3A_229, %gather3A_230] : memref<4x64x128xf32, #tpu.memory_space<vmem>> -> memref<1x64x128xf32, #tpu.memory_space<vmem>>
          %gather3A_232 = tpu.memref_squeeze %gather3A_231 : memref<1x64x128xf32, #tpu.memory_space<vmem>> -> memref<64x128xf32, #tpu.memory_space<vmem>>
          %gather3A_233 = tpu.vector_load_idx %gather3A_232[%add3A_225, %add3A_228] : memref<64x128xf32, #tpu.memory_space<vmem>>[vector<16xi32>, vector<16xi32>], vector<16xf32>,
          %add3A_234 = arith.constant 48 : i32
          %add3A_235 = vector.broadcast %add3A_234 : i32 to vector<16xi32>
          %add3A_236 = arith.addi %add3A_235, %iota3A : vector<16xi32>
          %add3A_237 = arith.constant 0 : i32
          %add3A_238 = vector.broadcast %add3A_237 : i32 to vector<16xi32>
          %add3A_239 = arith.addi %add3A_201, %add3A_238 : vector<16xi32>
          %gather3A_240 = arith.constant 0 : i32
          %gather3A_241 = arith.constant 0 : i32
          %gather3A_242 = tpu.memref_slice %arg5[%scan3A_162, %gather3A_240, %gather3A_241] : memref<4x64x128xf32, #tpu.memory_space<vmem>> -> memref<1x64x128xf32, #tpu.memory_space<vmem>>
          %gather3A_243 = tpu.memref_squeeze %gather3A_242 : memref<1x64x128xf32, #tpu.memory_space<vmem>> -> memref<64x128xf32, #tpu.memory_space<vmem>>
          %gather3A_244 = tpu.vector_load_idx %gather3A_243[%add3A_236, %add3A_239] : memref<64x128xf32, #tpu.memory_space<vmem>>[vector<16xi32>, vector<16xi32>], vector<16xf32>,
          %add3A_245 = arith.constant 0 : i32
          %add3A_246 = vector.broadcast %add3A_245 : i32 to vector<16xi32>
          %add3A_247 = arith.addi %add3A_246, %iota3A : vector<16xi32>
          %add3A_248 = arith.constant 1 : i32
          %add3A_249 = vector.broadcast %add3A_248 : i32 to vector<16xi32>
          %add3A_250 = arith.addi %add3A_201, %add3A_249 : vector<16xi32>
          %gather3A_251 = arith.constant 0 : i32
          %gather3A_252 = arith.constant 0 : i32
          %gather3A_253 = tpu.memref_slice %arg5[%scan3A_162, %gather3A_251, %gather3A_252] : memref<4x64x128xf32, #tpu.memory_space<vmem>> -> memref<1x64x128xf32, #tpu.memory_space<vmem>>
          %gather3A_254 = tpu.memref_squeeze %gather3A_253 : memref<1x64x128xf32, #tpu.memory_space<vmem>> -> memref<64x128xf32, #tpu.memory_space<vmem>>
          %gather3A_255 = tpu.vector_load_idx %gather3A_254[%add3A_247, %add3A_250] : memref<64x128xf32, #tpu.memory_space<vmem>>[vector<16xi32>, vector<16xi32>], vector<16xf32>,
          %add3A_256 = arith.constant 16 : i32
          %add3A_257 = vector.broadcast %add3A_256 : i32 to vector<16xi32>
          %add3A_258 = arith.addi %add3A_257, %iota3A : vector<16xi32>
          %add3A_259 = arith.constant 1 : i32
          %add3A_260 = vector.broadcast %add3A_259 : i32 to vector<16xi32>
          %add3A_261 = arith.addi %add3A_201, %add3A_260 : vector<16xi32>
          %gather3A_262 = arith.constant 0 : i32
          %gather3A_263 = arith.constant 0 : i32
          %gather3A_264 = tpu.memref_slice %arg5[%scan3A_162, %gather3A_262, %gather3A_263] : memref<4x64x128xf32, #tpu.memory_space<vmem>> -> memref<1x64x128xf32, #tpu.memory_space<vmem>>
          %gather3A_265 = tpu.memref_squeeze %gather3A_264 : memref<1x64x128xf32, #tpu.memory_space<vmem>> -> memref<64x128xf32, #tpu.memory_space<vmem>>
          %gather3A_266 = tpu.vector_load_idx %gather3A_265[%add3A_258, %add3A_261] : memref<64x128xf32, #tpu.memory_space<vmem>>[vector<16xi32>, vector<16xi32>], vector<16xf32>,
          %add3A_267 = arith.constant 32 : i32
          %add3A_268 = vector.broadcast %add3A_267 : i32 to vector<16xi32>
          %add3A_269 = arith.addi %add3A_268, %iota3A : vector<16xi32>
          %add3A_270 = arith.constant 1 : i32
          %add3A_271 = vector.broadcast %add3A_270 : i32 to vector<16xi32>
          %add3A_272 = arith.addi %add3A_201, %add3A_271 : vector<16xi32>
          %gather3A_273 = arith.constant 0 : i32
          %gather3A_274 = arith.constant 0 : i32
          %gather3A_275 = tpu.memref_slice %arg5[%scan3A_162, %gather3A_273, %gather3A_274] : memref<4x64x128xf32, #tpu.memory_space<vmem>> -> memref<1x64x128xf32, #tpu.memory_space<vmem>>
          %gather3A_276 = tpu.memref_squeeze %gather3A_275 : memref<1x64x128xf32, #tpu.memory_space<vmem>> -> memref<64x128xf32, #tpu.memory_space<vmem>>
          %gather3A_277 = tpu.vector_load_idx %gather3A_276[%add3A_269, %add3A_272] : memref<64x128xf32, #tpu.memory_space<vmem>>[vector<16xi32>, vector<16xi32>], vector<16xf32>,
          %add3A_278 = arith.constant 48 : i32
          %add3A_279 = vector.broadcast %add3A_278 : i32 to vector<16xi32>
          %add3A_280 = arith.addi %add3A_279, %iota3A : vector<16xi32>
          %add3A_281 = arith.constant 1 : i32
          %add3A_282 = vector.broadcast %add3A_281 : i32 to vector<16xi32>
          %add3A_283 = arith.addi %add3A_201, %add3A_282 : vector<16xi32>
          %gather3A_284 = arith.constant 0 : i32
          %gather3A_285 = arith.constant 0 : i32
          %gather3A_286 = tpu.memref_slice %arg5[%scan3A_162, %gather3A_284, %gather3A_285] : memref<4x64x128xf32, #tpu.memory_space<vmem>> -> memref<1x64x128xf32, #tpu.memory_space<vmem>>
          %gather3A_287 = tpu.memref_squeeze %gather3A_286 : memref<1x64x128xf32, #tpu.memory_space<vmem>> -> memref<64x128xf32, #tpu.memory_space<vmem>>
          %gather3A_288 = tpu.vector_load_idx %gather3A_287[%add3A_280, %add3A_283] : memref<64x128xf32, #tpu.memory_space<vmem>>[vector<16xi32>, vector<16xi32>], vector<16xf32>,
          %add3A_289 = arith.constant 0 : i32
          %add3A_290 = vector.broadcast %add3A_289 : i32 to vector<16xi32>
          %add3A_291 = arith.addi %iota3A, %add3A_290 : vector<16xi32>
          %scatter3A = arith.constant 0 : i32
          %scatter3A_292 = arith.constant 0 : i32
          %scatter3A_293 = tpu.memref_slice %arg6[%scan3A_163, %scatter3A, %scatter3A_292] : memref<4x64x128xf32, #tpu.memory_space<vmem>> -> memref<1x64x128xf32, #tpu.memory_space<vmem>>
          %scatter3A_294 = tpu.memref_squeeze %scatter3A_293 : memref<1x64x128xf32, #tpu.memory_space<vmem>> -> memref<64x128xf32, #tpu.memory_space<vmem>>
          tpu.vector_store_idx %scatter3A_294[%and3A_200, %add3A_291], %gather3A_211 : memref<64x128xf32, #tpu.memory_space<vmem>>[vector<16xi32>, vector<16xi32>], vector<16xf32>,
          %add3A_295 = arith.constant 16 : i32
          %add3A_296 = vector.broadcast %add3A_295 : i32 to vector<16xi32>
          %add3A_297 = arith.addi %iota3A, %add3A_296 : vector<16xi32>
          %scatter3A_298 = arith.constant 0 : i32
          %scatter3A_299 = arith.constant 0 : i32
          %scatter3A_300 = tpu.memref_slice %arg6[%scan3A_163, %scatter3A_298, %scatter3A_299] : memref<4x64x128xf32, #tpu.memory_space<vmem>> -> memref<1x64x128xf32, #tpu.memory_space<vmem>>
          %scatter3A_301 = tpu.memref_squeeze %scatter3A_300 : memref<1x64x128xf32, #tpu.memory_space<vmem>> -> memref<64x128xf32, #tpu.memory_space<vmem>>
          tpu.vector_store_idx %scatter3A_301[%and3A_200, %add3A_297], %gather3A_222 : memref<64x128xf32, #tpu.memory_space<vmem>>[vector<16xi32>, vector<16xi32>], vector<16xf32>,
          %add3A_302 = arith.constant 32 : i32
          %add3A_303 = vector.broadcast %add3A_302 : i32 to vector<16xi32>
          %add3A_304 = arith.addi %iota3A, %add3A_303 : vector<16xi32>
          %scatter3A_305 = arith.constant 0 : i32
          %scatter3A_306 = arith.constant 0 : i32
          %scatter3A_307 = tpu.memref_slice %arg6[%scan3A_163, %scatter3A_305, %scatter3A_306] : memref<4x64x128xf32, #tpu.memory_space<vmem>> -> memref<1x64x128xf32, #tpu.memory_space<vmem>>
          %scatter3A_308 = tpu.memref_squeeze %scatter3A_307 : memref<1x64x128xf32, #tpu.memory_space<vmem>> -> memref<64x128xf32, #tpu.memory_space<vmem>>
          tpu.vector_store_idx %scatter3A_308[%and3A_200, %add3A_304], %gather3A_233 : memref<64x128xf32, #tpu.memory_space<vmem>>[vector<16xi32>, vector<16xi32>], vector<16xf32>,
          %add3A_309 = arith.constant 48 : i32
          %add3A_310 = vector.broadcast %add3A_309 : i32 to vector<16xi32>
          %add3A_311 = arith.addi %iota3A, %add3A_310 : vector<16xi32>
          %scatter3A_312 = arith.constant 0 : i32
          %scatter3A_313 = arith.constant 0 : i32
          %scatter3A_314 = tpu.memref_slice %arg6[%scan3A_163, %scatter3A_312, %scatter3A_313] : memref<4x64x128xf32, #tpu.memory_space<vmem>> -> memref<1x64x128xf32, #tpu.memory_space<vmem>>
          %scatter3A_315 = tpu.memref_squeeze %scatter3A_314 : memref<1x64x128xf32, #tpu.memory_space<vmem>> -> memref<64x128xf32, #tpu.memory_space<vmem>>
          tpu.vector_store_idx %scatter3A_315[%and3A_200, %add3A_311], %gather3A_244 : memref<64x128xf32, #tpu.memory_space<vmem>>[vector<16xi32>, vector<16xi32>], vector<16xf32>,
          %add3A_316 = arith.constant 64 : i32
          %add3A_317 = vector.broadcast %add3A_316 : i32 to vector<16xi32>
          %add3A_318 = arith.addi %iota3A, %add3A_317 : vector<16xi32>
          %scatter3A_319 = arith.constant 0 : i32
          %scatter3A_320 = arith.constant 0 : i32
          %scatter3A_321 = tpu.memref_slice %arg6[%scan3A_163, %scatter3A_319, %scatter3A_320] : memref<4x64x128xf32, #tpu.memory_space<vmem>> -> memref<1x64x128xf32, #tpu.memory_space<vmem>>
          %scatter3A_322 = tpu.memref_squeeze %scatter3A_321 : memref<1x64x128xf32, #tpu.memory_space<vmem>> -> memref<64x128xf32, #tpu.memory_space<vmem>>
          tpu.vector_store_idx %scatter3A_322[%and3A_200, %add3A_318], %gather3A_255 : memref<64x128xf32, #tpu.memory_space<vmem>>[vector<16xi32>, vector<16xi32>], vector<16xf32>,
          %add3A_323 = arith.constant 80 : i32
          %add3A_324 = vector.broadcast %add3A_323 : i32 to vector<16xi32>
          %add3A_325 = arith.addi %iota3A, %add3A_324 : vector<16xi32>
          %scatter3A_326 = arith.constant 0 : i32
          %scatter3A_327 = arith.constant 0 : i32
          %scatter3A_328 = tpu.memref_slice %arg6[%scan3A_163, %scatter3A_326, %scatter3A_327] : memref<4x64x128xf32, #tpu.memory_space<vmem>> -> memref<1x64x128xf32, #tpu.memory_space<vmem>>
          %scatter3A_329 = tpu.memref_squeeze %scatter3A_328 : memref<1x64x128xf32, #tpu.memory_space<vmem>> -> memref<64x128xf32, #tpu.memory_space<vmem>>
          tpu.vector_store_idx %scatter3A_329[%and3A_200, %add3A_325], %gather3A_266 : memref<64x128xf32, #tpu.memory_space<vmem>>[vector<16xi32>, vector<16xi32>], vector<16xf32>,
          %add3A_330 = arith.constant 96 : i32
          %add3A_331 = vector.broadcast %add3A_330 : i32 to vector<16xi32>
          %add3A_332 = arith.addi %iota3A, %add3A_331 : vector<16xi32>
          %scatter3A_333 = arith.constant 0 : i32
          %scatter3A_334 = arith.constant 0 : i32
          %scatter3A_335 = tpu.memref_slice %arg6[%scan3A_163, %scatter3A_333, %scatter3A_334] : memref<4x64x128xf32, #tpu.memory_space<vmem>> -> memref<1x64x128xf32, #tpu.memory_space<vmem>>
          %scatter3A_336 = tpu.memref_squeeze %scatter3A_335 : memref<1x64x128xf32, #tpu.memory_space<vmem>> -> memref<64x128xf32, #tpu.memory_space<vmem>>
          tpu.vector_store_idx %scatter3A_336[%and3A_200, %add3A_332], %gather3A_277 : memref<64x128xf32, #tpu.memory_space<vmem>>[vector<16xi32>, vector<16xi32>], vector<16xf32>,
          %add3A_337 = arith.constant 112 : i32
          %add3A_338 = vector.broadcast %add3A_337 : i32 to vector<16xi32>
          %add3A_339 = arith.addi %iota3A, %add3A_338 : vector<16xi32>
          %scatter3A_340 = arith.constant 0 : i32
          %scatter3A_341 = arith.constant 0 : i32
          %scatter3A_342 = tpu.memref_slice %arg6[%scan3A_163, %scatter3A_340, %scatter3A_341] : memref<4x64x128xf32, #tpu.memory_space<vmem>> -> memref<1x64x128xf32, #tpu.memory_space<vmem>>
          %scatter3A_343 = tpu.memref_squeeze %scatter3A_342 : memref<1x64x128xf32, #tpu.memory_space<vmem>> -> memref<64x128xf32, #tpu.memory_space<vmem>>
          tpu.vector_store_idx %scatter3A_343[%and3A_200, %add3A_339], %gather3A_288 : memref<64x128xf32, #tpu.memory_space<vmem>>[vector<16xi32>, vector<16xi32>], vector<16xf32>,
        }
        %scan3A_168 = arith.constant 64 : i32
        %mul3A_169 = arith.constant 32 : i32
        %mul3A_170 = arith.muli %mul3A_169, %add3A_123 : i32
        %add3A_171 = arith.addi %add3A, %mul3A_170 : i32
        %mul3A_172 = arith.constant 64 : i32
        %mul3A_173 = arith.muli %mul3A_172, %add3A_171 : i32
        %dma_start3A = arith.constant 2 : i32
        %dma_start3A_174 = arith.constant 2 : i32
        %dma_start3A_175 = arith.constant 0 : i32
        %dma_start3A_176 = arith.constant 0 : i32
        %dma_start3A_177 = tpu.memref_slice %arg6[%dma_start3A, %dma_start3A_175, %dma_start3A_176] : memref<4x64x128xf32, #tpu.memory_space<vmem>> -> memref<1x64x128xf32, #tpu.memory_space<vmem>>
        %dma_start3A_178 = tpu.memref_squeeze %dma_start3A_177 : memref<1x64x128xf32, #tpu.memory_space<vmem>> -> memref<64x128xf32, #tpu.memory_space<vmem>>
        %dma_start3A_179 = arith.constant 0 : i32
        %dma_start3A_180 = tpu.memref_slice %arg4[%mul3A_173, %dma_start3A_179] : memref<500000x128xf32, #tpu.memory_space<hbm>> -> memref<64x128xf32, #tpu.memory_space<hbm>>
        %dma_start3A_181 = tpu.memref_slice %arg8[%dma_start3A_174] : memref<4x!tpu.dma_semaphore, #tpu.memory_space<semaphore_mem>> -> memref<1x!tpu.dma_semaphore, #tpu.memory_space<semaphore_mem>>
        %dma_start3A_182 = tpu.memref_squeeze %dma_start3A_181 : memref<1x!tpu.dma_semaphore, #tpu.memory_space<semaphore_mem>> -> memref<!tpu.dma_semaphore, #tpu.memory_space<semaphore_mem>>
        %dma_start3A_183 = arith.constant 0 : i32
        %dma_start3A_184 = tpu.memref_slice %arg4[%mul3A_173, %dma_start3A_183] : memref<500000x128xf32, #tpu.memory_space<hbm>> -> memref<64x128xf32, #tpu.memory_space<hbm>>
        %dma_start3A_185 = arith.constant 0 : i32
        %dma_start3A_186 = arith.constant 0 : i32
        %dma_start3A_187 = tpu.memref_slice %arg6[%dma_start3A, %dma_start3A_185, %dma_start3A_186] : memref<4x64x128xf32, #tpu.memory_space<vmem>> -> memref<1x64x128xf32, #tpu.memory_space<vmem>>
        %dma_start3A_188 = tpu.memref_squeeze %dma_start3A_187 : memref<1x64x128xf32, #tpu.memory_space<vmem>> -> memref<64x128xf32, #tpu.memory_space<vmem>>
        tpu.enqueue_dma source(%dma_start3A_188 : memref<64x128xf32, #tpu.memory_space<vmem>>) target(%dma_start3A_184 : memref<64x128xf32, #tpu.memory_space<hbm>>) target_semaphore(%dma_start3A_182 : memref<!tpu.dma_semaphore, #tpu.memory_space<semaphore_mem>>)
        %add3A_189 = arith.constant 4 : i32
        %add3A_190 = arith.addi %add3A_123, %add3A_189 : i32
        %sub3A = arith.constant 1 : i32
        %sub3A_191 = arith.subi %add3A_190, %sub3A : i32
        %lt3A_192 = arith.cmpi slt, %sub3A_191, %select_n3A : i32
        %convert_element_type3A_193 = arith.extui %lt3A_192 : i1 to i32
        %cond3A_194 = arith.constant 0 : i32
        %cond3A_195 = arith.cmpi ne, %convert_element_type3A_193, %cond3A_194 : i32
        scf.if %cond3A_195 {
          %add3A_196 = arith.constant 4 : i32
          %add3A_197 = arith.addi %add3A_123, %add3A_196 : i32
          %sub3A_198 = arith.constant 1 : i32
          %sub3A_199 = arith.subi %add3A_197, %sub3A_198 : i32
          %mul3A_200 = arith.constant 32 : i32
          %mul3A_201 = arith.muli %mul3A_200, %sub3A_199 : i32
          %add3A_202 = arith.addi %add3A, %mul3A_201 : i32
          %mul3A_203 = arith.constant 128 : i32
          %mul3A_204 = arith.muli %mul3A_203, %add3A_202 : i32
          %dma_start3A_205 = arith.constant 1 : i32
          %dma_start3A_206 = arith.constant 1 : i32
          %dma_start3A_207 = arith.constant 0 : i32
          %dma_start3A_208 = arith.constant 0 : i32
          %dma_start3A_209 = tpu.memref_slice %arg5[%dma_start3A_205, %dma_start3A_207, %dma_start3A_208] : memref<4x64x128xf32, #tpu.memory_space<vmem>> -> memref<1x64x128xf32, #tpu.memory_space<vmem>>
          %dma_start3A_210 = tpu.memref_squeeze %dma_start3A_209 : memref<1x64x128xf32, #tpu.memory_space<vmem>> -> memref<64x128xf32, #tpu.memory_space<vmem>>
          %dma_start3A_211 = arith.constant 0 : i32
          %dma_start3A_212 = tpu.memref_slice %arg2[%dma_start3A_211, %mul3A_204] : memref<64x1000000xf32, #tpu.memory_space<hbm>> -> memref<64x128xf32, #tpu.memory_space<hbm>>
          %dma_start3A_213 = tpu.memref_slice %arg7[%dma_start3A_206] : memref<4x!tpu.dma_semaphore, #tpu.memory_space<semaphore_mem>> -> memref<1x!tpu.dma_semaphore, #tpu.memory_space<semaphore_mem>>
          %dma_start3A_214 = tpu.memref_squeeze %dma_start3A_213 : memref<1x!tpu.dma_semaphore, #tpu.memory_space<semaphore_mem>> -> memref<!tpu.dma_semaphore, #tpu.memory_space<semaphore_mem>>
          %dma_start3A_215 = arith.constant 0 : i32
          %dma_start3A_216 = arith.constant 0 : i32
          %dma_start3A_217 = tpu.memref_slice %arg5[%dma_start3A_205, %dma_start3A_215, %dma_start3A_216] : memref<4x64x128xf32, #tpu.memory_space<vmem>> -> memref<1x64x128xf32, #tpu.memory_space<vmem>>
          %dma_start3A_218 = tpu.memref_squeeze %dma_start3A_217 : memref<1x64x128xf32, #tpu.memory_space<vmem>> -> memref<64x128xf32, #tpu.memory_space<vmem>>
          %dma_start3A_219 = arith.constant 0 : i32
          %dma_start3A_220 = tpu.memref_slice %arg2[%dma_start3A_219, %mul3A_204] : memref<64x1000000xf32, #tpu.memory_space<hbm>> -> memref<64x128xf32, #tpu.memory_space<hbm>>
          tpu.enqueue_dma source(%dma_start3A_220 : memref<64x128xf32, #tpu.memory_space<hbm>>) target(%dma_start3A_218 : memref<64x128xf32, #tpu.memory_space<vmem>>) target_semaphore(%dma_start3A_214 : memref<!tpu.dma_semaphore, #tpu.memory_space<semaphore_mem>>)
        } else {
        }
      } else {
      }
      %mul3A_128 = arith.constant 4 : i32
      %mul3A_129 = arith.muli %mul3A_128, %scan3A_103 : i32
      %add3A_130 = arith.constant 3 : i32
      %add3A_131 = arith.addi %mul3A_129, %add3A_130 : i32
      %lt3A_132 = arith.cmpi slt, %add3A_131, %select_n3A : i32
      %convert_element_type3A_133 = arith.extui %lt3A_132 : i1 to i32
      %cond3A_134 = arith.constant 0 : i32
      %cond3A_135 = arith.cmpi ne, %convert_element_type3A_133, %cond3A_134 : i32
      scf.if %cond3A_135 {
        %ge3A = arith.constant 4 : i32
        %ge3A_136 = arith.cmpi sge, %add3A_131, %ge3A : i32
        %convert_element_type3A_137 = arith.extui %ge3A_136 : i1 to i32
        %cond3A_138 = arith.constant 0 : i32
        %cond3A_139 = arith.cmpi ne, %convert_element_type3A_137, %cond3A_138 : i32
        scf.if %cond3A_139 {
          %sub3A_196 = arith.constant 4 : i32
          %sub3A_197 = arith.subi %add3A_131, %sub3A_196 : i32
          %mul3A_198 = arith.constant 32 : i32
          %mul3A_199 = arith.muli %mul3A_198, %sub3A_197 : i32
          %add3A_200 = arith.addi %add3A, %mul3A_199 : i32
          %mul3A_201 = arith.constant 64 : i32
          %mul3A_202 = arith.muli %mul3A_201, %add3A_200 : i32
          %dma_wait3A_203 = arith.constant 3 : i32
          %dma_wait3A_204 = arith.constant 3 : i32
          %dma_wait3A_205 = arith.constant 0 : i32
          %dma_wait3A_206 = arith.constant 0 : i32
          %dma_wait3A_207 = tpu.memref_slice %arg6[%dma_wait3A_203, %dma_wait3A_205, %dma_wait3A_206] : memref<4x64x128xf32, #tpu.memory_space<vmem>> -> memref<1x64x128xf32, #tpu.memory_space<vmem>>
          %dma_wait3A_208 = tpu.memref_squeeze %dma_wait3A_207 : memref<1x64x128xf32, #tpu.memory_space<vmem>> -> memref<64x128xf32, #tpu.memory_space<vmem>>
          %dma_wait3A_209 = arith.constant 0 : i32
          %dma_wait3A_210 = tpu.memref_slice %arg4[%mul3A_202, %dma_wait3A_209] : memref<500000x128xf32, #tpu.memory_space<hbm>> -> memref<64x128xf32, #tpu.memory_space<hbm>>
          %dma_wait3A_211 = tpu.memref_slice %arg8[%dma_wait3A_204] : memref<4x!tpu.dma_semaphore, #tpu.memory_space<semaphore_mem>> -> memref<1x!tpu.dma_semaphore, #tpu.memory_space<semaphore_mem>>
          %dma_wait3A_212 = tpu.memref_squeeze %dma_wait3A_211 : memref<1x!tpu.dma_semaphore, #tpu.memory_space<semaphore_mem>> -> memref<!tpu.dma_semaphore, #tpu.memory_space<semaphore_mem>>
          %dma_wait3A_213 = arith.constant 0 : i32
          %dma_wait3A_214 = tpu.memref_slice %arg4[%mul3A_202, %dma_wait3A_213] : memref<500000x128xf32, #tpu.memory_space<hbm>> -> memref<64x128xf32, #tpu.memory_space<hbm>>
          %dma_wait3A_215 = arith.constant 0 : i32
          %dma_wait3A_216 = arith.constant 0 : i32
          %dma_wait3A_217 = tpu.memref_slice %arg6[%dma_wait3A_203, %dma_wait3A_215, %dma_wait3A_216] : memref<4x64x128xf32, #tpu.memory_space<vmem>> -> memref<1x64x128xf32, #tpu.memory_space<vmem>>
          %dma_wait3A_218 = tpu.memref_squeeze %dma_wait3A_217 : memref<1x64x128xf32, #tpu.memory_space<vmem>> -> memref<64x128xf32, #tpu.memory_space<vmem>>
          tpu.wait_dma2 semaphore(%dma_wait3A_212 : memref<!tpu.dma_semaphore, #tpu.memory_space<semaphore_mem>>) src(%dma_wait3A_218 : memref<64x128xf32, #tpu.memory_space<vmem>>) dst(%dma_wait3A_214 : memref<64x128xf32, #tpu.memory_space<hbm>>)
        } else {
        }
        %mul3A_140 = arith.constant 32 : i32
        %mul3A_141 = arith.muli %mul3A_140, %add3A_131 : i32
        %add3A_142 = arith.addi %add3A, %mul3A_141 : i32
        %mul3A_143 = arith.constant 128 : i32
        %mul3A_144 = arith.muli %mul3A_143, %add3A_142 : i32
        %dma_wait3A_145 = arith.constant 3 : i32
        %dma_wait3A_146 = arith.constant 3 : i32
        %dma_wait3A_147 = arith.constant 0 : i32
        %dma_wait3A_148 = arith.constant 0 : i32
        %dma_wait3A_149 = tpu.memref_slice %arg5[%dma_wait3A_145, %dma_wait3A_147, %dma_wait3A_148] : memref<4x64x128xf32, #tpu.memory_space<vmem>> -> memref<1x64x128xf32, #tpu.memory_space<vmem>>
        %dma_wait3A_150 = tpu.memref_squeeze %dma_wait3A_149 : memref<1x64x128xf32, #tpu.memory_space<vmem>> -> memref<64x128xf32, #tpu.memory_space<vmem>>
        %dma_wait3A_151 = arith.constant 0 : i32
        %dma_wait3A_152 = tpu.memref_slice %arg2[%dma_wait3A_151, %mul3A_144] : memref<64x1000000xf32, #tpu.memory_space<hbm>> -> memref<64x128xf32, #tpu.memory_space<hbm>>
        %dma_wait3A_153 = tpu.memref_slice %arg7[%dma_wait3A_146] : memref<4x!tpu.dma_semaphore, #tpu.memory_space<semaphore_mem>> -> memref<1x!tpu.dma_semaphore, #tpu.memory_space<semaphore_mem>>
        %dma_wait3A_154 = tpu.memref_squeeze %dma_wait3A_153 : memref<1x!tpu.dma_semaphore, #tpu.memory_space<semaphore_mem>> -> memref<!tpu.dma_semaphore, #tpu.memory_space<semaphore_mem>>
        %dma_wait3A_155 = arith.constant 0 : i32
        %dma_wait3A_156 = arith.constant 0 : i32
        %dma_wait3A_157 = tpu.memref_slice %arg5[%dma_wait3A_145, %dma_wait3A_155, %dma_wait3A_156] : memref<4x64x128xf32, #tpu.memory_space<vmem>> -> memref<1x64x128xf32, #tpu.memory_space<vmem>>
        %dma_wait3A_158 = tpu.memref_squeeze %dma_wait3A_157 : memref<1x64x128xf32, #tpu.memory_space<vmem>> -> memref<64x128xf32, #tpu.memory_space<vmem>>
        %dma_wait3A_159 = arith.constant 0 : i32
        %dma_wait3A_160 = tpu.memref_slice %arg2[%dma_wait3A_159, %mul3A_144] : memref<64x1000000xf32, #tpu.memory_space<hbm>> -> memref<64x128xf32, #tpu.memory_space<hbm>>
        tpu.wait_dma2 semaphore(%dma_wait3A_154 : memref<!tpu.dma_semaphore, #tpu.memory_space<semaphore_mem>>) src(%dma_wait3A_160 : memref<64x128xf32, #tpu.memory_space<hbm>>) dst(%dma_wait3A_158 : memref<64x128xf32, #tpu.memory_space<vmem>>)
        %scan3A_161 = arith.constant 0 : i32
        %scan3A_162 = arith.constant 3 : i32
        %scan3A_163 = arith.constant 3 : i32
        %scan3A_164 = arith.constant 0 : i32
        %scan3A_165 = arith.constant 64 : i32
        %scan3A_166 = arith.addi %scan3A_164, %scan3A_165 : i32
        %scan3A_167 = arith.constant 1 : i32
        scf.for %scan3A_196 = %scan3A_164 to %scan3A_166 step %scan3A_167  : i32 {
          %add3A_197 = vector.broadcast %scan3A_196 : i32 to vector<16xi32>
          %add3A_198 = arith.addi %add3A_197, %iota3A : vector<16xi32>
          %and3A = arith.constant 63 : i32
          %and3A_199 = vector.broadcast %and3A : i32 to vector<16xi32>
          %and3A_200 = arith.andi %add3A_198, %and3A_199 : vector<16xi32>
          %add3A_201 = arith.addi %and3A_200, %and3A_200 : vector<16xi32>
          %add3A_202 = arith.constant 0 : i32
          %add3A_203 = vector.broadcast %add3A_202 : i32 to vector<16xi32>
          %add3A_204 = arith.addi %add3A_203, %iota3A : vector<16xi32>
          %add3A_205 = arith.constant 0 : i32
          %add3A_206 = vector.broadcast %add3A_205 : i32 to vector<16xi32>
          %add3A_207 = arith.addi %add3A_201, %add3A_206 : vector<16xi32>
          %gather3A = arith.constant 0 : i32
          %gather3A_208 = arith.constant 0 : i32
          %gather3A_209 = tpu.memref_slice %arg5[%scan3A_162, %gather3A, %gather3A_208] : memref<4x64x128xf32, #tpu.memory_space<vmem>> -> memref<1x64x128xf32, #tpu.memory_space<vmem>>
          %gather3A_210 = tpu.memref_squeeze %gather3A_209 : memref<1x64x128xf32, #tpu.memory_space<vmem>> -> memref<64x128xf32, #tpu.memory_space<vmem>>
          %gather3A_211 = tpu.vector_load_idx %gather3A_210[%add3A_204, %add3A_207] : memref<64x128xf32, #tpu.memory_space<vmem>>[vector<16xi32>, vector<16xi32>], vector<16xf32>,
          %add3A_212 = arith.constant 16 : i32
          %add3A_213 = vector.broadcast %add3A_212 : i32 to vector<16xi32>
          %add3A_214 = arith.addi %add3A_213, %iota3A : vector<16xi32>
          %add3A_215 = arith.constant 0 : i32
          %add3A_216 = vector.broadcast %add3A_215 : i32 to vector<16xi32>
          %add3A_217 = arith.addi %add3A_201, %add3A_216 : vector<16xi32>
          %gather3A_218 = arith.constant 0 : i32
          %gather3A_219 = arith.constant 0 : i32
          %gather3A_220 = tpu.memref_slice %arg5[%scan3A_162, %gather3A_218, %gather3A_219] : memref<4x64x128xf32, #tpu.memory_space<vmem>> -> memref<1x64x128xf32, #tpu.memory_space<vmem>>
          %gather3A_221 = tpu.memref_squeeze %gather3A_220 : memref<1x64x128xf32, #tpu.memory_space<vmem>> -> memref<64x128xf32, #tpu.memory_space<vmem>>
          %gather3A_222 = tpu.vector_load_idx %gather3A_221[%add3A_214, %add3A_217] : memref<64x128xf32, #tpu.memory_space<vmem>>[vector<16xi32>, vector<16xi32>], vector<16xf32>,
          %add3A_223 = arith.constant 32 : i32
          %add3A_224 = vector.broadcast %add3A_223 : i32 to vector<16xi32>
          %add3A_225 = arith.addi %add3A_224, %iota3A : vector<16xi32>
          %add3A_226 = arith.constant 0 : i32
          %add3A_227 = vector.broadcast %add3A_226 : i32 to vector<16xi32>
          %add3A_228 = arith.addi %add3A_201, %add3A_227 : vector<16xi32>
          %gather3A_229 = arith.constant 0 : i32
          %gather3A_230 = arith.constant 0 : i32
          %gather3A_231 = tpu.memref_slice %arg5[%scan3A_162, %gather3A_229, %gather3A_230] : memref<4x64x128xf32, #tpu.memory_space<vmem>> -> memref<1x64x128xf32, #tpu.memory_space<vmem>>
          %gather3A_232 = tpu.memref_squeeze %gather3A_231 : memref<1x64x128xf32, #tpu.memory_space<vmem>> -> memref<64x128xf32, #tpu.memory_space<vmem>>
          %gather3A_233 = tpu.vector_load_idx %gather3A_232[%add3A_225, %add3A_228] : memref<64x128xf32, #tpu.memory_space<vmem>>[vector<16xi32>, vector<16xi32>], vector<16xf32>,
          %add3A_234 = arith.constant 48 : i32
          %add3A_235 = vector.broadcast %add3A_234 : i32 to vector<16xi32>
          %add3A_236 = arith.addi %add3A_235, %iota3A : vector<16xi32>
          %add3A_237 = arith.constant 0 : i32
          %add3A_238 = vector.broadcast %add3A_237 : i32 to vector<16xi32>
          %add3A_239 = arith.addi %add3A_201, %add3A_238 : vector<16xi32>
          %gather3A_240 = arith.constant 0 : i32
          %gather3A_241 = arith.constant 0 : i32
          %gather3A_242 = tpu.memref_slice %arg5[%scan3A_162, %gather3A_240, %gather3A_241] : memref<4x64x128xf32, #tpu.memory_space<vmem>> -> memref<1x64x128xf32, #tpu.memory_space<vmem>>
          %gather3A_243 = tpu.memref_squeeze %gather3A_242 : memref<1x64x128xf32, #tpu.memory_space<vmem>> -> memref<64x128xf32, #tpu.memory_space<vmem>>
          %gather3A_244 = tpu.vector_load_idx %gather3A_243[%add3A_236, %add3A_239] : memref<64x128xf32, #tpu.memory_space<vmem>>[vector<16xi32>, vector<16xi32>], vector<16xf32>,
          %add3A_245 = arith.constant 0 : i32
          %add3A_246 = vector.broadcast %add3A_245 : i32 to vector<16xi32>
          %add3A_247 = arith.addi %add3A_246, %iota3A : vector<16xi32>
          %add3A_248 = arith.constant 1 : i32
          %add3A_249 = vector.broadcast %add3A_248 : i32 to vector<16xi32>
          %add3A_250 = arith.addi %add3A_201, %add3A_249 : vector<16xi32>
          %gather3A_251 = arith.constant 0 : i32
          %gather3A_252 = arith.constant 0 : i32
          %gather3A_253 = tpu.memref_slice %arg5[%scan3A_162, %gather3A_251, %gather3A_252] : memref<4x64x128xf32, #tpu.memory_space<vmem>> -> memref<1x64x128xf32, #tpu.memory_space<vmem>>
          %gather3A_254 = tpu.memref_squeeze %gather3A_253 : memref<1x64x128xf32, #tpu.memory_space<vmem>> -> memref<64x128xf32, #tpu.memory_space<vmem>>
          %gather3A_255 = tpu.vector_load_idx %gather3A_254[%add3A_247, %add3A_250] : memref<64x128xf32, #tpu.memory_space<vmem>>[vector<16xi32>, vector<16xi32>], vector<16xf32>,
          %add3A_256 = arith.constant 16 : i32
          %add3A_257 = vector.broadcast %add3A_256 : i32 to vector<16xi32>
          %add3A_258 = arith.addi %add3A_257, %iota3A : vector<16xi32>
          %add3A_259 = arith.constant 1 : i32
          %add3A_260 = vector.broadcast %add3A_259 : i32 to vector<16xi32>
          %add3A_261 = arith.addi %add3A_201, %add3A_260 : vector<16xi32>
          %gather3A_262 = arith.constant 0 : i32
          %gather3A_263 = arith.constant 0 : i32
          %gather3A_264 = tpu.memref_slice %arg5[%scan3A_162, %gather3A_262, %gather3A_263] : memref<4x64x128xf32, #tpu.memory_space<vmem>> -> memref<1x64x128xf32, #tpu.memory_space<vmem>>
          %gather3A_265 = tpu.memref_squeeze %gather3A_264 : memref<1x64x128xf32, #tpu.memory_space<vmem>> -> memref<64x128xf32, #tpu.memory_space<vmem>>
          %gather3A_266 = tpu.vector_load_idx %gather3A_265[%add3A_258, %add3A_261] : memref<64x128xf32, #tpu.memory_space<vmem>>[vector<16xi32>, vector<16xi32>], vector<16xf32>,
          %add3A_267 = arith.constant 32 : i32
          %add3A_268 = vector.broadcast %add3A_267 : i32 to vector<16xi32>
          %add3A_269 = arith.addi %add3A_268, %iota3A : vector<16xi32>
          %add3A_270 = arith.constant 1 : i32
          %add3A_271 = vector.broadcast %add3A_270 : i32 to vector<16xi32>
          %add3A_272 = arith.addi %add3A_201, %add3A_271 : vector<16xi32>
          %gather3A_273 = arith.constant 0 : i32
          %gather3A_274 = arith.constant 0 : i32
          %gather3A_275 = tpu.memref_slice %arg5[%scan3A_162, %gather3A_273, %gather3A_274] : memref<4x64x128xf32, #tpu.memory_space<vmem>> -> memref<1x64x128xf32, #tpu.memory_space<vmem>>
          %gather3A_276 = tpu.memref_squeeze %gather3A_275 : memref<1x64x128xf32, #tpu.memory_space<vmem>> -> memref<64x128xf32, #tpu.memory_space<vmem>>
          %gather3A_277 = tpu.vector_load_idx %gather3A_276[%add3A_269, %add3A_272] : memref<64x128xf32, #tpu.memory_space<vmem>>[vector<16xi32>, vector<16xi32>], vector<16xf32>,
          %add3A_278 = arith.constant 48 : i32
          %add3A_279 = vector.broadcast %add3A_278 : i32 to vector<16xi32>
          %add3A_280 = arith.addi %add3A_279, %iota3A : vector<16xi32>
          %add3A_281 = arith.constant 1 : i32
          %add3A_282 = vector.broadcast %add3A_281 : i32 to vector<16xi32>
          %add3A_283 = arith.addi %add3A_201, %add3A_282 : vector<16xi32>
          %gather3A_284 = arith.constant 0 : i32
          %gather3A_285 = arith.constant 0 : i32
          %gather3A_286 = tpu.memref_slice %arg5[%scan3A_162, %gather3A_284, %gather3A_285] : memref<4x64x128xf32, #tpu.memory_space<vmem>> -> memref<1x64x128xf32, #tpu.memory_space<vmem>>
          %gather3A_287 = tpu.memref_squeeze %gather3A_286 : memref<1x64x128xf32, #tpu.memory_space<vmem>> -> memref<64x128xf32, #tpu.memory_space<vmem>>
          %gather3A_288 = tpu.vector_load_idx %gather3A_287[%add3A_280, %add3A_283] : memref<64x128xf32, #tpu.memory_space<vmem>>[vector<16xi32>, vector<16xi32>], vector<16xf32>,
          %add3A_289 = arith.constant 0 : i32
          %add3A_290 = vector.broadcast %add3A_289 : i32 to vector<16xi32>
          %add3A_291 = arith.addi %iota3A, %add3A_290 : vector<16xi32>
          %scatter3A = arith.constant 0 : i32
          %scatter3A_292 = arith.constant 0 : i32
          %scatter3A_293 = tpu.memref_slice %arg6[%scan3A_163, %scatter3A, %scatter3A_292] : memref<4x64x128xf32, #tpu.memory_space<vmem>> -> memref<1x64x128xf32, #tpu.memory_space<vmem>>
          %scatter3A_294 = tpu.memref_squeeze %scatter3A_293 : memref<1x64x128xf32, #tpu.memory_space<vmem>> -> memref<64x128xf32, #tpu.memory_space<vmem>>
          tpu.vector_store_idx %scatter3A_294[%and3A_200, %add3A_291], %gather3A_211 : memref<64x128xf32, #tpu.memory_space<vmem>>[vector<16xi32>, vector<16xi32>], vector<16xf32>,
          %add3A_295 = arith.constant 16 : i32
          %add3A_296 = vector.broadcast %add3A_295 : i32 to vector<16xi32>
          %add3A_297 = arith.addi %iota3A, %add3A_296 : vector<16xi32>
          %scatter3A_298 = arith.constant 0 : i32
          %scatter3A_299 = arith.constant 0 : i32
          %scatter3A_300 = tpu.memref_slice %arg6[%scan3A_163, %scatter3A_298, %scatter3A_299] : memref<4x64x128xf32, #tpu.memory_space<vmem>> -> memref<1x64x128xf32, #tpu.memory_space<vmem>>
          %scatter3A_301 = tpu.memref_squeeze %scatter3A_300 : memref<1x64x128xf32, #tpu.memory_space<vmem>> -> memref<64x128xf32, #tpu.memory_space<vmem>>
          tpu.vector_store_idx %scatter3A_301[%and3A_200, %add3A_297], %gather3A_222 : memref<64x128xf32, #tpu.memory_space<vmem>>[vector<16xi32>, vector<16xi32>], vector<16xf32>,
          %add3A_302 = arith.constant 32 : i32
          %add3A_303 = vector.broadcast %add3A_302 : i32 to vector<16xi32>
          %add3A_304 = arith.addi %iota3A, %add3A_303 : vector<16xi32>
          %scatter3A_305 = arith.constant 0 : i32
          %scatter3A_306 = arith.constant 0 : i32
          %scatter3A_307 = tpu.memref_slice %arg6[%scan3A_163, %scatter3A_305, %scatter3A_306] : memref<4x64x128xf32, #tpu.memory_space<vmem>> -> memref<1x64x128xf32, #tpu.memory_space<vmem>>
          %scatter3A_308 = tpu.memref_squeeze %scatter3A_307 : memref<1x64x128xf32, #tpu.memory_space<vmem>> -> memref<64x128xf32, #tpu.memory_space<vmem>>
          tpu.vector_store_idx %scatter3A_308[%and3A_200, %add3A_304], %gather3A_233 : memref<64x128xf32, #tpu.memory_space<vmem>>[vector<16xi32>, vector<16xi32>], vector<16xf32>,
          %add3A_309 = arith.constant 48 : i32
          %add3A_310 = vector.broadcast %add3A_309 : i32 to vector<16xi32>
          %add3A_311 = arith.addi %iota3A, %add3A_310 : vector<16xi32>
          %scatter3A_312 = arith.constant 0 : i32
          %scatter3A_313 = arith.constant 0 : i32
          %scatter3A_314 = tpu.memref_slice %arg6[%scan3A_163, %scatter3A_312, %scatter3A_313] : memref<4x64x128xf32, #tpu.memory_space<vmem>> -> memref<1x64x128xf32, #tpu.memory_space<vmem>>
          %scatter3A_315 = tpu.memref_squeeze %scatter3A_314 : memref<1x64x128xf32, #tpu.memory_space<vmem>> -> memref<64x128xf32, #tpu.memory_space<vmem>>
          tpu.vector_store_idx %scatter3A_315[%and3A_200, %add3A_311], %gather3A_244 : memref<64x128xf32, #tpu.memory_space<vmem>>[vector<16xi32>, vector<16xi32>], vector<16xf32>,
          %add3A_316 = arith.constant 64 : i32
          %add3A_317 = vector.broadcast %add3A_316 : i32 to vector<16xi32>
          %add3A_318 = arith.addi %iota3A, %add3A_317 : vector<16xi32>
          %scatter3A_319 = arith.constant 0 : i32
          %scatter3A_320 = arith.constant 0 : i32
          %scatter3A_321 = tpu.memref_slice %arg6[%scan3A_163, %scatter3A_319, %scatter3A_320] : memref<4x64x128xf32, #tpu.memory_space<vmem>> -> memref<1x64x128xf32, #tpu.memory_space<vmem>>
          %scatter3A_322 = tpu.memref_squeeze %scatter3A_321 : memref<1x64x128xf32, #tpu.memory_space<vmem>> -> memref<64x128xf32, #tpu.memory_space<vmem>>
          tpu.vector_store_idx %scatter3A_322[%and3A_200, %add3A_318], %gather3A_255 : memref<64x128xf32, #tpu.memory_space<vmem>>[vector<16xi32>, vector<16xi32>], vector<16xf32>,
          %add3A_323 = arith.constant 80 : i32
          %add3A_324 = vector.broadcast %add3A_323 : i32 to vector<16xi32>
          %add3A_325 = arith.addi %iota3A, %add3A_324 : vector<16xi32>
          %scatter3A_326 = arith.constant 0 : i32
          %scatter3A_327 = arith.constant 0 : i32
          %scatter3A_328 = tpu.memref_slice %arg6[%scan3A_163, %scatter3A_326, %scatter3A_327] : memref<4x64x128xf32, #tpu.memory_space<vmem>> -> memref<1x64x128xf32, #tpu.memory_space<vmem>>
          %scatter3A_329 = tpu.memref_squeeze %scatter3A_328 : memref<1x64x128xf32, #tpu.memory_space<vmem>> -> memref<64x128xf32, #tpu.memory_space<vmem>>
          tpu.vector_store_idx %scatter3A_329[%and3A_200, %add3A_325], %gather3A_266 : memref<64x128xf32, #tpu.memory_space<vmem>>[vector<16xi32>, vector<16xi32>], vector<16xf32>,
          %add3A_330 = arith.constant 96 : i32
          %add3A_331 = vector.broadcast %add3A_330 : i32 to vector<16xi32>
          %add3A_332 = arith.addi %iota3A, %add3A_331 : vector<16xi32>
          %scatter3A_333 = arith.constant 0 : i32
          %scatter3A_334 = arith.constant 0 : i32
          %scatter3A_335 = tpu.memref_slice %arg6[%scan3A_163, %scatter3A_333, %scatter3A_334] : memref<4x64x128xf32, #tpu.memory_space<vmem>> -> memref<1x64x128xf32, #tpu.memory_space<vmem>>
          %scatter3A_336 = tpu.memref_squeeze %scatter3A_335 : memref<1x64x128xf32, #tpu.memory_space<vmem>> -> memref<64x128xf32, #tpu.memory_space<vmem>>
          tpu.vector_store_idx %scatter3A_336[%and3A_200, %add3A_332], %gather3A_277 : memref<64x128xf32, #tpu.memory_space<vmem>>[vector<16xi32>, vector<16xi32>], vector<16xf32>,
          %add3A_337 = arith.constant 112 : i32
          %add3A_338 = vector.broadcast %add3A_337 : i32 to vector<16xi32>
          %add3A_339 = arith.addi %iota3A, %add3A_338 : vector<16xi32>
          %scatter3A_340 = arith.constant 0 : i32
          %scatter3A_341 = arith.constant 0 : i32
          %scatter3A_342 = tpu.memref_slice %arg6[%scan3A_163, %scatter3A_340, %scatter3A_341] : memref<4x64x128xf32, #tpu.memory_space<vmem>> -> memref<1x64x128xf32, #tpu.memory_space<vmem>>
          %scatter3A_343 = tpu.memref_squeeze %scatter3A_342 : memref<1x64x128xf32, #tpu.memory_space<vmem>> -> memref<64x128xf32, #tpu.memory_space<vmem>>
          tpu.vector_store_idx %scatter3A_343[%and3A_200, %add3A_339], %gather3A_288 : memref<64x128xf32, #tpu.memory_space<vmem>>[vector<16xi32>, vector<16xi32>], vector<16xf32>,
        }
        %scan3A_168 = arith.constant 64 : i32
        %mul3A_169 = arith.constant 32 : i32
        %mul3A_170 = arith.muli %mul3A_169, %add3A_131 : i32
        %add3A_171 = arith.addi %add3A, %mul3A_170 : i32
        %mul3A_172 = arith.constant 64 : i32
        %mul3A_173 = arith.muli %mul3A_172, %add3A_171 : i32
        %dma_start3A = arith.constant 3 : i32
        %dma_start3A_174 = arith.constant 3 : i32
        %dma_start3A_175 = arith.constant 0 : i32
        %dma_start3A_176 = arith.constant 0 : i32
        %dma_start3A_177 = tpu.memref_slice %arg6[%dma_start3A, %dma_start3A_175, %dma_start3A_176] : memref<4x64x128xf32, #tpu.memory_space<vmem>> -> memref<1x64x128xf32, #tpu.memory_space<vmem>>
        %dma_start3A_178 = tpu.memref_squeeze %dma_start3A_177 : memref<1x64x128xf32, #tpu.memory_space<vmem>> -> memref<64x128xf32, #tpu.memory_space<vmem>>
        %dma_start3A_179 = arith.constant 0 : i32
        %dma_start3A_180 = tpu.memref_slice %arg4[%mul3A_173, %dma_start3A_179] : memref<500000x128xf32, #tpu.memory_space<hbm>> -> memref<64x128xf32, #tpu.memory_space<hbm>>
        %dma_start3A_181 = tpu.memref_slice %arg8[%dma_start3A_174] : memref<4x!tpu.dma_semaphore, #tpu.memory_space<semaphore_mem>> -> memref<1x!tpu.dma_semaphore, #tpu.memory_space<semaphore_mem>>
        %dma_start3A_182 = tpu.memref_squeeze %dma_start3A_181 : memref<1x!tpu.dma_semaphore, #tpu.memory_space<semaphore_mem>> -> memref<!tpu.dma_semaphore, #tpu.memory_space<semaphore_mem>>
        %dma_start3A_183 = arith.constant 0 : i32
        %dma_start3A_184 = tpu.memref_slice %arg4[%mul3A_173, %dma_start3A_183] : memref<500000x128xf32, #tpu.memory_space<hbm>> -> memref<64x128xf32, #tpu.memory_space<hbm>>
        %dma_start3A_185 = arith.constant 0 : i32
        %dma_start3A_186 = arith.constant 0 : i32
        %dma_start3A_187 = tpu.memref_slice %arg6[%dma_start3A, %dma_start3A_185, %dma_start3A_186] : memref<4x64x128xf32, #tpu.memory_space<vmem>> -> memref<1x64x128xf32, #tpu.memory_space<vmem>>
        %dma_start3A_188 = tpu.memref_squeeze %dma_start3A_187 : memref<1x64x128xf32, #tpu.memory_space<vmem>> -> memref<64x128xf32, #tpu.memory_space<vmem>>
        tpu.enqueue_dma source(%dma_start3A_188 : memref<64x128xf32, #tpu.memory_space<vmem>>) target(%dma_start3A_184 : memref<64x128xf32, #tpu.memory_space<hbm>>) target_semaphore(%dma_start3A_182 : memref<!tpu.dma_semaphore, #tpu.memory_space<semaphore_mem>>)
        %add3A_189 = arith.constant 4 : i32
        %add3A_190 = arith.addi %add3A_131, %add3A_189 : i32
        %sub3A = arith.constant 1 : i32
        %sub3A_191 = arith.subi %add3A_190, %sub3A : i32
        %lt3A_192 = arith.cmpi slt, %sub3A_191, %select_n3A : i32
        %convert_element_type3A_193 = arith.extui %lt3A_192 : i1 to i32
        %cond3A_194 = arith.constant 0 : i32
        %cond3A_195 = arith.cmpi ne, %convert_element_type3A_193, %cond3A_194 : i32
        scf.if %cond3A_195 {
          %add3A_196 = arith.constant 4 : i32
          %add3A_197 = arith.addi %add3A_131, %add3A_196 : i32
          %sub3A_198 = arith.constant 1 : i32
          %sub3A_199 = arith.subi %add3A_197, %sub3A_198 : i32
          %mul3A_200 = arith.constant 32 : i32
          %mul3A_201 = arith.muli %mul3A_200, %sub3A_199 : i32
          %add3A_202 = arith.addi %add3A, %mul3A_201 : i32
          %mul3A_203 = arith.constant 128 : i32
          %mul3A_204 = arith.muli %mul3A_203, %add3A_202 : i32
          %dma_start3A_205 = arith.constant 2 : i32
          %dma_start3A_206 = arith.constant 2 : i32
          %dma_start3A_207 = arith.constant 0 : i32
          %dma_start3A_208 = arith.constant 0 : i32
          %dma_start3A_209 = tpu.memref_slice %arg5[%dma_start3A_205, %dma_start3A_207, %dma_start3A_208] : memref<4x64x128xf32, #tpu.memory_space<vmem>> -> memref<1x64x128xf32, #tpu.memory_space<vmem>>
          %dma_start3A_210 = tpu.memref_squeeze %dma_start3A_209 : memref<1x64x128xf32, #tpu.memory_space<vmem>> -> memref<64x128xf32, #tpu.memory_space<vmem>>
          %dma_start3A_211 = arith.constant 0 : i32
          %dma_start3A_212 = tpu.memref_slice %arg2[%dma_start3A_211, %mul3A_204] : memref<64x1000000xf32, #tpu.memory_space<hbm>> -> memref<64x128xf32, #tpu.memory_space<hbm>>
          %dma_start3A_213 = tpu.memref_slice %arg7[%dma_start3A_206] : memref<4x!tpu.dma_semaphore, #tpu.memory_space<semaphore_mem>> -> memref<1x!tpu.dma_semaphore, #tpu.memory_space<semaphore_mem>>
          %dma_start3A_214 = tpu.memref_squeeze %dma_start3A_213 : memref<1x!tpu.dma_semaphore, #tpu.memory_space<semaphore_mem>> -> memref<!tpu.dma_semaphore, #tpu.memory_space<semaphore_mem>>
          %dma_start3A_215 = arith.constant 0 : i32
          %dma_start3A_216 = arith.constant 0 : i32
          %dma_start3A_217 = tpu.memref_slice %arg5[%dma_start3A_205, %dma_start3A_215, %dma_start3A_216] : memref<4x64x128xf32, #tpu.memory_space<vmem>> -> memref<1x64x128xf32, #tpu.memory_space<vmem>>
          %dma_start3A_218 = tpu.memref_squeeze %dma_start3A_217 : memref<1x64x128xf32, #tpu.memory_space<vmem>> -> memref<64x128xf32, #tpu.memory_space<vmem>>
          %dma_start3A_219 = arith.constant 0 : i32
          %dma_start3A_220 = tpu.memref_slice %arg2[%dma_start3A_219, %mul3A_204] : memref<64x1000000xf32, #tpu.memory_space<hbm>> -> memref<64x128xf32, #tpu.memory_space<hbm>>
          tpu.enqueue_dma source(%dma_start3A_220 : memref<64x128xf32, #tpu.memory_space<hbm>>) target(%dma_start3A_218 : memref<64x128xf32, #tpu.memory_space<vmem>>) target_semaphore(%dma_start3A_214 : memref<!tpu.dma_semaphore, #tpu.memory_space<semaphore_mem>>)
        } else {
        }
      } else {
      }
    }
    %scan3A_19 = arith.constant 62 : i32
    %add3A_20 = arith.constant 0 : i32
    %add3A_21 = arith.addi %add3A, %add3A_20 : i32
    %mul3A_22 = arith.constant 64 : i32
    %mul3A_23 = arith.muli %mul3A_22, %add3A_21 : i32
    %dma_wait3A = arith.constant 0 : i32
    %dma_wait3A_24 = arith.constant 0 : i32
    %dma_wait3A_25 = arith.constant 0 : i32
    %dma_wait3A_26 = arith.constant 0 : i32
    %dma_wait3A_27 = tpu.memref_slice %arg6[%dma_wait3A, %dma_wait3A_25, %dma_wait3A_26] : memref<4x64x128xf32, #tpu.memory_space<vmem>> -> memref<1x64x128xf32, #tpu.memory_space<vmem>>
    %dma_wait3A_28 = tpu.memref_squeeze %dma_wait3A_27 : memref<1x64x128xf32, #tpu.memory_space<vmem>> -> memref<64x128xf32, #tpu.memory_space<vmem>>
    %dma_wait3A_29 = arith.constant 0 : i32
    %dma_wait3A_30 = tpu.memref_slice %arg4[%mul3A_23, %dma_wait3A_29] : memref<500000x128xf32, #tpu.memory_space<hbm>> -> memref<64x128xf32, #tpu.memory_space<hbm>>
    %dma_wait3A_31 = tpu.memref_slice %arg8[%dma_wait3A_24] : memref<4x!tpu.dma_semaphore, #tpu.memory_space<semaphore_mem>> -> memref<1x!tpu.dma_semaphore, #tpu.memory_space<semaphore_mem>>
    %dma_wait3A_32 = tpu.memref_squeeze %dma_wait3A_31 : memref<1x!tpu.dma_semaphore, #tpu.memory_space<semaphore_mem>> -> memref<!tpu.dma_semaphore, #tpu.memory_space<semaphore_mem>>
    %dma_wait3A_33 = arith.constant 0 : i32
    %dma_wait3A_34 = tpu.memref_slice %arg4[%mul3A_23, %dma_wait3A_33] : memref<500000x128xf32, #tpu.memory_space<hbm>> -> memref<64x128xf32, #tpu.memory_space<hbm>>
    %dma_wait3A_35 = arith.constant 0 : i32
    %dma_wait3A_36 = arith.constant 0 : i32
    %dma_wait3A_37 = tpu.memref_slice %arg6[%dma_wait3A, %dma_wait3A_35, %dma_wait3A_36] : memref<4x64x128xf32, #tpu.memory_space<vmem>> -> memref<1x64x128xf32, #tpu.memory_space<vmem>>
    %dma_wait3A_38 = tpu.memref_squeeze %dma_wait3A_37 : memref<1x64x128xf32, #tpu.memory_space<vmem>> -> memref<64x128xf32, #tpu.memory_space<vmem>>
    tpu.wait_dma2 semaphore(%dma_wait3A_32 : memref<!tpu.dma_semaphore, #tpu.memory_space<semaphore_mem>>) src(%dma_wait3A_38 : memref<64x128xf32, #tpu.memory_space<vmem>>) dst(%dma_wait3A_34 : memref<64x128xf32, #tpu.memory_space<hbm>>)
    %add3A_39 = arith.constant 0 : i32
    %add3A_40 = arith.addi %add3A, %add3A_39 : i32
    %mul3A_41 = arith.constant 64 : i32
    %mul3A_42 = arith.muli %mul3A_41, %add3A_40 : i32
    %dma_wait3A_43 = arith.constant 1 : i32
    %dma_wait3A_44 = arith.constant 1 : i32
    %dma_wait3A_45 = arith.constant 0 : i32
    %dma_wait3A_46 = arith.constant 0 : i32
    %dma_wait3A_47 = tpu.memref_slice %arg6[%dma_wait3A_43, %dma_wait3A_45, %dma_wait3A_46] : memref<4x64x128xf32, #tpu.memory_space<vmem>> -> memref<1x64x128xf32, #tpu.memory_space<vmem>>
    %dma_wait3A_48 = tpu.memref_squeeze %dma_wait3A_47 : memref<1x64x128xf32, #tpu.memory_space<vmem>> -> memref<64x128xf32, #tpu.memory_space<vmem>>
    %dma_wait3A_49 = arith.constant 0 : i32
    %dma_wait3A_50 = tpu.memref_slice %arg4[%mul3A_42, %dma_wait3A_49] : memref<500000x128xf32, #tpu.memory_space<hbm>> -> memref<64x128xf32, #tpu.memory_space<hbm>>
    %dma_wait3A_51 = tpu.memref_slice %arg8[%dma_wait3A_44] : memref<4x!tpu.dma_semaphore, #tpu.memory_space<semaphore_mem>> -> memref<1x!tpu.dma_semaphore, #tpu.memory_space<semaphore_mem>>
    %dma_wait3A_52 = tpu.memref_squeeze %dma_wait3A_51 : memref<1x!tpu.dma_semaphore, #tpu.memory_space<semaphore_mem>> -> memref<!tpu.dma_semaphore, #tpu.memory_space<semaphore_mem>>
    %dma_wait3A_53 = arith.constant 0 : i32
    %dma_wait3A_54 = tpu.memref_slice %arg4[%mul3A_42, %dma_wait3A_53] : memref<500000x128xf32, #tpu.memory_space<hbm>> -> memref<64x128xf32, #tpu.memory_space<hbm>>
    %dma_wait3A_55 = arith.constant 0 : i32
    %dma_wait3A_56 = arith.constant 0 : i32
    %dma_wait3A_57 = tpu.memref_slice %arg6[%dma_wait3A_43, %dma_wait3A_55, %dma_wait3A_56] : memref<4x64x128xf32, #tpu.memory_space<vmem>> -> memref<1x64x128xf32, #tpu.memory_space<vmem>>
    %dma_wait3A_58 = tpu.memref_squeeze %dma_wait3A_57 : memref<1x64x128xf32, #tpu.memory_space<vmem>> -> memref<64x128xf32, #tpu.memory_space<vmem>>
    tpu.wait_dma2 semaphore(%dma_wait3A_52 : memref<!tpu.dma_semaphore, #tpu.memory_space<semaphore_mem>>) src(%dma_wait3A_58 : memref<64x128xf32, #tpu.memory_space<vmem>>) dst(%dma_wait3A_54 : memref<64x128xf32, #tpu.memory_space<hbm>>)
    %add3A_59 = arith.constant 0 : i32
    %add3A_60 = arith.addi %add3A, %add3A_59 : i32
    %mul3A_61 = arith.constant 64 : i32
    %mul3A_62 = arith.muli %mul3A_61, %add3A_60 : i32
    %dma_wait3A_63 = arith.constant 2 : i32
    %dma_wait3A_64 = arith.constant 2 : i32
    %dma_wait3A_65 = arith.constant 0 : i32
    %dma_wait3A_66 = arith.constant 0 : i32
    %dma_wait3A_67 = tpu.memref_slice %arg6[%dma_wait3A_63, %dma_wait3A_65, %dma_wait3A_66] : memref<4x64x128xf32, #tpu.memory_space<vmem>> -> memref<1x64x128xf32, #tpu.memory_space<vmem>>
    %dma_wait3A_68 = tpu.memref_squeeze %dma_wait3A_67 : memref<1x64x128xf32, #tpu.memory_space<vmem>> -> memref<64x128xf32, #tpu.memory_space<vmem>>
    %dma_wait3A_69 = arith.constant 0 : i32
    %dma_wait3A_70 = tpu.memref_slice %arg4[%mul3A_62, %dma_wait3A_69] : memref<500000x128xf32, #tpu.memory_space<hbm>> -> memref<64x128xf32, #tpu.memory_space<hbm>>
    %dma_wait3A_71 = tpu.memref_slice %arg8[%dma_wait3A_64] : memref<4x!tpu.dma_semaphore, #tpu.memory_space<semaphore_mem>> -> memref<1x!tpu.dma_semaphore, #tpu.memory_space<semaphore_mem>>
    %dma_wait3A_72 = tpu.memref_squeeze %dma_wait3A_71 : memref<1x!tpu.dma_semaphore, #tpu.memory_space<semaphore_mem>> -> memref<!tpu.dma_semaphore, #tpu.memory_space<semaphore_mem>>
    %dma_wait3A_73 = arith.constant 0 : i32
    %dma_wait3A_74 = tpu.memref_slice %arg4[%mul3A_62, %dma_wait3A_73] : memref<500000x128xf32, #tpu.memory_space<hbm>> -> memref<64x128xf32, #tpu.memory_space<hbm>>
    %dma_wait3A_75 = arith.constant 0 : i32
    %dma_wait3A_76 = arith.constant 0 : i32
    %dma_wait3A_77 = tpu.memref_slice %arg6[%dma_wait3A_63, %dma_wait3A_75, %dma_wait3A_76] : memref<4x64x128xf32, #tpu.memory_space<vmem>> -> memref<1x64x128xf32, #tpu.memory_space<vmem>>
    %dma_wait3A_78 = tpu.memref_squeeze %dma_wait3A_77 : memref<1x64x128xf32, #tpu.memory_space<vmem>> -> memref<64x128xf32, #tpu.memory_space<vmem>>
    tpu.wait_dma2 semaphore(%dma_wait3A_72 : memref<!tpu.dma_semaphore, #tpu.memory_space<semaphore_mem>>) src(%dma_wait3A_78 : memref<64x128xf32, #tpu.memory_space<vmem>>) dst(%dma_wait3A_74 : memref<64x128xf32, #tpu.memory_space<hbm>>)
    %add3A_79 = arith.constant 0 : i32
    %add3A_80 = arith.addi %add3A, %add3A_79 : i32
    %mul3A_81 = arith.constant 64 : i32
    %mul3A_82 = arith.muli %mul3A_81, %add3A_80 : i32
    %dma_wait3A_83 = arith.constant 3 : i32
    %dma_wait3A_84 = arith.constant 3 : i32
    %dma_wait3A_85 = arith.constant 0 : i32
    %dma_wait3A_86 = arith.constant 0 : i32
    %dma_wait3A_87 = tpu.memref_slice %arg6[%dma_wait3A_83, %dma_wait3A_85, %dma_wait3A_86] : memref<4x64x128xf32, #tpu.memory_space<vmem>> -> memref<1x64x128xf32, #tpu.memory_space<vmem>>
    %dma_wait3A_88 = tpu.memref_squeeze %dma_wait3A_87 : memref<1x64x128xf32, #tpu.memory_space<vmem>> -> memref<64x128xf32, #tpu.memory_space<vmem>>
    %dma_wait3A_89 = arith.constant 0 : i32
    %dma_wait3A_90 = tpu.memref_slice %arg4[%mul3A_82, %dma_wait3A_89] : memref<500000x128xf32, #tpu.memory_space<hbm>> -> memref<64x128xf32, #tpu.memory_space<hbm>>
    %dma_wait3A_91 = tpu.memref_slice %arg8[%dma_wait3A_84] : memref<4x!tpu.dma_semaphore, #tpu.memory_space<semaphore_mem>> -> memref<1x!tpu.dma_semaphore, #tpu.memory_space<semaphore_mem>>
    %dma_wait3A_92 = tpu.memref_squeeze %dma_wait3A_91 : memref<1x!tpu.dma_semaphore, #tpu.memory_space<semaphore_mem>> -> memref<!tpu.dma_semaphore, #tpu.memory_space<semaphore_mem>>
    %dma_wait3A_93 = arith.constant 0 : i32
    %dma_wait3A_94 = tpu.memref_slice %arg4[%mul3A_82, %dma_wait3A_93] : memref<500000x128xf32, #tpu.memory_space<hbm>> -> memref<64x128xf32, #tpu.memory_space<hbm>>
    %dma_wait3A_95 = arith.constant 0 : i32
    %dma_wait3A_96 = arith.constant 0 : i32
    %dma_wait3A_97 = tpu.memref_slice %arg6[%dma_wait3A_83, %dma_wait3A_95, %dma_wait3A_96] : memref<4x64x128xf32, #tpu.memory_space<vmem>> -> memref<1x64x128xf32, #tpu.memory_space<vmem>>
    %dma_wait3A_98 = tpu.memref_squeeze %dma_wait3A_97 : memref<1x64x128xf32, #tpu.memory_space<vmem>> -> memref<64x128xf32, #tpu.memory_space<vmem>>
    tpu.wait_dma2 semaphore(%dma_wait3A_92 : memref<!tpu.dma_semaphore, #tpu.memory_space<semaphore_mem>>) src(%dma_wait3A_98 : memref<64x128xf32, #tpu.memory_space<vmem>>) dst(%dma_wait3A_94 : memref<64x128xf32, #tpu.memory_space<hbm>>)
    %eq3A = arith.constant 31 : i32
    %eq3A_99 = arith.cmpi eq, %add3A, %eq3A : i32
    %convert_element_type3A_100 = arith.extui %eq3A_99 : i1 to i32
    %cond3A_101 = arith.constant 0 : i32
    %cond3A_102 = arith.cmpi ne, %convert_element_type3A_100, %cond3A_101 : i32
    scf.if %cond3A_102 {
      %run_scoped3A = arith.constant 0 : i32
      "tpu.region"() ({
        %run_scoped3A_112 = tpu.sem_alloc : memref<!tpu.dma_semaphore, #tpu.memory_space<semaphore_mem>>
        %dma_start3A = arith.constant 0 : i32
        %dma_start3A_113 = arith.constant 0 : i32
        %dma_start3A_114 = tpu.memref_slice %arg5[%run_scoped3A, %dma_start3A, %dma_start3A_113] : memref<4x64x128xf32, #tpu.memory_space<vmem>> -> memref<1x64x128xf32, #tpu.memory_space<vmem>>
        %dma_start3A_115 = tpu.memref_squeeze %dma_start3A_114 : memref<1x64x128xf32, #tpu.memory_space<vmem>> -> memref<64x128xf32, #tpu.memory_space<vmem>>
        %dma_start3A_116 = arith.constant 0 : i32
        %dma_start3A_117 = arith.constant 0 : i32
        %dma_start3A_118 = tpu.memref_slice %arg5[%run_scoped3A, %dma_start3A_116, %dma_start3A_117] : memref<4x64x128xf32, #tpu.memory_space<vmem>> -> memref<1x64x128xf32, #tpu.memory_space<vmem>>
        %dma_start3A_119 = tpu.memref_squeeze %dma_start3A_118 : memref<1x64x128xf32, #tpu.memory_space<vmem>> -> memref<64x128xf32, #tpu.memory_space<vmem>>
        tpu.enqueue_dma source(%arg3 : memref<64x128xf32, #tpu.memory_space<hbm>>) target(%dma_start3A_119 : memref<64x128xf32, #tpu.memory_space<vmem>>) target_semaphore(%run_scoped3A_112 : memref<!tpu.dma_semaphore, #tpu.memory_space<semaphore_mem>>)
        %dma_wait3A_120 = arith.constant 0 : i32
        %dma_wait3A_121 = arith.constant 0 : i32
        %dma_wait3A_122 = tpu.memref_slice %arg5[%run_scoped3A, %dma_wait3A_120, %dma_wait3A_121] : memref<4x64x128xf32, #tpu.memory_space<vmem>> -> memref<1x64x128xf32, #tpu.memory_space<vmem>>
        %dma_wait3A_123 = tpu.memref_squeeze %dma_wait3A_122 : memref<1x64x128xf32, #tpu.memory_space<vmem>> -> memref<64x128xf32, #tpu.memory_space<vmem>>
        %dma_wait3A_124 = arith.constant 0 : i32
        %dma_wait3A_125 = arith.constant 0 : i32
        %dma_wait3A_126 = tpu.memref_slice %arg5[%run_scoped3A, %dma_wait3A_124, %dma_wait3A_125] : memref<4x64x128xf32, #tpu.memory_space<vmem>> -> memref<1x64x128xf32, #tpu.memory_space<vmem>>
        %dma_wait3A_127 = tpu.memref_squeeze %dma_wait3A_126 : memref<1x64x128xf32, #tpu.memory_space<vmem>> -> memref<64x128xf32, #tpu.memory_space<vmem>>
        tpu.wait_dma2 semaphore(%run_scoped3A_112 : memref<!tpu.dma_semaphore, #tpu.memory_space<semaphore_mem>>) src(%arg3 : memref<64x128xf32, #tpu.memory_space<hbm>>) dst(%dma_wait3A_127 : memref<64x128xf32, #tpu.memory_space<vmem>>)
        tpu.yield
      }) : () -> ()
      %scan3A_103 = arith.constant 0 : i32
      %scan3A_104 = arith.constant 0 : i32
      %scan3A_105 = arith.constant 0 : i32
      %scan3A_106 = arith.constant 0 : i32
      %scan3A_107 = arith.constant 64 : i32
      %scan3A_108 = arith.addi %scan3A_106, %scan3A_107 : i32
      %scan3A_109 = arith.constant 1 : i32
      scf.for %scan3A_112 = %scan3A_106 to %scan3A_108 step %scan3A_109  : i32 {
        %add3A_113 = vector.broadcast %scan3A_112 : i32 to vector<16xi32>
        %add3A_114 = arith.addi %add3A_113, %iota3A : vector<16xi32>
        %and3A = arith.constant 63 : i32
        %and3A_115 = vector.broadcast %and3A : i32 to vector<16xi32>
        %and3A_116 = arith.andi %add3A_114, %and3A_115 : vector<16xi32>
        %add3A_117 = arith.addi %and3A_116, %and3A_116 : vector<16xi32>
        %add3A_118 = arith.constant 0 : i32
        %add3A_119 = vector.broadcast %add3A_118 : i32 to vector<16xi32>
        %add3A_120 = arith.addi %add3A_119, %iota3A : vector<16xi32>
        %add3A_121 = arith.constant 0 : i32
        %add3A_122 = vector.broadcast %add3A_121 : i32 to vector<16xi32>
        %add3A_123 = arith.addi %add3A_117, %add3A_122 : vector<16xi32>
        %gather3A = arith.constant 0 : i32
        %gather3A_124 = arith.constant 0 : i32
        %gather3A_125 = tpu.memref_slice %arg5[%scan3A_104, %gather3A, %gather3A_124] : memref<4x64x128xf32, #tpu.memory_space<vmem>> -> memref<1x64x128xf32, #tpu.memory_space<vmem>>
        %gather3A_126 = tpu.memref_squeeze %gather3A_125 : memref<1x64x128xf32, #tpu.memory_space<vmem>> -> memref<64x128xf32, #tpu.memory_space<vmem>>
        %gather3A_127 = tpu.vector_load_idx %gather3A_126[%add3A_120, %add3A_123] : memref<64x128xf32, #tpu.memory_space<vmem>>[vector<16xi32>, vector<16xi32>], vector<16xf32>,
        %add3A_128 = arith.constant 16 : i32
        %add3A_129 = vector.broadcast %add3A_128 : i32 to vector<16xi32>
        %add3A_130 = arith.addi %add3A_129, %iota3A : vector<16xi32>
        %add3A_131 = arith.constant 0 : i32
        %add3A_132 = vector.broadcast %add3A_131 : i32 to vector<16xi32>
        %add3A_133 = arith.addi %add3A_117, %add3A_132 : vector<16xi32>
        %gather3A_134 = arith.constant 0 : i32
        %gather3A_135 = arith.constant 0 : i32
        %gather3A_136 = tpu.memref_slice %arg5[%scan3A_104, %gather3A_134, %gather3A_135] : memref<4x64x128xf32, #tpu.memory_space<vmem>> -> memref<1x64x128xf32, #tpu.memory_space<vmem>>
        %gather3A_137 = tpu.memref_squeeze %gather3A_136 : memref<1x64x128xf32, #tpu.memory_space<vmem>> -> memref<64x128xf32, #tpu.memory_space<vmem>>
        %gather3A_138 = tpu.vector_load_idx %gather3A_137[%add3A_130, %add3A_133] : memref<64x128xf32, #tpu.memory_space<vmem>>[vector<16xi32>, vector<16xi32>], vector<16xf32>,
        %add3A_139 = arith.constant 32 : i32
        %add3A_140 = vector.broadcast %add3A_139 : i32 to vector<16xi32>
        %add3A_141 = arith.addi %add3A_140, %iota3A : vector<16xi32>
        %add3A_142 = arith.constant 0 : i32
        %add3A_143 = vector.broadcast %add3A_142 : i32 to vector<16xi32>
        %add3A_144 = arith.addi %add3A_117, %add3A_143 : vector<16xi32>
        %gather3A_145 = arith.constant 0 : i32
        %gather3A_146 = arith.constant 0 : i32
        %gather3A_147 = tpu.memref_slice %arg5[%scan3A_104, %gather3A_145, %gather3A_146] : memref<4x64x128xf32, #tpu.memory_space<vmem>> -> memref<1x64x128xf32, #tpu.memory_space<vmem>>
        %gather3A_148 = tpu.memref_squeeze %gather3A_147 : memref<1x64x128xf32, #tpu.memory_space<vmem>> -> memref<64x128xf32, #tpu.memory_space<vmem>>
        %gather3A_149 = tpu.vector_load_idx %gather3A_148[%add3A_141, %add3A_144] : memref<64x128xf32, #tpu.memory_space<vmem>>[vector<16xi32>, vector<16xi32>], vector<16xf32>,
        %add3A_150 = arith.constant 48 : i32
        %add3A_151 = vector.broadcast %add3A_150 : i32 to vector<16xi32>
        %add3A_152 = arith.addi %add3A_151, %iota3A : vector<16xi32>
        %add3A_153 = arith.constant 0 : i32
        %add3A_154 = vector.broadcast %add3A_153 : i32 to vector<16xi32>
        %add3A_155 = arith.addi %add3A_117, %add3A_154 : vector<16xi32>
        %gather3A_156 = arith.constant 0 : i32
        %gather3A_157 = arith.constant 0 : i32
        %gather3A_158 = tpu.memref_slice %arg5[%scan3A_104, %gather3A_156, %gather3A_157] : memref<4x64x128xf32, #tpu.memory_space<vmem>> -> memref<1x64x128xf32, #tpu.memory_space<vmem>>
        %gather3A_159 = tpu.memref_squeeze %gather3A_158 : memref<1x64x128xf32, #tpu.memory_space<vmem>> -> memref<64x128xf32, #tpu.memory_space<vmem>>
        %gather3A_160 = tpu.vector_load_idx %gather3A_159[%add3A_152, %add3A_155] : memref<64x128xf32, #tpu.memory_space<vmem>>[vector<16xi32>, vector<16xi32>], vector<16xf32>,
        %add3A_161 = arith.constant 0 : i32
        %add3A_162 = vector.broadcast %add3A_161 : i32 to vector<16xi32>
        %add3A_163 = arith.addi %add3A_162, %iota3A : vector<16xi32>
        %add3A_164 = arith.constant 1 : i32
        %add3A_165 = vector.broadcast %add3A_164 : i32 to vector<16xi32>
        %add3A_166 = arith.addi %add3A_117, %add3A_165 : vector<16xi32>
        %gather3A_167 = arith.constant 0 : i32
        %gather3A_168 = arith.constant 0 : i32
        %gather3A_169 = tpu.memref_slice %arg5[%scan3A_104, %gather3A_167, %gather3A_168] : memref<4x64x128xf32, #tpu.memory_space<vmem>> -> memref<1x64x128xf32, #tpu.memory_space<vmem>>
        %gather3A_170 = tpu.memref_squeeze %gather3A_169 : memref<1x64x128xf32, #tpu.memory_space<vmem>> -> memref<64x128xf32, #tpu.memory_space<vmem>>
        %gather3A_171 = tpu.vector_load_idx %gather3A_170[%add3A_163, %add3A_166] : memref<64x128xf32, #tpu.memory_space<vmem>>[vector<16xi32>, vector<16xi32>], vector<16xf32>,
        %add3A_172 = arith.constant 16 : i32
        %add3A_173 = vector.broadcast %add3A_172 : i32 to vector<16xi32>
        %add3A_174 = arith.addi %add3A_173, %iota3A : vector<16xi32>
        %add3A_175 = arith.constant 1 : i32
        %add3A_176 = vector.broadcast %add3A_175 : i32 to vector<16xi32>
        %add3A_177 = arith.addi %add3A_117, %add3A_176 : vector<16xi32>
        %gather3A_178 = arith.constant 0 : i32
        %gather3A_179 = arith.constant 0 : i32
        %gather3A_180 = tpu.memref_slice %arg5[%scan3A_104, %gather3A_178, %gather3A_179] : memref<4x64x128xf32, #tpu.memory_space<vmem>> -> memref<1x64x128xf32, #tpu.memory_space<vmem>>
        %gather3A_181 = tpu.memref_squeeze %gather3A_180 : memref<1x64x128xf32, #tpu.memory_space<vmem>> -> memref<64x128xf32, #tpu.memory_space<vmem>>
        %gather3A_182 = tpu.vector_load_idx %gather3A_181[%add3A_174, %add3A_177] : memref<64x128xf32, #tpu.memory_space<vmem>>[vector<16xi32>, vector<16xi32>], vector<16xf32>,
        %add3A_183 = arith.constant 32 : i32
        %add3A_184 = vector.broadcast %add3A_183 : i32 to vector<16xi32>
        %add3A_185 = arith.addi %add3A_184, %iota3A : vector<16xi32>
        %add3A_186 = arith.constant 1 : i32
        %add3A_187 = vector.broadcast %add3A_186 : i32 to vector<16xi32>
        %add3A_188 = arith.addi %add3A_117, %add3A_187 : vector<16xi32>
        %gather3A_189 = arith.constant 0 : i32
        %gather3A_190 = arith.constant 0 : i32
        %gather3A_191 = tpu.memref_slice %arg5[%scan3A_104, %gather3A_189, %gather3A_190] : memref<4x64x128xf32, #tpu.memory_space<vmem>> -> memref<1x64x128xf32, #tpu.memory_space<vmem>>
        %gather3A_192 = tpu.memref_squeeze %gather3A_191 : memref<1x64x128xf32, #tpu.memory_space<vmem>> -> memref<64x128xf32, #tpu.memory_space<vmem>>
        %gather3A_193 = tpu.vector_load_idx %gather3A_192[%add3A_185, %add3A_188] : memref<64x128xf32, #tpu.memory_space<vmem>>[vector<16xi32>, vector<16xi32>], vector<16xf32>,
        %add3A_194 = arith.constant 48 : i32
        %add3A_195 = vector.broadcast %add3A_194 : i32 to vector<16xi32>
        %add3A_196 = arith.addi %add3A_195, %iota3A : vector<16xi32>
        %add3A_197 = arith.constant 1 : i32
        %add3A_198 = vector.broadcast %add3A_197 : i32 to vector<16xi32>
        %add3A_199 = arith.addi %add3A_117, %add3A_198 : vector<16xi32>
        %gather3A_200 = arith.constant 0 : i32
        %gather3A_201 = arith.constant 0 : i32
        %gather3A_202 = tpu.memref_slice %arg5[%scan3A_104, %gather3A_200, %gather3A_201] : memref<4x64x128xf32, #tpu.memory_space<vmem>> -> memref<1x64x128xf32, #tpu.memory_space<vmem>>
        %gather3A_203 = tpu.memref_squeeze %gather3A_202 : memref<1x64x128xf32, #tpu.memory_space<vmem>> -> memref<64x128xf32, #tpu.memory_space<vmem>>
        %gather3A_204 = tpu.vector_load_idx %gather3A_203[%add3A_196, %add3A_199] : memref<64x128xf32, #tpu.memory_space<vmem>>[vector<16xi32>, vector<16xi32>], vector<16xf32>,
        %add3A_205 = arith.constant 0 : i32
        %add3A_206 = vector.broadcast %add3A_205 : i32 to vector<16xi32>
        %add3A_207 = arith.addi %iota3A, %add3A_206 : vector<16xi32>
        %scatter3A = arith.constant 0 : i32
        %scatter3A_208 = arith.constant 0 : i32
        %scatter3A_209 = tpu.memref_slice %arg6[%scan3A_105, %scatter3A, %scatter3A_208] : memref<4x64x128xf32, #tpu.memory_space<vmem>> -> memref<1x64x128xf32, #tpu.memory_space<vmem>>
        %scatter3A_210 = tpu.memref_squeeze %scatter3A_209 : memref<1x64x128xf32, #tpu.memory_space<vmem>> -> memref<64x128xf32, #tpu.memory_space<vmem>>
        tpu.vector_store_idx %scatter3A_210[%and3A_116, %add3A_207], %gather3A_127 : memref<64x128xf32, #tpu.memory_space<vmem>>[vector<16xi32>, vector<16xi32>], vector<16xf32>,
        %add3A_211 = arith.constant 16 : i32
        %add3A_212 = vector.broadcast %add3A_211 : i32 to vector<16xi32>
        %add3A_213 = arith.addi %iota3A, %add3A_212 : vector<16xi32>
        %scatter3A_214 = arith.constant 0 : i32
        %scatter3A_215 = arith.constant 0 : i32
        %scatter3A_216 = tpu.memref_slice %arg6[%scan3A_105, %scatter3A_214, %scatter3A_215] : memref<4x64x128xf32, #tpu.memory_space<vmem>> -> memref<1x64x128xf32, #tpu.memory_space<vmem>>
        %scatter3A_217 = tpu.memref_squeeze %scatter3A_216 : memref<1x64x128xf32, #tpu.memory_space<vmem>> -> memref<64x128xf32, #tpu.memory_space<vmem>>
        tpu.vector_store_idx %scatter3A_217[%and3A_116, %add3A_213], %gather3A_138 : memref<64x128xf32, #tpu.memory_space<vmem>>[vector<16xi32>, vector<16xi32>], vector<16xf32>,
        %add3A_218 = arith.constant 32 : i32
        %add3A_219 = vector.broadcast %add3A_218 : i32 to vector<16xi32>
        %add3A_220 = arith.addi %iota3A, %add3A_219 : vector<16xi32>
        %scatter3A_221 = arith.constant 0 : i32
        %scatter3A_222 = arith.constant 0 : i32
        %scatter3A_223 = tpu.memref_slice %arg6[%scan3A_105, %scatter3A_221, %scatter3A_222] : memref<4x64x128xf32, #tpu.memory_space<vmem>> -> memref<1x64x128xf32, #tpu.memory_space<vmem>>
        %scatter3A_224 = tpu.memref_squeeze %scatter3A_223 : memref<1x64x128xf32, #tpu.memory_space<vmem>> -> memref<64x128xf32, #tpu.memory_space<vmem>>
        tpu.vector_store_idx %scatter3A_224[%and3A_116, %add3A_220], %gather3A_149 : memref<64x128xf32, #tpu.memory_space<vmem>>[vector<16xi32>, vector<16xi32>], vector<16xf32>,
        %add3A_225 = arith.constant 48 : i32
        %add3A_226 = vector.broadcast %add3A_225 : i32 to vector<16xi32>
        %add3A_227 = arith.addi %iota3A, %add3A_226 : vector<16xi32>
        %scatter3A_228 = arith.constant 0 : i32
        %scatter3A_229 = arith.constant 0 : i32
        %scatter3A_230 = tpu.memref_slice %arg6[%scan3A_105, %scatter3A_228, %scatter3A_229] : memref<4x64x128xf32, #tpu.memory_space<vmem>> -> memref<1x64x128xf32, #tpu.memory_space<vmem>>
        %scatter3A_231 = tpu.memref_squeeze %scatter3A_230 : memref<1x64x128xf32, #tpu.memory_space<vmem>> -> memref<64x128xf32, #tpu.memory_space<vmem>>
        tpu.vector_store_idx %scatter3A_231[%and3A_116, %add3A_227], %gather3A_160 : memref<64x128xf32, #tpu.memory_space<vmem>>[vector<16xi32>, vector<16xi32>], vector<16xf32>,
        %add3A_232 = arith.constant 64 : i32
        %add3A_233 = vector.broadcast %add3A_232 : i32 to vector<16xi32>
        %add3A_234 = arith.addi %iota3A, %add3A_233 : vector<16xi32>
        %scatter3A_235 = arith.constant 0 : i32
        %scatter3A_236 = arith.constant 0 : i32
        %scatter3A_237 = tpu.memref_slice %arg6[%scan3A_105, %scatter3A_235, %scatter3A_236] : memref<4x64x128xf32, #tpu.memory_space<vmem>> -> memref<1x64x128xf32, #tpu.memory_space<vmem>>
        %scatter3A_238 = tpu.memref_squeeze %scatter3A_237 : memref<1x64x128xf32, #tpu.memory_space<vmem>> -> memref<64x128xf32, #tpu.memory_space<vmem>>
        tpu.vector_store_idx %scatter3A_238[%and3A_116, %add3A_234], %gather3A_171 : memref<64x128xf32, #tpu.memory_space<vmem>>[vector<16xi32>, vector<16xi32>], vector<16xf32>,
        %add3A_239 = arith.constant 80 : i32
        %add3A_240 = vector.broadcast %add3A_239 : i32 to vector<16xi32>
        %add3A_241 = arith.addi %iota3A, %add3A_240 : vector<16xi32>
        %scatter3A_242 = arith.constant 0 : i32
        %scatter3A_243 = arith.constant 0 : i32
        %scatter3A_244 = tpu.memref_slice %arg6[%scan3A_105, %scatter3A_242, %scatter3A_243] : memref<4x64x128xf32, #tpu.memory_space<vmem>> -> memref<1x64x128xf32, #tpu.memory_space<vmem>>
        %scatter3A_245 = tpu.memref_squeeze %scatter3A_244 : memref<1x64x128xf32, #tpu.memory_space<vmem>> -> memref<64x128xf32, #tpu.memory_space<vmem>>
        tpu.vector_store_idx %scatter3A_245[%and3A_116, %add3A_241], %gather3A_182 : memref<64x128xf32, #tpu.memory_space<vmem>>[vector<16xi32>, vector<16xi32>], vector<16xf32>,
        %add3A_246 = arith.constant 96 : i32
        %add3A_247 = vector.broadcast %add3A_246 : i32 to vector<16xi32>
        %add3A_248 = arith.addi %iota3A, %add3A_247 : vector<16xi32>
        %scatter3A_249 = arith.constant 0 : i32
        %scatter3A_250 = arith.constant 0 : i32
        %scatter3A_251 = tpu.memref_slice %arg6[%scan3A_105, %scatter3A_249, %scatter3A_250] : memref<4x64x128xf32, #tpu.memory_space<vmem>> -> memref<1x64x128xf32, #tpu.memory_space<vmem>>
        %scatter3A_252 = tpu.memref_squeeze %scatter3A_251 : memref<1x64x128xf32, #tpu.memory_space<vmem>> -> memref<64x128xf32, #tpu.memory_space<vmem>>
        tpu.vector_store_idx %scatter3A_252[%and3A_116, %add3A_248], %gather3A_193 : memref<64x128xf32, #tpu.memory_space<vmem>>[vector<16xi32>, vector<16xi32>], vector<16xf32>,
        %add3A_253 = arith.constant 112 : i32
        %add3A_254 = vector.broadcast %add3A_253 : i32 to vector<16xi32>
        %add3A_255 = arith.addi %iota3A, %add3A_254 : vector<16xi32>
        %scatter3A_256 = arith.constant 0 : i32
        %scatter3A_257 = arith.constant 0 : i32
        %scatter3A_258 = tpu.memref_slice %arg6[%scan3A_105, %scatter3A_256, %scatter3A_257] : memref<4x64x128xf32, #tpu.memory_space<vmem>> -> memref<1x64x128xf32, #tpu.memory_space<vmem>>
        %scatter3A_259 = tpu.memref_squeeze %scatter3A_258 : memref<1x64x128xf32, #tpu.memory_space<vmem>> -> memref<64x128xf32, #tpu.memory_space<vmem>>
        tpu.vector_store_idx %scatter3A_259[%and3A_116, %add3A_255], %gather3A_204 : memref<64x128xf32, #tpu.memory_space<vmem>>[vector<16xi32>, vector<16xi32>], vector<16xf32>,
      }
      %scan3A_110 = arith.constant 64 : i32
      %run_scoped3A_111 = arith.constant 0 : i32
      "tpu.region"() ({
        %run_scoped3A_112 = tpu.sem_alloc : memref<!tpu.dma_semaphore, #tpu.memory_space<semaphore_mem>>
        %dma_start3A = arith.constant 0 : i32
        %dma_start3A_113 = arith.constant 0 : i32
        %dma_start3A_114 = tpu.memref_slice %arg6[%run_scoped3A_111, %dma_start3A, %dma_start3A_113] : memref<4x64x128xf32, #tpu.memory_space<vmem>> -> memref<1x32x128xf32, #tpu.memory_space<vmem>>
        %dma_start3A_115 = tpu.memref_squeeze %dma_start3A_114 : memref<1x32x128xf32, #tpu.memory_space<vmem>> -> memref<32x128xf32, #tpu.memory_space<vmem>>
        %dma_start3A_116 = arith.constant 499968 : i32
        %dma_start3A_117 = arith.constant 0 : i32
        %dma_start3A_118 = tpu.memref_slice %arg4[%dma_start3A_116, %dma_start3A_117] : memref<500000x128xf32, #tpu.memory_space<hbm>> -> memref<32x128xf32, #tpu.memory_space<hbm>>
        %dma_start3A_119 = arith.constant 499968 : i32
        %dma_start3A_120 = arith.constant 0 : i32
        %dma_start3A_121 = tpu.memref_slice %arg4[%dma_start3A_119, %dma_start3A_120] : memref<500000x128xf32, #tpu.memory_space<hbm>> -> memref<32x128xf32, #tpu.memory_space<hbm>>
        %dma_start3A_122 = arith.constant 0 : i32
        %dma_start3A_123 = arith.constant 0 : i32
        %dma_start3A_124 = tpu.memref_slice %arg6[%run_scoped3A_111, %dma_start3A_122, %dma_start3A_123] : memref<4x64x128xf32, #tpu.memory_space<vmem>> -> memref<1x32x128xf32, #tpu.memory_space<vmem>>
        %dma_start3A_125 = tpu.memref_squeeze %dma_start3A_124 : memref<1x32x128xf32, #tpu.memory_space<vmem>> -> memref<32x128xf32, #tpu.memory_space<vmem>>
        tpu.enqueue_dma source(%dma_start3A_125 : memref<32x128xf32, #tpu.memory_space<vmem>>) target(%dma_start3A_121 : memref<32x128xf32, #tpu.memory_space<hbm>>) target_semaphore(%run_scoped3A_112 : memref<!tpu.dma_semaphore, #tpu.memory_space<semaphore_mem>>)
        %dma_wait3A_126 = arith.constant 0 : i32
        %dma_wait3A_127 = arith.constant 0 : i32
        %dma_wait3A_128 = tpu.memref_slice %arg6[%run_scoped3A_111, %dma_wait3A_126, %dma_wait3A_127] : memref<4x64x128xf32, #tpu.memory_space<vmem>> -> memref<1x32x128xf32, #tpu.memory_space<vmem>>
        %dma_wait3A_129 = tpu.memref_squeeze %dma_wait3A_128 : memref<1x32x128xf32, #tpu.memory_space<vmem>> -> memref<32x128xf32, #tpu.memory_space<vmem>>
        %dma_wait3A_130 = arith.constant 499968 : i32
        %dma_wait3A_131 = arith.constant 0 : i32
        %dma_wait3A_132 = tpu.memref_slice %arg4[%dma_wait3A_130, %dma_wait3A_131] : memref<500000x128xf32, #tpu.memory_space<hbm>> -> memref<32x128xf32, #tpu.memory_space<hbm>>
        %dma_wait3A_133 = arith.constant 499968 : i32
        %dma_wait3A_134 = arith.constant 0 : i32
        %dma_wait3A_135 = tpu.memref_slice %arg4[%dma_wait3A_133, %dma_wait3A_134] : memref<500000x128xf32, #tpu.memory_space<hbm>> -> memref<32x128xf32, #tpu.memory_space<hbm>>
        %dma_wait3A_136 = arith.constant 0 : i32
        %dma_wait3A_137 = arith.constant 0 : i32
        %dma_wait3A_138 = tpu.memref_slice %arg6[%run_scoped3A_111, %dma_wait3A_136, %dma_wait3A_137] : memref<4x64x128xf32, #tpu.memory_space<vmem>> -> memref<1x32x128xf32, #tpu.memory_space<vmem>>
        %dma_wait3A_139 = tpu.memref_squeeze %dma_wait3A_138 : memref<1x32x128xf32, #tpu.memory_space<vmem>> -> memref<32x128xf32, #tpu.memory_space<vmem>>
        tpu.wait_dma2 semaphore(%run_scoped3A_112 : memref<!tpu.dma_semaphore, #tpu.memory_space<semaphore_mem>>) src(%dma_wait3A_139 : memref<32x128xf32, #tpu.memory_space<vmem>>) dst(%dma_wait3A_135 : memref<32x128xf32, #tpu.memory_space<hbm>>)
        tpu.yield
      }) : () -> ()
    } else {
    }
    return
  }
}

#map = affine_map<(d0, d1) -> (0, 0)>
#map1 = affine_map<(d0, d1) -> (0, 0, 0, 0, 0)>
module attributes {stable_mosaic.version = 14 : i64} {
  func.func @_emb_lookup(%arg0: i32, %arg1: i32, %arg2: memref<200x4096xi32, #tpu.memory_space<hbm>>, %arg3: memref<1000000x64xf32, #tpu.memory_space<hbm>>, %arg4: memref<200x8x32x8x128xf32, #tpu.memory_space<hbm>>, %arg5: memref<200x128xi32, #tpu.memory_space<vmem>>, %arg6: memref<4x128x64xf32, #tpu.memory_space<vmem>>, %arg7: memref<4x8x8x128xf32, #tpu.memory_space<vmem>>, %arg8: memref<4x!tpu.dma_semaphore, #tpu.memory_space<semaphore_mem>>, %arg9: memref<4x!tpu.dma_semaphore, #tpu.memory_space<semaphore_mem>>) attributes {dimension_semantics = [#tpu.dimension_semantics<core_parallel>, #tpu.dimension_semantics<subcore_parallel>], iteration_bounds = array<i64: 2, 16>, scalar_prefetch = 0 : i64, scratch_operands = 5 : i64, tpu.core_type = #tpu.core_type<sc_vector_subcore>, window_params = [{transform_indices = #map}, {transform_indices = #map}, {transform_indices = #map1}]} {
    %mul3A = arith.constant 2 : i32
    %mul3A_0 = arith.muli %arg1, %mul3A : i32
    %add3A = arith.addi %mul3A_0, %arg0 : i32
    %mul3A_1 = arith.constant 128 : i32
    %mul3A_2 = arith.muli %add3A, %mul3A_1 : i32
    "tpu.region"() ({
      %run_scoped3A = tpu.sem_alloc : memref<!tpu.dma_semaphore, #tpu.memory_space<semaphore_mem>>
      %dma_start3A_151 = arith.constant 0 : i32
      %dma_start3A_152 = tpu.memref_slice %arg2[%dma_start3A_151, %mul3A_2] : memref<200x4096xi32, #tpu.memory_space<hbm>> -> memref<200x128xi32, #tpu.memory_space<hbm>>
      %dma_start3A_153 = arith.constant 0 : i32
      %dma_start3A_154 = tpu.memref_slice %arg2[%dma_start3A_153, %mul3A_2] : memref<200x4096xi32, #tpu.memory_space<hbm>> -> memref<200x128xi32, #tpu.memory_space<hbm>>
      tpu.enqueue_dma source(%dma_start3A_154 : memref<200x128xi32, #tpu.memory_space<hbm>>) target(%arg5 : memref<200x128xi32, #tpu.memory_space<vmem>>) target_semaphore(%run_scoped3A : memref<!tpu.dma_semaphore, #tpu.memory_space<semaphore_mem>>)
      %dma_wait3A_155 = arith.constant 0 : i32
      %dma_wait3A_156 = tpu.memref_slice %arg2[%dma_wait3A_155, %mul3A_2] : memref<200x4096xi32, #tpu.memory_space<hbm>> -> memref<200x128xi32, #tpu.memory_space<hbm>>
      %dma_wait3A_157 = arith.constant 0 : i32
      %dma_wait3A_158 = tpu.memref_slice %arg2[%dma_wait3A_157, %mul3A_2] : memref<200x4096xi32, #tpu.memory_space<hbm>> -> memref<200x128xi32, #tpu.memory_space<hbm>>
      tpu.wait_dma2 semaphore(%run_scoped3A : memref<!tpu.dma_semaphore, #tpu.memory_space<semaphore_mem>>) src(%dma_wait3A_158 : memref<200x128xi32, #tpu.memory_space<hbm>>) dst(%arg5 : memref<200x128xi32, #tpu.memory_space<vmem>>)
      tpu.yield
    }) : () -> ()
    %iota3A = tpu.iota {dimensions = array<i32: 0>} : vector<16xi32>
    %dma_start3A = arith.constant 0 : i32
    %dma_start3A_3 = arith.constant 0 : i32
    %dma_start3A_4 = arith.constant 0 : i32
    %dma_start3A_5 = arith.constant 0 : i32
    %dma_start3A_6 = arith.constant 0 : i32
    %dma_start3A_7 = tpu.memref_slice %arg6[%dma_start3A_3, %dma_start3A_5, %dma_start3A_6] : memref<4x128x64xf32, #tpu.memory_space<vmem>> -> memref<1x128x64xf32, #tpu.memory_space<vmem>>
    %dma_start3A_8 = tpu.memref_squeeze %dma_start3A_7 : memref<1x128x64xf32, #tpu.memory_space<vmem>> -> memref<128x64xf32, #tpu.memory_space<vmem>>
    %dma_start3A_9 = arith.constant 0 : i32
    %dma_start3A_10 = tpu.memref_slice %arg5[%dma_start3A, %dma_start3A_9] : memref<200x128xi32, #tpu.memory_space<vmem>> -> memref<1x128xi32, #tpu.memory_space<vmem>>
    %dma_start3A_11 = tpu.memref_squeeze %dma_start3A_10 : memref<1x128xi32, #tpu.memory_space<vmem>> -> memref<128xi32, #tpu.memory_space<vmem>>
    %dma_start3A_12 = arith.constant 0 : i32
    %dma_start3A_13 = arith.constant 0 : i32
    %dma_start3A_14 = tpu.memref_slice %arg3[%dma_start3A_12, %dma_start3A_13] : memref<1000000x64xf32, #tpu.memory_space<hbm>> -> memref<1000000x64xf32, #tpu.memory_space<hbm>>
    %dma_start3A_15 = tpu.memref_slice %arg8[%dma_start3A_4] : memref<4x!tpu.dma_semaphore, #tpu.memory_space<semaphore_mem>> -> memref<1x!tpu.dma_semaphore, #tpu.memory_space<semaphore_mem>>
    %dma_start3A_16 = tpu.memref_squeeze %dma_start3A_15 : memref<1x!tpu.dma_semaphore, #tpu.memory_space<semaphore_mem>> -> memref<!tpu.dma_semaphore, #tpu.memory_space<semaphore_mem>>
    tpu.enqueue_indirect_dma source(%dma_start3A_14 : memref<1000000x64xf32, #tpu.memory_space<hbm>>) target(%dma_start3A_8 : memref<128x64xf32, #tpu.memory_space<vmem>>) offsets(%dma_start3A_11 : memref<128xi32, #tpu.memory_space<vmem>>) semaphore(%dma_start3A_16 : memref<!tpu.dma_semaphore, #tpu.memory_space<semaphore_mem>>)
    %dma_start3A_17 = arith.constant 1 : i32
    %dma_start3A_18 = arith.constant 1 : i32
    %dma_start3A_19 = arith.constant 1 : i32
    %dma_start3A_20 = arith.constant 0 : i32
    %dma_start3A_21 = arith.constant 0 : i32
    %dma_start3A_22 = tpu.memref_slice %arg6[%dma_start3A_18, %dma_start3A_20, %dma_start3A_21] : memref<4x128x64xf32, #tpu.memory_space<vmem>> -> memref<1x128x64xf32, #tpu.memory_space<vmem>>
    %dma_start3A_23 = tpu.memref_squeeze %dma_start3A_22 : memref<1x128x64xf32, #tpu.memory_space<vmem>> -> memref<128x64xf32, #tpu.memory_space<vmem>>
    %dma_start3A_24 = arith.constant 0 : i32
    %dma_start3A_25 = tpu.memref_slice %arg5[%dma_start3A_17, %dma_start3A_24] : memref<200x128xi32, #tpu.memory_space<vmem>> -> memref<1x128xi32, #tpu.memory_space<vmem>>
    %dma_start3A_26 = tpu.memref_squeeze %dma_start3A_25 : memref<1x128xi32, #tpu.memory_space<vmem>> -> memref<128xi32, #tpu.memory_space<vmem>>
    %dma_start3A_27 = arith.constant 0 : i32
    %dma_start3A_28 = arith.constant 0 : i32
    %dma_start3A_29 = tpu.memref_slice %arg3[%dma_start3A_27, %dma_start3A_28] : memref<1000000x64xf32, #tpu.memory_space<hbm>> -> memref<1000000x64xf32, #tpu.memory_space<hbm>>
    %dma_start3A_30 = tpu.memref_slice %arg8[%dma_start3A_19] : memref<4x!tpu.dma_semaphore, #tpu.memory_space<semaphore_mem>> -> memref<1x!tpu.dma_semaphore, #tpu.memory_space<semaphore_mem>>
    %dma_start3A_31 = tpu.memref_squeeze %dma_start3A_30 : memref<1x!tpu.dma_semaphore, #tpu.memory_space<semaphore_mem>> -> memref<!tpu.dma_semaphore, #tpu.memory_space<semaphore_mem>>
    tpu.enqueue_indirect_dma source(%dma_start3A_29 : memref<1000000x64xf32, #tpu.memory_space<hbm>>) target(%dma_start3A_23 : memref<128x64xf32, #tpu.memory_space<vmem>>) offsets(%dma_start3A_26 : memref<128xi32, #tpu.memory_space<vmem>>) semaphore(%dma_start3A_31 : memref<!tpu.dma_semaphore, #tpu.memory_space<semaphore_mem>>)
    %dma_start3A_32 = arith.constant 2 : i32
    %dma_start3A_33 = arith.constant 2 : i32
    %dma_start3A_34 = arith.constant 2 : i32
    %dma_start3A_35 = arith.constant 0 : i32
    %dma_start3A_36 = arith.constant 0 : i32
    %dma_start3A_37 = tpu.memref_slice %arg6[%dma_start3A_33, %dma_start3A_35, %dma_start3A_36] : memref<4x128x64xf32, #tpu.memory_space<vmem>> -> memref<1x128x64xf32, #tpu.memory_space<vmem>>
    %dma_start3A_38 = tpu.memref_squeeze %dma_start3A_37 : memref<1x128x64xf32, #tpu.memory_space<vmem>> -> memref<128x64xf32, #tpu.memory_space<vmem>>
    %dma_start3A_39 = arith.constant 0 : i32
    %dma_start3A_40 = tpu.memref_slice %arg5[%dma_start3A_32, %dma_start3A_39] : memref<200x128xi32, #tpu.memory_space<vmem>> -> memref<1x128xi32, #tpu.memory_space<vmem>>
    %dma_start3A_41 = tpu.memref_squeeze %dma_start3A_40 : memref<1x128xi32, #tpu.memory_space<vmem>> -> memref<128xi32, #tpu.memory_space<vmem>>
    %dma_start3A_42 = arith.constant 0 : i32
    %dma_start3A_43 = arith.constant 0 : i32
    %dma_start3A_44 = tpu.memref_slice %arg3[%dma_start3A_42, %dma_start3A_43] : memref<1000000x64xf32, #tpu.memory_space<hbm>> -> memref<1000000x64xf32, #tpu.memory_space<hbm>>
    %dma_start3A_45 = tpu.memref_slice %arg8[%dma_start3A_34] : memref<4x!tpu.dma_semaphore, #tpu.memory_space<semaphore_mem>> -> memref<1x!tpu.dma_semaphore, #tpu.memory_space<semaphore_mem>>
    %dma_start3A_46 = tpu.memref_squeeze %dma_start3A_45 : memref<1x!tpu.dma_semaphore, #tpu.memory_space<semaphore_mem>> -> memref<!tpu.dma_semaphore, #tpu.memory_space<semaphore_mem>>
    tpu.enqueue_indirect_dma source(%dma_start3A_44 : memref<1000000x64xf32, #tpu.memory_space<hbm>>) target(%dma_start3A_38 : memref<128x64xf32, #tpu.memory_space<vmem>>) offsets(%dma_start3A_41 : memref<128xi32, #tpu.memory_space<vmem>>) semaphore(%dma_start3A_46 : memref<!tpu.dma_semaphore, #tpu.memory_space<semaphore_mem>>)
    %scan3A = arith.constant 0 : i32
    %scan3A_47 = arith.constant 0 : i32
    %scan3A_48 = arith.constant 50 : i32
    %scan3A_49 = arith.addi %scan3A_47, %scan3A_48 : i32
    %scan3A_50 = arith.constant 1 : i32
    scf.for %scan3A_151 = %scan3A_47 to %scan3A_49 step %scan3A_50  : i32 {
      %mul3A_152 = arith.constant 4 : i32
      %mul3A_153 = arith.muli %mul3A_152, %scan3A_151 : i32
      %add3A_154 = arith.constant 0 : i32
      %add3A_155 = arith.addi %mul3A_153, %add3A_154 : i32
      %gt3A = arith.constant 0 : i32
      %gt3A_156 = arith.cmpi sgt, %scan3A_151, %gt3A : i32
      %convert_element_type3A = arith.extui %gt3A_156 : i1 to i32
      %cond3A = arith.constant 0 : i32
      %cond3A_157 = arith.cmpi ne, %convert_element_type3A, %cond3A : i32
      scf.if %cond3A_157 {
        %sub3A_400 = arith.constant 4 : i32
        %sub3A_401 = arith.subi %add3A_155, %sub3A_400 : i32
        %dma_wait3A_402 = arith.constant 0 : i32
        %dma_wait3A_403 = arith.constant 0 : i32
        %dma_wait3A_404 = arith.constant 0 : i32
        %dma_wait3A_405 = arith.constant 0 : i32
        %dma_wait3A_406 = arith.constant 0 : i32
        %dma_wait3A_407 = tpu.memref_slice %arg7[%dma_wait3A_402, %dma_wait3A_404, %dma_wait3A_405, %dma_wait3A_406] : memref<4x8x8x128xf32, #tpu.memory_space<vmem>> -> memref<1x8x8x128xf32, #tpu.memory_space<vmem>>
        %dma_wait3A_408 = tpu.memref_squeeze %dma_wait3A_407 : memref<1x8x8x128xf32, #tpu.memory_space<vmem>> -> memref<8x8x128xf32, #tpu.memory_space<vmem>>
        %dma_wait3A_409 = arith.constant 0 : i32
        %dma_wait3A_410 = arith.constant 0 : i32
        %dma_wait3A_411 = arith.constant 0 : i32
        %dma_wait3A_412 = tpu.memref_slice %arg4[%sub3A_401, %dma_wait3A_409, %add3A, %dma_wait3A_410, %dma_wait3A_411] : memref<200x8x32x8x128xf32, #tpu.memory_space<hbm>> -> memref<1x8x1x8x128xf32, #tpu.memory_space<hbm>>
        %dma_wait3A_413 = tpu.memref_squeeze %dma_wait3A_412 : memref<1x8x1x8x128xf32, #tpu.memory_space<hbm>> -> memref<8x8x128xf32, #tpu.memory_space<hbm>>
        %dma_wait3A_414 = tpu.memref_slice %arg9[%dma_wait3A_403] : memref<4x!tpu.dma_semaphore, #tpu.memory_space<semaphore_mem>> -> memref<1x!tpu.dma_semaphore, #tpu.memory_space<semaphore_mem>>
        %dma_wait3A_415 = tpu.memref_squeeze %dma_wait3A_414 : memref<1x!tpu.dma_semaphore, #tpu.memory_space<semaphore_mem>> -> memref<!tpu.dma_semaphore, #tpu.memory_space<semaphore_mem>>
        %dma_wait3A_416 = arith.constant 0 : i32
        %dma_wait3A_417 = arith.constant 0 : i32
        %dma_wait3A_418 = arith.constant 0 : i32
        %dma_wait3A_419 = tpu.memref_slice %arg4[%sub3A_401, %dma_wait3A_416, %add3A, %dma_wait3A_417, %dma_wait3A_418] : memref<200x8x32x8x128xf32, #tpu.memory_space<hbm>> -> memref<1x8x1x8x128xf32, #tpu.memory_space<hbm>>
        %dma_wait3A_420 = tpu.memref_squeeze %dma_wait3A_419 : memref<1x8x1x8x128xf32, #tpu.memory_space<hbm>> -> memref<8x8x128xf32, #tpu.memory_space<hbm>>
        %dma_wait3A_421 = arith.constant 0 : i32
        %dma_wait3A_422 = arith.constant 0 : i32
        %dma_wait3A_423 = arith.constant 0 : i32
        %dma_wait3A_424 = tpu.memref_slice %arg7[%dma_wait3A_402, %dma_wait3A_421, %dma_wait3A_422, %dma_wait3A_423] : memref<4x8x8x128xf32, #tpu.memory_space<vmem>> -> memref<1x8x8x128xf32, #tpu.memory_space<vmem>>
        %dma_wait3A_425 = tpu.memref_squeeze %dma_wait3A_424 : memref<1x8x8x128xf32, #tpu.memory_space<vmem>> -> memref<8x8x128xf32, #tpu.memory_space<vmem>>
        tpu.wait_dma2 semaphore(%dma_wait3A_415 : memref<!tpu.dma_semaphore, #tpu.memory_space<semaphore_mem>>) src(%dma_wait3A_425 : memref<8x8x128xf32, #tpu.memory_space<vmem>>) dst(%dma_wait3A_420 : memref<8x8x128xf32, #tpu.memory_space<hbm>>)
      } else {
      }
      %dma_wait3A_158 = arith.constant 0 : i32
      %dma_wait3A_159 = arith.constant 0 : i32
      %dma_wait3A_160 = arith.constant 0 : i32
      %dma_wait3A_161 = arith.constant 0 : i32
      %dma_wait3A_162 = tpu.memref_slice %arg6[%dma_wait3A_158, %dma_wait3A_160, %dma_wait3A_161] : memref<4x128x64xf32, #tpu.memory_space<vmem>> -> memref<1x128x64xf32, #tpu.memory_space<vmem>>
      %dma_wait3A_163 = tpu.memref_squeeze %dma_wait3A_162 : memref<1x128x64xf32, #tpu.memory_space<vmem>> -> memref<128x64xf32, #tpu.memory_space<vmem>>
      %dma_wait3A_164 = arith.constant 0 : i32
      %dma_wait3A_165 = tpu.memref_slice %arg5[%add3A_155, %dma_wait3A_164] : memref<200x128xi32, #tpu.memory_space<vmem>> -> memref<1x128xi32, #tpu.memory_space<vmem>>
      %dma_wait3A_166 = tpu.memref_squeeze %dma_wait3A_165 : memref<1x128xi32, #tpu.memory_space<vmem>> -> memref<128xi32, #tpu.memory_space<vmem>>
      %dma_wait3A_167 = arith.constant 0 : i32
      %dma_wait3A_168 = arith.constant 0 : i32
      %dma_wait3A_169 = tpu.memref_slice %arg3[%dma_wait3A_167, %dma_wait3A_168] : memref<1000000x64xf32, #tpu.memory_space<hbm>> -> memref<1000000x64xf32, #tpu.memory_space<hbm>>
      %dma_wait3A_170 = tpu.memref_slice %arg8[%dma_wait3A_159] : memref<4x!tpu.dma_semaphore, #tpu.memory_space<semaphore_mem>> -> memref<1x!tpu.dma_semaphore, #tpu.memory_space<semaphore_mem>>
      %dma_wait3A_171 = tpu.memref_squeeze %dma_wait3A_170 : memref<1x!tpu.dma_semaphore, #tpu.memory_space<semaphore_mem>> -> memref<!tpu.dma_semaphore, #tpu.memory_space<semaphore_mem>>
      tpu.wait_indirect_dma semaphore(%dma_wait3A_171 : memref<!tpu.dma_semaphore, #tpu.memory_space<semaphore_mem>>) src(%dma_wait3A_169 : memref<1000000x64xf32, #tpu.memory_space<hbm>>) dst(%dma_wait3A_163 : memref<128x64xf32, #tpu.memory_space<vmem>>)
      %scan3A_172 = arith.constant 0 : i32
      %scan3A_173 = arith.constant 0 : i32
      %scan3A_174 = arith.constant 0 : i32
      %scan3A_175 = arith.constant 0 : i32
      %scan3A_176 = arith.constant 64 : i32
      %scan3A_177 = arith.addi %scan3A_175, %scan3A_176 : i32
      %scan3A_178 = arith.constant 1 : i32
      scf.for %scan3A_400 = %scan3A_175 to %scan3A_177 step %scan3A_178  : i32 {
        %add3A_401 = vector.broadcast %scan3A_400 : i32 to vector<16xi32>
        %add3A_402 = arith.addi %add3A_401, %iota3A : vector<16xi32>
        %and3A = arith.constant 63 : i32
        %and3A_403 = vector.broadcast %and3A : i32 to vector<16xi32>
        %and3A_404 = arith.andi %add3A_402, %and3A_403 : vector<16xi32>
        %shift_right_logical3A = arith.constant 3 : i32
        %shift_right_logical3A_405 = vector.broadcast %shift_right_logical3A : i32 to vector<16xi32>
        %shift_right_logical3A_406 = arith.shrui %and3A_404, %shift_right_logical3A_405 : vector<16xi32>
        %and3A_407 = arith.constant 7 : i32
        %and3A_408 = vector.broadcast %and3A_407 : i32 to vector<16xi32>
        %and3A_409 = arith.andi %and3A_404, %and3A_408 : vector<16xi32>
        %add3A_410 = arith.constant 0 : i32
        %add3A_411 = vector.broadcast %add3A_410 : i32 to vector<16xi32>
        %add3A_412 = arith.addi %iota3A, %add3A_411 : vector<16xi32>
        %gather3A = arith.constant 0 : i32
        %gather3A_413 = arith.constant 0 : i32
        %gather3A_414 = tpu.memref_slice %arg6[%scan3A_173, %gather3A, %gather3A_413] : memref<4x128x64xf32, #tpu.memory_space<vmem>> -> memref<1x128x64xf32, #tpu.memory_space<vmem>>
        %gather3A_415 = tpu.memref_squeeze %gather3A_414 : memref<1x128x64xf32, #tpu.memory_space<vmem>> -> memref<128x64xf32, #tpu.memory_space<vmem>>
        %gather3A_416 = tpu.vector_load_idx %gather3A_415[%add3A_412, %and3A_404] : memref<128x64xf32, #tpu.memory_space<vmem>>[vector<16xi32>, vector<16xi32>], vector<16xf32>,
        %add3A_417 = arith.constant 16 : i32
        %add3A_418 = vector.broadcast %add3A_417 : i32 to vector<16xi32>
        %add3A_419 = arith.addi %iota3A, %add3A_418 : vector<16xi32>
        %gather3A_420 = arith.constant 0 : i32
        %gather3A_421 = arith.constant 0 : i32
        %gather3A_422 = tpu.memref_slice %arg6[%scan3A_173, %gather3A_420, %gather3A_421] : memref<4x128x64xf32, #tpu.memory_space<vmem>> -> memref<1x128x64xf32, #tpu.memory_space<vmem>>
        %gather3A_423 = tpu.memref_squeeze %gather3A_422 : memref<1x128x64xf32, #tpu.memory_space<vmem>> -> memref<128x64xf32, #tpu.memory_space<vmem>>
        %gather3A_424 = tpu.vector_load_idx %gather3A_423[%add3A_419, %and3A_404] : memref<128x64xf32, #tpu.memory_space<vmem>>[vector<16xi32>, vector<16xi32>], vector<16xf32>,
        %add3A_425 = arith.constant 32 : i32
        %add3A_426 = vector.broadcast %add3A_425 : i32 to vector<16xi32>
        %add3A_427 = arith.addi %iota3A, %add3A_426 : vector<16xi32>
        %gather3A_428 = arith.constant 0 : i32
        %gather3A_429 = arith.constant 0 : i32
        %gather3A_430 = tpu.memref_slice %arg6[%scan3A_173, %gather3A_428, %gather3A_429] : memref<4x128x64xf32, #tpu.memory_space<vmem>> -> memref<1x128x64xf32, #tpu.memory_space<vmem>>
        %gather3A_431 = tpu.memref_squeeze %gather3A_430 : memref<1x128x64xf32, #tpu.memory_space<vmem>> -> memref<128x64xf32, #tpu.memory_space<vmem>>
        %gather3A_432 = tpu.vector_load_idx %gather3A_431[%add3A_427, %and3A_404] : memref<128x64xf32, #tpu.memory_space<vmem>>[vector<16xi32>, vector<16xi32>], vector<16xf32>,
        %add3A_433 = arith.constant 48 : i32
        %add3A_434 = vector.broadcast %add3A_433 : i32 to vector<16xi32>
        %add3A_435 = arith.addi %iota3A, %add3A_434 : vector<16xi32>
        %gather3A_436 = arith.constant 0 : i32
        %gather3A_437 = arith.constant 0 : i32
        %gather3A_438 = tpu.memref_slice %arg6[%scan3A_173, %gather3A_436, %gather3A_437] : memref<4x128x64xf32, #tpu.memory_space<vmem>> -> memref<1x128x64xf32, #tpu.memory_space<vmem>>
        %gather3A_439 = tpu.memref_squeeze %gather3A_438 : memref<1x128x64xf32, #tpu.memory_space<vmem>> -> memref<128x64xf32, #tpu.memory_space<vmem>>
        %gather3A_440 = tpu.vector_load_idx %gather3A_439[%add3A_435, %and3A_404] : memref<128x64xf32, #tpu.memory_space<vmem>>[vector<16xi32>, vector<16xi32>], vector<16xf32>,
        %add3A_441 = arith.constant 64 : i32
        %add3A_442 = vector.broadcast %add3A_441 : i32 to vector<16xi32>
        %add3A_443 = arith.addi %iota3A, %add3A_442 : vector<16xi32>
        %gather3A_444 = arith.constant 0 : i32
        %gather3A_445 = arith.constant 0 : i32
        %gather3A_446 = tpu.memref_slice %arg6[%scan3A_173, %gather3A_444, %gather3A_445] : memref<4x128x64xf32, #tpu.memory_space<vmem>> -> memref<1x128x64xf32, #tpu.memory_space<vmem>>
        %gather3A_447 = tpu.memref_squeeze %gather3A_446 : memref<1x128x64xf32, #tpu.memory_space<vmem>> -> memref<128x64xf32, #tpu.memory_space<vmem>>
        %gather3A_448 = tpu.vector_load_idx %gather3A_447[%add3A_443, %and3A_404] : memref<128x64xf32, #tpu.memory_space<vmem>>[vector<16xi32>, vector<16xi32>], vector<16xf32>,
        %add3A_449 = arith.constant 80 : i32
        %add3A_450 = vector.broadcast %add3A_449 : i32 to vector<16xi32>
        %add3A_451 = arith.addi %iota3A, %add3A_450 : vector<16xi32>
        %gather3A_452 = arith.constant 0 : i32
        %gather3A_453 = arith.constant 0 : i32
        %gather3A_454 = tpu.memref_slice %arg6[%scan3A_173, %gather3A_452, %gather3A_453] : memref<4x128x64xf32, #tpu.memory_space<vmem>> -> memref<1x128x64xf32, #tpu.memory_space<vmem>>
        %gather3A_455 = tpu.memref_squeeze %gather3A_454 : memref<1x128x64xf32, #tpu.memory_space<vmem>> -> memref<128x64xf32, #tpu.memory_space<vmem>>
        %gather3A_456 = tpu.vector_load_idx %gather3A_455[%add3A_451, %and3A_404] : memref<128x64xf32, #tpu.memory_space<vmem>>[vector<16xi32>, vector<16xi32>], vector<16xf32>,
        %add3A_457 = arith.constant 96 : i32
        %add3A_458 = vector.broadcast %add3A_457 : i32 to vector<16xi32>
        %add3A_459 = arith.addi %iota3A, %add3A_458 : vector<16xi32>
        %gather3A_460 = arith.constant 0 : i32
        %gather3A_461 = arith.constant 0 : i32
        %gather3A_462 = tpu.memref_slice %arg6[%scan3A_173, %gather3A_460, %gather3A_461] : memref<4x128x64xf32, #tpu.memory_space<vmem>> -> memref<1x128x64xf32, #tpu.memory_space<vmem>>
        %gather3A_463 = tpu.memref_squeeze %gather3A_462 : memref<1x128x64xf32, #tpu.memory_space<vmem>> -> memref<128x64xf32, #tpu.memory_space<vmem>>
        %gather3A_464 = tpu.vector_load_idx %gather3A_463[%add3A_459, %and3A_404] : memref<128x64xf32, #tpu.memory_space<vmem>>[vector<16xi32>, vector<16xi32>], vector<16xf32>,
        %add3A_465 = arith.constant 112 : i32
        %add3A_466 = vector.broadcast %add3A_465 : i32 to vector<16xi32>
        %add3A_467 = arith.addi %iota3A, %add3A_466 : vector<16xi32>
        %gather3A_468 = arith.constant 0 : i32
        %gather3A_469 = arith.constant 0 : i32
        %gather3A_470 = tpu.memref_slice %arg6[%scan3A_173, %gather3A_468, %gather3A_469] : memref<4x128x64xf32, #tpu.memory_space<vmem>> -> memref<1x128x64xf32, #tpu.memory_space<vmem>>
        %gather3A_471 = tpu.memref_squeeze %gather3A_470 : memref<1x128x64xf32, #tpu.memory_space<vmem>> -> memref<128x64xf32, #tpu.memory_space<vmem>>
        %gather3A_472 = tpu.vector_load_idx %gather3A_471[%add3A_467, %and3A_404] : memref<128x64xf32, #tpu.memory_space<vmem>>[vector<16xi32>, vector<16xi32>], vector<16xf32>,
        %add3A_473 = arith.constant 0 : i32
        %add3A_474 = vector.broadcast %add3A_473 : i32 to vector<16xi32>
        %add3A_475 = arith.addi %iota3A, %add3A_474 : vector<16xi32>
        %scatter3A = arith.constant 0 : i32
        %scatter3A_476 = arith.constant 0 : i32
        %scatter3A_477 = arith.constant 0 : i32
        %scatter3A_478 = tpu.memref_slice %arg7[%scan3A_174, %scatter3A, %scatter3A_476, %scatter3A_477] : memref<4x8x8x128xf32, #tpu.memory_space<vmem>> -> memref<1x8x8x128xf32, #tpu.memory_space<vmem>>
        %scatter3A_479 = tpu.memref_squeeze %scatter3A_478 : memref<1x8x8x128xf32, #tpu.memory_space<vmem>> -> memref<8x8x128xf32, #tpu.memory_space<vmem>>
        tpu.vector_store_idx %scatter3A_479[%shift_right_logical3A_406, %and3A_409, %add3A_475], %gather3A_416 : memref<8x8x128xf32, #tpu.memory_space<vmem>>[vector<16xi32>, vector<16xi32>, vector<16xi32>], vector<16xf32>,
        %add3A_480 = arith.constant 16 : i32
        %add3A_481 = vector.broadcast %add3A_480 : i32 to vector<16xi32>
        %add3A_482 = arith.addi %iota3A, %add3A_481 : vector<16xi32>
        %scatter3A_483 = arith.constant 0 : i32
        %scatter3A_484 = arith.constant 0 : i32
        %scatter3A_485 = arith.constant 0 : i32
        %scatter3A_486 = tpu.memref_slice %arg7[%scan3A_174, %scatter3A_483, %scatter3A_484, %scatter3A_485] : memref<4x8x8x128xf32, #tpu.memory_space<vmem>> -> memref<1x8x8x128xf32, #tpu.memory_space<vmem>>
        %scatter3A_487 = tpu.memref_squeeze %scatter3A_486 : memref<1x8x8x128xf32, #tpu.memory_space<vmem>> -> memref<8x8x128xf32, #tpu.memory_space<vmem>>
        tpu.vector_store_idx %scatter3A_487[%shift_right_logical3A_406, %and3A_409, %add3A_482], %gather3A_424 : memref<8x8x128xf32, #tpu.memory_space<vmem>>[vector<16xi32>, vector<16xi32>, vector<16xi32>], vector<16xf32>,
        %add3A_488 = arith.constant 32 : i32
        %add3A_489 = vector.broadcast %add3A_488 : i32 to vector<16xi32>
        %add3A_490 = arith.addi %iota3A, %add3A_489 : vector<16xi32>
        %scatter3A_491 = arith.constant 0 : i32
        %scatter3A_492 = arith.constant 0 : i32
        %scatter3A_493 = arith.constant 0 : i32
        %scatter3A_494 = tpu.memref_slice %arg7[%scan3A_174, %scatter3A_491, %scatter3A_492, %scatter3A_493] : memref<4x8x8x128xf32, #tpu.memory_space<vmem>> -> memref<1x8x8x128xf32, #tpu.memory_space<vmem>>
        %scatter3A_495 = tpu.memref_squeeze %scatter3A_494 : memref<1x8x8x128xf32, #tpu.memory_space<vmem>> -> memref<8x8x128xf32, #tpu.memory_space<vmem>>
        tpu.vector_store_idx %scatter3A_495[%shift_right_logical3A_406, %and3A_409, %add3A_490], %gather3A_432 : memref<8x8x128xf32, #tpu.memory_space<vmem>>[vector<16xi32>, vector<16xi32>, vector<16xi32>], vector<16xf32>,
        %add3A_496 = arith.constant 48 : i32
        %add3A_497 = vector.broadcast %add3A_496 : i32 to vector<16xi32>
        %add3A_498 = arith.addi %iota3A, %add3A_497 : vector<16xi32>
        %scatter3A_499 = arith.constant 0 : i32
        %scatter3A_500 = arith.constant 0 : i32
        %scatter3A_501 = arith.constant 0 : i32
        %scatter3A_502 = tpu.memref_slice %arg7[%scan3A_174, %scatter3A_499, %scatter3A_500, %scatter3A_501] : memref<4x8x8x128xf32, #tpu.memory_space<vmem>> -> memref<1x8x8x128xf32, #tpu.memory_space<vmem>>
        %scatter3A_503 = tpu.memref_squeeze %scatter3A_502 : memref<1x8x8x128xf32, #tpu.memory_space<vmem>> -> memref<8x8x128xf32, #tpu.memory_space<vmem>>
        tpu.vector_store_idx %scatter3A_503[%shift_right_logical3A_406, %and3A_409, %add3A_498], %gather3A_440 : memref<8x8x128xf32, #tpu.memory_space<vmem>>[vector<16xi32>, vector<16xi32>, vector<16xi32>], vector<16xf32>,
        %add3A_504 = arith.constant 64 : i32
        %add3A_505 = vector.broadcast %add3A_504 : i32 to vector<16xi32>
        %add3A_506 = arith.addi %iota3A, %add3A_505 : vector<16xi32>
        %scatter3A_507 = arith.constant 0 : i32
        %scatter3A_508 = arith.constant 0 : i32
        %scatter3A_509 = arith.constant 0 : i32
        %scatter3A_510 = tpu.memref_slice %arg7[%scan3A_174, %scatter3A_507, %scatter3A_508, %scatter3A_509] : memref<4x8x8x128xf32, #tpu.memory_space<vmem>> -> memref<1x8x8x128xf32, #tpu.memory_space<vmem>>
        %scatter3A_511 = tpu.memref_squeeze %scatter3A_510 : memref<1x8x8x128xf32, #tpu.memory_space<vmem>> -> memref<8x8x128xf32, #tpu.memory_space<vmem>>
        tpu.vector_store_idx %scatter3A_511[%shift_right_logical3A_406, %and3A_409, %add3A_506], %gather3A_448 : memref<8x8x128xf32, #tpu.memory_space<vmem>>[vector<16xi32>, vector<16xi32>, vector<16xi32>], vector<16xf32>,
        %add3A_512 = arith.constant 80 : i32
        %add3A_513 = vector.broadcast %add3A_512 : i32 to vector<16xi32>
        %add3A_514 = arith.addi %iota3A, %add3A_513 : vector<16xi32>
        %scatter3A_515 = arith.constant 0 : i32
        %scatter3A_516 = arith.constant 0 : i32
        %scatter3A_517 = arith.constant 0 : i32
        %scatter3A_518 = tpu.memref_slice %arg7[%scan3A_174, %scatter3A_515, %scatter3A_516, %scatter3A_517] : memref<4x8x8x128xf32, #tpu.memory_space<vmem>> -> memref<1x8x8x128xf32, #tpu.memory_space<vmem>>
        %scatter3A_519 = tpu.memref_squeeze %scatter3A_518 : memref<1x8x8x128xf32, #tpu.memory_space<vmem>> -> memref<8x8x128xf32, #tpu.memory_space<vmem>>
        tpu.vector_store_idx %scatter3A_519[%shift_right_logical3A_406, %and3A_409, %add3A_514], %gather3A_456 : memref<8x8x128xf32, #tpu.memory_space<vmem>>[vector<16xi32>, vector<16xi32>, vector<16xi32>], vector<16xf32>,
        %add3A_520 = arith.constant 96 : i32
        %add3A_521 = vector.broadcast %add3A_520 : i32 to vector<16xi32>
        %add3A_522 = arith.addi %iota3A, %add3A_521 : vector<16xi32>
        %scatter3A_523 = arith.constant 0 : i32
        %scatter3A_524 = arith.constant 0 : i32
        %scatter3A_525 = arith.constant 0 : i32
        %scatter3A_526 = tpu.memref_slice %arg7[%scan3A_174, %scatter3A_523, %scatter3A_524, %scatter3A_525] : memref<4x8x8x128xf32, #tpu.memory_space<vmem>> -> memref<1x8x8x128xf32, #tpu.memory_space<vmem>>
        %scatter3A_527 = tpu.memref_squeeze %scatter3A_526 : memref<1x8x8x128xf32, #tpu.memory_space<vmem>> -> memref<8x8x128xf32, #tpu.memory_space<vmem>>
        tpu.vector_store_idx %scatter3A_527[%shift_right_logical3A_406, %and3A_409, %add3A_522], %gather3A_464 : memref<8x8x128xf32, #tpu.memory_space<vmem>>[vector<16xi32>, vector<16xi32>, vector<16xi32>], vector<16xf32>,
        %add3A_528 = arith.constant 112 : i32
        %add3A_529 = vector.broadcast %add3A_528 : i32 to vector<16xi32>
        %add3A_530 = arith.addi %iota3A, %add3A_529 : vector<16xi32>
        %scatter3A_531 = arith.constant 0 : i32
        %scatter3A_532 = arith.constant 0 : i32
        %scatter3A_533 = arith.constant 0 : i32
        %scatter3A_534 = tpu.memref_slice %arg7[%scan3A_174, %scatter3A_531, %scatter3A_532, %scatter3A_533] : memref<4x8x8x128xf32, #tpu.memory_space<vmem>> -> memref<1x8x8x128xf32, #tpu.memory_space<vmem>>
        %scatter3A_535 = tpu.memref_squeeze %scatter3A_534 : memref<1x8x8x128xf32, #tpu.memory_space<vmem>> -> memref<8x8x128xf32, #tpu.memory_space<vmem>>
        tpu.vector_store_idx %scatter3A_535[%shift_right_logical3A_406, %and3A_409, %add3A_530], %gather3A_472 : memref<8x8x128xf32, #tpu.memory_space<vmem>>[vector<16xi32>, vector<16xi32>, vector<16xi32>], vector<16xf32>,
      }
      %scan3A_179 = arith.constant 64 : i32
      %dma_start3A_180 = arith.constant 0 : i32
      %dma_start3A_181 = arith.constant 0 : i32
      %dma_start3A_182 = arith.constant 0 : i32
      %dma_start3A_183 = arith.constant 0 : i32
      %dma_start3A_184 = arith.constant 0 : i32
      %dma_start3A_185 = tpu.memref_slice %arg7[%dma_start3A_180, %dma_start3A_182, %dma_start3A_183, %dma_start3A_184] : memref<4x8x8x128xf32, #tpu.memory_space<vmem>> -> memref<1x8x8x128xf32, #tpu.memory_space<vmem>>
      %dma_start3A_186 = tpu.memref_squeeze %dma_start3A_185 : memref<1x8x8x128xf32, #tpu.memory_space<vmem>> -> memref<8x8x128xf32, #tpu.memory_space<vmem>>
      %dma_start3A_187 = arith.constant 0 : i32
      %dma_start3A_188 = arith.constant 0 : i32
      %dma_start3A_189 = arith.constant 0 : i32
      %dma_start3A_190 = tpu.memref_slice %arg4[%add3A_155, %dma_start3A_187, %add3A, %dma_start3A_188, %dma_start3A_189] : memref<200x8x32x8x128xf32, #tpu.memory_space<hbm>> -> memref<1x8x1x8x128xf32, #tpu.memory_space<hbm>>
      %dma_start3A_191 = tpu.memref_squeeze %dma_start3A_190 : memref<1x8x1x8x128xf32, #tpu.memory_space<hbm>> -> memref<8x8x128xf32, #tpu.memory_space<hbm>>
      %dma_start3A_192 = tpu.memref_slice %arg9[%dma_start3A_181] : memref<4x!tpu.dma_semaphore, #tpu.memory_space<semaphore_mem>> -> memref<1x!tpu.dma_semaphore, #tpu.memory_space<semaphore_mem>>
      %dma_start3A_193 = tpu.memref_squeeze %dma_start3A_192 : memref<1x!tpu.dma_semaphore, #tpu.memory_space<semaphore_mem>> -> memref<!tpu.dma_semaphore, #tpu.memory_space<semaphore_mem>>
      %dma_start3A_194 = arith.constant 0 : i32
      %dma_start3A_195 = arith.constant 0 : i32
      %dma_start3A_196 = arith.constant 0 : i32
      %dma_start3A_197 = tpu.memref_slice %arg4[%add3A_155, %dma_start3A_194, %add3A, %dma_start3A_195, %dma_start3A_196] : memref<200x8x32x8x128xf32, #tpu.memory_space<hbm>> -> memref<1x8x1x8x128xf32, #tpu.memory_space<hbm>>
      %dma_start3A_198 = tpu.memref_squeeze %dma_start3A_197 : memref<1x8x1x8x128xf32, #tpu.memory_space<hbm>> -> memref<8x8x128xf32, #tpu.memory_space<hbm>>
      %dma_start3A_199 = arith.constant 0 : i32
      %dma_start3A_200 = arith.constant 0 : i32
      %dma_start3A_201 = arith.constant 0 : i32
      %dma_start3A_202 = tpu.memref_slice %arg7[%dma_start3A_180, %dma_start3A_199, %dma_start3A_200, %dma_start3A_201] : memref<4x8x8x128xf32, #tpu.memory_space<vmem>> -> memref<1x8x8x128xf32, #tpu.memory_space<vmem>>
      %dma_start3A_203 = tpu.memref_squeeze %dma_start3A_202 : memref<1x8x8x128xf32, #tpu.memory_space<vmem>> -> memref<8x8x128xf32, #tpu.memory_space<vmem>>
      tpu.enqueue_dma source(%dma_start3A_203 : memref<8x8x128xf32, #tpu.memory_space<vmem>>) target(%dma_start3A_198 : memref<8x8x128xf32, #tpu.memory_space<hbm>>) target_semaphore(%dma_start3A_193 : memref<!tpu.dma_semaphore, #tpu.memory_space<semaphore_mem>>)
      %add3A_204 = arith.constant 4 : i32
      %add3A_205 = arith.addi %add3A_155, %add3A_204 : i32
      %sub3A = arith.constant 1 : i32
      %sub3A_206 = arith.subi %add3A_205, %sub3A : i32
      %dma_start3A_207 = arith.constant 3 : i32
      %dma_start3A_208 = arith.constant 3 : i32
      %dma_start3A_209 = arith.constant 0 : i32
      %dma_start3A_210 = arith.constant 0 : i32
      %dma_start3A_211 = tpu.memref_slice %arg6[%dma_start3A_207, %dma_start3A_209, %dma_start3A_210] : memref<4x128x64xf32, #tpu.memory_space<vmem>> -> memref<1x128x64xf32, #tpu.memory_space<vmem>>
      %dma_start3A_212 = tpu.memref_squeeze %dma_start3A_211 : memref<1x128x64xf32, #tpu.memory_space<vmem>> -> memref<128x64xf32, #tpu.memory_space<vmem>>
      %dma_start3A_213 = arith.constant 0 : i32
      %dma_start3A_214 = tpu.memref_slice %arg5[%sub3A_206, %dma_start3A_213] : memref<200x128xi32, #tpu.memory_space<vmem>> -> memref<1x128xi32, #tpu.memory_space<vmem>>
      %dma_start3A_215 = tpu.memref_squeeze %dma_start3A_214 : memref<1x128xi32, #tpu.memory_space<vmem>> -> memref<128xi32, #tpu.memory_space<vmem>>
      %dma_start3A_216 = arith.constant 0 : i32
      %dma_start3A_217 = arith.constant 0 : i32
      %dma_start3A_218 = tpu.memref_slice %arg3[%dma_start3A_216, %dma_start3A_217] : memref<1000000x64xf32, #tpu.memory_space<hbm>> -> memref<1000000x64xf32, #tpu.memory_space<hbm>>
      %dma_start3A_219 = tpu.memref_slice %arg8[%dma_start3A_208] : memref<4x!tpu.dma_semaphore, #tpu.memory_space<semaphore_mem>> -> memref<1x!tpu.dma_semaphore, #tpu.memory_space<semaphore_mem>>
      %dma_start3A_220 = tpu.memref_squeeze %dma_start3A_219 : memref<1x!tpu.dma_semaphore, #tpu.memory_space<semaphore_mem>> -> memref<!tpu.dma_semaphore, #tpu.memory_space<semaphore_mem>>
      tpu.enqueue_indirect_dma source(%dma_start3A_218 : memref<1000000x64xf32, #tpu.memory_space<hbm>>) target(%dma_start3A_212 : memref<128x64xf32, #tpu.memory_space<vmem>>) offsets(%dma_start3A_215 : memref<128xi32, #tpu.memory_space<vmem>>) semaphore(%dma_start3A_220 : memref<!tpu.dma_semaphore, #tpu.memory_space<semaphore_mem>>)
      %mul3A_221 = arith.constant 4 : i32
      %mul3A_222 = arith.muli %mul3A_221, %scan3A_151 : i32
      %add3A_223 = arith.constant 1 : i32
      %add3A_224 = arith.addi %mul3A_222, %add3A_223 : i32
      %gt3A_225 = arith.constant 0 : i32
      %gt3A_226 = arith.cmpi sgt, %scan3A_151, %gt3A_225 : i32
      %convert_element_type3A_227 = arith.extui %gt3A_226 : i1 to i32
      %cond3A_228 = arith.constant 0 : i32
      %cond3A_229 = arith.cmpi ne, %convert_element_type3A_227, %cond3A_228 : i32
      scf.if %cond3A_229 {
        %sub3A_400 = arith.constant 4 : i32
        %sub3A_401 = arith.subi %add3A_224, %sub3A_400 : i32
        %dma_wait3A_402 = arith.constant 1 : i32
        %dma_wait3A_403 = arith.constant 1 : i32
        %dma_wait3A_404 = arith.constant 0 : i32
        %dma_wait3A_405 = arith.constant 0 : i32
        %dma_wait3A_406 = arith.constant 0 : i32
        %dma_wait3A_407 = tpu.memref_slice %arg7[%dma_wait3A_402, %dma_wait3A_404, %dma_wait3A_405, %dma_wait3A_406] : memref<4x8x8x128xf32, #tpu.memory_space<vmem>> -> memref<1x8x8x128xf32, #tpu.memory_space<vmem>>
        %dma_wait3A_408 = tpu.memref_squeeze %dma_wait3A_407 : memref<1x8x8x128xf32, #tpu.memory_space<vmem>> -> memref<8x8x128xf32, #tpu.memory_space<vmem>>
        %dma_wait3A_409 = arith.constant 0 : i32
        %dma_wait3A_410 = arith.constant 0 : i32
        %dma_wait3A_411 = arith.constant 0 : i32
        %dma_wait3A_412 = tpu.memref_slice %arg4[%sub3A_401, %dma_wait3A_409, %add3A, %dma_wait3A_410, %dma_wait3A_411] : memref<200x8x32x8x128xf32, #tpu.memory_space<hbm>> -> memref<1x8x1x8x128xf32, #tpu.memory_space<hbm>>
        %dma_wait3A_413 = tpu.memref_squeeze %dma_wait3A_412 : memref<1x8x1x8x128xf32, #tpu.memory_space<hbm>> -> memref<8x8x128xf32, #tpu.memory_space<hbm>>
        %dma_wait3A_414 = tpu.memref_slice %arg9[%dma_wait3A_403] : memref<4x!tpu.dma_semaphore, #tpu.memory_space<semaphore_mem>> -> memref<1x!tpu.dma_semaphore, #tpu.memory_space<semaphore_mem>>
        %dma_wait3A_415 = tpu.memref_squeeze %dma_wait3A_414 : memref<1x!tpu.dma_semaphore, #tpu.memory_space<semaphore_mem>> -> memref<!tpu.dma_semaphore, #tpu.memory_space<semaphore_mem>>
        %dma_wait3A_416 = arith.constant 0 : i32
        %dma_wait3A_417 = arith.constant 0 : i32
        %dma_wait3A_418 = arith.constant 0 : i32
        %dma_wait3A_419 = tpu.memref_slice %arg4[%sub3A_401, %dma_wait3A_416, %add3A, %dma_wait3A_417, %dma_wait3A_418] : memref<200x8x32x8x128xf32, #tpu.memory_space<hbm>> -> memref<1x8x1x8x128xf32, #tpu.memory_space<hbm>>
        %dma_wait3A_420 = tpu.memref_squeeze %dma_wait3A_419 : memref<1x8x1x8x128xf32, #tpu.memory_space<hbm>> -> memref<8x8x128xf32, #tpu.memory_space<hbm>>
        %dma_wait3A_421 = arith.constant 0 : i32
        %dma_wait3A_422 = arith.constant 0 : i32
        %dma_wait3A_423 = arith.constant 0 : i32
        %dma_wait3A_424 = tpu.memref_slice %arg7[%dma_wait3A_402, %dma_wait3A_421, %dma_wait3A_422, %dma_wait3A_423] : memref<4x8x8x128xf32, #tpu.memory_space<vmem>> -> memref<1x8x8x128xf32, #tpu.memory_space<vmem>>
        %dma_wait3A_425 = tpu.memref_squeeze %dma_wait3A_424 : memref<1x8x8x128xf32, #tpu.memory_space<vmem>> -> memref<8x8x128xf32, #tpu.memory_space<vmem>>
        tpu.wait_dma2 semaphore(%dma_wait3A_415 : memref<!tpu.dma_semaphore, #tpu.memory_space<semaphore_mem>>) src(%dma_wait3A_425 : memref<8x8x128xf32, #tpu.memory_space<vmem>>) dst(%dma_wait3A_420 : memref<8x8x128xf32, #tpu.memory_space<hbm>>)
      } else {
      }
      %dma_wait3A_230 = arith.constant 1 : i32
      %dma_wait3A_231 = arith.constant 1 : i32
      %dma_wait3A_232 = arith.constant 0 : i32
      %dma_wait3A_233 = arith.constant 0 : i32
      %dma_wait3A_234 = tpu.memref_slice %arg6[%dma_wait3A_230, %dma_wait3A_232, %dma_wait3A_233] : memref<4x128x64xf32, #tpu.memory_space<vmem>> -> memref<1x128x64xf32, #tpu.memory_space<vmem>>
      %dma_wait3A_235 = tpu.memref_squeeze %dma_wait3A_234 : memref<1x128x64xf32, #tpu.memory_space<vmem>> -> memref<128x64xf32, #tpu.memory_space<vmem>>
      %dma_wait3A_236 = arith.constant 0 : i32
      %dma_wait3A_237 = tpu.memref_slice %arg5[%add3A_224, %dma_wait3A_236] : memref<200x128xi32, #tpu.memory_space<vmem>> -> memref<1x128xi32, #tpu.memory_space<vmem>>
      %dma_wait3A_238 = tpu.memref_squeeze %dma_wait3A_237 : memref<1x128xi32, #tpu.memory_space<vmem>> -> memref<128xi32, #tpu.memory_space<vmem>>
      %dma_wait3A_239 = arith.constant 0 : i32
      %dma_wait3A_240 = arith.constant 0 : i32
      %dma_wait3A_241 = tpu.memref_slice %arg3[%dma_wait3A_239, %dma_wait3A_240] : memref<1000000x64xf32, #tpu.memory_space<hbm>> -> memref<1000000x64xf32, #tpu.memory_space<hbm>>
      %dma_wait3A_242 = tpu.memref_slice %arg8[%dma_wait3A_231] : memref<4x!tpu.dma_semaphore, #tpu.memory_space<semaphore_mem>> -> memref<1x!tpu.dma_semaphore, #tpu.memory_space<semaphore_mem>>
      %dma_wait3A_243 = tpu.memref_squeeze %dma_wait3A_242 : memref<1x!tpu.dma_semaphore, #tpu.memory_space<semaphore_mem>> -> memref<!tpu.dma_semaphore, #tpu.memory_space<semaphore_mem>>
      tpu.wait_indirect_dma semaphore(%dma_wait3A_243 : memref<!tpu.dma_semaphore, #tpu.memory_space<semaphore_mem>>) src(%dma_wait3A_241 : memref<1000000x64xf32, #tpu.memory_space<hbm>>) dst(%dma_wait3A_235 : memref<128x64xf32, #tpu.memory_space<vmem>>)
      %scan3A_244 = arith.constant 0 : i32
      %scan3A_245 = arith.constant 1 : i32
      %scan3A_246 = arith.constant 1 : i32
      %scan3A_247 = arith.constant 0 : i32
      %scan3A_248 = arith.constant 64 : i32
      %scan3A_249 = arith.addi %scan3A_247, %scan3A_248 : i32
      %scan3A_250 = arith.constant 1 : i32
      scf.for %scan3A_400 = %scan3A_247 to %scan3A_249 step %scan3A_250  : i32 {
        %add3A_401 = vector.broadcast %scan3A_400 : i32 to vector<16xi32>
        %add3A_402 = arith.addi %add3A_401, %iota3A : vector<16xi32>
        %and3A = arith.constant 63 : i32
        %and3A_403 = vector.broadcast %and3A : i32 to vector<16xi32>
        %and3A_404 = arith.andi %add3A_402, %and3A_403 : vector<16xi32>
        %shift_right_logical3A = arith.constant 3 : i32
        %shift_right_logical3A_405 = vector.broadcast %shift_right_logical3A : i32 to vector<16xi32>
        %shift_right_logical3A_406 = arith.shrui %and3A_404, %shift_right_logical3A_405 : vector<16xi32>
        %and3A_407 = arith.constant 7 : i32
        %and3A_408 = vector.broadcast %and3A_407 : i32 to vector<16xi32>
        %and3A_409 = arith.andi %and3A_404, %and3A_408 : vector<16xi32>
        %add3A_410 = arith.constant 0 : i32
        %add3A_411 = vector.broadcast %add3A_410 : i32 to vector<16xi32>
        %add3A_412 = arith.addi %iota3A, %add3A_411 : vector<16xi32>
        %gather3A = arith.constant 0 : i32
        %gather3A_413 = arith.constant 0 : i32
        %gather3A_414 = tpu.memref_slice %arg6[%scan3A_245, %gather3A, %gather3A_413] : memref<4x128x64xf32, #tpu.memory_space<vmem>> -> memref<1x128x64xf32, #tpu.memory_space<vmem>>
        %gather3A_415 = tpu.memref_squeeze %gather3A_414 : memref<1x128x64xf32, #tpu.memory_space<vmem>> -> memref<128x64xf32, #tpu.memory_space<vmem>>
        %gather3A_416 = tpu.vector_load_idx %gather3A_415[%add3A_412, %and3A_404] : memref<128x64xf32, #tpu.memory_space<vmem>>[vector<16xi32>, vector<16xi32>], vector<16xf32>,
        %add3A_417 = arith.constant 16 : i32
        %add3A_418 = vector.broadcast %add3A_417 : i32 to vector<16xi32>
        %add3A_419 = arith.addi %iota3A, %add3A_418 : vector<16xi32>
        %gather3A_420 = arith.constant 0 : i32
        %gather3A_421 = arith.constant 0 : i32
        %gather3A_422 = tpu.memref_slice %arg6[%scan3A_245, %gather3A_420, %gather3A_421] : memref<4x128x64xf32, #tpu.memory_space<vmem>> -> memref<1x128x64xf32, #tpu.memory_space<vmem>>
        %gather3A_423 = tpu.memref_squeeze %gather3A_422 : memref<1x128x64xf32, #tpu.memory_space<vmem>> -> memref<128x64xf32, #tpu.memory_space<vmem>>
        %gather3A_424 = tpu.vector_load_idx %gather3A_423[%add3A_419, %and3A_404] : memref<128x64xf32, #tpu.memory_space<vmem>>[vector<16xi32>, vector<16xi32>], vector<16xf32>,
        %add3A_425 = arith.constant 32 : i32
        %add3A_426 = vector.broadcast %add3A_425 : i32 to vector<16xi32>
        %add3A_427 = arith.addi %iota3A, %add3A_426 : vector<16xi32>
        %gather3A_428 = arith.constant 0 : i32
        %gather3A_429 = arith.constant 0 : i32
        %gather3A_430 = tpu.memref_slice %arg6[%scan3A_245, %gather3A_428, %gather3A_429] : memref<4x128x64xf32, #tpu.memory_space<vmem>> -> memref<1x128x64xf32, #tpu.memory_space<vmem>>
        %gather3A_431 = tpu.memref_squeeze %gather3A_430 : memref<1x128x64xf32, #tpu.memory_space<vmem>> -> memref<128x64xf32, #tpu.memory_space<vmem>>
        %gather3A_432 = tpu.vector_load_idx %gather3A_431[%add3A_427, %and3A_404] : memref<128x64xf32, #tpu.memory_space<vmem>>[vector<16xi32>, vector<16xi32>], vector<16xf32>,
        %add3A_433 = arith.constant 48 : i32
        %add3A_434 = vector.broadcast %add3A_433 : i32 to vector<16xi32>
        %add3A_435 = arith.addi %iota3A, %add3A_434 : vector<16xi32>
        %gather3A_436 = arith.constant 0 : i32
        %gather3A_437 = arith.constant 0 : i32
        %gather3A_438 = tpu.memref_slice %arg6[%scan3A_245, %gather3A_436, %gather3A_437] : memref<4x128x64xf32, #tpu.memory_space<vmem>> -> memref<1x128x64xf32, #tpu.memory_space<vmem>>
        %gather3A_439 = tpu.memref_squeeze %gather3A_438 : memref<1x128x64xf32, #tpu.memory_space<vmem>> -> memref<128x64xf32, #tpu.memory_space<vmem>>
        %gather3A_440 = tpu.vector_load_idx %gather3A_439[%add3A_435, %and3A_404] : memref<128x64xf32, #tpu.memory_space<vmem>>[vector<16xi32>, vector<16xi32>], vector<16xf32>,
        %add3A_441 = arith.constant 64 : i32
        %add3A_442 = vector.broadcast %add3A_441 : i32 to vector<16xi32>
        %add3A_443 = arith.addi %iota3A, %add3A_442 : vector<16xi32>
        %gather3A_444 = arith.constant 0 : i32
        %gather3A_445 = arith.constant 0 : i32
        %gather3A_446 = tpu.memref_slice %arg6[%scan3A_245, %gather3A_444, %gather3A_445] : memref<4x128x64xf32, #tpu.memory_space<vmem>> -> memref<1x128x64xf32, #tpu.memory_space<vmem>>
        %gather3A_447 = tpu.memref_squeeze %gather3A_446 : memref<1x128x64xf32, #tpu.memory_space<vmem>> -> memref<128x64xf32, #tpu.memory_space<vmem>>
        %gather3A_448 = tpu.vector_load_idx %gather3A_447[%add3A_443, %and3A_404] : memref<128x64xf32, #tpu.memory_space<vmem>>[vector<16xi32>, vector<16xi32>], vector<16xf32>,
        %add3A_449 = arith.constant 80 : i32
        %add3A_450 = vector.broadcast %add3A_449 : i32 to vector<16xi32>
        %add3A_451 = arith.addi %iota3A, %add3A_450 : vector<16xi32>
        %gather3A_452 = arith.constant 0 : i32
        %gather3A_453 = arith.constant 0 : i32
        %gather3A_454 = tpu.memref_slice %arg6[%scan3A_245, %gather3A_452, %gather3A_453] : memref<4x128x64xf32, #tpu.memory_space<vmem>> -> memref<1x128x64xf32, #tpu.memory_space<vmem>>
        %gather3A_455 = tpu.memref_squeeze %gather3A_454 : memref<1x128x64xf32, #tpu.memory_space<vmem>> -> memref<128x64xf32, #tpu.memory_space<vmem>>
        %gather3A_456 = tpu.vector_load_idx %gather3A_455[%add3A_451, %and3A_404] : memref<128x64xf32, #tpu.memory_space<vmem>>[vector<16xi32>, vector<16xi32>], vector<16xf32>,
        %add3A_457 = arith.constant 96 : i32
        %add3A_458 = vector.broadcast %add3A_457 : i32 to vector<16xi32>
        %add3A_459 = arith.addi %iota3A, %add3A_458 : vector<16xi32>
        %gather3A_460 = arith.constant 0 : i32
        %gather3A_461 = arith.constant 0 : i32
        %gather3A_462 = tpu.memref_slice %arg6[%scan3A_245, %gather3A_460, %gather3A_461] : memref<4x128x64xf32, #tpu.memory_space<vmem>> -> memref<1x128x64xf32, #tpu.memory_space<vmem>>
        %gather3A_463 = tpu.memref_squeeze %gather3A_462 : memref<1x128x64xf32, #tpu.memory_space<vmem>> -> memref<128x64xf32, #tpu.memory_space<vmem>>
        %gather3A_464 = tpu.vector_load_idx %gather3A_463[%add3A_459, %and3A_404] : memref<128x64xf32, #tpu.memory_space<vmem>>[vector<16xi32>, vector<16xi32>], vector<16xf32>,
        %add3A_465 = arith.constant 112 : i32
        %add3A_466 = vector.broadcast %add3A_465 : i32 to vector<16xi32>
        %add3A_467 = arith.addi %iota3A, %add3A_466 : vector<16xi32>
        %gather3A_468 = arith.constant 0 : i32
        %gather3A_469 = arith.constant 0 : i32
        %gather3A_470 = tpu.memref_slice %arg6[%scan3A_245, %gather3A_468, %gather3A_469] : memref<4x128x64xf32, #tpu.memory_space<vmem>> -> memref<1x128x64xf32, #tpu.memory_space<vmem>>
        %gather3A_471 = tpu.memref_squeeze %gather3A_470 : memref<1x128x64xf32, #tpu.memory_space<vmem>> -> memref<128x64xf32, #tpu.memory_space<vmem>>
        %gather3A_472 = tpu.vector_load_idx %gather3A_471[%add3A_467, %and3A_404] : memref<128x64xf32, #tpu.memory_space<vmem>>[vector<16xi32>, vector<16xi32>], vector<16xf32>,
        %add3A_473 = arith.constant 0 : i32
        %add3A_474 = vector.broadcast %add3A_473 : i32 to vector<16xi32>
        %add3A_475 = arith.addi %iota3A, %add3A_474 : vector<16xi32>
        %scatter3A = arith.constant 0 : i32
        %scatter3A_476 = arith.constant 0 : i32
        %scatter3A_477 = arith.constant 0 : i32
        %scatter3A_478 = tpu.memref_slice %arg7[%scan3A_246, %scatter3A, %scatter3A_476, %scatter3A_477] : memref<4x8x8x128xf32, #tpu.memory_space<vmem>> -> memref<1x8x8x128xf32, #tpu.memory_space<vmem>>
        %scatter3A_479 = tpu.memref_squeeze %scatter3A_478 : memref<1x8x8x128xf32, #tpu.memory_space<vmem>> -> memref<8x8x128xf32, #tpu.memory_space<vmem>>
        tpu.vector_store_idx %scatter3A_479[%shift_right_logical3A_406, %and3A_409, %add3A_475], %gather3A_416 : memref<8x8x128xf32, #tpu.memory_space<vmem>>[vector<16xi32>, vector<16xi32>, vector<16xi32>], vector<16xf32>,
        %add3A_480 = arith.constant 16 : i32
        %add3A_481 = vector.broadcast %add3A_480 : i32 to vector<16xi32>
        %add3A_482 = arith.addi %iota3A, %add3A_481 : vector<16xi32>
        %scatter3A_483 = arith.constant 0 : i32
        %scatter3A_484 = arith.constant 0 : i32
        %scatter3A_485 = arith.constant 0 : i32
        %scatter3A_486 = tpu.memref_slice %arg7[%scan3A_246, %scatter3A_483, %scatter3A_484, %scatter3A_485] : memref<4x8x8x128xf32, #tpu.memory_space<vmem>> -> memref<1x8x8x128xf32, #tpu.memory_space<vmem>>
        %scatter3A_487 = tpu.memref_squeeze %scatter3A_486 : memref<1x8x8x128xf32, #tpu.memory_space<vmem>> -> memref<8x8x128xf32, #tpu.memory_space<vmem>>
        tpu.vector_store_idx %scatter3A_487[%shift_right_logical3A_406, %and3A_409, %add3A_482], %gather3A_424 : memref<8x8x128xf32, #tpu.memory_space<vmem>>[vector<16xi32>, vector<16xi32>, vector<16xi32>], vector<16xf32>,
        %add3A_488 = arith.constant 32 : i32
        %add3A_489 = vector.broadcast %add3A_488 : i32 to vector<16xi32>
        %add3A_490 = arith.addi %iota3A, %add3A_489 : vector<16xi32>
        %scatter3A_491 = arith.constant 0 : i32
        %scatter3A_492 = arith.constant 0 : i32
        %scatter3A_493 = arith.constant 0 : i32
        %scatter3A_494 = tpu.memref_slice %arg7[%scan3A_246, %scatter3A_491, %scatter3A_492, %scatter3A_493] : memref<4x8x8x128xf32, #tpu.memory_space<vmem>> -> memref<1x8x8x128xf32, #tpu.memory_space<vmem>>
        %scatter3A_495 = tpu.memref_squeeze %scatter3A_494 : memref<1x8x8x128xf32, #tpu.memory_space<vmem>> -> memref<8x8x128xf32, #tpu.memory_space<vmem>>
        tpu.vector_store_idx %scatter3A_495[%shift_right_logical3A_406, %and3A_409, %add3A_490], %gather3A_432 : memref<8x8x128xf32, #tpu.memory_space<vmem>>[vector<16xi32>, vector<16xi32>, vector<16xi32>], vector<16xf32>,
        %add3A_496 = arith.constant 48 : i32
        %add3A_497 = vector.broadcast %add3A_496 : i32 to vector<16xi32>
        %add3A_498 = arith.addi %iota3A, %add3A_497 : vector<16xi32>
        %scatter3A_499 = arith.constant 0 : i32
        %scatter3A_500 = arith.constant 0 : i32
        %scatter3A_501 = arith.constant 0 : i32
        %scatter3A_502 = tpu.memref_slice %arg7[%scan3A_246, %scatter3A_499, %scatter3A_500, %scatter3A_501] : memref<4x8x8x128xf32, #tpu.memory_space<vmem>> -> memref<1x8x8x128xf32, #tpu.memory_space<vmem>>
        %scatter3A_503 = tpu.memref_squeeze %scatter3A_502 : memref<1x8x8x128xf32, #tpu.memory_space<vmem>> -> memref<8x8x128xf32, #tpu.memory_space<vmem>>
        tpu.vector_store_idx %scatter3A_503[%shift_right_logical3A_406, %and3A_409, %add3A_498], %gather3A_440 : memref<8x8x128xf32, #tpu.memory_space<vmem>>[vector<16xi32>, vector<16xi32>, vector<16xi32>], vector<16xf32>,
        %add3A_504 = arith.constant 64 : i32
        %add3A_505 = vector.broadcast %add3A_504 : i32 to vector<16xi32>
        %add3A_506 = arith.addi %iota3A, %add3A_505 : vector<16xi32>
        %scatter3A_507 = arith.constant 0 : i32
        %scatter3A_508 = arith.constant 0 : i32
        %scatter3A_509 = arith.constant 0 : i32
        %scatter3A_510 = tpu.memref_slice %arg7[%scan3A_246, %scatter3A_507, %scatter3A_508, %scatter3A_509] : memref<4x8x8x128xf32, #tpu.memory_space<vmem>> -> memref<1x8x8x128xf32, #tpu.memory_space<vmem>>
        %scatter3A_511 = tpu.memref_squeeze %scatter3A_510 : memref<1x8x8x128xf32, #tpu.memory_space<vmem>> -> memref<8x8x128xf32, #tpu.memory_space<vmem>>
        tpu.vector_store_idx %scatter3A_511[%shift_right_logical3A_406, %and3A_409, %add3A_506], %gather3A_448 : memref<8x8x128xf32, #tpu.memory_space<vmem>>[vector<16xi32>, vector<16xi32>, vector<16xi32>], vector<16xf32>,
        %add3A_512 = arith.constant 80 : i32
        %add3A_513 = vector.broadcast %add3A_512 : i32 to vector<16xi32>
        %add3A_514 = arith.addi %iota3A, %add3A_513 : vector<16xi32>
        %scatter3A_515 = arith.constant 0 : i32
        %scatter3A_516 = arith.constant 0 : i32
        %scatter3A_517 = arith.constant 0 : i32
        %scatter3A_518 = tpu.memref_slice %arg7[%scan3A_246, %scatter3A_515, %scatter3A_516, %scatter3A_517] : memref<4x8x8x128xf32, #tpu.memory_space<vmem>> -> memref<1x8x8x128xf32, #tpu.memory_space<vmem>>
        %scatter3A_519 = tpu.memref_squeeze %scatter3A_518 : memref<1x8x8x128xf32, #tpu.memory_space<vmem>> -> memref<8x8x128xf32, #tpu.memory_space<vmem>>
        tpu.vector_store_idx %scatter3A_519[%shift_right_logical3A_406, %and3A_409, %add3A_514], %gather3A_456 : memref<8x8x128xf32, #tpu.memory_space<vmem>>[vector<16xi32>, vector<16xi32>, vector<16xi32>], vector<16xf32>,
        %add3A_520 = arith.constant 96 : i32
        %add3A_521 = vector.broadcast %add3A_520 : i32 to vector<16xi32>
        %add3A_522 = arith.addi %iota3A, %add3A_521 : vector<16xi32>
        %scatter3A_523 = arith.constant 0 : i32
        %scatter3A_524 = arith.constant 0 : i32
        %scatter3A_525 = arith.constant 0 : i32
        %scatter3A_526 = tpu.memref_slice %arg7[%scan3A_246, %scatter3A_523, %scatter3A_524, %scatter3A_525] : memref<4x8x8x128xf32, #tpu.memory_space<vmem>> -> memref<1x8x8x128xf32, #tpu.memory_space<vmem>>
        %scatter3A_527 = tpu.memref_squeeze %scatter3A_526 : memref<1x8x8x128xf32, #tpu.memory_space<vmem>> -> memref<8x8x128xf32, #tpu.memory_space<vmem>>
        tpu.vector_store_idx %scatter3A_527[%shift_right_logical3A_406, %and3A_409, %add3A_522], %gather3A_464 : memref<8x8x128xf32, #tpu.memory_space<vmem>>[vector<16xi32>, vector<16xi32>, vector<16xi32>], vector<16xf32>,
        %add3A_528 = arith.constant 112 : i32
        %add3A_529 = vector.broadcast %add3A_528 : i32 to vector<16xi32>
        %add3A_530 = arith.addi %iota3A, %add3A_529 : vector<16xi32>
        %scatter3A_531 = arith.constant 0 : i32
        %scatter3A_532 = arith.constant 0 : i32
        %scatter3A_533 = arith.constant 0 : i32
        %scatter3A_534 = tpu.memref_slice %arg7[%scan3A_246, %scatter3A_531, %scatter3A_532, %scatter3A_533] : memref<4x8x8x128xf32, #tpu.memory_space<vmem>> -> memref<1x8x8x128xf32, #tpu.memory_space<vmem>>
        %scatter3A_535 = tpu.memref_squeeze %scatter3A_534 : memref<1x8x8x128xf32, #tpu.memory_space<vmem>> -> memref<8x8x128xf32, #tpu.memory_space<vmem>>
        tpu.vector_store_idx %scatter3A_535[%shift_right_logical3A_406, %and3A_409, %add3A_530], %gather3A_472 : memref<8x8x128xf32, #tpu.memory_space<vmem>>[vector<16xi32>, vector<16xi32>, vector<16xi32>], vector<16xf32>,
      }
      %scan3A_251 = arith.constant 64 : i32
      %dma_start3A_252 = arith.constant 1 : i32
      %dma_start3A_253 = arith.constant 1 : i32
      %dma_start3A_254 = arith.constant 0 : i32
      %dma_start3A_255 = arith.constant 0 : i32
      %dma_start3A_256 = arith.constant 0 : i32
      %dma_start3A_257 = tpu.memref_slice %arg7[%dma_start3A_252, %dma_start3A_254, %dma_start3A_255, %dma_start3A_256] : memref<4x8x8x128xf32, #tpu.memory_space<vmem>> -> memref<1x8x8x128xf32, #tpu.memory_space<vmem>>
      %dma_start3A_258 = tpu.memref_squeeze %dma_start3A_257 : memref<1x8x8x128xf32, #tpu.memory_space<vmem>> -> memref<8x8x128xf32, #tpu.memory_space<vmem>>
      %dma_start3A_259 = arith.constant 0 : i32
      %dma_start3A_260 = arith.constant 0 : i32
      %dma_start3A_261 = arith.constant 0 : i32
      %dma_start3A_262 = tpu.memref_slice %arg4[%add3A_224, %dma_start3A_259, %add3A, %dma_start3A_260, %dma_start3A_261] : memref<200x8x32x8x128xf32, #tpu.memory_space<hbm>> -> memref<1x8x1x8x128xf32, #tpu.memory_space<hbm>>
      %dma_start3A_263 = tpu.memref_squeeze %dma_start3A_262 : memref<1x8x1x8x128xf32, #tpu.memory_space<hbm>> -> memref<8x8x128xf32, #tpu.memory_space<hbm>>
      %dma_start3A_264 = tpu.memref_slice %arg9[%dma_start3A_253] : memref<4x!tpu.dma_semaphore, #tpu.memory_space<semaphore_mem>> -> memref<1x!tpu.dma_semaphore, #tpu.memory_space<semaphore_mem>>
      %dma_start3A_265 = tpu.memref_squeeze %dma_start3A_264 : memref<1x!tpu.dma_semaphore, #tpu.memory_space<semaphore_mem>> -> memref<!tpu.dma_semaphore, #tpu.memory_space<semaphore_mem>>
      %dma_start3A_266 = arith.constant 0 : i32
      %dma_start3A_267 = arith.constant 0 : i32
      %dma_start3A_268 = arith.constant 0 : i32
      %dma_start3A_269 = tpu.memref_slice %arg4[%add3A_224, %dma_start3A_266, %add3A, %dma_start3A_267, %dma_start3A_268] : memref<200x8x32x8x128xf32, #tpu.memory_space<hbm>> -> memref<1x8x1x8x128xf32, #tpu.memory_space<hbm>>
      %dma_start3A_270 = tpu.memref_squeeze %dma_start3A_269 : memref<1x8x1x8x128xf32, #tpu.memory_space<hbm>> -> memref<8x8x128xf32, #tpu.memory_space<hbm>>
      %dma_start3A_271 = arith.constant 0 : i32
      %dma_start3A_272 = arith.constant 0 : i32
      %dma_start3A_273 = arith.constant 0 : i32
      %dma_start3A_274 = tpu.memref_slice %arg7[%dma_start3A_252, %dma_start3A_271, %dma_start3A_272, %dma_start3A_273] : memref<4x8x8x128xf32, #tpu.memory_space<vmem>> -> memref<1x8x8x128xf32, #tpu.memory_space<vmem>>
      %dma_start3A_275 = tpu.memref_squeeze %dma_start3A_274 : memref<1x8x8x128xf32, #tpu.memory_space<vmem>> -> memref<8x8x128xf32, #tpu.memory_space<vmem>>
      tpu.enqueue_dma source(%dma_start3A_275 : memref<8x8x128xf32, #tpu.memory_space<vmem>>) target(%dma_start3A_270 : memref<8x8x128xf32, #tpu.memory_space<hbm>>) target_semaphore(%dma_start3A_265 : memref<!tpu.dma_semaphore, #tpu.memory_space<semaphore_mem>>)
      %lt3A = arith.constant 49 : i32
      %lt3A_276 = arith.cmpi slt, %scan3A_151, %lt3A : i32
      %convert_element_type3A_277 = arith.extui %lt3A_276 : i1 to i32
      %cond3A_278 = arith.constant 0 : i32
      %cond3A_279 = arith.cmpi ne, %convert_element_type3A_277, %cond3A_278 : i32
      scf.if %cond3A_279 {
        %add3A_400 = arith.constant 4 : i32
        %add3A_401 = arith.addi %add3A_224, %add3A_400 : i32
        %sub3A_402 = arith.constant 1 : i32
        %sub3A_403 = arith.subi %add3A_401, %sub3A_402 : i32
        %dma_start3A_404 = arith.constant 0 : i32
        %dma_start3A_405 = arith.constant 0 : i32
        %dma_start3A_406 = arith.constant 0 : i32
        %dma_start3A_407 = arith.constant 0 : i32
        %dma_start3A_408 = tpu.memref_slice %arg6[%dma_start3A_404, %dma_start3A_406, %dma_start3A_407] : memref<4x128x64xf32, #tpu.memory_space<vmem>> -> memref<1x128x64xf32, #tpu.memory_space<vmem>>
        %dma_start3A_409 = tpu.memref_squeeze %dma_start3A_408 : memref<1x128x64xf32, #tpu.memory_space<vmem>> -> memref<128x64xf32, #tpu.memory_space<vmem>>
        %dma_start3A_410 = arith.constant 0 : i32
        %dma_start3A_411 = tpu.memref_slice %arg5[%sub3A_403, %dma_start3A_410] : memref<200x128xi32, #tpu.memory_space<vmem>> -> memref<1x128xi32, #tpu.memory_space<vmem>>
        %dma_start3A_412 = tpu.memref_squeeze %dma_start3A_411 : memref<1x128xi32, #tpu.memory_space<vmem>> -> memref<128xi32, #tpu.memory_space<vmem>>
        %dma_start3A_413 = arith.constant 0 : i32
        %dma_start3A_414 = arith.constant 0 : i32
        %dma_start3A_415 = tpu.memref_slice %arg3[%dma_start3A_413, %dma_start3A_414] : memref<1000000x64xf32, #tpu.memory_space<hbm>> -> memref<1000000x64xf32, #tpu.memory_space<hbm>>
        %dma_start3A_416 = tpu.memref_slice %arg8[%dma_start3A_405] : memref<4x!tpu.dma_semaphore, #tpu.memory_space<semaphore_mem>> -> memref<1x!tpu.dma_semaphore, #tpu.memory_space<semaphore_mem>>
        %dma_start3A_417 = tpu.memref_squeeze %dma_start3A_416 : memref<1x!tpu.dma_semaphore, #tpu.memory_space<semaphore_mem>> -> memref<!tpu.dma_semaphore, #tpu.memory_space<semaphore_mem>>
        tpu.enqueue_indirect_dma source(%dma_start3A_415 : memref<1000000x64xf32, #tpu.memory_space<hbm>>) target(%dma_start3A_409 : memref<128x64xf32, #tpu.memory_space<vmem>>) offsets(%dma_start3A_412 : memref<128xi32, #tpu.memory_space<vmem>>) semaphore(%dma_start3A_417 : memref<!tpu.dma_semaphore, #tpu.memory_space<semaphore_mem>>)
      } else {
      }
      %mul3A_280 = arith.constant 4 : i32
      %mul3A_281 = arith.muli %mul3A_280, %scan3A_151 : i32
      %add3A_282 = arith.constant 2 : i32
      %add3A_283 = arith.addi %mul3A_281, %add3A_282 : i32
      %gt3A_284 = arith.constant 0 : i32
      %gt3A_285 = arith.cmpi sgt, %scan3A_151, %gt3A_284 : i32
      %convert_element_type3A_286 = arith.extui %gt3A_285 : i1 to i32
      %cond3A_287 = arith.constant 0 : i32
      %cond3A_288 = arith.cmpi ne, %convert_element_type3A_286, %cond3A_287 : i32
      scf.if %cond3A_288 {
        %sub3A_400 = arith.constant 4 : i32
        %sub3A_401 = arith.subi %add3A_283, %sub3A_400 : i32
        %dma_wait3A_402 = arith.constant 2 : i32
        %dma_wait3A_403 = arith.constant 2 : i32
        %dma_wait3A_404 = arith.constant 0 : i32
        %dma_wait3A_405 = arith.constant 0 : i32
        %dma_wait3A_406 = arith.constant 0 : i32
        %dma_wait3A_407 = tpu.memref_slice %arg7[%dma_wait3A_402, %dma_wait3A_404, %dma_wait3A_405, %dma_wait3A_406] : memref<4x8x8x128xf32, #tpu.memory_space<vmem>> -> memref<1x8x8x128xf32, #tpu.memory_space<vmem>>
        %dma_wait3A_408 = tpu.memref_squeeze %dma_wait3A_407 : memref<1x8x8x128xf32, #tpu.memory_space<vmem>> -> memref<8x8x128xf32, #tpu.memory_space<vmem>>
        %dma_wait3A_409 = arith.constant 0 : i32
        %dma_wait3A_410 = arith.constant 0 : i32
        %dma_wait3A_411 = arith.constant 0 : i32
        %dma_wait3A_412 = tpu.memref_slice %arg4[%sub3A_401, %dma_wait3A_409, %add3A, %dma_wait3A_410, %dma_wait3A_411] : memref<200x8x32x8x128xf32, #tpu.memory_space<hbm>> -> memref<1x8x1x8x128xf32, #tpu.memory_space<hbm>>
        %dma_wait3A_413 = tpu.memref_squeeze %dma_wait3A_412 : memref<1x8x1x8x128xf32, #tpu.memory_space<hbm>> -> memref<8x8x128xf32, #tpu.memory_space<hbm>>
        %dma_wait3A_414 = tpu.memref_slice %arg9[%dma_wait3A_403] : memref<4x!tpu.dma_semaphore, #tpu.memory_space<semaphore_mem>> -> memref<1x!tpu.dma_semaphore, #tpu.memory_space<semaphore_mem>>
        %dma_wait3A_415 = tpu.memref_squeeze %dma_wait3A_414 : memref<1x!tpu.dma_semaphore, #tpu.memory_space<semaphore_mem>> -> memref<!tpu.dma_semaphore, #tpu.memory_space<semaphore_mem>>
        %dma_wait3A_416 = arith.constant 0 : i32
        %dma_wait3A_417 = arith.constant 0 : i32
        %dma_wait3A_418 = arith.constant 0 : i32
        %dma_wait3A_419 = tpu.memref_slice %arg4[%sub3A_401, %dma_wait3A_416, %add3A, %dma_wait3A_417, %dma_wait3A_418] : memref<200x8x32x8x128xf32, #tpu.memory_space<hbm>> -> memref<1x8x1x8x128xf32, #tpu.memory_space<hbm>>
        %dma_wait3A_420 = tpu.memref_squeeze %dma_wait3A_419 : memref<1x8x1x8x128xf32, #tpu.memory_space<hbm>> -> memref<8x8x128xf32, #tpu.memory_space<hbm>>
        %dma_wait3A_421 = arith.constant 0 : i32
        %dma_wait3A_422 = arith.constant 0 : i32
        %dma_wait3A_423 = arith.constant 0 : i32
        %dma_wait3A_424 = tpu.memref_slice %arg7[%dma_wait3A_402, %dma_wait3A_421, %dma_wait3A_422, %dma_wait3A_423] : memref<4x8x8x128xf32, #tpu.memory_space<vmem>> -> memref<1x8x8x128xf32, #tpu.memory_space<vmem>>
        %dma_wait3A_425 = tpu.memref_squeeze %dma_wait3A_424 : memref<1x8x8x128xf32, #tpu.memory_space<vmem>> -> memref<8x8x128xf32, #tpu.memory_space<vmem>>
        tpu.wait_dma2 semaphore(%dma_wait3A_415 : memref<!tpu.dma_semaphore, #tpu.memory_space<semaphore_mem>>) src(%dma_wait3A_425 : memref<8x8x128xf32, #tpu.memory_space<vmem>>) dst(%dma_wait3A_420 : memref<8x8x128xf32, #tpu.memory_space<hbm>>)
      } else {
      }
      %dma_wait3A_289 = arith.constant 2 : i32
      %dma_wait3A_290 = arith.constant 2 : i32
      %dma_wait3A_291 = arith.constant 0 : i32
      %dma_wait3A_292 = arith.constant 0 : i32
      %dma_wait3A_293 = tpu.memref_slice %arg6[%dma_wait3A_289, %dma_wait3A_291, %dma_wait3A_292] : memref<4x128x64xf32, #tpu.memory_space<vmem>> -> memref<1x128x64xf32, #tpu.memory_space<vmem>>
      %dma_wait3A_294 = tpu.memref_squeeze %dma_wait3A_293 : memref<1x128x64xf32, #tpu.memory_space<vmem>> -> memref<128x64xf32, #tpu.memory_space<vmem>>
      %dma_wait3A_295 = arith.constant 0 : i32
      %dma_wait3A_296 = tpu.memref_slice %arg5[%add3A_283, %dma_wait3A_295] : memref<200x128xi32, #tpu.memory_space<vmem>> -> memref<1x128xi32, #tpu.memory_space<vmem>>
      %dma_wait3A_297 = tpu.memref_squeeze %dma_wait3A_296 : memref<1x128xi32, #tpu.memory_space<vmem>> -> memref<128xi32, #tpu.memory_space<vmem>>
      %dma_wait3A_298 = arith.constant 0 : i32
      %dma_wait3A_299 = arith.constant 0 : i32
      %dma_wait3A_300 = tpu.memref_slice %arg3[%dma_wait3A_298, %dma_wait3A_299] : memref<1000000x64xf32, #tpu.memory_space<hbm>> -> memref<1000000x64xf32, #tpu.memory_space<hbm>>
      %dma_wait3A_301 = tpu.memref_slice %arg8[%dma_wait3A_290] : memref<4x!tpu.dma_semaphore, #tpu.memory_space<semaphore_mem>> -> memref<1x!tpu.dma_semaphore, #tpu.memory_space<semaphore_mem>>
      %dma_wait3A_302 = tpu.memref_squeeze %dma_wait3A_301 : memref<1x!tpu.dma_semaphore, #tpu.memory_space<semaphore_mem>> -> memref<!tpu.dma_semaphore, #tpu.memory_space<semaphore_mem>>
      tpu.wait_indirect_dma semaphore(%dma_wait3A_302 : memref<!tpu.dma_semaphore, #tpu.memory_space<semaphore_mem>>) src(%dma_wait3A_300 : memref<1000000x64xf32, #tpu.memory_space<hbm>>) dst(%dma_wait3A_294 : memref<128x64xf32, #tpu.memory_space<vmem>>)
      %scan3A_303 = arith.constant 0 : i32
      %scan3A_304 = arith.constant 2 : i32
      %scan3A_305 = arith.constant 2 : i32
      %scan3A_306 = arith.constant 0 : i32
      %scan3A_307 = arith.constant 64 : i32
      %scan3A_308 = arith.addi %scan3A_306, %scan3A_307 : i32
      %scan3A_309 = arith.constant 1 : i32
      scf.for %scan3A_400 = %scan3A_306 to %scan3A_308 step %scan3A_309  : i32 {
        %add3A_401 = vector.broadcast %scan3A_400 : i32 to vector<16xi32>
        %add3A_402 = arith.addi %add3A_401, %iota3A : vector<16xi32>
        %and3A = arith.constant 63 : i32
        %and3A_403 = vector.broadcast %and3A : i32 to vector<16xi32>
        %and3A_404 = arith.andi %add3A_402, %and3A_403 : vector<16xi32>
        %shift_right_logical3A = arith.constant 3 : i32
        %shift_right_logical3A_405 = vector.broadcast %shift_right_logical3A : i32 to vector<16xi32>
        %shift_right_logical3A_406 = arith.shrui %and3A_404, %shift_right_logical3A_405 : vector<16xi32>
        %and3A_407 = arith.constant 7 : i32
        %and3A_408 = vector.broadcast %and3A_407 : i32 to vector<16xi32>
        %and3A_409 = arith.andi %and3A_404, %and3A_408 : vector<16xi32>
        %add3A_410 = arith.constant 0 : i32
        %add3A_411 = vector.broadcast %add3A_410 : i32 to vector<16xi32>
        %add3A_412 = arith.addi %iota3A, %add3A_411 : vector<16xi32>
        %gather3A = arith.constant 0 : i32
        %gather3A_413 = arith.constant 0 : i32
        %gather3A_414 = tpu.memref_slice %arg6[%scan3A_304, %gather3A, %gather3A_413] : memref<4x128x64xf32, #tpu.memory_space<vmem>> -> memref<1x128x64xf32, #tpu.memory_space<vmem>>
        %gather3A_415 = tpu.memref_squeeze %gather3A_414 : memref<1x128x64xf32, #tpu.memory_space<vmem>> -> memref<128x64xf32, #tpu.memory_space<vmem>>
        %gather3A_416 = tpu.vector_load_idx %gather3A_415[%add3A_412, %and3A_404] : memref<128x64xf32, #tpu.memory_space<vmem>>[vector<16xi32>, vector<16xi32>], vector<16xf32>,
        %add3A_417 = arith.constant 16 : i32
        %add3A_418 = vector.broadcast %add3A_417 : i32 to vector<16xi32>
        %add3A_419 = arith.addi %iota3A, %add3A_418 : vector<16xi32>
        %gather3A_420 = arith.constant 0 : i32
        %gather3A_421 = arith.constant 0 : i32
        %gather3A_422 = tpu.memref_slice %arg6[%scan3A_304, %gather3A_420, %gather3A_421] : memref<4x128x64xf32, #tpu.memory_space<vmem>> -> memref<1x128x64xf32, #tpu.memory_space<vmem>>
        %gather3A_423 = tpu.memref_squeeze %gather3A_422 : memref<1x128x64xf32, #tpu.memory_space<vmem>> -> memref<128x64xf32, #tpu.memory_space<vmem>>
        %gather3A_424 = tpu.vector_load_idx %gather3A_423[%add3A_419, %and3A_404] : memref<128x64xf32, #tpu.memory_space<vmem>>[vector<16xi32>, vector<16xi32>], vector<16xf32>,
        %add3A_425 = arith.constant 32 : i32
        %add3A_426 = vector.broadcast %add3A_425 : i32 to vector<16xi32>
        %add3A_427 = arith.addi %iota3A, %add3A_426 : vector<16xi32>
        %gather3A_428 = arith.constant 0 : i32
        %gather3A_429 = arith.constant 0 : i32
        %gather3A_430 = tpu.memref_slice %arg6[%scan3A_304, %gather3A_428, %gather3A_429] : memref<4x128x64xf32, #tpu.memory_space<vmem>> -> memref<1x128x64xf32, #tpu.memory_space<vmem>>
        %gather3A_431 = tpu.memref_squeeze %gather3A_430 : memref<1x128x64xf32, #tpu.memory_space<vmem>> -> memref<128x64xf32, #tpu.memory_space<vmem>>
        %gather3A_432 = tpu.vector_load_idx %gather3A_431[%add3A_427, %and3A_404] : memref<128x64xf32, #tpu.memory_space<vmem>>[vector<16xi32>, vector<16xi32>], vector<16xf32>,
        %add3A_433 = arith.constant 48 : i32
        %add3A_434 = vector.broadcast %add3A_433 : i32 to vector<16xi32>
        %add3A_435 = arith.addi %iota3A, %add3A_434 : vector<16xi32>
        %gather3A_436 = arith.constant 0 : i32
        %gather3A_437 = arith.constant 0 : i32
        %gather3A_438 = tpu.memref_slice %arg6[%scan3A_304, %gather3A_436, %gather3A_437] : memref<4x128x64xf32, #tpu.memory_space<vmem>> -> memref<1x128x64xf32, #tpu.memory_space<vmem>>
        %gather3A_439 = tpu.memref_squeeze %gather3A_438 : memref<1x128x64xf32, #tpu.memory_space<vmem>> -> memref<128x64xf32, #tpu.memory_space<vmem>>
        %gather3A_440 = tpu.vector_load_idx %gather3A_439[%add3A_435, %and3A_404] : memref<128x64xf32, #tpu.memory_space<vmem>>[vector<16xi32>, vector<16xi32>], vector<16xf32>,
        %add3A_441 = arith.constant 64 : i32
        %add3A_442 = vector.broadcast %add3A_441 : i32 to vector<16xi32>
        %add3A_443 = arith.addi %iota3A, %add3A_442 : vector<16xi32>
        %gather3A_444 = arith.constant 0 : i32
        %gather3A_445 = arith.constant 0 : i32
        %gather3A_446 = tpu.memref_slice %arg6[%scan3A_304, %gather3A_444, %gather3A_445] : memref<4x128x64xf32, #tpu.memory_space<vmem>> -> memref<1x128x64xf32, #tpu.memory_space<vmem>>
        %gather3A_447 = tpu.memref_squeeze %gather3A_446 : memref<1x128x64xf32, #tpu.memory_space<vmem>> -> memref<128x64xf32, #tpu.memory_space<vmem>>
        %gather3A_448 = tpu.vector_load_idx %gather3A_447[%add3A_443, %and3A_404] : memref<128x64xf32, #tpu.memory_space<vmem>>[vector<16xi32>, vector<16xi32>], vector<16xf32>,
        %add3A_449 = arith.constant 80 : i32
        %add3A_450 = vector.broadcast %add3A_449 : i32 to vector<16xi32>
        %add3A_451 = arith.addi %iota3A, %add3A_450 : vector<16xi32>
        %gather3A_452 = arith.constant 0 : i32
        %gather3A_453 = arith.constant 0 : i32
        %gather3A_454 = tpu.memref_slice %arg6[%scan3A_304, %gather3A_452, %gather3A_453] : memref<4x128x64xf32, #tpu.memory_space<vmem>> -> memref<1x128x64xf32, #tpu.memory_space<vmem>>
        %gather3A_455 = tpu.memref_squeeze %gather3A_454 : memref<1x128x64xf32, #tpu.memory_space<vmem>> -> memref<128x64xf32, #tpu.memory_space<vmem>>
        %gather3A_456 = tpu.vector_load_idx %gather3A_455[%add3A_451, %and3A_404] : memref<128x64xf32, #tpu.memory_space<vmem>>[vector<16xi32>, vector<16xi32>], vector<16xf32>,
        %add3A_457 = arith.constant 96 : i32
        %add3A_458 = vector.broadcast %add3A_457 : i32 to vector<16xi32>
        %add3A_459 = arith.addi %iota3A, %add3A_458 : vector<16xi32>
        %gather3A_460 = arith.constant 0 : i32
        %gather3A_461 = arith.constant 0 : i32
        %gather3A_462 = tpu.memref_slice %arg6[%scan3A_304, %gather3A_460, %gather3A_461] : memref<4x128x64xf32, #tpu.memory_space<vmem>> -> memref<1x128x64xf32, #tpu.memory_space<vmem>>
        %gather3A_463 = tpu.memref_squeeze %gather3A_462 : memref<1x128x64xf32, #tpu.memory_space<vmem>> -> memref<128x64xf32, #tpu.memory_space<vmem>>
        %gather3A_464 = tpu.vector_load_idx %gather3A_463[%add3A_459, %and3A_404] : memref<128x64xf32, #tpu.memory_space<vmem>>[vector<16xi32>, vector<16xi32>], vector<16xf32>,
        %add3A_465 = arith.constant 112 : i32
        %add3A_466 = vector.broadcast %add3A_465 : i32 to vector<16xi32>
        %add3A_467 = arith.addi %iota3A, %add3A_466 : vector<16xi32>
        %gather3A_468 = arith.constant 0 : i32
        %gather3A_469 = arith.constant 0 : i32
        %gather3A_470 = tpu.memref_slice %arg6[%scan3A_304, %gather3A_468, %gather3A_469] : memref<4x128x64xf32, #tpu.memory_space<vmem>> -> memref<1x128x64xf32, #tpu.memory_space<vmem>>
        %gather3A_471 = tpu.memref_squeeze %gather3A_470 : memref<1x128x64xf32, #tpu.memory_space<vmem>> -> memref<128x64xf32, #tpu.memory_space<vmem>>
        %gather3A_472 = tpu.vector_load_idx %gather3A_471[%add3A_467, %and3A_404] : memref<128x64xf32, #tpu.memory_space<vmem>>[vector<16xi32>, vector<16xi32>], vector<16xf32>,
        %add3A_473 = arith.constant 0 : i32
        %add3A_474 = vector.broadcast %add3A_473 : i32 to vector<16xi32>
        %add3A_475 = arith.addi %iota3A, %add3A_474 : vector<16xi32>
        %scatter3A = arith.constant 0 : i32
        %scatter3A_476 = arith.constant 0 : i32
        %scatter3A_477 = arith.constant 0 : i32
        %scatter3A_478 = tpu.memref_slice %arg7[%scan3A_305, %scatter3A, %scatter3A_476, %scatter3A_477] : memref<4x8x8x128xf32, #tpu.memory_space<vmem>> -> memref<1x8x8x128xf32, #tpu.memory_space<vmem>>
        %scatter3A_479 = tpu.memref_squeeze %scatter3A_478 : memref<1x8x8x128xf32, #tpu.memory_space<vmem>> -> memref<8x8x128xf32, #tpu.memory_space<vmem>>
        tpu.vector_store_idx %scatter3A_479[%shift_right_logical3A_406, %and3A_409, %add3A_475], %gather3A_416 : memref<8x8x128xf32, #tpu.memory_space<vmem>>[vector<16xi32>, vector<16xi32>, vector<16xi32>], vector<16xf32>,
        %add3A_480 = arith.constant 16 : i32
        %add3A_481 = vector.broadcast %add3A_480 : i32 to vector<16xi32>
        %add3A_482 = arith.addi %iota3A, %add3A_481 : vector<16xi32>
        %scatter3A_483 = arith.constant 0 : i32
        %scatter3A_484 = arith.constant 0 : i32
        %scatter3A_485 = arith.constant 0 : i32
        %scatter3A_486 = tpu.memref_slice %arg7[%scan3A_305, %scatter3A_483, %scatter3A_484, %scatter3A_485] : memref<4x8x8x128xf32, #tpu.memory_space<vmem>> -> memref<1x8x8x128xf32, #tpu.memory_space<vmem>>
        %scatter3A_487 = tpu.memref_squeeze %scatter3A_486 : memref<1x8x8x128xf32, #tpu.memory_space<vmem>> -> memref<8x8x128xf32, #tpu.memory_space<vmem>>
        tpu.vector_store_idx %scatter3A_487[%shift_right_logical3A_406, %and3A_409, %add3A_482], %gather3A_424 : memref<8x8x128xf32, #tpu.memory_space<vmem>>[vector<16xi32>, vector<16xi32>, vector<16xi32>], vector<16xf32>,
        %add3A_488 = arith.constant 32 : i32
        %add3A_489 = vector.broadcast %add3A_488 : i32 to vector<16xi32>
        %add3A_490 = arith.addi %iota3A, %add3A_489 : vector<16xi32>
        %scatter3A_491 = arith.constant 0 : i32
        %scatter3A_492 = arith.constant 0 : i32
        %scatter3A_493 = arith.constant 0 : i32
        %scatter3A_494 = tpu.memref_slice %arg7[%scan3A_305, %scatter3A_491, %scatter3A_492, %scatter3A_493] : memref<4x8x8x128xf32, #tpu.memory_space<vmem>> -> memref<1x8x8x128xf32, #tpu.memory_space<vmem>>
        %scatter3A_495 = tpu.memref_squeeze %scatter3A_494 : memref<1x8x8x128xf32, #tpu.memory_space<vmem>> -> memref<8x8x128xf32, #tpu.memory_space<vmem>>
        tpu.vector_store_idx %scatter3A_495[%shift_right_logical3A_406, %and3A_409, %add3A_490], %gather3A_432 : memref<8x8x128xf32, #tpu.memory_space<vmem>>[vector<16xi32>, vector<16xi32>, vector<16xi32>], vector<16xf32>,
        %add3A_496 = arith.constant 48 : i32
        %add3A_497 = vector.broadcast %add3A_496 : i32 to vector<16xi32>
        %add3A_498 = arith.addi %iota3A, %add3A_497 : vector<16xi32>
        %scatter3A_499 = arith.constant 0 : i32
        %scatter3A_500 = arith.constant 0 : i32
        %scatter3A_501 = arith.constant 0 : i32
        %scatter3A_502 = tpu.memref_slice %arg7[%scan3A_305, %scatter3A_499, %scatter3A_500, %scatter3A_501] : memref<4x8x8x128xf32, #tpu.memory_space<vmem>> -> memref<1x8x8x128xf32, #tpu.memory_space<vmem>>
        %scatter3A_503 = tpu.memref_squeeze %scatter3A_502 : memref<1x8x8x128xf32, #tpu.memory_space<vmem>> -> memref<8x8x128xf32, #tpu.memory_space<vmem>>
        tpu.vector_store_idx %scatter3A_503[%shift_right_logical3A_406, %and3A_409, %add3A_498], %gather3A_440 : memref<8x8x128xf32, #tpu.memory_space<vmem>>[vector<16xi32>, vector<16xi32>, vector<16xi32>], vector<16xf32>,
        %add3A_504 = arith.constant 64 : i32
        %add3A_505 = vector.broadcast %add3A_504 : i32 to vector<16xi32>
        %add3A_506 = arith.addi %iota3A, %add3A_505 : vector<16xi32>
        %scatter3A_507 = arith.constant 0 : i32
        %scatter3A_508 = arith.constant 0 : i32
        %scatter3A_509 = arith.constant 0 : i32
        %scatter3A_510 = tpu.memref_slice %arg7[%scan3A_305, %scatter3A_507, %scatter3A_508, %scatter3A_509] : memref<4x8x8x128xf32, #tpu.memory_space<vmem>> -> memref<1x8x8x128xf32, #tpu.memory_space<vmem>>
        %scatter3A_511 = tpu.memref_squeeze %scatter3A_510 : memref<1x8x8x128xf32, #tpu.memory_space<vmem>> -> memref<8x8x128xf32, #tpu.memory_space<vmem>>
        tpu.vector_store_idx %scatter3A_511[%shift_right_logical3A_406, %and3A_409, %add3A_506], %gather3A_448 : memref<8x8x128xf32, #tpu.memory_space<vmem>>[vector<16xi32>, vector<16xi32>, vector<16xi32>], vector<16xf32>,
        %add3A_512 = arith.constant 80 : i32
        %add3A_513 = vector.broadcast %add3A_512 : i32 to vector<16xi32>
        %add3A_514 = arith.addi %iota3A, %add3A_513 : vector<16xi32>
        %scatter3A_515 = arith.constant 0 : i32
        %scatter3A_516 = arith.constant 0 : i32
        %scatter3A_517 = arith.constant 0 : i32
        %scatter3A_518 = tpu.memref_slice %arg7[%scan3A_305, %scatter3A_515, %scatter3A_516, %scatter3A_517] : memref<4x8x8x128xf32, #tpu.memory_space<vmem>> -> memref<1x8x8x128xf32, #tpu.memory_space<vmem>>
        %scatter3A_519 = tpu.memref_squeeze %scatter3A_518 : memref<1x8x8x128xf32, #tpu.memory_space<vmem>> -> memref<8x8x128xf32, #tpu.memory_space<vmem>>
        tpu.vector_store_idx %scatter3A_519[%shift_right_logical3A_406, %and3A_409, %add3A_514], %gather3A_456 : memref<8x8x128xf32, #tpu.memory_space<vmem>>[vector<16xi32>, vector<16xi32>, vector<16xi32>], vector<16xf32>,
        %add3A_520 = arith.constant 96 : i32
        %add3A_521 = vector.broadcast %add3A_520 : i32 to vector<16xi32>
        %add3A_522 = arith.addi %iota3A, %add3A_521 : vector<16xi32>
        %scatter3A_523 = arith.constant 0 : i32
        %scatter3A_524 = arith.constant 0 : i32
        %scatter3A_525 = arith.constant 0 : i32
        %scatter3A_526 = tpu.memref_slice %arg7[%scan3A_305, %scatter3A_523, %scatter3A_524, %scatter3A_525] : memref<4x8x8x128xf32, #tpu.memory_space<vmem>> -> memref<1x8x8x128xf32, #tpu.memory_space<vmem>>
        %scatter3A_527 = tpu.memref_squeeze %scatter3A_526 : memref<1x8x8x128xf32, #tpu.memory_space<vmem>> -> memref<8x8x128xf32, #tpu.memory_space<vmem>>
        tpu.vector_store_idx %scatter3A_527[%shift_right_logical3A_406, %and3A_409, %add3A_522], %gather3A_464 : memref<8x8x128xf32, #tpu.memory_space<vmem>>[vector<16xi32>, vector<16xi32>, vector<16xi32>], vector<16xf32>,
        %add3A_528 = arith.constant 112 : i32
        %add3A_529 = vector.broadcast %add3A_528 : i32 to vector<16xi32>
        %add3A_530 = arith.addi %iota3A, %add3A_529 : vector<16xi32>
        %scatter3A_531 = arith.constant 0 : i32
        %scatter3A_532 = arith.constant 0 : i32
        %scatter3A_533 = arith.constant 0 : i32
        %scatter3A_534 = tpu.memref_slice %arg7[%scan3A_305, %scatter3A_531, %scatter3A_532, %scatter3A_533] : memref<4x8x8x128xf32, #tpu.memory_space<vmem>> -> memref<1x8x8x128xf32, #tpu.memory_space<vmem>>
        %scatter3A_535 = tpu.memref_squeeze %scatter3A_534 : memref<1x8x8x128xf32, #tpu.memory_space<vmem>> -> memref<8x8x128xf32, #tpu.memory_space<vmem>>
        tpu.vector_store_idx %scatter3A_535[%shift_right_logical3A_406, %and3A_409, %add3A_530], %gather3A_472 : memref<8x8x128xf32, #tpu.memory_space<vmem>>[vector<16xi32>, vector<16xi32>, vector<16xi32>], vector<16xf32>,
      }
      %scan3A_310 = arith.constant 64 : i32
      %dma_start3A_311 = arith.constant 2 : i32
      %dma_start3A_312 = arith.constant 2 : i32
      %dma_start3A_313 = arith.constant 0 : i32
      %dma_start3A_314 = arith.constant 0 : i32
      %dma_start3A_315 = arith.constant 0 : i32
      %dma_start3A_316 = tpu.memref_slice %arg7[%dma_start3A_311, %dma_start3A_313, %dma_start3A_314, %dma_start3A_315] : memref<4x8x8x128xf32, #tpu.memory_space<vmem>> -> memref<1x8x8x128xf32, #tpu.memory_space<vmem>>
      %dma_start3A_317 = tpu.memref_squeeze %dma_start3A_316 : memref<1x8x8x128xf32, #tpu.memory_space<vmem>> -> memref<8x8x128xf32, #tpu.memory_space<vmem>>
      %dma_start3A_318 = arith.constant 0 : i32
      %dma_start3A_319 = arith.constant 0 : i32
      %dma_start3A_320 = arith.constant 0 : i32
      %dma_start3A_321 = tpu.memref_slice %arg4[%add3A_283, %dma_start3A_318, %add3A, %dma_start3A_319, %dma_start3A_320] : memref<200x8x32x8x128xf32, #tpu.memory_space<hbm>> -> memref<1x8x1x8x128xf32, #tpu.memory_space<hbm>>
      %dma_start3A_322 = tpu.memref_squeeze %dma_start3A_321 : memref<1x8x1x8x128xf32, #tpu.memory_space<hbm>> -> memref<8x8x128xf32, #tpu.memory_space<hbm>>
      %dma_start3A_323 = tpu.memref_slice %arg9[%dma_start3A_312] : memref<4x!tpu.dma_semaphore, #tpu.memory_space<semaphore_mem>> -> memref<1x!tpu.dma_semaphore, #tpu.memory_space<semaphore_mem>>
      %dma_start3A_324 = tpu.memref_squeeze %dma_start3A_323 : memref<1x!tpu.dma_semaphore, #tpu.memory_space<semaphore_mem>> -> memref<!tpu.dma_semaphore, #tpu.memory_space<semaphore_mem>>
      %dma_start3A_325 = arith.constant 0 : i32
      %dma_start3A_326 = arith.constant 0 : i32
      %dma_start3A_327 = arith.constant 0 : i32
      %dma_start3A_328 = tpu.memref_slice %arg4[%add3A_283, %dma_start3A_325, %add3A, %dma_start3A_326, %dma_start3A_327] : memref<200x8x32x8x128xf32, #tpu.memory_space<hbm>> -> memref<1x8x1x8x128xf32, #tpu.memory_space<hbm>>
      %dma_start3A_329 = tpu.memref_squeeze %dma_start3A_328 : memref<1x8x1x8x128xf32, #tpu.memory_space<hbm>> -> memref<8x8x128xf32, #tpu.memory_space<hbm>>
      %dma_start3A_330 = arith.constant 0 : i32
      %dma_start3A_331 = arith.constant 0 : i32
      %dma_start3A_332 = arith.constant 0 : i32
      %dma_start3A_333 = tpu.memref_slice %arg7[%dma_start3A_311, %dma_start3A_330, %dma_start3A_331, %dma_start3A_332] : memref<4x8x8x128xf32, #tpu.memory_space<vmem>> -> memref<1x8x8x128xf32, #tpu.memory_space<vmem>>
      %dma_start3A_334 = tpu.memref_squeeze %dma_start3A_333 : memref<1x8x8x128xf32, #tpu.memory_space<vmem>> -> memref<8x8x128xf32, #tpu.memory_space<vmem>>
      tpu.enqueue_dma source(%dma_start3A_334 : memref<8x8x128xf32, #tpu.memory_space<vmem>>) target(%dma_start3A_329 : memref<8x8x128xf32, #tpu.memory_space<hbm>>) target_semaphore(%dma_start3A_324 : memref<!tpu.dma_semaphore, #tpu.memory_space<semaphore_mem>>)
      %lt3A_335 = arith.constant 49 : i32
      %lt3A_336 = arith.cmpi slt, %scan3A_151, %lt3A_335 : i32
      %convert_element_type3A_337 = arith.extui %lt3A_336 : i1 to i32
      %cond3A_338 = arith.constant 0 : i32
      %cond3A_339 = arith.cmpi ne, %convert_element_type3A_337, %cond3A_338 : i32
      scf.if %cond3A_339 {
        %add3A_400 = arith.constant 4 : i32
        %add3A_401 = arith.addi %add3A_283, %add3A_400 : i32
        %sub3A_402 = arith.constant 1 : i32
        %sub3A_403 = arith.subi %add3A_401, %sub3A_402 : i32
        %dma_start3A_404 = arith.constant 1 : i32
        %dma_start3A_405 = arith.constant 1 : i32
        %dma_start3A_406 = arith.constant 0 : i32
        %dma_start3A_407 = arith.constant 0 : i32
        %dma_start3A_408 = tpu.memref_slice %arg6[%dma_start3A_404, %dma_start3A_406, %dma_start3A_407] : memref<4x128x64xf32, #tpu.memory_space<vmem>> -> memref<1x128x64xf32, #tpu.memory_space<vmem>>
        %dma_start3A_409 = tpu.memref_squeeze %dma_start3A_408 : memref<1x128x64xf32, #tpu.memory_space<vmem>> -> memref<128x64xf32, #tpu.memory_space<vmem>>
        %dma_start3A_410 = arith.constant 0 : i32
        %dma_start3A_411 = tpu.memref_slice %arg5[%sub3A_403, %dma_start3A_410] : memref<200x128xi32, #tpu.memory_space<vmem>> -> memref<1x128xi32, #tpu.memory_space<vmem>>
        %dma_start3A_412 = tpu.memref_squeeze %dma_start3A_411 : memref<1x128xi32, #tpu.memory_space<vmem>> -> memref<128xi32, #tpu.memory_space<vmem>>
        %dma_start3A_413 = arith.constant 0 : i32
        %dma_start3A_414 = arith.constant 0 : i32
        %dma_start3A_415 = tpu.memref_slice %arg3[%dma_start3A_413, %dma_start3A_414] : memref<1000000x64xf32, #tpu.memory_space<hbm>> -> memref<1000000x64xf32, #tpu.memory_space<hbm>>
        %dma_start3A_416 = tpu.memref_slice %arg8[%dma_start3A_405] : memref<4x!tpu.dma_semaphore, #tpu.memory_space<semaphore_mem>> -> memref<1x!tpu.dma_semaphore, #tpu.memory_space<semaphore_mem>>
        %dma_start3A_417 = tpu.memref_squeeze %dma_start3A_416 : memref<1x!tpu.dma_semaphore, #tpu.memory_space<semaphore_mem>> -> memref<!tpu.dma_semaphore, #tpu.memory_space<semaphore_mem>>
        tpu.enqueue_indirect_dma source(%dma_start3A_415 : memref<1000000x64xf32, #tpu.memory_space<hbm>>) target(%dma_start3A_409 : memref<128x64xf32, #tpu.memory_space<vmem>>) offsets(%dma_start3A_412 : memref<128xi32, #tpu.memory_space<vmem>>) semaphore(%dma_start3A_417 : memref<!tpu.dma_semaphore, #tpu.memory_space<semaphore_mem>>)
      } else {
      }
      %mul3A_340 = arith.constant 4 : i32
      %mul3A_341 = arith.muli %mul3A_340, %scan3A_151 : i32
      %add3A_342 = arith.constant 3 : i32
      %add3A_343 = arith.addi %mul3A_341, %add3A_342 : i32
      %gt3A_344 = arith.constant 0 : i32
      %gt3A_345 = arith.cmpi sgt, %scan3A_151, %gt3A_344 : i32
      %convert_element_type3A_346 = arith.extui %gt3A_345 : i1 to i32
      %cond3A_347 = arith.constant 0 : i32
      %cond3A_348 = arith.cmpi ne, %convert_element_type3A_346, %cond3A_347 : i32
      scf.if %cond3A_348 {
        %sub3A_400 = arith.constant 4 : i32
        %sub3A_401 = arith.subi %add3A_343, %sub3A_400 : i32
        %dma_wait3A_402 = arith.constant 3 : i32
        %dma_wait3A_403 = arith.constant 3 : i32
        %dma_wait3A_404 = arith.constant 0 : i32
        %dma_wait3A_405 = arith.constant 0 : i32
        %dma_wait3A_406 = arith.constant 0 : i32
        %dma_wait3A_407 = tpu.memref_slice %arg7[%dma_wait3A_402, %dma_wait3A_404, %dma_wait3A_405, %dma_wait3A_406] : memref<4x8x8x128xf32, #tpu.memory_space<vmem>> -> memref<1x8x8x128xf32, #tpu.memory_space<vmem>>
        %dma_wait3A_408 = tpu.memref_squeeze %dma_wait3A_407 : memref<1x8x8x128xf32, #tpu.memory_space<vmem>> -> memref<8x8x128xf32, #tpu.memory_space<vmem>>
        %dma_wait3A_409 = arith.constant 0 : i32
        %dma_wait3A_410 = arith.constant 0 : i32
        %dma_wait3A_411 = arith.constant 0 : i32
        %dma_wait3A_412 = tpu.memref_slice %arg4[%sub3A_401, %dma_wait3A_409, %add3A, %dma_wait3A_410, %dma_wait3A_411] : memref<200x8x32x8x128xf32, #tpu.memory_space<hbm>> -> memref<1x8x1x8x128xf32, #tpu.memory_space<hbm>>
        %dma_wait3A_413 = tpu.memref_squeeze %dma_wait3A_412 : memref<1x8x1x8x128xf32, #tpu.memory_space<hbm>> -> memref<8x8x128xf32, #tpu.memory_space<hbm>>
        %dma_wait3A_414 = tpu.memref_slice %arg9[%dma_wait3A_403] : memref<4x!tpu.dma_semaphore, #tpu.memory_space<semaphore_mem>> -> memref<1x!tpu.dma_semaphore, #tpu.memory_space<semaphore_mem>>
        %dma_wait3A_415 = tpu.memref_squeeze %dma_wait3A_414 : memref<1x!tpu.dma_semaphore, #tpu.memory_space<semaphore_mem>> -> memref<!tpu.dma_semaphore, #tpu.memory_space<semaphore_mem>>
        %dma_wait3A_416 = arith.constant 0 : i32
        %dma_wait3A_417 = arith.constant 0 : i32
        %dma_wait3A_418 = arith.constant 0 : i32
        %dma_wait3A_419 = tpu.memref_slice %arg4[%sub3A_401, %dma_wait3A_416, %add3A, %dma_wait3A_417, %dma_wait3A_418] : memref<200x8x32x8x128xf32, #tpu.memory_space<hbm>> -> memref<1x8x1x8x128xf32, #tpu.memory_space<hbm>>
        %dma_wait3A_420 = tpu.memref_squeeze %dma_wait3A_419 : memref<1x8x1x8x128xf32, #tpu.memory_space<hbm>> -> memref<8x8x128xf32, #tpu.memory_space<hbm>>
        %dma_wait3A_421 = arith.constant 0 : i32
        %dma_wait3A_422 = arith.constant 0 : i32
        %dma_wait3A_423 = arith.constant 0 : i32
        %dma_wait3A_424 = tpu.memref_slice %arg7[%dma_wait3A_402, %dma_wait3A_421, %dma_wait3A_422, %dma_wait3A_423] : memref<4x8x8x128xf32, #tpu.memory_space<vmem>> -> memref<1x8x8x128xf32, #tpu.memory_space<vmem>>
        %dma_wait3A_425 = tpu.memref_squeeze %dma_wait3A_424 : memref<1x8x8x128xf32, #tpu.memory_space<vmem>> -> memref<8x8x128xf32, #tpu.memory_space<vmem>>
        tpu.wait_dma2 semaphore(%dma_wait3A_415 : memref<!tpu.dma_semaphore, #tpu.memory_space<semaphore_mem>>) src(%dma_wait3A_425 : memref<8x8x128xf32, #tpu.memory_space<vmem>>) dst(%dma_wait3A_420 : memref<8x8x128xf32, #tpu.memory_space<hbm>>)
      } else {
      }
      %dma_wait3A_349 = arith.constant 3 : i32
      %dma_wait3A_350 = arith.constant 3 : i32
      %dma_wait3A_351 = arith.constant 0 : i32
      %dma_wait3A_352 = arith.constant 0 : i32
      %dma_wait3A_353 = tpu.memref_slice %arg6[%dma_wait3A_349, %dma_wait3A_351, %dma_wait3A_352] : memref<4x128x64xf32, #tpu.memory_space<vmem>> -> memref<1x128x64xf32, #tpu.memory_space<vmem>>
      %dma_wait3A_354 = tpu.memref_squeeze %dma_wait3A_353 : memref<1x128x64xf32, #tpu.memory_space<vmem>> -> memref<128x64xf32, #tpu.memory_space<vmem>>
      %dma_wait3A_355 = arith.constant 0 : i32
      %dma_wait3A_356 = tpu.memref_slice %arg5[%add3A_343, %dma_wait3A_355] : memref<200x128xi32, #tpu.memory_space<vmem>> -> memref<1x128xi32, #tpu.memory_space<vmem>>
      %dma_wait3A_357 = tpu.memref_squeeze %dma_wait3A_356 : memref<1x128xi32, #tpu.memory_space<vmem>> -> memref<128xi32, #tpu.memory_space<vmem>>
      %dma_wait3A_358 = arith.constant 0 : i32
      %dma_wait3A_359 = arith.constant 0 : i32
      %dma_wait3A_360 = tpu.memref_slice %arg3[%dma_wait3A_358, %dma_wait3A_359] : memref<1000000x64xf32, #tpu.memory_space<hbm>> -> memref<1000000x64xf32, #tpu.memory_space<hbm>>
      %dma_wait3A_361 = tpu.memref_slice %arg8[%dma_wait3A_350] : memref<4x!tpu.dma_semaphore, #tpu.memory_space<semaphore_mem>> -> memref<1x!tpu.dma_semaphore, #tpu.memory_space<semaphore_mem>>
      %dma_wait3A_362 = tpu.memref_squeeze %dma_wait3A_361 : memref<1x!tpu.dma_semaphore, #tpu.memory_space<semaphore_mem>> -> memref<!tpu.dma_semaphore, #tpu.memory_space<semaphore_mem>>
      tpu.wait_indirect_dma semaphore(%dma_wait3A_362 : memref<!tpu.dma_semaphore, #tpu.memory_space<semaphore_mem>>) src(%dma_wait3A_360 : memref<1000000x64xf32, #tpu.memory_space<hbm>>) dst(%dma_wait3A_354 : memref<128x64xf32, #tpu.memory_space<vmem>>)
      %scan3A_363 = arith.constant 0 : i32
      %scan3A_364 = arith.constant 3 : i32
      %scan3A_365 = arith.constant 3 : i32
      %scan3A_366 = arith.constant 0 : i32
      %scan3A_367 = arith.constant 64 : i32
      %scan3A_368 = arith.addi %scan3A_366, %scan3A_367 : i32
      %scan3A_369 = arith.constant 1 : i32
      scf.for %scan3A_400 = %scan3A_366 to %scan3A_368 step %scan3A_369  : i32 {
        %add3A_401 = vector.broadcast %scan3A_400 : i32 to vector<16xi32>
        %add3A_402 = arith.addi %add3A_401, %iota3A : vector<16xi32>
        %and3A = arith.constant 63 : i32
        %and3A_403 = vector.broadcast %and3A : i32 to vector<16xi32>
        %and3A_404 = arith.andi %add3A_402, %and3A_403 : vector<16xi32>
        %shift_right_logical3A = arith.constant 3 : i32
        %shift_right_logical3A_405 = vector.broadcast %shift_right_logical3A : i32 to vector<16xi32>
        %shift_right_logical3A_406 = arith.shrui %and3A_404, %shift_right_logical3A_405 : vector<16xi32>
        %and3A_407 = arith.constant 7 : i32
        %and3A_408 = vector.broadcast %and3A_407 : i32 to vector<16xi32>
        %and3A_409 = arith.andi %and3A_404, %and3A_408 : vector<16xi32>
        %add3A_410 = arith.constant 0 : i32
        %add3A_411 = vector.broadcast %add3A_410 : i32 to vector<16xi32>
        %add3A_412 = arith.addi %iota3A, %add3A_411 : vector<16xi32>
        %gather3A = arith.constant 0 : i32
        %gather3A_413 = arith.constant 0 : i32
        %gather3A_414 = tpu.memref_slice %arg6[%scan3A_364, %gather3A, %gather3A_413] : memref<4x128x64xf32, #tpu.memory_space<vmem>> -> memref<1x128x64xf32, #tpu.memory_space<vmem>>
        %gather3A_415 = tpu.memref_squeeze %gather3A_414 : memref<1x128x64xf32, #tpu.memory_space<vmem>> -> memref<128x64xf32, #tpu.memory_space<vmem>>
        %gather3A_416 = tpu.vector_load_idx %gather3A_415[%add3A_412, %and3A_404] : memref<128x64xf32, #tpu.memory_space<vmem>>[vector<16xi32>, vector<16xi32>], vector<16xf32>,
        %add3A_417 = arith.constant 16 : i32
        %add3A_418 = vector.broadcast %add3A_417 : i32 to vector<16xi32>
        %add3A_419 = arith.addi %iota3A, %add3A_418 : vector<16xi32>
        %gather3A_420 = arith.constant 0 : i32
        %gather3A_421 = arith.constant 0 : i32
        %gather3A_422 = tpu.memref_slice %arg6[%scan3A_364, %gather3A_420, %gather3A_421] : memref<4x128x64xf32, #tpu.memory_space<vmem>> -> memref<1x128x64xf32, #tpu.memory_space<vmem>>
        %gather3A_423 = tpu.memref_squeeze %gather3A_422 : memref<1x128x64xf32, #tpu.memory_space<vmem>> -> memref<128x64xf32, #tpu.memory_space<vmem>>
        %gather3A_424 = tpu.vector_load_idx %gather3A_423[%add3A_419, %and3A_404] : memref<128x64xf32, #tpu.memory_space<vmem>>[vector<16xi32>, vector<16xi32>], vector<16xf32>,
        %add3A_425 = arith.constant 32 : i32
        %add3A_426 = vector.broadcast %add3A_425 : i32 to vector<16xi32>
        %add3A_427 = arith.addi %iota3A, %add3A_426 : vector<16xi32>
        %gather3A_428 = arith.constant 0 : i32
        %gather3A_429 = arith.constant 0 : i32
        %gather3A_430 = tpu.memref_slice %arg6[%scan3A_364, %gather3A_428, %gather3A_429] : memref<4x128x64xf32, #tpu.memory_space<vmem>> -> memref<1x128x64xf32, #tpu.memory_space<vmem>>
        %gather3A_431 = tpu.memref_squeeze %gather3A_430 : memref<1x128x64xf32, #tpu.memory_space<vmem>> -> memref<128x64xf32, #tpu.memory_space<vmem>>
        %gather3A_432 = tpu.vector_load_idx %gather3A_431[%add3A_427, %and3A_404] : memref<128x64xf32, #tpu.memory_space<vmem>>[vector<16xi32>, vector<16xi32>], vector<16xf32>,
        %add3A_433 = arith.constant 48 : i32
        %add3A_434 = vector.broadcast %add3A_433 : i32 to vector<16xi32>
        %add3A_435 = arith.addi %iota3A, %add3A_434 : vector<16xi32>
        %gather3A_436 = arith.constant 0 : i32
        %gather3A_437 = arith.constant 0 : i32
        %gather3A_438 = tpu.memref_slice %arg6[%scan3A_364, %gather3A_436, %gather3A_437] : memref<4x128x64xf32, #tpu.memory_space<vmem>> -> memref<1x128x64xf32, #tpu.memory_space<vmem>>
        %gather3A_439 = tpu.memref_squeeze %gather3A_438 : memref<1x128x64xf32, #tpu.memory_space<vmem>> -> memref<128x64xf32, #tpu.memory_space<vmem>>
        %gather3A_440 = tpu.vector_load_idx %gather3A_439[%add3A_435, %and3A_404] : memref<128x64xf32, #tpu.memory_space<vmem>>[vector<16xi32>, vector<16xi32>], vector<16xf32>,
        %add3A_441 = arith.constant 64 : i32
        %add3A_442 = vector.broadcast %add3A_441 : i32 to vector<16xi32>
        %add3A_443 = arith.addi %iota3A, %add3A_442 : vector<16xi32>
        %gather3A_444 = arith.constant 0 : i32
        %gather3A_445 = arith.constant 0 : i32
        %gather3A_446 = tpu.memref_slice %arg6[%scan3A_364, %gather3A_444, %gather3A_445] : memref<4x128x64xf32, #tpu.memory_space<vmem>> -> memref<1x128x64xf32, #tpu.memory_space<vmem>>
        %gather3A_447 = tpu.memref_squeeze %gather3A_446 : memref<1x128x64xf32, #tpu.memory_space<vmem>> -> memref<128x64xf32, #tpu.memory_space<vmem>>
        %gather3A_448 = tpu.vector_load_idx %gather3A_447[%add3A_443, %and3A_404] : memref<128x64xf32, #tpu.memory_space<vmem>>[vector<16xi32>, vector<16xi32>], vector<16xf32>,
        %add3A_449 = arith.constant 80 : i32
        %add3A_450 = vector.broadcast %add3A_449 : i32 to vector<16xi32>
        %add3A_451 = arith.addi %iota3A, %add3A_450 : vector<16xi32>
        %gather3A_452 = arith.constant 0 : i32
        %gather3A_453 = arith.constant 0 : i32
        %gather3A_454 = tpu.memref_slice %arg6[%scan3A_364, %gather3A_452, %gather3A_453] : memref<4x128x64xf32, #tpu.memory_space<vmem>> -> memref<1x128x64xf32, #tpu.memory_space<vmem>>
        %gather3A_455 = tpu.memref_squeeze %gather3A_454 : memref<1x128x64xf32, #tpu.memory_space<vmem>> -> memref<128x64xf32, #tpu.memory_space<vmem>>
        %gather3A_456 = tpu.vector_load_idx %gather3A_455[%add3A_451, %and3A_404] : memref<128x64xf32, #tpu.memory_space<vmem>>[vector<16xi32>, vector<16xi32>], vector<16xf32>,
        %add3A_457 = arith.constant 96 : i32
        %add3A_458 = vector.broadcast %add3A_457 : i32 to vector<16xi32>
        %add3A_459 = arith.addi %iota3A, %add3A_458 : vector<16xi32>
        %gather3A_460 = arith.constant 0 : i32
        %gather3A_461 = arith.constant 0 : i32
        %gather3A_462 = tpu.memref_slice %arg6[%scan3A_364, %gather3A_460, %gather3A_461] : memref<4x128x64xf32, #tpu.memory_space<vmem>> -> memref<1x128x64xf32, #tpu.memory_space<vmem>>
        %gather3A_463 = tpu.memref_squeeze %gather3A_462 : memref<1x128x64xf32, #tpu.memory_space<vmem>> -> memref<128x64xf32, #tpu.memory_space<vmem>>
        %gather3A_464 = tpu.vector_load_idx %gather3A_463[%add3A_459, %and3A_404] : memref<128x64xf32, #tpu.memory_space<vmem>>[vector<16xi32>, vector<16xi32>], vector<16xf32>,
        %add3A_465 = arith.constant 112 : i32
        %add3A_466 = vector.broadcast %add3A_465 : i32 to vector<16xi32>
        %add3A_467 = arith.addi %iota3A, %add3A_466 : vector<16xi32>
        %gather3A_468 = arith.constant 0 : i32
        %gather3A_469 = arith.constant 0 : i32
        %gather3A_470 = tpu.memref_slice %arg6[%scan3A_364, %gather3A_468, %gather3A_469] : memref<4x128x64xf32, #tpu.memory_space<vmem>> -> memref<1x128x64xf32, #tpu.memory_space<vmem>>
        %gather3A_471 = tpu.memref_squeeze %gather3A_470 : memref<1x128x64xf32, #tpu.memory_space<vmem>> -> memref<128x64xf32, #tpu.memory_space<vmem>>
        %gather3A_472 = tpu.vector_load_idx %gather3A_471[%add3A_467, %and3A_404] : memref<128x64xf32, #tpu.memory_space<vmem>>[vector<16xi32>, vector<16xi32>], vector<16xf32>,
        %add3A_473 = arith.constant 0 : i32
        %add3A_474 = vector.broadcast %add3A_473 : i32 to vector<16xi32>
        %add3A_475 = arith.addi %iota3A, %add3A_474 : vector<16xi32>
        %scatter3A = arith.constant 0 : i32
        %scatter3A_476 = arith.constant 0 : i32
        %scatter3A_477 = arith.constant 0 : i32
        %scatter3A_478 = tpu.memref_slice %arg7[%scan3A_365, %scatter3A, %scatter3A_476, %scatter3A_477] : memref<4x8x8x128xf32, #tpu.memory_space<vmem>> -> memref<1x8x8x128xf32, #tpu.memory_space<vmem>>
        %scatter3A_479 = tpu.memref_squeeze %scatter3A_478 : memref<1x8x8x128xf32, #tpu.memory_space<vmem>> -> memref<8x8x128xf32, #tpu.memory_space<vmem>>
        tpu.vector_store_idx %scatter3A_479[%shift_right_logical3A_406, %and3A_409, %add3A_475], %gather3A_416 : memref<8x8x128xf32, #tpu.memory_space<vmem>>[vector<16xi32>, vector<16xi32>, vector<16xi32>], vector<16xf32>,
        %add3A_480 = arith.constant 16 : i32
        %add3A_481 = vector.broadcast %add3A_480 : i32 to vector<16xi32>
        %add3A_482 = arith.addi %iota3A, %add3A_481 : vector<16xi32>
        %scatter3A_483 = arith.constant 0 : i32
        %scatter3A_484 = arith.constant 0 : i32
        %scatter3A_485 = arith.constant 0 : i32
        %scatter3A_486 = tpu.memref_slice %arg7[%scan3A_365, %scatter3A_483, %scatter3A_484, %scatter3A_485] : memref<4x8x8x128xf32, #tpu.memory_space<vmem>> -> memref<1x8x8x128xf32, #tpu.memory_space<vmem>>
        %scatter3A_487 = tpu.memref_squeeze %scatter3A_486 : memref<1x8x8x128xf32, #tpu.memory_space<vmem>> -> memref<8x8x128xf32, #tpu.memory_space<vmem>>
        tpu.vector_store_idx %scatter3A_487[%shift_right_logical3A_406, %and3A_409, %add3A_482], %gather3A_424 : memref<8x8x128xf32, #tpu.memory_space<vmem>>[vector<16xi32>, vector<16xi32>, vector<16xi32>], vector<16xf32>,
        %add3A_488 = arith.constant 32 : i32
        %add3A_489 = vector.broadcast %add3A_488 : i32 to vector<16xi32>
        %add3A_490 = arith.addi %iota3A, %add3A_489 : vector<16xi32>
        %scatter3A_491 = arith.constant 0 : i32
        %scatter3A_492 = arith.constant 0 : i32
        %scatter3A_493 = arith.constant 0 : i32
        %scatter3A_494 = tpu.memref_slice %arg7[%scan3A_365, %scatter3A_491, %scatter3A_492, %scatter3A_493] : memref<4x8x8x128xf32, #tpu.memory_space<vmem>> -> memref<1x8x8x128xf32, #tpu.memory_space<vmem>>
        %scatter3A_495 = tpu.memref_squeeze %scatter3A_494 : memref<1x8x8x128xf32, #tpu.memory_space<vmem>> -> memref<8x8x128xf32, #tpu.memory_space<vmem>>
        tpu.vector_store_idx %scatter3A_495[%shift_right_logical3A_406, %and3A_409, %add3A_490], %gather3A_432 : memref<8x8x128xf32, #tpu.memory_space<vmem>>[vector<16xi32>, vector<16xi32>, vector<16xi32>], vector<16xf32>,
        %add3A_496 = arith.constant 48 : i32
        %add3A_497 = vector.broadcast %add3A_496 : i32 to vector<16xi32>
        %add3A_498 = arith.addi %iota3A, %add3A_497 : vector<16xi32>
        %scatter3A_499 = arith.constant 0 : i32
        %scatter3A_500 = arith.constant 0 : i32
        %scatter3A_501 = arith.constant 0 : i32
        %scatter3A_502 = tpu.memref_slice %arg7[%scan3A_365, %scatter3A_499, %scatter3A_500, %scatter3A_501] : memref<4x8x8x128xf32, #tpu.memory_space<vmem>> -> memref<1x8x8x128xf32, #tpu.memory_space<vmem>>
        %scatter3A_503 = tpu.memref_squeeze %scatter3A_502 : memref<1x8x8x128xf32, #tpu.memory_space<vmem>> -> memref<8x8x128xf32, #tpu.memory_space<vmem>>
        tpu.vector_store_idx %scatter3A_503[%shift_right_logical3A_406, %and3A_409, %add3A_498], %gather3A_440 : memref<8x8x128xf32, #tpu.memory_space<vmem>>[vector<16xi32>, vector<16xi32>, vector<16xi32>], vector<16xf32>,
        %add3A_504 = arith.constant 64 : i32
        %add3A_505 = vector.broadcast %add3A_504 : i32 to vector<16xi32>
        %add3A_506 = arith.addi %iota3A, %add3A_505 : vector<16xi32>
        %scatter3A_507 = arith.constant 0 : i32
        %scatter3A_508 = arith.constant 0 : i32
        %scatter3A_509 = arith.constant 0 : i32
        %scatter3A_510 = tpu.memref_slice %arg7[%scan3A_365, %scatter3A_507, %scatter3A_508, %scatter3A_509] : memref<4x8x8x128xf32, #tpu.memory_space<vmem>> -> memref<1x8x8x128xf32, #tpu.memory_space<vmem>>
        %scatter3A_511 = tpu.memref_squeeze %scatter3A_510 : memref<1x8x8x128xf32, #tpu.memory_space<vmem>> -> memref<8x8x128xf32, #tpu.memory_space<vmem>>
        tpu.vector_store_idx %scatter3A_511[%shift_right_logical3A_406, %and3A_409, %add3A_506], %gather3A_448 : memref<8x8x128xf32, #tpu.memory_space<vmem>>[vector<16xi32>, vector<16xi32>, vector<16xi32>], vector<16xf32>,
        %add3A_512 = arith.constant 80 : i32
        %add3A_513 = vector.broadcast %add3A_512 : i32 to vector<16xi32>
        %add3A_514 = arith.addi %iota3A, %add3A_513 : vector<16xi32>
        %scatter3A_515 = arith.constant 0 : i32
        %scatter3A_516 = arith.constant 0 : i32
        %scatter3A_517 = arith.constant 0 : i32
        %scatter3A_518 = tpu.memref_slice %arg7[%scan3A_365, %scatter3A_515, %scatter3A_516, %scatter3A_517] : memref<4x8x8x128xf32, #tpu.memory_space<vmem>> -> memref<1x8x8x128xf32, #tpu.memory_space<vmem>>
        %scatter3A_519 = tpu.memref_squeeze %scatter3A_518 : memref<1x8x8x128xf32, #tpu.memory_space<vmem>> -> memref<8x8x128xf32, #tpu.memory_space<vmem>>
        tpu.vector_store_idx %scatter3A_519[%shift_right_logical3A_406, %and3A_409, %add3A_514], %gather3A_456 : memref<8x8x128xf32, #tpu.memory_space<vmem>>[vector<16xi32>, vector<16xi32>, vector<16xi32>], vector<16xf32>,
        %add3A_520 = arith.constant 96 : i32
        %add3A_521 = vector.broadcast %add3A_520 : i32 to vector<16xi32>
        %add3A_522 = arith.addi %iota3A, %add3A_521 : vector<16xi32>
        %scatter3A_523 = arith.constant 0 : i32
        %scatter3A_524 = arith.constant 0 : i32
        %scatter3A_525 = arith.constant 0 : i32
        %scatter3A_526 = tpu.memref_slice %arg7[%scan3A_365, %scatter3A_523, %scatter3A_524, %scatter3A_525] : memref<4x8x8x128xf32, #tpu.memory_space<vmem>> -> memref<1x8x8x128xf32, #tpu.memory_space<vmem>>
        %scatter3A_527 = tpu.memref_squeeze %scatter3A_526 : memref<1x8x8x128xf32, #tpu.memory_space<vmem>> -> memref<8x8x128xf32, #tpu.memory_space<vmem>>
        tpu.vector_store_idx %scatter3A_527[%shift_right_logical3A_406, %and3A_409, %add3A_522], %gather3A_464 : memref<8x8x128xf32, #tpu.memory_space<vmem>>[vector<16xi32>, vector<16xi32>, vector<16xi32>], vector<16xf32>,
        %add3A_528 = arith.constant 112 : i32
        %add3A_529 = vector.broadcast %add3A_528 : i32 to vector<16xi32>
        %add3A_530 = arith.addi %iota3A, %add3A_529 : vector<16xi32>
        %scatter3A_531 = arith.constant 0 : i32
        %scatter3A_532 = arith.constant 0 : i32
        %scatter3A_533 = arith.constant 0 : i32
        %scatter3A_534 = tpu.memref_slice %arg7[%scan3A_365, %scatter3A_531, %scatter3A_532, %scatter3A_533] : memref<4x8x8x128xf32, #tpu.memory_space<vmem>> -> memref<1x8x8x128xf32, #tpu.memory_space<vmem>>
        %scatter3A_535 = tpu.memref_squeeze %scatter3A_534 : memref<1x8x8x128xf32, #tpu.memory_space<vmem>> -> memref<8x8x128xf32, #tpu.memory_space<vmem>>
        tpu.vector_store_idx %scatter3A_535[%shift_right_logical3A_406, %and3A_409, %add3A_530], %gather3A_472 : memref<8x8x128xf32, #tpu.memory_space<vmem>>[vector<16xi32>, vector<16xi32>, vector<16xi32>], vector<16xf32>,
      }
      %scan3A_370 = arith.constant 64 : i32
      %dma_start3A_371 = arith.constant 3 : i32
      %dma_start3A_372 = arith.constant 3 : i32
      %dma_start3A_373 = arith.constant 0 : i32
      %dma_start3A_374 = arith.constant 0 : i32
      %dma_start3A_375 = arith.constant 0 : i32
      %dma_start3A_376 = tpu.memref_slice %arg7[%dma_start3A_371, %dma_start3A_373, %dma_start3A_374, %dma_start3A_375] : memref<4x8x8x128xf32, #tpu.memory_space<vmem>> -> memref<1x8x8x128xf32, #tpu.memory_space<vmem>>
      %dma_start3A_377 = tpu.memref_squeeze %dma_start3A_376 : memref<1x8x8x128xf32, #tpu.memory_space<vmem>> -> memref<8x8x128xf32, #tpu.memory_space<vmem>>
      %dma_start3A_378 = arith.constant 0 : i32
      %dma_start3A_379 = arith.constant 0 : i32
      %dma_start3A_380 = arith.constant 0 : i32
      %dma_start3A_381 = tpu.memref_slice %arg4[%add3A_343, %dma_start3A_378, %add3A, %dma_start3A_379, %dma_start3A_380] : memref<200x8x32x8x128xf32, #tpu.memory_space<hbm>> -> memref<1x8x1x8x128xf32, #tpu.memory_space<hbm>>
      %dma_start3A_382 = tpu.memref_squeeze %dma_start3A_381 : memref<1x8x1x8x128xf32, #tpu.memory_space<hbm>> -> memref<8x8x128xf32, #tpu.memory_space<hbm>>
      %dma_start3A_383 = tpu.memref_slice %arg9[%dma_start3A_372] : memref<4x!tpu.dma_semaphore, #tpu.memory_space<semaphore_mem>> -> memref<1x!tpu.dma_semaphore, #tpu.memory_space<semaphore_mem>>
      %dma_start3A_384 = tpu.memref_squeeze %dma_start3A_383 : memref<1x!tpu.dma_semaphore, #tpu.memory_space<semaphore_mem>> -> memref<!tpu.dma_semaphore, #tpu.memory_space<semaphore_mem>>
      %dma_start3A_385 = arith.constant 0 : i32
      %dma_start3A_386 = arith.constant 0 : i32
      %dma_start3A_387 = arith.constant 0 : i32
      %dma_start3A_388 = tpu.memref_slice %arg4[%add3A_343, %dma_start3A_385, %add3A, %dma_start3A_386, %dma_start3A_387] : memref<200x8x32x8x128xf32, #tpu.memory_space<hbm>> -> memref<1x8x1x8x128xf32, #tpu.memory_space<hbm>>
      %dma_start3A_389 = tpu.memref_squeeze %dma_start3A_388 : memref<1x8x1x8x128xf32, #tpu.memory_space<hbm>> -> memref<8x8x128xf32, #tpu.memory_space<hbm>>
      %dma_start3A_390 = arith.constant 0 : i32
      %dma_start3A_391 = arith.constant 0 : i32
      %dma_start3A_392 = arith.constant 0 : i32
      %dma_start3A_393 = tpu.memref_slice %arg7[%dma_start3A_371, %dma_start3A_390, %dma_start3A_391, %dma_start3A_392] : memref<4x8x8x128xf32, #tpu.memory_space<vmem>> -> memref<1x8x8x128xf32, #tpu.memory_space<vmem>>
      %dma_start3A_394 = tpu.memref_squeeze %dma_start3A_393 : memref<1x8x8x128xf32, #tpu.memory_space<vmem>> -> memref<8x8x128xf32, #tpu.memory_space<vmem>>
      tpu.enqueue_dma source(%dma_start3A_394 : memref<8x8x128xf32, #tpu.memory_space<vmem>>) target(%dma_start3A_389 : memref<8x8x128xf32, #tpu.memory_space<hbm>>) target_semaphore(%dma_start3A_384 : memref<!tpu.dma_semaphore, #tpu.memory_space<semaphore_mem>>)
      %lt3A_395 = arith.constant 49 : i32
      %lt3A_396 = arith.cmpi slt, %scan3A_151, %lt3A_395 : i32
      %convert_element_type3A_397 = arith.extui %lt3A_396 : i1 to i32
      %cond3A_398 = arith.constant 0 : i32
      %cond3A_399 = arith.cmpi ne, %convert_element_type3A_397, %cond3A_398 : i32
      scf.if %cond3A_399 {
        %add3A_400 = arith.constant 4 : i32
        %add3A_401 = arith.addi %add3A_343, %add3A_400 : i32
        %sub3A_402 = arith.constant 1 : i32
        %sub3A_403 = arith.subi %add3A_401, %sub3A_402 : i32
        %dma_start3A_404 = arith.constant 2 : i32
        %dma_start3A_405 = arith.constant 2 : i32
        %dma_start3A_406 = arith.constant 0 : i32
        %dma_start3A_407 = arith.constant 0 : i32
        %dma_start3A_408 = tpu.memref_slice %arg6[%dma_start3A_404, %dma_start3A_406, %dma_start3A_407] : memref<4x128x64xf32, #tpu.memory_space<vmem>> -> memref<1x128x64xf32, #tpu.memory_space<vmem>>
        %dma_start3A_409 = tpu.memref_squeeze %dma_start3A_408 : memref<1x128x64xf32, #tpu.memory_space<vmem>> -> memref<128x64xf32, #tpu.memory_space<vmem>>
        %dma_start3A_410 = arith.constant 0 : i32
        %dma_start3A_411 = tpu.memref_slice %arg5[%sub3A_403, %dma_start3A_410] : memref<200x128xi32, #tpu.memory_space<vmem>> -> memref<1x128xi32, #tpu.memory_space<vmem>>
        %dma_start3A_412 = tpu.memref_squeeze %dma_start3A_411 : memref<1x128xi32, #tpu.memory_space<vmem>> -> memref<128xi32, #tpu.memory_space<vmem>>
        %dma_start3A_413 = arith.constant 0 : i32
        %dma_start3A_414 = arith.constant 0 : i32
        %dma_start3A_415 = tpu.memref_slice %arg3[%dma_start3A_413, %dma_start3A_414] : memref<1000000x64xf32, #tpu.memory_space<hbm>> -> memref<1000000x64xf32, #tpu.memory_space<hbm>>
        %dma_start3A_416 = tpu.memref_slice %arg8[%dma_start3A_405] : memref<4x!tpu.dma_semaphore, #tpu.memory_space<semaphore_mem>> -> memref<1x!tpu.dma_semaphore, #tpu.memory_space<semaphore_mem>>
        %dma_start3A_417 = tpu.memref_squeeze %dma_start3A_416 : memref<1x!tpu.dma_semaphore, #tpu.memory_space<semaphore_mem>> -> memref<!tpu.dma_semaphore, #tpu.memory_space<semaphore_mem>>
        tpu.enqueue_indirect_dma source(%dma_start3A_415 : memref<1000000x64xf32, #tpu.memory_space<hbm>>) target(%dma_start3A_409 : memref<128x64xf32, #tpu.memory_space<vmem>>) offsets(%dma_start3A_412 : memref<128xi32, #tpu.memory_space<vmem>>) semaphore(%dma_start3A_417 : memref<!tpu.dma_semaphore, #tpu.memory_space<semaphore_mem>>)
      } else {
      }
    }
    %scan3A_51 = arith.constant 50 : i32
    %dma_wait3A = arith.constant 0 : i32
    %dma_wait3A_52 = arith.constant 196 : i32
    %dma_wait3A_53 = arith.constant 0 : i32
    %dma_wait3A_54 = arith.constant 0 : i32
    %dma_wait3A_55 = arith.constant 0 : i32
    %dma_wait3A_56 = arith.constant 0 : i32
    %dma_wait3A_57 = tpu.memref_slice %arg7[%dma_wait3A, %dma_wait3A_54, %dma_wait3A_55, %dma_wait3A_56] : memref<4x8x8x128xf32, #tpu.memory_space<vmem>> -> memref<1x8x8x128xf32, #tpu.memory_space<vmem>>
    %dma_wait3A_58 = tpu.memref_squeeze %dma_wait3A_57 : memref<1x8x8x128xf32, #tpu.memory_space<vmem>> -> memref<8x8x128xf32, #tpu.memory_space<vmem>>
    %dma_wait3A_59 = arith.constant 0 : i32
    %dma_wait3A_60 = arith.constant 0 : i32
    %dma_wait3A_61 = arith.constant 0 : i32
    %dma_wait3A_62 = tpu.memref_slice %arg4[%dma_wait3A_52, %dma_wait3A_59, %add3A, %dma_wait3A_60, %dma_wait3A_61] : memref<200x8x32x8x128xf32, #tpu.memory_space<hbm>> -> memref<1x8x1x8x128xf32, #tpu.memory_space<hbm>>
    %dma_wait3A_63 = tpu.memref_squeeze %dma_wait3A_62 : memref<1x8x1x8x128xf32, #tpu.memory_space<hbm>> -> memref<8x8x128xf32, #tpu.memory_space<hbm>>
    %dma_wait3A_64 = tpu.memref_slice %arg9[%dma_wait3A_53] : memref<4x!tpu.dma_semaphore, #tpu.memory_space<semaphore_mem>> -> memref<1x!tpu.dma_semaphore, #tpu.memory_space<semaphore_mem>>
    %dma_wait3A_65 = tpu.memref_squeeze %dma_wait3A_64 : memref<1x!tpu.dma_semaphore, #tpu.memory_space<semaphore_mem>> -> memref<!tpu.dma_semaphore, #tpu.memory_space<semaphore_mem>>
    %dma_wait3A_66 = arith.constant 0 : i32
    %dma_wait3A_67 = arith.constant 0 : i32
    %dma_wait3A_68 = arith.constant 0 : i32
    %dma_wait3A_69 = tpu.memref_slice %arg4[%dma_wait3A_52, %dma_wait3A_66, %add3A, %dma_wait3A_67, %dma_wait3A_68] : memref<200x8x32x8x128xf32, #tpu.memory_space<hbm>> -> memref<1x8x1x8x128xf32, #tpu.memory_space<hbm>>
    %dma_wait3A_70 = tpu.memref_squeeze %dma_wait3A_69 : memref<1x8x1x8x128xf32, #tpu.memory_space<hbm>> -> memref<8x8x128xf32, #tpu.memory_space<hbm>>
    %dma_wait3A_71 = arith.constant 0 : i32
    %dma_wait3A_72 = arith.constant 0 : i32
    %dma_wait3A_73 = arith.constant 0 : i32
    %dma_wait3A_74 = tpu.memref_slice %arg7[%dma_wait3A, %dma_wait3A_71, %dma_wait3A_72, %dma_wait3A_73] : memref<4x8x8x128xf32, #tpu.memory_space<vmem>> -> memref<1x8x8x128xf32, #tpu.memory_space<vmem>>
    %dma_wait3A_75 = tpu.memref_squeeze %dma_wait3A_74 : memref<1x8x8x128xf32, #tpu.memory_space<vmem>> -> memref<8x8x128xf32, #tpu.memory_space<vmem>>
    tpu.wait_dma2 semaphore(%dma_wait3A_65 : memref<!tpu.dma_semaphore, #tpu.memory_space<semaphore_mem>>) src(%dma_wait3A_75 : memref<8x8x128xf32, #tpu.memory_space<vmem>>) dst(%dma_wait3A_70 : memref<8x8x128xf32, #tpu.memory_space<hbm>>)
    %dma_wait3A_76 = arith.constant 1 : i32
    %dma_wait3A_77 = arith.constant 197 : i32
    %dma_wait3A_78 = arith.constant 1 : i32
    %dma_wait3A_79 = arith.constant 0 : i32
    %dma_wait3A_80 = arith.constant 0 : i32
    %dma_wait3A_81 = arith.constant 0 : i32
    %dma_wait3A_82 = tpu.memref_slice %arg7[%dma_wait3A_76, %dma_wait3A_79, %dma_wait3A_80, %dma_wait3A_81] : memref<4x8x8x128xf32, #tpu.memory_space<vmem>> -> memref<1x8x8x128xf32, #tpu.memory_space<vmem>>
    %dma_wait3A_83 = tpu.memref_squeeze %dma_wait3A_82 : memref<1x8x8x128xf32, #tpu.memory_space<vmem>> -> memref<8x8x128xf32, #tpu.memory_space<vmem>>
    %dma_wait3A_84 = arith.constant 0 : i32
    %dma_wait3A_85 = arith.constant 0 : i32
    %dma_wait3A_86 = arith.constant 0 : i32
    %dma_wait3A_87 = tpu.memref_slice %arg4[%dma_wait3A_77, %dma_wait3A_84, %add3A, %dma_wait3A_85, %dma_wait3A_86] : memref<200x8x32x8x128xf32, #tpu.memory_space<hbm>> -> memref<1x8x1x8x128xf32, #tpu.memory_space<hbm>>
    %dma_wait3A_88 = tpu.memref_squeeze %dma_wait3A_87 : memref<1x8x1x8x128xf32, #tpu.memory_space<hbm>> -> memref<8x8x128xf32, #tpu.memory_space<hbm>>
    %dma_wait3A_89 = tpu.memref_slice %arg9[%dma_wait3A_78] : memref<4x!tpu.dma_semaphore, #tpu.memory_space<semaphore_mem>> -> memref<1x!tpu.dma_semaphore, #tpu.memory_space<semaphore_mem>>
    %dma_wait3A_90 = tpu.memref_squeeze %dma_wait3A_89 : memref<1x!tpu.dma_semaphore, #tpu.memory_space<semaphore_mem>> -> memref<!tpu.dma_semaphore, #tpu.memory_space<semaphore_mem>>
    %dma_wait3A_91 = arith.constant 0 : i32
    %dma_wait3A_92 = arith.constant 0 : i32
    %dma_wait3A_93 = arith.constant 0 : i32
    %dma_wait3A_94 = tpu.memref_slice %arg4[%dma_wait3A_77, %dma_wait3A_91, %add3A, %dma_wait3A_92, %dma_wait3A_93] : memref<200x8x32x8x128xf32, #tpu.memory_space<hbm>> -> memref<1x8x1x8x128xf32, #tpu.memory_space<hbm>>
    %dma_wait3A_95 = tpu.memref_squeeze %dma_wait3A_94 : memref<1x8x1x8x128xf32, #tpu.memory_space<hbm>> -> memref<8x8x128xf32, #tpu.memory_space<hbm>>
    %dma_wait3A_96 = arith.constant 0 : i32
    %dma_wait3A_97 = arith.constant 0 : i32
    %dma_wait3A_98 = arith.constant 0 : i32
    %dma_wait3A_99 = tpu.memref_slice %arg7[%dma_wait3A_76, %dma_wait3A_96, %dma_wait3A_97, %dma_wait3A_98] : memref<4x8x8x128xf32, #tpu.memory_space<vmem>> -> memref<1x8x8x128xf32, #tpu.memory_space<vmem>>
    %dma_wait3A_100 = tpu.memref_squeeze %dma_wait3A_99 : memref<1x8x8x128xf32, #tpu.memory_space<vmem>> -> memref<8x8x128xf32, #tpu.memory_space<vmem>>
    tpu.wait_dma2 semaphore(%dma_wait3A_90 : memref<!tpu.dma_semaphore, #tpu.memory_space<semaphore_mem>>) src(%dma_wait3A_100 : memref<8x8x128xf32, #tpu.memory_space<vmem>>) dst(%dma_wait3A_95 : memref<8x8x128xf32, #tpu.memory_space<hbm>>)
    %dma_wait3A_101 = arith.constant 2 : i32
    %dma_wait3A_102 = arith.constant 198 : i32
    %dma_wait3A_103 = arith.constant 2 : i32
    %dma_wait3A_104 = arith.constant 0 : i32
    %dma_wait3A_105 = arith.constant 0 : i32
    %dma_wait3A_106 = arith.constant 0 : i32
    %dma_wait3A_107 = tpu.memref_slice %arg7[%dma_wait3A_101, %dma_wait3A_104, %dma_wait3A_105, %dma_wait3A_106] : memref<4x8x8x128xf32, #tpu.memory_space<vmem>> -> memref<1x8x8x128xf32, #tpu.memory_space<vmem>>
    %dma_wait3A_108 = tpu.memref_squeeze %dma_wait3A_107 : memref<1x8x8x128xf32, #tpu.memory_space<vmem>> -> memref<8x8x128xf32, #tpu.memory_space<vmem>>
    %dma_wait3A_109 = arith.constant 0 : i32
    %dma_wait3A_110 = arith.constant 0 : i32
    %dma_wait3A_111 = arith.constant 0 : i32
    %dma_wait3A_112 = tpu.memref_slice %arg4[%dma_wait3A_102, %dma_wait3A_109, %add3A, %dma_wait3A_110, %dma_wait3A_111] : memref<200x8x32x8x128xf32, #tpu.memory_space<hbm>> -> memref<1x8x1x8x128xf32, #tpu.memory_space<hbm>>
    %dma_wait3A_113 = tpu.memref_squeeze %dma_wait3A_112 : memref<1x8x1x8x128xf32, #tpu.memory_space<hbm>> -> memref<8x8x128xf32, #tpu.memory_space<hbm>>
    %dma_wait3A_114 = tpu.memref_slice %arg9[%dma_wait3A_103] : memref<4x!tpu.dma_semaphore, #tpu.memory_space<semaphore_mem>> -> memref<1x!tpu.dma_semaphore, #tpu.memory_space<semaphore_mem>>
    %dma_wait3A_115 = tpu.memref_squeeze %dma_wait3A_114 : memref<1x!tpu.dma_semaphore, #tpu.memory_space<semaphore_mem>> -> memref<!tpu.dma_semaphore, #tpu.memory_space<semaphore_mem>>
    %dma_wait3A_116 = arith.constant 0 : i32
    %dma_wait3A_117 = arith.constant 0 : i32
    %dma_wait3A_118 = arith.constant 0 : i32
    %dma_wait3A_119 = tpu.memref_slice %arg4[%dma_wait3A_102, %dma_wait3A_116, %add3A, %dma_wait3A_117, %dma_wait3A_118] : memref<200x8x32x8x128xf32, #tpu.memory_space<hbm>> -> memref<1x8x1x8x128xf32, #tpu.memory_space<hbm>>
    %dma_wait3A_120 = tpu.memref_squeeze %dma_wait3A_119 : memref<1x8x1x8x128xf32, #tpu.memory_space<hbm>> -> memref<8x8x128xf32, #tpu.memory_space<hbm>>
    %dma_wait3A_121 = arith.constant 0 : i32
    %dma_wait3A_122 = arith.constant 0 : i32
    %dma_wait3A_123 = arith.constant 0 : i32
    %dma_wait3A_124 = tpu.memref_slice %arg7[%dma_wait3A_101, %dma_wait3A_121, %dma_wait3A_122, %dma_wait3A_123] : memref<4x8x8x128xf32, #tpu.memory_space<vmem>> -> memref<1x8x8x128xf32, #tpu.memory_space<vmem>>
    %dma_wait3A_125 = tpu.memref_squeeze %dma_wait3A_124 : memref<1x8x8x128xf32, #tpu.memory_space<vmem>> -> memref<8x8x128xf32, #tpu.memory_space<vmem>>
    tpu.wait_dma2 semaphore(%dma_wait3A_115 : memref<!tpu.dma_semaphore, #tpu.memory_space<semaphore_mem>>) src(%dma_wait3A_125 : memref<8x8x128xf32, #tpu.memory_space<vmem>>) dst(%dma_wait3A_120 : memref<8x8x128xf32, #tpu.memory_space<hbm>>)
    %dma_wait3A_126 = arith.constant 3 : i32
    %dma_wait3A_127 = arith.constant 199 : i32
    %dma_wait3A_128 = arith.constant 3 : i32
    %dma_wait3A_129 = arith.constant 0 : i32
    %dma_wait3A_130 = arith.constant 0 : i32
    %dma_wait3A_131 = arith.constant 0 : i32
    %dma_wait3A_132 = tpu.memref_slice %arg7[%dma_wait3A_126, %dma_wait3A_129, %dma_wait3A_130, %dma_wait3A_131] : memref<4x8x8x128xf32, #tpu.memory_space<vmem>> -> memref<1x8x8x128xf32, #tpu.memory_space<vmem>>
    %dma_wait3A_133 = tpu.memref_squeeze %dma_wait3A_132 : memref<1x8x8x128xf32, #tpu.memory_space<vmem>> -> memref<8x8x128xf32, #tpu.memory_space<vmem>>
    %dma_wait3A_134 = arith.constant 0 : i32
    %dma_wait3A_135 = arith.constant 0 : i32
    %dma_wait3A_136 = arith.constant 0 : i32
    %dma_wait3A_137 = tpu.memref_slice %arg4[%dma_wait3A_127, %dma_wait3A_134, %add3A, %dma_wait3A_135, %dma_wait3A_136] : memref<200x8x32x8x128xf32, #tpu.memory_space<hbm>> -> memref<1x8x1x8x128xf32, #tpu.memory_space<hbm>>
    %dma_wait3A_138 = tpu.memref_squeeze %dma_wait3A_137 : memref<1x8x1x8x128xf32, #tpu.memory_space<hbm>> -> memref<8x8x128xf32, #tpu.memory_space<hbm>>
    %dma_wait3A_139 = tpu.memref_slice %arg9[%dma_wait3A_128] : memref<4x!tpu.dma_semaphore, #tpu.memory_space<semaphore_mem>> -> memref<1x!tpu.dma_semaphore, #tpu.memory_space<semaphore_mem>>
    %dma_wait3A_140 = tpu.memref_squeeze %dma_wait3A_139 : memref<1x!tpu.dma_semaphore, #tpu.memory_space<semaphore_mem>> -> memref<!tpu.dma_semaphore, #tpu.memory_space<semaphore_mem>>
    %dma_wait3A_141 = arith.constant 0 : i32
    %dma_wait3A_142 = arith.constant 0 : i32
    %dma_wait3A_143 = arith.constant 0 : i32
    %dma_wait3A_144 = tpu.memref_slice %arg4[%dma_wait3A_127, %dma_wait3A_141, %add3A, %dma_wait3A_142, %dma_wait3A_143] : memref<200x8x32x8x128xf32, #tpu.memory_space<hbm>> -> memref<1x8x1x8x128xf32, #tpu.memory_space<hbm>>
    %dma_wait3A_145 = tpu.memref_squeeze %dma_wait3A_144 : memref<1x8x1x8x128xf32, #tpu.memory_space<hbm>> -> memref<8x8x128xf32, #tpu.memory_space<hbm>>
    %dma_wait3A_146 = arith.constant 0 : i32
    %dma_wait3A_147 = arith.constant 0 : i32
    %dma_wait3A_148 = arith.constant 0 : i32
    %dma_wait3A_149 = tpu.memref_slice %arg7[%dma_wait3A_126, %dma_wait3A_146, %dma_wait3A_147, %dma_wait3A_148] : memref<4x8x8x128xf32, #tpu.memory_space<vmem>> -> memref<1x8x8x128xf32, #tpu.memory_space<vmem>>
    %dma_wait3A_150 = tpu.memref_squeeze %dma_wait3A_149 : memref<1x8x8x128xf32, #tpu.memory_space<vmem>> -> memref<8x8x128xf32, #tpu.memory_space<vmem>>
    tpu.wait_dma2 semaphore(%dma_wait3A_140 : memref<!tpu.dma_semaphore, #tpu.memory_space<semaphore_mem>>) src(%dma_wait3A_150 : memref<8x8x128xf32, #tpu.memory_space<vmem>>) dst(%dma_wait3A_145 : memref<8x8x128xf32, #tpu.memory_space<hbm>>)
    return
  }
}

</mosaic_0001>

<sc_bundles>
// kernel: kernel.4.cloned.1.call-start
scs
__scs_entry_jumppad:
0x0: {  	(pc) =	sbr.rel $0x88, $3  }
0x1: {  	(tag) =	ssettag $0x0;
	lr =	simm.s32 $0x1  }
0x2: {  	[smem:$0x3F9F] =	sst lr;
	_ =	strace $0xD0000000  }
0x3: {  	_ = 	snop  }
0x4: {  	_ = 	snop  }
0x5: {  	_ = 	snop  }
0x6: {  	_ = 	snop  }
0x7: {  	_ = 	snop  }
__scs_overlays_trampoline_lowered:
0x8: {  	[smem:$0x3FAE] =	sst s0  }
0x9: {  	[smem:$0x3FAF] =	sst s1  }
0xa: {  	[smem:$0x3FB0] =	sst s2  }
0xb: {  	[smem:$0x3FB1] =	sst s3  }
0xc: {  	[smem:$0x3FB2] =	sst s4  }
0xd: {  	[smem:$0x3FB3] =	sst s5  }
0xe: {  	[smem:$0x3FB4] =	sst s6  }
0xf: {  	[smem:$0x3FB5] =	sst s7  }
0x10: {  	[smem:$0x3FB6] =	sst s8  }
0x11: {  	[smem:$0x3FB7] =	sst s9;
	s0 =	simm.s32 @!p0 $0x0  }
0x12: {  	s1 =	sld [smem:$0x3F9D];
	s0 =	simm.s32 @p0 $0x1  }
0x13: {  	[smem:$0x3FB8] =	sst s0;
	s0 =	simm.s32 @!p1 $0x0  }
0x14: {  	s2 =	sld [smem:$0x3F9C];
	s0 =	simm.s32 @p1 $0x1  }
0x15: {  	[smem:$0x3FB9] =	sst s0;
	s0 =	simm.s32 @!p2 $0x0  }
0x16: {  	s3 =	sld [smem:$0x3FDB];
	s0 =	simm.s32 @p2 $0x1  }
0x17: {  	s4 =	simm.s32 $0x1BF5;
	[smem:$0x3FBB] =	sst s0  }
0x18: {  	s0 =	sld [smem:$0x3F9E];
	_ =	swait.ge [sflag:s4], $0x0  }
0x19: {  	s7 =	sld [smem:$0x3F9F]  }
0x1a: {  	s8 =	sadd.s32 $0xFFFFE003, lr  }
0x1b: {  	s9 =	sadd.s32 $0xFFFFFEF7, lr;
	s5 =	simm.s32 $0xFFFFFFFF;
	p2 =	slt.u32 s8, $0xFFFFF086  }
0x1c: {  	p1 =	slt.u32 s9, $0xF7A;
	s5 =	simm.s32 @!p2 $0x0  }
0x1d: {  	s5 =	simm.s32 @p1 $0x1;
	p0 =	seq.s32 s7, s2  }
0x1e: {  	s7 =	smul.u32 @!p0 $0xF7A, s2;
	p2 =	seq.s32 @!p0 s5, $0x0  }
0x1f: {  	s9 =	smul.u32 $0xF7A, s1;
	s8 =	simm.s32 @!p0 $0x1BF5;
	p2 =	por !p2, p0  }
0x20: {  	[sflag:s8] =	ssyncset.s32 @!p0 $0xFFFFF086;
	s6 =	sadd.s32 @!p0 s3, s7;
	s7 =	simm.s32 @!p0 $0x108  }
0x21: {  	s3 =	sadd.s32 s3, s9;
	s6 =	sadd.s32 @!p0 $0x88, s6;
	s7 =	simm.s32 @p2 $0x1082  }
0x22: {  	[simem:s7], [sflag:s8] =	dma.local @!p0 [hbm:s6], $0xF7A  }
0x23: {  	s9 =	sor.u32 $0xD0000000, s2;
	s6 =	simm.s32 $0x108;
	_ =	swait.ge @!p0 [sflag:s8], $0x0  }
0x24: {  	s3 =	sadd.s32 $0x88, s3;
	s6 =	simm.s32 @!p1 $0x1082;
	[sflag:s4] =	ssyncset.s32 $0xFFFFF086  }
0x25: {  	[simem:s6], [sflag:s4] =	dma.local [hbm:s3], $0xF7A  }
0x26: {  	[smem:$0x3F9F] =	sst s1;
	(tag) =	ssettag s2;
	_ =	strace s9  }
0x27: {  	s1 =	sld [smem:$0x3FAF]  }
0x28: {  	s2 =	sld [smem:$0x3FB0]  }
0x29: {  	s4 =	sld [smem:$0x3FB2]  }
0x2a: {  	p0 =	seq.s32 s5, $0x0;
	s5 =	sld [smem:$0x3FB3]  }
0x2b: {  	s6 =	sld [smem:$0x3FB4]  }
0x2c: {  	s7 =	sld [smem:$0x3FB5]  }
0x2d: {  	s3 =	simm.s32 $0x108;
	s8 =	sld [smem:$0x3FB6]  }
0x2e: {  	s3 =	simm.s32 @!p0 $0x1082;
	s9 =	sld [smem:$0x3FB7]  }
0x2f: {  	lr =	sadd.s32 s0, s3;
	s0 =	sld [smem:$0x3FAE]  }
0x30: {  	s3 =	sld [smem:$0x3FB1]  }
0x31: {  	[smem:$0x3FBA] =	sst s10  }
0x32: {  	s10 =	sld [smem:$0x3FB8];
	_ =	sdelay $0x3  }
0x33: {  	p0 =	seq.s32 s10, $0x1;
	s10 =	sld [smem:$0x3FBA];
	_ =	sdelay $0x3  }
0x34: {  	[smem:$0x3FBA] =	sst s10  }
0x35: {  	s10 =	sld [smem:$0x3FB9];
	_ =	sdelay $0x3  }
0x36: {  	p1 =	seq.s32 s10, $0x1;
	s10 =	sld [smem:$0x3FBA];
	_ =	sdelay $0x3  }
0x37: {  	[smem:$0x3FBA] =	sst s10  }
0x38: {  	s10 =	sld [smem:$0x3FBB]  }
0x39: {  	_ = 	snop;
	(pc) =	sbr.ind lr, $3  }
0x3a: {  	_ = 	snop  }
0x3b: {  	_ = 	snop  }
0x3c: {  	p2 =	seq.s32 s10, $0x1;
	s10 =	sld [smem:$0x3FBA]  }
0x3d: {  	_ =	shalt  }
0x3e: {  	_ =	shalt  }
0x3f: {  	_ =	shalt  }
0x40: {  	_ =	shalt  }
0x41: {  	_ =	shalt  }
0x42: {  	_ =	shalt  }
0x43: {  	_ =	shalt  }
0x44: {  	_ =	shalt  }
0x45: {  	_ =	shalt  }
0x46: {  	_ =	shalt  }
0x47: {  	_ =	shalt  }
0x48: {  	_ =	shalt  }
0x49: {  	_ =	shalt  }
0x4a: {  	_ =	shalt  }
0x4b: {  	_ =	shalt  }
0x4c: {  	_ =	shalt  }
0x4d: {  	_ =	shalt  }
0x4e: {  	_ =	shalt  }
0x4f: {  	_ =	shalt  }
0x50: {  	_ =	shalt  }
0x51: {  	_ =	shalt  }
0x52: {  	_ =	shalt  }
0x53: {  	_ =	shalt  }
0x54: {  	_ =	shalt  }
0x55: {  	_ =	shalt  }
0x56: {  	_ =	shalt  }
0x57: {  	_ =	shalt  }
0x58: {  	_ =	shalt  }
0x59: {  	_ =	shalt  }
0x5a: {  	_ =	shalt  }
0x5b: {  	_ =	shalt  }
0x5c: {  	_ =	shalt  }
0x5d: {  	_ =	shalt  }
0x5e: {  	_ =	shalt  }
0x5f: {  	_ =	shalt  }
0x60: {  	_ =	shalt  }
0x61: {  	_ =	shalt  }
0x62: {  	_ =	shalt  }
0x63: {  	_ =	shalt  }
0x64: {  	_ =	shalt  }
0x65: {  	_ =	shalt  }
0x66: {  	_ =	shalt  }
0x67: {  	_ =	shalt  }
0x68: {  	_ =	shalt  }
0x69: {  	_ =	shalt  }
0x6a: {  	_ =	shalt  }
0x6b: {  	_ =	shalt  }
0x6c: {  	_ =	shalt  }
0x6d: {  	_ =	shalt  }
0x6e: {  	_ =	shalt  }
0x6f: {  	_ =	shalt  }
0x70: {  	_ =	shalt  }
0x71: {  	_ =	shalt  }
0x72: {  	_ =	shalt  }
0x73: {  	_ =	shalt  }
0x74: {  	_ =	shalt  }
0x75: {  	_ =	shalt  }
0x76: {  	_ =	shalt  }
0x77: {  	_ =	shalt  }
0x78: {  	_ =	shalt  }
0x79: {  	_ =	shalt  }
0x7a: {  	_ =	shalt  }
0x7b: {  	_ =	shalt  }
0x7c: {  	_ =	shalt  }
0x7d: {  	_ =	shalt  }
0x7e: {  	_ =	shalt  }
0x7f: {  	_ =	shalt  }
0x80: {  	_ =	shalt  }
0x81: {  	_ =	shalt  }
0x82: {  	_ =	shalt  }
0x83: {  	_ =	shalt  }
0x84: {  	_ =	shalt  }
0x85: {  	_ =	shalt  }
0x86: {  	_ =	shalt  }
0x87: {  	_ =	shalt  }
.Lfunc_end0:
.L_simem_size_0:
called_computation_lowered:
.L_overlay_start_0:
0x88: {  	s2 =	sld [smem:$0x3FD9]  }
0x89: {  	s3 =	sld [smem:$0x3FFE];
	_ =	sdelay $0x1  }
0x8a: {  	s1 =	srdreg.scid  }
0x8b: {  	s0 =	sand.u32 $0x1, s1  }
0x8c: {  	s17 =	sshll.u32 s0, $0xA;
	s2 =	sadd.s32 s3, s2  }
0x8d: {  	s2 =	sadd.s32 s2, s17  }
0x8e: {  	[smem:$0x3FC6] =	sst s2  }
0x8f: {  	_ = 	snop  }
0x90: {  	s2 =	sld [smem:$0x3FC8]  }
0x91: {  	s18 =	sld [smem:$0x3FD0];
	(tm) =	ssettm $0x1  }
0x92: {  	s4 =	sld [smem:$0x3FFB];
	_ =	sdelay $0x3  }
0x93: {  	_ =	strace s4  }
0x94: {  	s4 =	sld [smem:$0x3FFC];
	_ =	sdelay $0x3  }
0x95: {  	_ =	strace s4  }
0x96: {  	s4 =	sld [smem:$0x3FFD];
	_ =	sdelay $0x3  }
0x97: {  	_ =	strace s4  }
0x98: {  	_ =	strace $0x8FFFFFFF  }
0x99: {  	s19 =	sld [smem:$0x3FDB];
	_ =	sdelay $0x1  }
0x9a: {  	s5 =	simm.s32 $_scs_section_size  }
0x9b: {  	s6 =	simm.s32 $_size__tile_overlayer_lowered;
	s7 =	simm.s32 $_tile_overlayer_lowered  }
0x9c: {  	s22 =	simm.s32 $0x1BFF;
	s21 =	sshll.u32 s7, $0x1;
	s4 =	sadd.s32 s5, s19  }
0x9d: {  	s8 =	simm.s32 $0x0;
	s20 =	sshll.u32 s6, $0x1;
	s6 =	sadd.s32 s21, s4  }
0x9e: {  	[timem:s8], [sflag:s22] =	dma.local [hbm:s6], s20  }
0x9f: {  	_ =	swait.ge [sflag:s22], s20  }
0xa0: {  	s5 =	ssub.s32 $0x0, s20;
	[sflag:s22] =	ssyncset.done $0x0  }
0xa1: {  	[sflag:s22] =	ssyncadd.s32 s5;
	_ =	sdelay $0x1  }
0xa2: {  	s23 =	simm.s32 $0x1B8B  }
0xa3: {  	_ =	swait.ge [sflag:s23], $0x1  }
0xa4: {  	[sflag:s23] =	ssyncset.done $0x0  }
0xa5: {  	s25 =	simm.s32 $0x1B8E;
	s24 =	sld [smem:$0x3FFE];
	[sflag:s23] =	ssyncadd.s32 $0xFFFFFFFF  }
0xa6: {  	s26 =	simm.s32 $execute0_lowered;
	[smem:$0x3FD2] =	sst s25  }
0xa7: {  	s6 =	sshll.u32 s26, $0x1;
	_ =	strace $0x80000046;
	[dreg:$0x1] =	wrdreg $0xFFFFFFFF  }
0xa8: {  	s28 =	simm.s32 $_size_execute0_lowered;
	s4 =	sadd.s32 s4, s6;
	[dreg:$0x0] =	wrdreg $0x0  }
0xa9: {  	s6 =	sshll.u32 s28, $0x1;
	[dreg:$0x2] =	wrdreg s4  }
0xaa: {  	[dreg:$0x3] =	wrdreg s6  }
0xab: {  	[dreg:$0x4] =	wrdreg $0xC0  }
0xac: {  	_ =	task [dreg:s8], $0x5FFFF  }
0xad: {  	[dreg:$0x1] =	wrdreg $0xFFFFFFFF  }
0xae: {  	[dreg:$0x0] =	wrdreg $0x60  }
0xaf: {  	[dreg:$0x2] =	wrdreg s2  }
0xb0: {  	[dreg:$0x3] =	wrdreg s18  }
0xb1: {  	[dreg:$0x4] =	wrdreg s24  }
0xb2: {  	[dreg:$0x5] =	wrdreg $0x9  }
0xb3: {  	_ =	task.clear_ibuf [dreg:s8], $0x6FFFF;
	_ =	strace $0x90000046  }
0xb4: {  	s29 =	simm.s32 $0x9;
	_ =	strace $0x80000048  }
0xb5: {  	_ =	swait.ge [sflag:s29], $0x1  }
0xb6: {  	[sflag:s29] =	ssyncadd.s32 $0xFFFFFFFF  }
0xb7: {  	_ =	strace $0x90000048  }
0xb8: {  	_ =	sfence  }
0xb9: {  	s30 =	sld [smem:$0x0];
	_ =	sdelay $0x2  }
0xba: {  	s31 =	sshll.u32 s1, $0xD;
	s1 =	sshrl.u32 s1, $0x2  }
0xbb: {  	s3 =	sand.u32 $0x4000, s31;
	s1 =	sadd.s32 s1, s30  }
0xbc: {  	s0 =	sor.u32 s3, s0;
	s1 =	sshll.u32 s1, $0x11  }
0xbd: {  	s0 =	sor.u32 s1, s0  }
0xbe: {  	s0 =	sadd.s32 $0x8F2B, s0  }
0xbf: {  	[sflag:s0] =	ssyncadd.remote.s32 $0x1  }
0xc0: {  	_ =	sfence.sel $0xFFFF  }
0xc1: {  	[dreg:$0x0] =	wrdreg $0xFFFFFFFF;
	(pc) =	sbr.abs _section_cstart, $3  }
0xc2: {  	[dreg:$0x1] =	wrdreg $0xFFFFFFFF  }
0xc3: {  	_ =	task.clear_ibuf [dreg:s8], $0x2FFFF;
	_ =	strace $0x9FFFFFFF  }
0xc4: {  	(tm) =	ssettm $0x7FFFFFFF  }
0xc5: {  	_ =	shalt  }
tec
execute0_lowered:
.L_overlay_start_1:
0x0: {  	(tag) =	ssettag $0x1  }
0x1: {  	s0 =	rddreg [dreg:$0x0]  }
0x2: {  	s1 =	rddreg [dreg:$0x2];
	s2 =	srdreg.scid  }
0x3: {  	s7 =	stileid.u32;
	s3 =	simm.s32 $0x0;
	s11 =	simm.s32 $0x400  }
0x4: {  	s12 =	simm.s32 $0x7A1400;
	s13 =	simm.s32 $0x2000;
	s14 =	simm.s32 $0x4000  }
0x5: {  	s15 =	simm.s32 $0x1;
	s16 =	simm.s32 $0x8000;
	s17 =	simm.s32 $0x2  }
0x6: {  	s18 =	simm.s32 $0xA000;
	s19 =	simm.s32 $0x3;
	s20 =	simm.s32 $0xC000  }
0x7: {  	s21 =	simm.s32 $0x4;
	s22 =	simm.s32 $0x6000;
	s23 =	simm.s32 $0xE000  }
0x8: {  	s25 =	simm.s32 $0x6;
	s28 =	simm.s32 $0x8;
	s29 =	simm.s32 $0x9  }
0x9: {  	s30 =	simm.s32 $0x0;
	s2 =	sand.u32 $0x1, s2;
	s4 =	sshll.u32 s7, $0x1  }
0xa: {  	[smem:$0x7FF] =	sst s3;
	p0 =	slt.u32 s7, $0x2;
	s24 =	sor.u32 s2, s4  }
0xb: {  	_ =	strace $0x80000047;
	s2 =	ssub.s32 $0x2, s2;
	s4 =	sshll.u32 s24, $0xA  }
0xc: {  	v0 =	vlaneseq.u32;
	s6 =	sshrl.u32 s2, $0x1;
	s5 =	sshll.u32 s24, $0x7;
	s8 =	sadd.s32 s4, s1  }
.Ltmp0:
0xd: {  	v1 =	vmul.u32 $0x80, v0;
	v9 =	vor.u32 $0x10, v0;
	v10 =	vor.u32 $0x20, v0;
	s4 =	simm.s32 $0xF5;
	s5 =	sadd.s32 s0, s5;
	(pc) =	sbr.rel .LBB2_1-.Ltmp0, $4  }
0xe: {  	v11 =	vor.u32 $0x30, v0;
	v12 =	vor.u32 $0x40, v0;
	v13 =	vor.u32 $0x50, v0;
	s26 =	ssub.s32 s2, s6;
	s1 =	sadd.s32 $0x7A1A00, s1;
	s4 =	simm.s32 @!p0 $0xF4  }
0xf: {  	v14 =	vor.u32 $0x60, v0;
	v15 =	vor.u32 $0x70, v0;
	v2 =	vor.u32 $0x800, v1;
	s31 =	sadd.s32 $0x1000, s5;
	s7 =	sadd.s32 $0x2000, s5;
	s8 =	sadd.s32 $0xA00, s8  }
0x10: {  	v3 =	vor.u32 $0x1000, v1;
	v4 =	vor.u32 $0x1800, v1;
	v5 =	vor.u32 $0x1, v1;
	[dreg:$0x5] =	wrdreg s1;
	s10 =	smax.u32 s26, $0x1;
	p0 =	sne.s32 s24, $0x1F  }
0x11: {  	v6 =	vor.u32 $0x801, v1;
	v7 =	vor.u32 $0x1001, v1;
	v8 =	vor.u32 $0x1801, v1;
	s24 =	simm.s32 $0x5;
	s26 =	simm.s32 $0x7;
	[dreg:$0x4] =	wrdreg s31  }
.LBB2_23:
0x12: {  	s30 =	sadd.s32 $0x1, s30  }
0x13: {  	p1 =	sne.s32 s30, s10  }
.Ltmp1:
0x14: {  	_ = 	snop;
	(pc) =	sbr.rel @!p1 .LBB2_24-.Ltmp1, $1  }
0x15: {  	_ =	sdelay $0x3  }
.LBB2_1:
0x16: {  	[tilespmem:s3], [sflag:$0x1] =	stream.strided.gather [hbm4b:s5+s11], $0x2000, s12, s11, $0x38;
	[tilespmem:$0x10000] =	vst v63  }
.Ltmp2:
0x17: {  	_ = 	snop;
	(pc) =	sbr.rel .LBB2_2-.Ltmp2, $4  }
0x18: {  	s0 =	rddreg [dreg:$0x4]  }
0x19: {  	[tilespmem:s13], [sflag:$0x2] =	stream.strided.gather [hbm4b:s0+s11], $0x2000, s12, s11, $0x38;
	[tilespmem:$0x10000] =	vst v63  }
0x1a: {  	s31 =	simm.s32 $0x0  }
0x1b: {  	[tilespmem:s14], [sflag:$0x3] =	stream.strided.gather [hbm4b:s7+s11], $0x2000, s12, s11, $0x38;
	[tilespmem:$0x10000] =	vst v63  }
.LBB2_18:
0x1c: {  	s31 =	sadd.s32 $0x1, s31  }
0x1d: {  	p1 =	sne.s32 s31, $0x3E  }
.Ltmp3:
0x1e: {  	_ = 	snop;
	(pc) =	sbr.rel @!p1 .LBB2_19-.Ltmp3, $1  }
0x1f: {  	_ =	sdelay $0x3  }
.LBB2_2:
0x20: {  	s0 =	sshll.u32 s31, $0x2  }
0x21: {  	p2 =	sge.u32 s0, s4  }
.Ltmp4:
0x22: {  	_ = 	snop;
	(pc) =	sbr.rel @p2 .LBB2_6-.Ltmp4, $2  }
0x23: {  	_ =	sdelay $0x2  }
0x24: {  	p1 =	seq.s32 s31, $0x0  }
0x25: {  	s1 =	simm.s32 $0x0  }
0x26: {  	v16 =	vadd.s32 s1, v0  }
0x27: {  	s1 =	simm.s32 @!p1 $0x5;
	v16 =	vand.u32 $0x3F, v16  }
0x28: {  	_ =	swait.ge @!p1 [sflag:s1], $0x2000;
	v19 =	vshll.u32 v16, $0x1  }
0x29: {  	[sflag:s1] =	ssyncset.done @!p1 $0x0;
	v17 =	vor.u32 v5, v19  }
0x2a: {  	[sflag:s1] =	ssyncadd.s32 @!p1 $0xFFFFE000;
	v20 =	vor.u32 v1, v19  }
0x2b: {  	v22 =	vor.u32 v3, v19;
	_ =	swait.ge [sflag:s15], $0x2000  }
0x2c: {  	v23 =	vor.u32 v2, v19;
	[sflag:s15] =	ssyncset.done $0x0  }
0x2d: {  	v25 =	vor.u32 v4, v19;
	[sflag:s15] =	ssyncadd.s32 $0xFFFFE000  }
0x2e: {  	v31 =	vor.u32 v6, v19;
	v18 =	vld.idx.msk [tilespmem:v17+s3+$0x0], $0xffff  }
0x2f: {  	s9 =	simm.s32 $0x1;
	v16 =	vshll.u32 v16, $0x7;
	v33 =	vor.u32 v7, v19;
	v27 =	vld.idx.msk [tilespmem:v20+s3+$0x0], $0xffff  }
0x30: {  	v21 =	vor.u32 v8, v19;
	v19 =	vadd.s32 s9, v0;
	v32 =	vor.u32 v0, v16;
	v26 =	vld.idx.msk [tilespmem:v22+s3+$0x0], $0xffff  }
0x31: {  	v24 =	vor.u32 v13, v16;
	v34 =	vor.u32 v9, v16;
	v19 =	vand.u32 $0x3F, v19;
	v30 =	vld.idx.msk [tilespmem:v23+s3+$0x0], $0xffff  }
0x32: {  	v35 =	vor.u32 v10, v16;
	v36 =	vor.u32 v11, v16;
	v28 =	vshll.u32 v19, $0x1;
	v29 =	vld.idx.msk [tilespmem:v25+s3+$0x0], $0xffff  }
0x33: {  	v19 =	vshll.u32 v19, $0x7;
	v17 =	vor.u32 v12, v16;
	v23 =	vor.u32 v1, v28;
	v31 =	vld.idx.msk [tilespmem:v31+s3+$0x0], $0xffff  }
0x34: {  	s1 =	simm.s32 $0x2;
	v20 =	vor.u32 v2, v28;
	v25 =	vor.u32 v3, v28;
	v22 =	vor.u32 v4, v28;
	v33 =	vld.idx.msk [tilespmem:v33+s3+$0x0], $0xffff  }
.LBB2_4:
0x35: {  	p2 =	sne.s32 s1, $0x3F;
	v37 =	vor.u32 v5, v28;
	v38 =	vor.u32 v6, v28;
	v39 =	vor.u32 v12, v19;
	v40 =	vld.idx.msk [tilespmem:v21+s3+$0x0], $0xffff;
	s2 =	smov.u32 s1;
	s1 =	sadd.s32 $0x1, s1  }
0x36: {  	v41 =	vor.u32 v7, v28;
	v21 =	vor.u32 v8, v28;
	[tilespmem:v32+s16+$0x0] =	vst.idx.msk $0xffff, v27  }
0x37: {  	v27 =	vor.u32 v14, v16;
	[tilespmem:v34+s16+$0x0] =	vst.idx.msk $0xffff, v30  }
0x38: {  	[tilespmem:v35+s16+$0x0] =	vst.idx.msk $0xffff, v26;
	v26 =	vor.u32 v15, v16;
	v16 =	vmov v19  }
0x39: {  	[tilespmem:v36+s16+$0x0] =	vst.idx.msk $0xffff, v29  }
0x3a: {  	[tilespmem:v17+s16+$0x0] =	vst.idx.msk $0xffff, v18;
	v17 =	vmov v39  }
0x3b: {  	[tilespmem:v24+s16+$0x0] =	vst.idx.msk $0xffff, v31  }
0x3c: {  	[tilespmem:v27+s16+$0x0] =	vst.idx.msk $0xffff, v33  }
0x3d: {  	[tilespmem:v26+s16+$0x0] =	vst.idx.msk $0xffff, v40  }
0x3e: {  	v18 =	vld.idx.msk [tilespmem:v37+s3+$0x0], $0xffff  }
0x3f: {  	v27 =	vld.idx.msk [tilespmem:v23+s3+$0x0], $0xffff  }
.Ltmp5:
0x40: {  	v19 =	vadd.s32 s2, v0;
	v26 =	vld.idx.msk [tilespmem:v25+s3+$0x0], $0xffff;
	(pc) =	sbr.rel @p2 .LBB2_4-.Ltmp5, $4  }
0x41: {  	v19 =	vand.u32 $0x3F, v19;
	v32 =	vor.u32 v0, v16;
	v24 =	vor.u32 v13, v16;
	v30 =	vld.idx.msk [tilespmem:v20+s3+$0x0], $0xffff  }
0x42: {  	v34 =	vor.u32 v9, v16;
	v28 =	vshll.u32 v19, $0x1;
	v19 =	vshll.u32 v19, $0x7;
	v29 =	vld.idx.msk [tilespmem:v22+s3+$0x0], $0xffff  }
0x43: {  	v35 =	vor.u32 v10, v16;
	v23 =	vor.u32 v1, v28;
	v20 =	vor.u32 v2, v28;
	v31 =	vld.idx.msk [tilespmem:v38+s3+$0x0], $0xffff  }
0x44: {  	v36 =	vor.u32 v11, v16;
	v25 =	vor.u32 v3, v28;
	v22 =	vor.u32 v4, v28;
	v33 =	vld.idx.msk [tilespmem:v41+s3+$0x0], $0xffff  }
0x45: {  	_ =	sdelay $0x3  }
0x46: {  	v21 =	vld.idx.msk [tilespmem:v21+s3+$0x0], $0xffff;
	[tilespmem:v32+s16+$0x0] =	vst.idx.msk $0xffff, v27  }
0x47: {  	v52 =	vor.u32 v14, v16;
	[tilespmem:v34+s16+$0x0] =	vst.idx.msk $0xffff, v30  }
0x48: {  	v16 =	vor.u32 v15, v16;
	[tilespmem:v35+s16+$0x0] =	vst.idx.msk $0xffff, v26  }
0x49: {  	v53 =	vor.u32 v5, v28;
	[tilespmem:v36+s16+$0x0] =	vst.idx.msk $0xffff, v29  }
0x4a: {  	[tilespmem:v17+s16+$0x0] =	vst.idx.msk $0xffff, v18  }
0x4b: {  	[tilespmem:v24+s16+$0x0] =	vst.idx.msk $0xffff, v31  }
0x4c: {  	[tilespmem:v52+s16+$0x0] =	vst.idx.msk $0xffff, v33  }
0x4d: {  	[tilespmem:v16+s16+$0x0] =	vst.idx.msk $0xffff, v21  }
0x4e: {  	v54 =	vor.u32 v7, v28;
	v17 =	vld.idx.msk [tilespmem:v53+s3+$0x0], $0xffff  }
0x4f: {  	v55 =	vor.u32 v8, v28;
	v21 =	vld.idx.msk [tilespmem:v23+s3+$0x0], $0xffff  }
0x50: {  	v56 =	vor.u32 v0, v19;
	v16 =	vor.u32 v6, v28;
	v24 =	vld.idx.msk [tilespmem:v25+s3+$0x0], $0xffff  }
0x51: {  	v57 =	vor.u32 v9, v19;
	v20 =	vld.idx.msk [tilespmem:v20+s3+$0x0], $0xffff  }
0x52: {  	v58 =	vor.u32 v10, v19;
	v22 =	vld.idx.msk [tilespmem:v22+s3+$0x0], $0xffff  }
0x53: {  	v59 =	vor.u32 v11, v19;
	v18 =	vld.idx.msk [tilespmem:v54+s3+$0x0], $0xffff  }
0x54: {  	v60 =	vor.u32 v12, v19;
	v23 =	vld.idx.msk [tilespmem:v55+s3+$0x0], $0xffff  }
0x55: {  	v61 =	vor.u32 v13, v19;
	v16 =	vld.idx.msk [tilespmem:v16+s3+$0x0], $0xffff;
	[tilespmem:v56+s16+$0x0] =	vst.idx.msk $0xffff, v21  }
0x56: {  	v62 =	vor.u32 v14, v19;
	[tilespmem:v57+s16+$0x0] =	vst.idx.msk $0xffff, v20  }
0x57: {  	v63 =	vor.u32 v15, v19;
	[tilespmem:v58+s16+$0x0] =	vst.idx.msk $0xffff, v24  }
0x58: {  	[tilespmem:v59+s16+$0x0] =	vst.idx.msk $0xffff, v22  }
0x59: {  	[tilespmem:v60+s16+$0x0] =	vst.idx.msk $0xffff, v17  }
0x5a: {  	[tilespmem:v61+s16+$0x0] =	vst.idx.msk $0xffff, v16  }
0x5b: {  	s1 =	sshll.u32 s31, $0x11;
	[tilespmem:v62+s16+$0x0] =	vst.idx.msk $0xffff, v18  }
0x5c: {  	s1 =	sadd.s32 s1, s8;
	[tilespmem:v63+s16+$0x0] =	vst.idx.msk $0xffff, v23  }
0x5d: {  	[hbm4b:s1+s3] =	stream.linear.scatter [tilespmem:s16], [sflag:$0x5], $0x2000, $0x38;
	[tilespmem:$0x10000] =	vst v63  }
0x5e: {  	s1 =	sor.u32 $0x3, s0  }
0x5f: {  	p2 =	sge.u32 s1, s4  }
0x60: {  	s1 =	sshll.u32 @!p2 s1, $0xC;
	s2 =	simm.s32 @!p2 $0x400  }
0x61: {  	s9 =	simm.s32 @!p2 $0x7A1400;
	s6 =	simm.s32 @!p2 $0x6000;
	s1 =	sadd.s32 @!p2 s1, s5  }
0x62: {  	[tilespmem:s6], [sflag:$0x4] =	stream.strided.gather @!p2 [hbm4b:s1+s2], $0x2000, s9, s2, $0x38;
	[tilespmem:$0x10000] =	vst v63  }
.LBB2_6:
0x63: {  	s1 =	sor.u32 $0x1, s0  }
0x64: {  	p2 =	sge.u32 s1, s4  }
.Ltmp6:
0x65: {  	_ = 	snop;
	(pc) =	sbr.rel @p2 .LBB2_10-.Ltmp6, $1  }
0x66: {  	_ =	sdelay $0x3  }
0x67: {  	s2 =	simm.s32 $0x0  }
0x68: {  	v16 =	vadd.s32 s2, v0  }
0x69: {  	s2 =	simm.s32 @!p1 $0x6;
	v16 =	vand.u32 $0x3F, v16  }
0x6a: {  	_ =	swait.ge @!p1 [sflag:s2], $0x2000;
	v19 =	vshll.u32 v16, $0x1  }
0x6b: {  	[sflag:s2] =	ssyncset.done @!p1 $0x0;
	v17 =	vor.u32 v5, v19  }
0x6c: {  	[sflag:s2] =	ssyncadd.s32 @!p1 $0xFFFFE000;
	v20 =	vor.u32 v1, v19  }
0x6d: {  	v22 =	vor.u32 v3, v19;
	_ =	swait.ge [sflag:s17], $0x2000  }
0x6e: {  	v23 =	vor.u32 v2, v19;
	[sflag:s17] =	ssyncset.done $0x0  }
0x6f: {  	v25 =	vor.u32 v4, v19;
	[sflag:s17] =	ssyncadd.s32 $0xFFFFE000  }
0x70: {  	v31 =	vor.u32 v6, v19;
	v18 =	vld.idx.msk [tilespmem:v17+s13+$0x0], $0xffff  }
0x71: {  	s9 =	simm.s32 $0x1;
	v16 =	vshll.u32 v16, $0x7;
	v33 =	vor.u32 v7, v19;
	v27 =	vld.idx.msk [tilespmem:v20+s13+$0x0], $0xffff  }
0x72: {  	v21 =	vor.u32 v8, v19;
	v19 =	vadd.s32 s9, v0;
	v32 =	vor.u32 v0, v16;
	v26 =	vld.idx.msk [tilespmem:v22+s13+$0x0], $0xffff  }
0x73: {  	v24 =	vor.u32 v13, v16;
	v34 =	vor.u32 v9, v16;
	v19 =	vand.u32 $0x3F, v19;
	v30 =	vld.idx.msk [tilespmem:v23+s13+$0x0], $0xffff  }
0x74: {  	v35 =	vor.u32 v10, v16;
	v36 =	vor.u32 v11, v16;
	v28 =	vshll.u32 v19, $0x1;
	v29 =	vld.idx.msk [tilespmem:v25+s13+$0x0], $0xffff  }
0x75: {  	v19 =	vshll.u32 v19, $0x7;
	v17 =	vor.u32 v12, v16;
	v23 =	vor.u32 v1, v28;
	v31 =	vld.idx.msk [tilespmem:v31+s13+$0x0], $0xffff  }
0x76: {  	s2 =	simm.s32 $0x2;
	v20 =	vor.u32 v2, v28;
	v25 =	vor.u32 v3, v28;
	v22 =	vor.u32 v4, v28;
	v33 =	vld.idx.msk [tilespmem:v33+s13+$0x0], $0xffff  }
.LBB2_8:
0x77: {  	p2 =	sne.s32 s2, $0x3F;
	v37 =	vor.u32 v5, v28;
	v38 =	vor.u32 v6, v28;
	v39 =	vor.u32 v12, v19;
	v40 =	vld.idx.msk [tilespmem:v21+s13+$0x0], $0xffff;
	s6 =	smov.u32 s2;
	s2 =	sadd.s32 $0x1, s2  }
0x78: {  	v41 =	vor.u32 v7, v28;
	v21 =	vor.u32 v8, v28;
	[tilespmem:v32+s18+$0x0] =	vst.idx.msk $0xffff, v27  }
0x79: {  	v27 =	vor.u32 v14, v16;
	[tilespmem:v34+s18+$0x0] =	vst.idx.msk $0xffff, v30  }
0x7a: {  	[tilespmem:v35+s18+$0x0] =	vst.idx.msk $0xffff, v26;
	v26 =	vor.u32 v15, v16;
	v16 =	vmov v19  }
0x7b: {  	[tilespmem:v36+s18+$0x0] =	vst.idx.msk $0xffff, v29  }
0x7c: {  	[tilespmem:v17+s18+$0x0] =	vst.idx.msk $0xffff, v18;
	v17 =	vmov v39  }
0x7d: {  	[tilespmem:v24+s18+$0x0] =	vst.idx.msk $0xffff, v31  }
0x7e: {  	[tilespmem:v27+s18+$0x0] =	vst.idx.msk $0xffff, v33  }
0x7f: {  	[tilespmem:v26+s18+$0x0] =	vst.idx.msk $0xffff, v40  }
0x80: {  	v18 =	vld.idx.msk [tilespmem:v37+s13+$0x0], $0xffff  }
0x81: {  	v27 =	vld.idx.msk [tilespmem:v23+s13+$0x0], $0xffff  }
.Ltmp7:
0x82: {  	v19 =	vadd.s32 s6, v0;
	v26 =	vld.idx.msk [tilespmem:v25+s13+$0x0], $0xffff;
	(pc) =	sbr.rel @p2 .LBB2_8-.Ltmp7, $4  }
0x83: {  	v19 =	vand.u32 $0x3F, v19;
	v32 =	vor.u32 v0, v16;
	v24 =	vor.u32 v13, v16;
	v30 =	vld.idx.msk [tilespmem:v20+s13+$0x0], $0xffff  }
0x84: {  	v34 =	vor.u32 v9, v16;
	v28 =	vshll.u32 v19, $0x1;
	v19 =	vshll.u32 v19, $0x7;
	v29 =	vld.idx.msk [tilespmem:v22+s13+$0x0], $0xffff  }
0x85: {  	v35 =	vor.u32 v10, v16;
	v23 =	vor.u32 v1, v28;
	v20 =	vor.u32 v2, v28;
	v31 =	vld.idx.msk [tilespmem:v38+s13+$0x0], $0xffff  }
0x86: {  	v36 =	vor.u32 v11, v16;
	v25 =	vor.u32 v3, v28;
	v22 =	vor.u32 v4, v28;
	v33 =	vld.idx.msk [tilespmem:v41+s13+$0x0], $0xffff  }
0x87: {  	_ =	sdelay $0x3  }
0x88: {  	v21 =	vld.idx.msk [tilespmem:v21+s13+$0x0], $0xffff;
	[tilespmem:v32+s18+$0x0] =	vst.idx.msk $0xffff, v27  }
0x89: {  	v52 =	vor.u32 v14, v16;
	[tilespmem:v34+s18+$0x0] =	vst.idx.msk $0xffff, v30  }
0x8a: {  	v16 =	vor.u32 v15, v16;
	[tilespmem:v35+s18+$0x0] =	vst.idx.msk $0xffff, v26  }
0x8b: {  	v53 =	vor.u32 v5, v28;
	[tilespmem:v36+s18+$0x0] =	vst.idx.msk $0xffff, v29  }
0x8c: {  	[tilespmem:v17+s18+$0x0] =	vst.idx.msk $0xffff, v18  }
0x8d: {  	[tilespmem:v24+s18+$0x0] =	vst.idx.msk $0xffff, v31  }
0x8e: {  	[tilespmem:v52+s18+$0x0] =	vst.idx.msk $0xffff, v33  }
0x8f: {  	[tilespmem:v16+s18+$0x0] =	vst.idx.msk $0xffff, v21  }
0x90: {  	v54 =	vor.u32 v7, v28;
	v17 =	vld.idx.msk [tilespmem:v53+s13+$0x0], $0xffff  }
0x91: {  	v55 =	vor.u32 v8, v28;
	v21 =	vld.idx.msk [tilespmem:v23+s13+$0x0], $0xffff  }
0x92: {  	v56 =	vor.u32 v0, v19;
	v16 =	vor.u32 v6, v28;
	v24 =	vld.idx.msk [tilespmem:v25+s13+$0x0], $0xffff  }
0x93: {  	v57 =	vor.u32 v9, v19;
	v20 =	vld.idx.msk [tilespmem:v20+s13+$0x0], $0xffff  }
0x94: {  	v58 =	vor.u32 v10, v19;
	v22 =	vld.idx.msk [tilespmem:v22+s13+$0x0], $0xffff  }
0x95: {  	v59 =	vor.u32 v11, v19;
	v18 =	vld.idx.msk [tilespmem:v54+s13+$0x0], $0xffff  }
0x96: {  	v60 =	vor.u32 v12, v19;
	v23 =	vld.idx.msk [tilespmem:v55+s13+$0x0], $0xffff  }
0x97: {  	v61 =	vor.u32 v13, v19;
	v16 =	vld.idx.msk [tilespmem:v16+s13+$0x0], $0xffff;
	[tilespmem:v56+s18+$0x0] =	vst.idx.msk $0xffff, v21  }
0x98: {  	v62 =	vor.u32 v14, v19;
	[tilespmem:v57+s18+$0x0] =	vst.idx.msk $0xffff, v20  }
0x99: {  	v63 =	vor.u32 v15, v19;
	[tilespmem:v58+s18+$0x0] =	vst.idx.msk $0xffff, v24  }
0x9a: {  	[tilespmem:v59+s18+$0x0] =	vst.idx.msk $0xffff, v22  }
0x9b: {  	[tilespmem:v60+s18+$0x0] =	vst.idx.msk $0xffff, v17  }
0x9c: {  	[tilespmem:v61+s18+$0x0] =	vst.idx.msk $0xffff, v16  }
0x9d: {  	s1 =	sshll.u32 s1, $0xF;
	[tilespmem:v62+s18+$0x0] =	vst.idx.msk $0xffff, v18  }
0x9e: {  	s1 =	sadd.s32 s1, s8;
	[tilespmem:v63+s18+$0x0] =	vst.idx.msk $0xffff, v23  }
0x9f: {  	[hbm4b:s1+s3] =	stream.linear.scatter [tilespmem:s18], [sflag:$0x6], $0x2000, $0x38;
	[tilespmem:$0x10000] =	vst v63  }
0xa0: {  	s1 =	sadd.s32 $0x4, s0  }
0xa1: {  	p2 =	sge.u32 s1, s4  }
0xa2: {  	s1 =	sshll.u32 @!p2 s1, $0xC;
	s2 =	simm.s32 @!p2 $0x400  }
0xa3: {  	s6 =	simm.s32 @!p2 $0x7A1400;
	s9 =	simm.s32 @!p2 $0x0;
	s1 =	sadd.s32 @!p2 s1, s5  }
0xa4: {  	[tilespmem:s9], [sflag:$0x1] =	stream.strided.gather @!p2 [hbm4b:s1+s2], $0x2000, s6, s2, $0x38;
	[tilespmem:$0x10000] =	vst v63  }
.LBB2_10:
0xa5: {  	s1 =	sor.u32 $0x2, s0  }
0xa6: {  	p2 =	sge.u32 s1, s4  }
.Ltmp8:
0xa7: {  	_ = 	snop;
	(pc) =	sbr.rel @p2 .LBB2_14-.Ltmp8, $1  }
0xa8: {  	_ =	sdelay $0x3  }
0xa9: {  	s2 =	simm.s32 $0x0  }
0xaa: {  	v16 =	vadd.s32 s2, v0  }
0xab: {  	s2 =	simm.s32 @!p1 $0x7;
	v16 =	vand.u32 $0x3F, v16  }
0xac: {  	_ =	swait.ge @!p1 [sflag:s2], $0x2000;
	v19 =	vshll.u32 v16, $0x1  }
0xad: {  	[sflag:s2] =	ssyncset.done @!p1 $0x0;
	v17 =	vor.u32 v5, v19  }
0xae: {  	[sflag:s2] =	ssyncadd.s32 @!p1 $0xFFFFE000;
	v20 =	vor.u32 v1, v19  }
0xaf: {  	v22 =	vor.u32 v3, v19;
	_ =	swait.ge [sflag:s19], $0x2000  }
0xb0: {  	v23 =	vor.u32 v2, v19;
	[sflag:s19] =	ssyncset.done $0x0  }
0xb1: {  	v25 =	vor.u32 v4, v19;
	[sflag:s19] =	ssyncadd.s32 $0xFFFFE000  }
0xb2: {  	v31 =	vor.u32 v6, v19;
	v18 =	vld.idx.msk [tilespmem:v17+s14+$0x0], $0xffff  }
0xb3: {  	s9 =	simm.s32 $0x1;
	v16 =	vshll.u32 v16, $0x7;
	v33 =	vor.u32 v7, v19;
	v27 =	vld.idx.msk [tilespmem:v20+s14+$0x0], $0xffff  }
0xb4: {  	v21 =	vor.u32 v8, v19;
	v19 =	vadd.s32 s9, v0;
	v32 =	vor.u32 v0, v16;
	v26 =	vld.idx.msk [tilespmem:v22+s14+$0x0], $0xffff  }
0xb5: {  	v24 =	vor.u32 v13, v16;
	v34 =	vor.u32 v9, v16;
	v19 =	vand.u32 $0x3F, v19;
	v30 =	vld.idx.msk [tilespmem:v23+s14+$0x0], $0xffff  }
0xb6: {  	v35 =	vor.u32 v10, v16;
	v36 =	vor.u32 v11, v16;
	v28 =	vshll.u32 v19, $0x1;
	v29 =	vld.idx.msk [tilespmem:v25+s14+$0x0], $0xffff  }
0xb7: {  	v19 =	vshll.u32 v19, $0x7;
	v17 =	vor.u32 v12, v16;
	v23 =	vor.u32 v1, v28;
	v31 =	vld.idx.msk [tilespmem:v31+s14+$0x0], $0xffff  }
0xb8: {  	s2 =	simm.s32 $0x2;
	v20 =	vor.u32 v2, v28;
	v25 =	vor.u32 v3, v28;
	v22 =	vor.u32 v4, v28;
	v33 =	vld.idx.msk [tilespmem:v33+s14+$0x0], $0xffff  }
.LBB2_12:
0xb9: {  	p2 =	sne.s32 s2, $0x3F;
	v37 =	vor.u32 v5, v28;
	v38 =	vor.u32 v6, v28;
	v39 =	vor.u32 v12, v19;
	v40 =	vld.idx.msk [tilespmem:v21+s14+$0x0], $0xffff;
	s6 =	smov.u32 s2;
	s2 =	sadd.s32 $0x1, s2  }
0xba: {  	v41 =	vor.u32 v7, v28;
	v21 =	vor.u32 v8, v28;
	[tilespmem:v32+s20+$0x0] =	vst.idx.msk $0xffff, v27  }
0xbb: {  	v27 =	vor.u32 v14, v16;
	[tilespmem:v34+s20+$0x0] =	vst.idx.msk $0xffff, v30  }
0xbc: {  	[tilespmem:v35+s20+$0x0] =	vst.idx.msk $0xffff, v26;
	v26 =	vor.u32 v15, v16;
	v16 =	vmov v19  }
0xbd: {  	[tilespmem:v36+s20+$0x0] =	vst.idx.msk $0xffff, v29  }
0xbe: {  	[tilespmem:v17+s20+$0x0] =	vst.idx.msk $0xffff, v18;
	v17 =	vmov v39  }
0xbf: {  	[tilespmem:v24+s20+$0x0] =	vst.idx.msk $0xffff, v31  }
0xc0: {  	[tilespmem:v27+s20+$0x0] =	vst.idx.msk $0xffff, v33  }
0xc1: {  	[tilespmem:v26+s20+$0x0] =	vst.idx.msk $0xffff, v40  }
0xc2: {  	v18 =	vld.idx.msk [tilespmem:v37+s14+$0x0], $0xffff  }
0xc3: {  	v27 =	vld.idx.msk [tilespmem:v23+s14+$0x0], $0xffff  }
.Ltmp9:
0xc4: {  	v19 =	vadd.s32 s6, v0;
	v26 =	vld.idx.msk [tilespmem:v25+s14+$0x0], $0xffff;
	(pc) =	sbr.rel @p2 .LBB2_12-.Ltmp9, $4  }
0xc5: {  	v19 =	vand.u32 $0x3F, v19;
	v32 =	vor.u32 v0, v16;
	v24 =	vor.u32 v13, v16;
	v30 =	vld.idx.msk [tilespmem:v20+s14+$0x0], $0xffff  }
0xc6: {  	v34 =	vor.u32 v9, v16;
	v28 =	vshll.u32 v19, $0x1;
	v19 =	vshll.u32 v19, $0x7;
	v29 =	vld.idx.msk [tilespmem:v22+s14+$0x0], $0xffff  }
0xc7: {  	v35 =	vor.u32 v10, v16;
	v23 =	vor.u32 v1, v28;
	v20 =	vor.u32 v2, v28;
	v31 =	vld.idx.msk [tilespmem:v38+s14+$0x0], $0xffff  }
0xc8: {  	v36 =	vor.u32 v11, v16;
	v25 =	vor.u32 v3, v28;
	v22 =	vor.u32 v4, v28;
	v33 =	vld.idx.msk [tilespmem:v41+s14+$0x0], $0xffff  }
0xc9: {  	_ =	sdelay $0x3  }
0xca: {  	v21 =	vld.idx.msk [tilespmem:v21+s14+$0x0], $0xffff;
	[tilespmem:v32+s20+$0x0] =	vst.idx.msk $0xffff, v27  }
0xcb: {  	v52 =	vor.u32 v14, v16;
	[tilespmem:v34+s20+$0x0] =	vst.idx.msk $0xffff, v30  }
0xcc: {  	v16 =	vor.u32 v15, v16;
	[tilespmem:v35+s20+$0x0] =	vst.idx.msk $0xffff, v26  }
0xcd: {  	v53 =	vor.u32 v5, v28;
	[tilespmem:v36+s20+$0x0] =	vst.idx.msk $0xffff, v29  }
0xce: {  	[tilespmem:v17+s20+$0x0] =	vst.idx.msk $0xffff, v18  }
0xcf: {  	[tilespmem:v24+s20+$0x0] =	vst.idx.msk $0xffff, v31  }
0xd0: {  	[tilespmem:v52+s20+$0x0] =	vst.idx.msk $0xffff, v33  }
0xd1: {  	[tilespmem:v16+s20+$0x0] =	vst.idx.msk $0xffff, v21  }
0xd2: {  	v54 =	vor.u32 v7, v28;
	v17 =	vld.idx.msk [tilespmem:v53+s14+$0x0], $0xffff  }
0xd3: {  	v55 =	vor.u32 v8, v28;
	v21 =	vld.idx.msk [tilespmem:v23+s14+$0x0], $0xffff  }
0xd4: {  	v56 =	vor.u32 v0, v19;
	v16 =	vor.u32 v6, v28;
	v24 =	vld.idx.msk [tilespmem:v25+s14+$0x0], $0xffff  }
0xd5: {  	v57 =	vor.u32 v9, v19;
	v20 =	vld.idx.msk [tilespmem:v20+s14+$0x0], $0xffff  }
0xd6: {  	v58 =	vor.u32 v10, v19;
	v22 =	vld.idx.msk [tilespmem:v22+s14+$0x0], $0xffff  }
0xd7: {  	v59 =	vor.u32 v11, v19;
	v18 =	vld.idx.msk [tilespmem:v54+s14+$0x0], $0xffff  }
0xd8: {  	v60 =	vor.u32 v12, v19;
	v23 =	vld.idx.msk [tilespmem:v55+s14+$0x0], $0xffff  }
0xd9: {  	v61 =	vor.u32 v13, v19;
	v16 =	vld.idx.msk [tilespmem:v16+s14+$0x0], $0xffff;
	[tilespmem:v56+s20+$0x0] =	vst.idx.msk $0xffff, v21  }
0xda: {  	v62 =	vor.u32 v14, v19;
	[tilespmem:v57+s20+$0x0] =	vst.idx.msk $0xffff, v20  }
0xdb: {  	v63 =	vor.u32 v15, v19;
	[tilespmem:v58+s20+$0x0] =	vst.idx.msk $0xffff, v24  }
0xdc: {  	[tilespmem:v59+s20+$0x0] =	vst.idx.msk $0xffff, v22  }
0xdd: {  	[tilespmem:v60+s20+$0x0] =	vst.idx.msk $0xffff, v17  }
0xde: {  	[tilespmem:v61+s20+$0x0] =	vst.idx.msk $0xffff, v16  }
0xdf: {  	s1 =	sshll.u32 s1, $0xF;
	[tilespmem:v62+s20+$0x0] =	vst.idx.msk $0xffff, v18  }
0xe0: {  	s1 =	sadd.s32 s1, s8;
	[tilespmem:v63+s20+$0x0] =	vst.idx.msk $0xffff, v23  }
0xe1: {  	[hbm4b:s1+s3] =	stream.linear.scatter [tilespmem:s20], [sflag:$0x7], $0x2000, $0x38;
	[tilespmem:$0x10000] =	vst v63  }
0xe2: {  	s1 =	sadd.s32 $0x5, s0  }
0xe3: {  	p2 =	sge.u32 s1, s4  }
0xe4: {  	s1 =	sshll.u32 @!p2 s1, $0xC;
	s2 =	simm.s32 @!p2 $0x400  }
0xe5: {  	s6 =	simm.s32 @!p2 $0x7A1400;
	s9 =	simm.s32 @!p2 $0x2000;
	s1 =	sadd.s32 @!p2 s1, s5  }
0xe6: {  	[tilespmem:s9], [sflag:$0x2] =	stream.strided.gather @!p2 [hbm4b:s1+s2], $0x2000, s6, s2, $0x38;
	[tilespmem:$0x10000] =	vst v63  }
.LBB2_14:
0xe7: {  	s1 =	sor.u32 $0x3, s0  }
0xe8: {  	p2 =	sge.u32 s1, s4  }
.Ltmp10:
0xe9: {  	_ = 	snop;
	(pc) =	sbr.rel @p2 .LBB2_18-.Ltmp10, $1  }
0xea: {  	_ =	sdelay $0x3  }
0xeb: {  	s2 =	simm.s32 $0x0  }
0xec: {  	v16 =	vadd.s32 s2, v0  }
0xed: {  	s2 =	simm.s32 @!p1 $0x8;
	v16 =	vand.u32 $0x3F, v16  }
0xee: {  	_ =	swait.ge @!p1 [sflag:s2], $0x2000;
	v19 =	vshll.u32 v16, $0x1  }
0xef: {  	[sflag:s2] =	ssyncset.done @!p1 $0x0;
	v17 =	vor.u32 v5, v19  }
0xf0: {  	[sflag:s2] =	ssyncadd.s32 @!p1 $0xFFFFE000;
	v20 =	vor.u32 v1, v19  }
0xf1: {  	v22 =	vor.u32 v3, v19;
	_ =	swait.ge [sflag:s21], $0x2000  }
0xf2: {  	v23 =	vor.u32 v2, v19;
	[sflag:s21] =	ssyncset.done $0x0  }
0xf3: {  	v25 =	vor.u32 v4, v19;
	[sflag:s21] =	ssyncadd.s32 $0xFFFFE000  }
0xf4: {  	v31 =	vor.u32 v6, v19;
	v18 =	vld.idx.msk [tilespmem:v17+s22+$0x0], $0xffff  }
0xf5: {  	s9 =	simm.s32 $0x1;
	v16 =	vshll.u32 v16, $0x7;
	v33 =	vor.u32 v7, v19;
	v27 =	vld.idx.msk [tilespmem:v20+s22+$0x0], $0xffff  }
0xf6: {  	v21 =	vor.u32 v8, v19;
	v19 =	vadd.s32 s9, v0;
	v32 =	vor.u32 v0, v16;
	v26 =	vld.idx.msk [tilespmem:v22+s22+$0x0], $0xffff  }
0xf7: {  	v24 =	vor.u32 v13, v16;
	v34 =	vor.u32 v9, v16;
	v19 =	vand.u32 $0x3F, v19;
	v30 =	vld.idx.msk [tilespmem:v23+s22+$0x0], $0xffff  }
0xf8: {  	v35 =	vor.u32 v10, v16;
	v36 =	vor.u32 v11, v16;
	v28 =	vshll.u32 v19, $0x1;
	v29 =	vld.idx.msk [tilespmem:v25+s22+$0x0], $0xffff  }
0xf9: {  	v19 =	vshll.u32 v19, $0x7;
	v17 =	vor.u32 v12, v16;
	v23 =	vor.u32 v1, v28;
	v31 =	vld.idx.msk [tilespmem:v31+s22+$0x0], $0xffff  }
0xfa: {  	s2 =	simm.s32 $0x2;
	v20 =	vor.u32 v2, v28;
	v25 =	vor.u32 v3, v28;
	v22 =	vor.u32 v4, v28;
	v33 =	vld.idx.msk [tilespmem:v33+s22+$0x0], $0xffff  }
.LBB2_16:
0xfb: {  	p1 =	sne.s32 s2, $0x3F;
	v37 =	vor.u32 v5, v28;
	v38 =	vor.u32 v6, v28;
	v39 =	vor.u32 v12, v19;
	v40 =	vld.idx.msk [tilespmem:v21+s22+$0x0], $0xffff;
	s6 =	smov.u32 s2;
	s2 =	sadd.s32 $0x1, s2  }
0xfc: {  	v41 =	vor.u32 v7, v28;
	v21 =	vor.u32 v8, v28;
	[tilespmem:v32+s23+$0x0] =	vst.idx.msk $0xffff, v27  }
0xfd: {  	v27 =	vor.u32 v14, v16;
	[tilespmem:v34+s23+$0x0] =	vst.idx.msk $0xffff, v30  }
0xfe: {  	[tilespmem:v35+s23+$0x0] =	vst.idx.msk $0xffff, v26;
	v26 =	vor.u32 v15, v16;
	v16 =	vmov v19  }
0xff: {  	[tilespmem:v36+s23+$0x0] =	vst.idx.msk $0xffff, v29  }
0x100: {  	[tilespmem:v17+s23+$0x0] =	vst.idx.msk $0xffff, v18;
	v17 =	vmov v39  }
0x101: {  	[tilespmem:v24+s23+$0x0] =	vst.idx.msk $0xffff, v31  }
0x102: {  	[tilespmem:v27+s23+$0x0] =	vst.idx.msk $0xffff, v33  }
0x103: {  	[tilespmem:v26+s23+$0x0] =	vst.idx.msk $0xffff, v40  }
0x104: {  	v18 =	vld.idx.msk [tilespmem:v37+s22+$0x0], $0xffff  }
0x105: {  	v27 =	vld.idx.msk [tilespmem:v23+s22+$0x0], $0xffff  }
.Ltmp11:
0x106: {  	v19 =	vadd.s32 s6, v0;
	v26 =	vld.idx.msk [tilespmem:v25+s22+$0x0], $0xffff;
	(pc) =	sbr.rel @p1 .LBB2_16-.Ltmp11, $4  }
0x107: {  	v19 =	vand.u32 $0x3F, v19;
	v32 =	vor.u32 v0, v16;
	v24 =	vor.u32 v13, v16;
	v30 =	vld.idx.msk [tilespmem:v20+s22+$0x0], $0xffff  }
0x108: {  	v34 =	vor.u32 v9, v16;
	v28 =	vshll.u32 v19, $0x1;
	v19 =	vshll.u32 v19, $0x7;
	v29 =	vld.idx.msk [tilespmem:v22+s22+$0x0], $0xffff  }
0x109: {  	v35 =	vor.u32 v10, v16;
	v23 =	vor.u32 v1, v28;
	v20 =	vor.u32 v2, v28;
	v31 =	vld.idx.msk [tilespmem:v38+s22+$0x0], $0xffff  }
0x10a: {  	v36 =	vor.u32 v11, v16;
	v25 =	vor.u32 v3, v28;
	v22 =	vor.u32 v4, v28;
	v33 =	vld.idx.msk [tilespmem:v41+s22+$0x0], $0xffff  }
0x10b: {  	_ =	sdelay $0x3  }
0x10c: {  	v21 =	vld.idx.msk [tilespmem:v21+s22+$0x0], $0xffff;
	[tilespmem:v32+s23+$0x0] =	vst.idx.msk $0xffff, v27  }
0x10d: {  	v52 =	vor.u32 v14, v16;
	[tilespmem:v34+s23+$0x0] =	vst.idx.msk $0xffff, v30  }
0x10e: {  	v16 =	vor.u32 v15, v16;
	[tilespmem:v35+s23+$0x0] =	vst.idx.msk $0xffff, v26  }
0x10f: {  	v53 =	vor.u32 v5, v28;
	[tilespmem:v36+s23+$0x0] =	vst.idx.msk $0xffff, v29  }
0x110: {  	[tilespmem:v17+s23+$0x0] =	vst.idx.msk $0xffff, v18  }
0x111: {  	[tilespmem:v24+s23+$0x0] =	vst.idx.msk $0xffff, v31  }
0x112: {  	[tilespmem:v52+s23+$0x0] =	vst.idx.msk $0xffff, v33  }
0x113: {  	[tilespmem:v16+s23+$0x0] =	vst.idx.msk $0xffff, v21  }
0x114: {  	v54 =	vor.u32 v7, v28;
	v17 =	vld.idx.msk [tilespmem:v53+s22+$0x0], $0xffff  }
0x115: {  	v55 =	vor.u32 v8, v28;
	v21 =	vld.idx.msk [tilespmem:v23+s22+$0x0], $0xffff  }
0x116: {  	v56 =	vor.u32 v0, v19;
	v16 =	vor.u32 v6, v28;
	v24 =	vld.idx.msk [tilespmem:v25+s22+$0x0], $0xffff  }
0x117: {  	v57 =	vor.u32 v9, v19;
	v20 =	vld.idx.msk [tilespmem:v20+s22+$0x0], $0xffff  }
0x118: {  	v58 =	vor.u32 v10, v19;
	v22 =	vld.idx.msk [tilespmem:v22+s22+$0x0], $0xffff  }
0x119: {  	v59 =	vor.u32 v11, v19;
	v18 =	vld.idx.msk [tilespmem:v54+s22+$0x0], $0xffff  }
0x11a: {  	v60 =	vor.u32 v12, v19;
	v23 =	vld.idx.msk [tilespmem:v55+s22+$0x0], $0xffff  }
0x11b: {  	v61 =	vor.u32 v13, v19;
	v16 =	vld.idx.msk [tilespmem:v16+s22+$0x0], $0xffff;
	[tilespmem:v56+s23+$0x0] =	vst.idx.msk $0xffff, v21  }
0x11c: {  	v62 =	vor.u32 v14, v19;
	[tilespmem:v57+s23+$0x0] =	vst.idx.msk $0xffff, v20  }
0x11d: {  	v63 =	vor.u32 v15, v19;
	[tilespmem:v58+s23+$0x0] =	vst.idx.msk $0xffff, v24  }
0x11e: {  	[tilespmem:v59+s23+$0x0] =	vst.idx.msk $0xffff, v22  }
0x11f: {  	[tilespmem:v60+s23+$0x0] =	vst.idx.msk $0xffff, v17  }
0x120: {  	s0 =	sadd.s32 $0x6, s0;
	[tilespmem:v61+s23+$0x0] =	vst.idx.msk $0xffff, v16  }
.Ltmp12:
0x121: {  	s1 =	sshll.u32 s1, $0xF;
	p1 =	sge.u32 s0, s4;
	[tilespmem:v62+s23+$0x0] =	vst.idx.msk $0xffff, v18;
	(pc) =	sbr.rel .LBB2_18-.Ltmp12, $4  }
0x122: {  	s1 =	sadd.s32 s1, s8;
	s0 =	sshll.u32 @!p1 s0, $0xC;
	s2 =	simm.s32 @!p1 $0x7A1400;
	[tilespmem:v63+s23+$0x0] =	vst.idx.msk $0xffff, v23  }
0x123: {  	[hbm4b:s1+s3] =	stream.linear.scatter [tilespmem:s23], [sflag:$0x8], $0x2000, $0x38;
	[tilespmem:$0x10000] =	vst v63  }
0x124: {  	s6 =	simm.s32 @!p1 $0x4000;
	s0 =	sadd.s32 @!p1 s0, s5;
	s1 =	simm.s32 @!p1 $0x400  }
0x125: {  	[tilespmem:s6], [sflag:$0x3] =	stream.strided.gather @!p1 [hbm4b:s0+s1], $0x2000, s2, s1, $0x38;
	[tilespmem:$0x10000] =	vst v63  }
.LBB2_19:
0x126: {  	_ =	swait.ge [sflag:s24], $0x2000  }
0x127: {  	[sflag:s24] =	ssyncset.done $0x0  }
0x128: {  	[sflag:s24] =	ssyncadd.s32 $0xFFFFE000  }
0x129: {  	_ =	swait.ge [sflag:s25], $0x2000  }
0x12a: {  	[sflag:s25] =	ssyncset.done $0x0  }
0x12b: {  	[sflag:s25] =	ssyncadd.s32 $0xFFFFE000  }
0x12c: {  	_ =	swait.ge [sflag:s26], $0x2000  }
.Ltmp13:
0x12d: {  	[sflag:s26] =	ssyncset.done $0x0;
	(pc) =	sbr.rel @p0 .LBB2_23-.Ltmp13, $4  }
0x12e: {  	[sflag:s26] =	ssyncadd.s32 $0xFFFFE000  }
0x12f: {  	_ =	swait.ge [sflag:s28], $0x2000  }
0x130: {  	[sflag:s28] =	ssyncset.done $0x0  }
0x131: {  	[sflag:s28] =	ssyncadd.s32 $0xFFFFE000  }
0x132: {  	s0 =	simm.s32 $0x0  }
0x133: {  	v16 =	vadd.s32 s0, v0  }
0x134: {  	v16 =	vand.u32 $0x3F, v16  }
0x135: {  	v19 =	vshll.u32 v16, $0x1  }
0x136: {  	s1 =	rddreg [dreg:$0x1];
	v17 =	vor.u32 v5, v19  }
0x137: {  	[tilespmem:s0], [sflag:$0x9] =	stream.linear.gather [hbm4b:s1+s0], $0x2000, $0x38;
	v20 =	vor.u32 v1, v19;
	[tilespmem:$0x10000] =	vst v63  }
0x138: {  	_ =	swait.ge [sflag:s29], $0x2000;
	v22 =	vor.u32 v3, v19  }
0x139: {  	[sflag:s29] =	ssyncset.done $0x0;
	v23 =	vor.u32 v2, v19  }
0x13a: {  	[sflag:s29] =	ssyncadd.s32 $0xFFFFE000;
	v25 =	vor.u32 v4, v19  }
0x13b: {  	v31 =	vor.u32 v6, v19;
	v18 =	vld.idx.msk [tilespmem:v17+s3+$0x0], $0xffff  }
0x13c: {  	s31 =	simm.s32 $0x1;
	v16 =	vshll.u32 v16, $0x7;
	v33 =	vor.u32 v7, v19;
	v27 =	vld.idx.msk [tilespmem:v20+s3+$0x0], $0xffff  }
0x13d: {  	v21 =	vor.u32 v8, v19;
	v19 =	vadd.s32 s31, v0;
	v32 =	vor.u32 v0, v16;
	v26 =	vld.idx.msk [tilespmem:v22+s3+$0x0], $0xffff  }
0x13e: {  	v24 =	vor.u32 v13, v16;
	v34 =	vor.u32 v9, v16;
	v19 =	vand.u32 $0x3F, v19;
	v30 =	vld.idx.msk [tilespmem:v23+s3+$0x0], $0xffff  }
0x13f: {  	v35 =	vor.u32 v10, v16;
	v36 =	vor.u32 v11, v16;
	v28 =	vshll.u32 v19, $0x1;
	v29 =	vld.idx.msk [tilespmem:v25+s3+$0x0], $0xffff  }
0x140: {  	v19 =	vshll.u32 v19, $0x7;
	v17 =	vor.u32 v12, v16;
	v23 =	vor.u32 v1, v28;
	v31 =	vld.idx.msk [tilespmem:v31+s3+$0x0], $0xffff  }
0x141: {  	s0 =	simm.s32 $0x2;
	v20 =	vor.u32 v2, v28;
	v25 =	vor.u32 v3, v28;
	v22 =	vor.u32 v4, v28;
	v33 =	vld.idx.msk [tilespmem:v33+s3+$0x0], $0xffff  }
.LBB2_21:
0x142: {  	p1 =	sne.s32 s0, $0x3F;
	v37 =	vor.u32 v5, v28;
	v38 =	vor.u32 v6, v28;
	v39 =	vor.u32 v12, v19;
	v40 =	vld.idx.msk [tilespmem:v21+s3+$0x0], $0xffff;
	s1 =	smov.u32 s0;
	s0 =	sadd.s32 $0x1, s0  }
0x143: {  	v41 =	vor.u32 v7, v28;
	v21 =	vor.u32 v8, v28;
	[tilespmem:v32+s16+$0x0] =	vst.idx.msk $0xffff, v27  }
0x144: {  	v27 =	vor.u32 v14, v16;
	[tilespmem:v34+s16+$0x0] =	vst.idx.msk $0xffff, v30  }
0x145: {  	[tilespmem:v35+s16+$0x0] =	vst.idx.msk $0xffff, v26;
	v26 =	vor.u32 v15, v16;
	v16 =	vmov v19  }
0x146: {  	[tilespmem:v36+s16+$0x0] =	vst.idx.msk $0xffff, v29  }
0x147: {  	[tilespmem:v17+s16+$0x0] =	vst.idx.msk $0xffff, v18;
	v17 =	vmov v39  }
0x148: {  	[tilespmem:v24+s16+$0x0] =	vst.idx.msk $0xffff, v31  }
0x149: {  	[tilespmem:v27+s16+$0x0] =	vst.idx.msk $0xffff, v33  }
0x14a: {  	[tilespmem:v26+s16+$0x0] =	vst.idx.msk $0xffff, v40  }
0x14b: {  	v18 =	vld.idx.msk [tilespmem:v37+s3+$0x0], $0xffff  }
0x14c: {  	v27 =	vld.idx.msk [tilespmem:v23+s3+$0x0], $0xffff  }
.Ltmp14:
0x14d: {  	v19 =	vadd.s32 s1, v0;
	v26 =	vld.idx.msk [tilespmem:v25+s3+$0x0], $0xffff;
	(pc) =	sbr.rel @p1 .LBB2_21-.Ltmp14, $4  }
0x14e: {  	v19 =	vand.u32 $0x3F, v19;
	v32 =	vor.u32 v0, v16;
	v24 =	vor.u32 v13, v16;
	v30 =	vld.idx.msk [tilespmem:v20+s3+$0x0], $0xffff  }
0x14f: {  	v34 =	vor.u32 v9, v16;
	v28 =	vshll.u32 v19, $0x1;
	v19 =	vshll.u32 v19, $0x7;
	v29 =	vld.idx.msk [tilespmem:v22+s3+$0x0], $0xffff  }
0x150: {  	v35 =	vor.u32 v10, v16;
	v23 =	vor.u32 v1, v28;
	v20 =	vor.u32 v2, v28;
	v31 =	vld.idx.msk [tilespmem:v38+s3+$0x0], $0xffff  }
0x151: {  	v36 =	vor.u32 v11, v16;
	v25 =	vor.u32 v3, v28;
	v22 =	vor.u32 v4, v28;
	v33 =	vld.idx.msk [tilespmem:v41+s3+$0x0], $0xffff  }
0x152: {  	_ =	sdelay $0x3  }
0x153: {  	v21 =	vld.idx.msk [tilespmem:v21+s3+$0x0], $0xffff;
	[tilespmem:v32+s16+$0x0] =	vst.idx.msk $0xffff, v27  }
0x154: {  	v52 =	vor.u32 v14, v16;
	[tilespmem:v34+s16+$0x0] =	vst.idx.msk $0xffff, v30  }
0x155: {  	v16 =	vor.u32 v15, v16;
	[tilespmem:v35+s16+$0x0] =	vst.idx.msk $0xffff, v26  }
0x156: {  	v53 =	vor.u32 v5, v28;
	[tilespmem:v36+s16+$0x0] =	vst.idx.msk $0xffff, v29  }
0x157: {  	[tilespmem:v17+s16+$0x0] =	vst.idx.msk $0xffff, v18  }
0x158: {  	[tilespmem:v24+s16+$0x0] =	vst.idx.msk $0xffff, v31  }
0x159: {  	[tilespmem:v52+s16+$0x0] =	vst.idx.msk $0xffff, v33  }
0x15a: {  	[tilespmem:v16+s16+$0x0] =	vst.idx.msk $0xffff, v21  }
0x15b: {  	v54 =	vor.u32 v7, v28;
	v17 =	vld.idx.msk [tilespmem:v53+s3+$0x0], $0xffff  }
0x15c: {  	v55 =	vor.u32 v8, v28;
	v21 =	vld.idx.msk [tilespmem:v23+s3+$0x0], $0xffff  }
0x15d: {  	v56 =	vor.u32 v0, v19;
	v16 =	vor.u32 v6, v28;
	v24 =	vld.idx.msk [tilespmem:v25+s3+$0x0], $0xffff  }
0x15e: {  	v57 =	vor.u32 v9, v19;
	v20 =	vld.idx.msk [tilespmem:v20+s3+$0x0], $0xffff  }
0x15f: {  	v58 =	vor.u32 v10, v19;
	v22 =	vld.idx.msk [tilespmem:v22+s3+$0x0], $0xffff  }
0x160: {  	v59 =	vor.u32 v11, v19;
	v18 =	vld.idx.msk [tilespmem:v54+s3+$0x0], $0xffff  }
0x161: {  	v60 =	vor.u32 v12, v19;
	v23 =	vld.idx.msk [tilespmem:v55+s3+$0x0], $0xffff  }
0x162: {  	v61 =	vor.u32 v13, v19;
	v16 =	vld.idx.msk [tilespmem:v16+s3+$0x0], $0xffff;
	[tilespmem:v56+s16+$0x0] =	vst.idx.msk $0xffff, v21  }
0x163: {  	v62 =	vor.u32 v14, v19;
	[tilespmem:v57+s16+$0x0] =	vst.idx.msk $0xffff, v20  }
0x164: {  	v63 =	vor.u32 v15, v19;
	[tilespmem:v58+s16+$0x0] =	vst.idx.msk $0xffff, v24  }
0x165: {  	[tilespmem:v59+s16+$0x0] =	vst.idx.msk $0xffff, v22  }
0x166: {  	[tilespmem:v60+s16+$0x0] =	vst.idx.msk $0xffff, v17  }
0x167: {  	[tilespmem:v61+s16+$0x0] =	vst.idx.msk $0xffff, v16  }
0x168: {  	[tilespmem:v62+s16+$0x0] =	vst.idx.msk $0xffff, v18  }
.Ltmp15:
0x169: {  	s0 =	rddreg [dreg:$0x5];
	[tilespmem:v63+s16+$0x0] =	vst.idx.msk $0xffff, v23;
	(pc) =	sbr.rel .LBB2_23-.Ltmp15, $4  }
0x16a: {  	[hbm4b:s0+s3] =	stream.linear.scatter [tilespmem:s16], [sflag:$0x9], $0x1000, $0x38;
	[tilespmem:$0x10000] =	vst v63  }
0x16b: {  	_ =	swait.ge [sflag:s29], $0x1000  }
0x16c: {  	[sflag:s29] =	ssyncset.done $0x0  }
0x16d: {  	[sflag:s29] =	ssyncadd.s32 $0xFFFFF000  }
.LBB2_24:
0x16e: {  	_ =	sfence.sel $0x180000  }
0x16f: {  	[bflag:$0x0] =	sbarrier.arrive $0xFFFF  }
0x170: {  	_ =	strace $0x90000047  }
0x171: {  	s0 =	stileid.u32;
	[bflag:$0x2] =	sbarrier.arrive $0xFFFF  }
0x172: {  	p0 =	sne.s32 s0, $0x0;
	s0 =	rddreg [dreg:$0x3]  }
0x173: {  	s0 =	sadd.s32 @!p0 $0x100000, s0  }
0x174: {  	[sflag:s0] =	ssyncadd.tile.s32 @!p0 $0x1;
	_ =	shalt  }
.Lfunc_end2:
_tile_overlayer_lowered:
.L_overlay_start_2:
0x175: {  	(tag) =	ssettag $0x2  }
0x176: {  	s0 =	rddreg [dreg:$0x0];
	s2 =	stileid.u32  }
0x177: {  	s1 =	rddreg [dreg:$0x1];
	p0 =	sne.s32 s2, $0x0  }
0x178: {  	s3 =	rddreg [dreg:$0x2];
	[bflag:$0x3] =	sbarrier.arrive $0xFFFF;
	s2 =	simm.s32 @!p0 $0x1C09  }
0x179: {  	[timem:s3], [sflag:s2] =	dma.local @!p0 [hbm:s0], s1  }
0x17a: {  	s0 =	simm.s32 @!p0 $0x9  }
0x17b: {  	_ =	swait.ge @!p0 [sflag:s0], s1  }
0x17c: {  	s1 =	ssub.s32 @!p0 $0x0, s1;
	[sflag:s0] =	ssyncset.done @!p0 $0x0  }
0x17d: {  	[sflag:s0] =	ssyncadd.s32 @!p0 s1  }
0x17e: {  	[bflag:$0x3] =	sbarrier.arrive $0xFFFF  }
0x17f: {  	_ =	shalt  }

// kernel: kernel.7.cloned.1.call-start
scs
__scs_entry_jumppad:
0x0: {  	(pc) =	sbr.rel $0x88, $3  }
0x1: {  	(tag) =	ssettag $0x0;
	lr =	simm.s32 $0x1  }
0x2: {  	[smem:$0x3F9F] =	sst lr;
	_ =	strace $0xD0000000  }
0x3: {  	_ = 	snop  }
0x4: {  	_ = 	snop  }
0x5: {  	_ = 	snop  }
0x6: {  	_ = 	snop  }
0x7: {  	_ = 	snop  }
__scs_overlays_trampoline_lowered:
0x8: {  	[smem:$0x3FAE] =	sst s0  }
0x9: {  	[smem:$0x3FAF] =	sst s1  }
0xa: {  	[smem:$0x3FB0] =	sst s2  }
0xb: {  	[smem:$0x3FB1] =	sst s3  }
0xc: {  	[smem:$0x3FB2] =	sst s4  }
0xd: {  	[smem:$0x3FB3] =	sst s5  }
0xe: {  	[smem:$0x3FB4] =	sst s6  }
0xf: {  	[smem:$0x3FB5] =	sst s7  }
0x10: {  	[smem:$0x3FB6] =	sst s8  }
0x11: {  	[smem:$0x3FB7] =	sst s9;
	s0 =	simm.s32 @!p0 $0x0  }
0x12: {  	s1 =	sld [smem:$0x3F9D];
	s0 =	simm.s32 @p0 $0x1  }
0x13: {  	[smem:$0x3FB8] =	sst s0;
	s0 =	simm.s32 @!p1 $0x0  }
0x14: {  	s2 =	sld [smem:$0x3F9C];
	s0 =	simm.s32 @p1 $0x1  }
0x15: {  	[smem:$0x3FB9] =	sst s0;
	s0 =	simm.s32 @!p2 $0x0  }
0x16: {  	s3 =	sld [smem:$0x3FDB];
	s0 =	simm.s32 @p2 $0x1  }
0x17: {  	s4 =	simm.s32 $0x1BF5;
	[smem:$0x3FBB] =	sst s0  }
0x18: {  	s0 =	sld [smem:$0x3F9E];
	_ =	swait.ge [sflag:s4], $0x0  }
0x19: {  	s7 =	sld [smem:$0x3F9F]  }
0x1a: {  	s8 =	sadd.s32 $0xFFFFE003, lr  }
0x1b: {  	s9 =	sadd.s32 $0xFFFFFEF7, lr;
	s5 =	simm.s32 $0xFFFFFFFF;
	p2 =	slt.u32 s8, $0xFFFFF086  }
0x1c: {  	p1 =	slt.u32 s9, $0xF7A;
	s5 =	simm.s32 @!p2 $0x0  }
0x1d: {  	s5 =	simm.s32 @p1 $0x1;
	p0 =	seq.s32 s7, s2  }
0x1e: {  	s7 =	smul.u32 @!p0 $0xF7A, s2;
	p2 =	seq.s32 @!p0 s5, $0x0  }
0x1f: {  	s9 =	smul.u32 $0xF7A, s1;
	s8 =	simm.s32 @!p0 $0x1BF5;
	p2 =	por !p2, p0  }
0x20: {  	[sflag:s8] =	ssyncset.s32 @!p0 $0xFFFFF086;
	s6 =	sadd.s32 @!p0 s3, s7;
	s7 =	simm.s32 @!p0 $0x108  }
0x21: {  	s3 =	sadd.s32 s3, s9;
	s6 =	sadd.s32 @!p0 $0x88, s6;
	s7 =	simm.s32 @p2 $0x1082  }
0x22: {  	[simem:s7], [sflag:s8] =	dma.local @!p0 [hbm:s6], $0xF7A  }
0x23: {  	s9 =	sor.u32 $0xD0000000, s2;
	s6 =	simm.s32 $0x108;
	_ =	swait.ge @!p0 [sflag:s8], $0x0  }
0x24: {  	s3 =	sadd.s32 $0x88, s3;
	s6 =	simm.s32 @!p1 $0x1082;
	[sflag:s4] =	ssyncset.s32 $0xFFFFF086  }
0x25: {  	[simem:s6], [sflag:s4] =	dma.local [hbm:s3], $0xF7A  }
0x26: {  	[smem:$0x3F9F] =	sst s1;
	(tag) =	ssettag s2;
	_ =	strace s9  }
0x27: {  	s1 =	sld [smem:$0x3FAF]  }
0x28: {  	s2 =	sld [smem:$0x3FB0]  }
0x29: {  	s4 =	sld [smem:$0x3FB2]  }
0x2a: {  	p0 =	seq.s32 s5, $0x0;
	s5 =	sld [smem:$0x3FB3]  }
0x2b: {  	s6 =	sld [smem:$0x3FB4]  }
0x2c: {  	s7 =	sld [smem:$0x3FB5]  }
0x2d: {  	s3 =	simm.s32 $0x108;
	s8 =	sld [smem:$0x3FB6]  }
0x2e: {  	s3 =	simm.s32 @!p0 $0x1082;
	s9 =	sld [smem:$0x3FB7]  }
0x2f: {  	lr =	sadd.s32 s0, s3;
	s0 =	sld [smem:$0x3FAE]  }
0x30: {  	s3 =	sld [smem:$0x3FB1]  }
0x31: {  	[smem:$0x3FBA] =	sst s10  }
0x32: {  	s10 =	sld [smem:$0x3FB8];
	_ =	sdelay $0x3  }
0x33: {  	p0 =	seq.s32 s10, $0x1;
	s10 =	sld [smem:$0x3FBA];
	_ =	sdelay $0x3  }
0x34: {  	[smem:$0x3FBA] =	sst s10  }
0x35: {  	s10 =	sld [smem:$0x3FB9];
	_ =	sdelay $0x3  }
0x36: {  	p1 =	seq.s32 s10, $0x1;
	s10 =	sld [smem:$0x3FBA];
	_ =	sdelay $0x3  }
0x37: {  	[smem:$0x3FBA] =	sst s10  }
0x38: {  	s10 =	sld [smem:$0x3FBB]  }
0x39: {  	_ = 	snop;
	(pc) =	sbr.ind lr, $3  }
0x3a: {  	_ = 	snop  }
0x3b: {  	_ = 	snop  }
0x3c: {  	p2 =	seq.s32 s10, $0x1;
	s10 =	sld [smem:$0x3FBA]  }
0x3d: {  	_ =	shalt  }
0x3e: {  	_ =	shalt  }
0x3f: {  	_ =	shalt  }
0x40: {  	_ =	shalt  }
0x41: {  	_ =	shalt  }
0x42: {  	_ =	shalt  }
0x43: {  	_ =	shalt  }
0x44: {  	_ =	shalt  }
0x45: {  	_ =	shalt  }
0x46: {  	_ =	shalt  }
0x47: {  	_ =	shalt  }
0x48: {  	_ =	shalt  }
0x49: {  	_ =	shalt  }
0x4a: {  	_ =	shalt  }
0x4b: {  	_ =	shalt  }
0x4c: {  	_ =	shalt  }
0x4d: {  	_ =	shalt  }
0x4e: {  	_ =	shalt  }
0x4f: {  	_ =	shalt  }
0x50: {  	_ =	shalt  }
0x51: {  	_ =	shalt  }
0x52: {  	_ =	shalt  }
0x53: {  	_ =	shalt  }
0x54: {  	_ =	shalt  }
0x55: {  	_ =	shalt  }
0x56: {  	_ =	shalt  }
0x57: {  	_ =	shalt  }
0x58: {  	_ =	shalt  }
0x59: {  	_ =	shalt  }
0x5a: {  	_ =	shalt  }
0x5b: {  	_ =	shalt  }
0x5c: {  	_ =	shalt  }
0x5d: {  	_ =	shalt  }
0x5e: {  	_ =	shalt  }
0x5f: {  	_ =	shalt  }
0x60: {  	_ =	shalt  }
0x61: {  	_ =	shalt  }
0x62: {  	_ =	shalt  }
0x63: {  	_ =	shalt  }
0x64: {  	_ =	shalt  }
0x65: {  	_ =	shalt  }
0x66: {  	_ =	shalt  }
0x67: {  	_ =	shalt  }
0x68: {  	_ =	shalt  }
0x69: {  	_ =	shalt  }
0x6a: {  	_ =	shalt  }
0x6b: {  	_ =	shalt  }
0x6c: {  	_ =	shalt  }
0x6d: {  	_ =	shalt  }
0x6e: {  	_ =	shalt  }
0x6f: {  	_ =	shalt  }
0x70: {  	_ =	shalt  }
0x71: {  	_ =	shalt  }
0x72: {  	_ =	shalt  }
0x73: {  	_ =	shalt  }
0x74: {  	_ =	shalt  }
0x75: {  	_ =	shalt  }
0x76: {  	_ =	shalt  }
0x77: {  	_ =	shalt  }
0x78: {  	_ =	shalt  }
0x79: {  	_ =	shalt  }
0x7a: {  	_ =	shalt  }
0x7b: {  	_ =	shalt  }
0x7c: {  	_ =	shalt  }
0x7d: {  	_ =	shalt  }
0x7e: {  	_ =	shalt  }
0x7f: {  	_ =	shalt  }
0x80: {  	_ =	shalt  }
0x81: {  	_ =	shalt  }
0x82: {  	_ =	shalt  }
0x83: {  	_ =	shalt  }
0x84: {  	_ =	shalt  }
0x85: {  	_ =	shalt  }
0x86: {  	_ =	shalt  }
0x87: {  	_ =	shalt  }
.Lfunc_end0:
.L_simem_size_0:
called_computation.1_lowered:
.L_overlay_start_0:
0x88: {  	s2 =	sld [smem:$0x3FD9]  }
0x89: {  	s3 =	sld [smem:$0x3FFE];
	_ =	sdelay $0x1  }
0x8a: {  	s1 =	srdreg.scid  }
0x8b: {  	s0 =	sand.u32 $0x1, s1  }
0x8c: {  	s17 =	sshll.u32 s0, $0xA;
	s2 =	sadd.s32 s3, s2  }
0x8d: {  	s2 =	sadd.s32 s2, s17  }
0x8e: {  	[smem:$0x3FC6] =	sst s2  }
0x8f: {  	_ = 	snop  }
0x90: {  	s2 =	sld [smem:$0x3FD0];
	(tm) =	ssettm $0x1  }
0x91: {  	s18 =	sld [smem:$0x3FFB];
	_ =	sdelay $0x3  }
0x92: {  	_ =	strace s18  }
0x93: {  	s3 =	sld [smem:$0x3FFC];
	_ =	sdelay $0x3  }
0x94: {  	_ =	strace s3  }
0x95: {  	s3 =	sld [smem:$0x3FFD];
	_ =	sdelay $0x3  }
0x96: {  	_ =	strace s3  }
0x97: {  	_ =	strace $0x8FFFFFFF  }
0x98: {  	s19 =	sld [smem:$0x3FDB];
	_ =	sdelay $0x1  }
0x99: {  	s4 =	simm.s32 $_scs_section_size  }
0x9a: {  	s5 =	simm.s32 $_size__tile_overlayer_lowered;
	s6 =	simm.s32 $_tile_overlayer_lowered  }
0x9b: {  	s22 =	simm.s32 $0x1BFF;
	s21 =	sshll.u32 s6, $0x1;
	s3 =	sadd.s32 s4, s19  }
0x9c: {  	s7 =	simm.s32 $0x0;
	s20 =	sshll.u32 s5, $0x1;
	s5 =	sadd.s32 s21, s3  }
0x9d: {  	[timem:s7], [sflag:s22] =	dma.local [hbm:s5], s20  }
0x9e: {  	_ =	swait.ge [sflag:s22], s20  }
0x9f: {  	s4 =	ssub.s32 $0x0, s20;
	[sflag:s22] =	ssyncset.done $0x0  }
0xa0: {  	[sflag:s22] =	ssyncadd.s32 s4;
	_ =	sdelay $0x1  }
0xa1: {  	s23 =	simm.s32 $0x1B8B  }
0xa2: {  	_ =	swait.ge [sflag:s23], $0x1  }
0xa3: {  	[sflag:s23] =	ssyncset.done $0x0  }
0xa4: {  	s25 =	simm.s32 $0x1B8E;
	s24 =	sld [smem:$0x3FFE];
	[sflag:s23] =	ssyncadd.s32 $0xFFFFFFFF  }
0xa5: {  	s26 =	simm.s32 $execute0_lowered;
	[smem:$0x3FD2] =	sst s25  }
0xa6: {  	s5 =	sshll.u32 s26, $0x1;
	_ =	strace $0x80000049;
	[dreg:$0x1] =	wrdreg $0xFFFFFFFF  }
0xa7: {  	s28 =	simm.s32 $_size_execute0_lowered;
	s3 =	sadd.s32 s3, s5;
	[dreg:$0x0] =	wrdreg $0x0  }
0xa8: {  	s5 =	sshll.u32 s28, $0x1;
	[dreg:$0x2] =	wrdreg s3  }
0xa9: {  	[dreg:$0x3] =	wrdreg s5  }
0xaa: {  	[dreg:$0x4] =	wrdreg $0xC0  }
0xab: {  	_ =	task [dreg:s7], $0x5FFFF  }
0xac: {  	[dreg:$0x1] =	wrdreg $0xFFFFFFFF  }
0xad: {  	[dreg:$0x0] =	wrdreg $0x60  }
0xae: {  	[dreg:$0x2] =	wrdreg s24  }
0xaf: {  	[dreg:$0x3] =	wrdreg s2  }
0xb0: {  	[dreg:$0x4] =	wrdreg $0x9  }
0xb1: {  	_ =	task.clear_ibuf [dreg:s7], $0x5FFFF;
	_ =	strace $0x90000049  }
0xb2: {  	s29 =	simm.s32 $0x9;
	_ =	strace $0x8000004B  }
0xb3: {  	_ =	swait.ge [sflag:s29], $0x1  }
0xb4: {  	[sflag:s29] =	ssyncadd.s32 $0xFFFFFFFF  }
0xb5: {  	_ =	strace $0x9000004B  }
0xb6: {  	_ =	sfence  }
0xb7: {  	s30 =	sld [smem:$0x0];
	_ =	sdelay $0x2  }
0xb8: {  	s31 =	sshll.u32 s1, $0xD;
	s1 =	sshrl.u32 s1, $0x2  }
0xb9: {  	s3 =	sand.u32 $0x4000, s31;
	s1 =	sadd.s32 s1, s30  }
0xba: {  	s0 =	sor.u32 s3, s0;
	s1 =	sshll.u32 s1, $0x11  }
0xbb: {  	s0 =	sor.u32 s1, s0  }
0xbc: {  	s0 =	sadd.s32 $0x8F2B, s0  }
0xbd: {  	[sflag:s0] =	ssyncadd.remote.s32 $0x1  }
0xbe: {  	_ =	sfence.sel $0xFFFF  }
0xbf: {  	[dreg:$0x0] =	wrdreg $0xFFFFFFFF;
	(pc) =	sbr.abs _section_cstart, $3  }
0xc0: {  	[dreg:$0x1] =	wrdreg $0xFFFFFFFF  }
0xc1: {  	_ =	task.clear_ibuf [dreg:s7], $0x2FFFF;
	_ =	strace $0x9FFFFFFF  }
0xc2: {  	(tm) =	ssettm $0x7FFFFFFF  }
0xc3: {  	_ =	shalt  }
tec
execute0_lowered:
.L_overlay_start_1:
0x0: {  	(tag) =	ssettag $0x1  }
0x1: {  	s0 =	rddreg [dreg:$0x0];
	s1 =	srdreg.scid  }
0x2: {  	s3 =	stileid.u32;
	s2 =	rddreg [dreg:$0x1]  }
0x3: {  	s4 =	simm.s32 $0x0;
	s10 =	simm.s32 $0x80;
	s13 =	simm.s32 $0x6400  }
0x4: {  	s14 =	simm.s32 $0x8400;
	s16 =	simm.s32 $0xA400;
	s17 =	simm.s32 $0x1  }
0x5: {  	s18 =	simm.s32 $0xE400;
	s19 =	simm.s32 $0x400;
	s20 =	simm.s32 $0x8000  }
0x6: {  	s21 =	simm.s32 $0xC400;
	s22 =	simm.s32 $0x2;
	s23 =	simm.s32 $0x10400  }
0x7: {  	s24 =	simm.s32 $0x3;
	s28 =	simm.s32 $0x14400;
	s30 =	simm.s32 $0x6  }
0x8: {  	s31 =	simm.s32 $0x7;
	s1 =	sand.u32 $0x1, s1;
	s3 =	sshll.u32 s3, $0x1  }
0x9: {  	v0 =	vlaneseq.u32;
	[smem:$0x7FF] =	sst s4;
	s4 =	sadd.s32 $0xA00, s0;
	s7 =	sadd.s32 $0x8000, s2  }
0xa: {  	s8 =	sadd.s32 $0x10000, s2;
	v1 =	vmul.u32 $0x40, v0;
	s3 =	sor.u32 s1, s3;
	s1 =	ssub.s32 $0x2, s1  }
.Ltmp0:
0xb: {  	v9 =	vor.u32 $0x10, v0;
	v10 =	vor.u32 $0x20, v0;
	v11 =	vor.u32 $0x30, v0;
	s25 =	sshll.u32 s3, $0x4;
	s6 =	sshrl.u32 s1, $0x1;
	(pc) =	sbr.rel .LBB2_1-.Ltmp0, $4  }
0xc: {  	v12 =	vor.u32 $0x40, v0;
	v13 =	vor.u32 $0x50, v0;
	v14 =	vor.u32 $0x60, v0;
	_ =	strace $0x8000004A;
	s5 =	sadd.s32 s25, s0;
	s26 =	ssub.s32 s1, s6  }
0xd: {  	v15 =	vor.u32 $0x70, v0;
	v2 =	vor.u32 $0x400, v1;
	s6 =	sshll.u32 s3, $0xA;
	s25 =	simm.s32 $0x12400;
	s29 =	sadd.s32 $0x7A1C00, s5  }
0xe: {  	v3 =	vor.u32 $0x800, v1;
	v4 =	vor.u32 $0xC00, v1;
	v5 =	vor.u32 $0x1000, v1;
	s1 =	simm.s32 $0x8;
	s0 =	smax.u32 s26, $0x1;
	[dreg:$0x3] =	wrdreg s29  }
0xf: {  	v6 =	vor.u32 $0x1400, v1;
	v7 =	vor.u32 $0x1800, v1;
	v8 =	vor.u32 $0x1C00, v1;
	s26 =	simm.s32 $0x4;
	[dreg:$0x4] =	wrdreg s0;
	s0 =	simm.s32 $0x0  }
.LBB2_12:
0x10: {  	s3 =	simm.s32 $0x5  }
0x11: {  	_ =	swait.ge [sflag:s3], $0x2000  }
0x12: {  	[sflag:s3] =	ssyncset.done $0x0  }
0x13: {  	[sflag:s3] =	ssyncadd.s32 $0xFFFFE000  }
0x14: {  	_ =	swait.ge [sflag:s30], $0x2000  }
0x15: {  	[sflag:s30] =	ssyncset.done $0x0  }
0x16: {  	[sflag:s30] =	ssyncadd.s32 $0xFFFFE000  }
0x17: {  	_ =	swait.ge [sflag:s31], $0x2000  }
0x18: {  	[sflag:s31] =	ssyncset.done $0x0  }
0x19: {  	[sflag:s31] =	ssyncadd.s32 $0xFFFFE000  }
0x1a: {  	_ =	swait.ge [sflag:s1], $0x2000  }
0x1b: {  	s0 =	sadd.s32 $0x1, s0;
	s29 =	rddreg [dreg:$0x4]  }
0x1c: {  	p0 =	sne.s32 s0, s29  }
.Ltmp1:
0x1d: {  	_ = 	snop;
	(pc) =	sbr.rel @!p0 .LBB2_13-.Ltmp1, $3  }
0x1e: {  	_ =	sdelay $0x1  }
0x1f: {  	[sflag:s1] =	ssyncset.done $0x0  }
0x20: {  	[sflag:s1] =	ssyncadd.s32 $0xFFFFE000  }
.LBB2_1:
0x21: {  	s3 =	simm.s32 $0x0  }
0x22: {  	s5 =	rddreg [dreg:$0x3];
	s9 =	simm.s32 $0x1000;
	s15 =	simm.s32 $0x9  }
0x23: {  	[tilespmem:s3], [sflag:$0x9] =	stream.strided.gather [hbm4b:s5+s10], $0x6400, s9, s10, $0x38;
	[tilespmem:$0x16400] =	vst v63  }
0x24: {  	_ =	swait.ge [sflag:s15], $0x6400  }
0x25: {  	[sflag:s15] =	ssyncset.done $0x0  }
0x26: {  	[sflag:s15] =	ssyncadd.s32 $0xFFFF9C00  }
0x27: {  	[tilespmem:s13], [sflag:$0x1] =	stream.indirect.gather [hbm4b:s4+s10], $0x40, s3, s10, $0xb8;
	[tilespmem:$0x16400] =	vst v63  }
0x28: {  	_ = 	snop  }
0x29: {  	[tilespmem:s14], [sflag:$0x2] =	stream.indirect.gather [hbm4b:s4+s10], $0x40, s10, s10, $0xb8;
	[tilespmem:$0x16400] =	vst v63  }
0x2a: {  	s29 =	simm.s32 $0x100;
	s11 =	simm.s32 $0x0  }
0x2b: {  	[tilespmem:s16], [sflag:$0x3] =	stream.indirect.gather [hbm4b:s4+s10], $0x40, s29, s10, $0xb8;
	[tilespmem:$0x16400] =	vst v63  }
.LBB2_2:
0x2c: {  	p0 =	seq.s32 s11, $0x0;
	s3 =	simm.s32 $0x0  }
0x2d: {  	s5 =	simm.s32 @!p0 $0x5;
	v16 =	vadd.s32 s3, v0  }
0x2e: {  	_ =	swait.ge @!p0 [sflag:s5], $0x2000;
	v19 =	vand.u32 $0x3F, v16  }
0x2f: {  	[sflag:s5] =	ssyncset.done @!p0 $0x0;
	v17 =	vor.u32 v5, v19  }
0x30: {  	v20 =	vor.u32 v1, v19;
	[sflag:s5] =	ssyncadd.s32 @!p0 $0xFFFFE000  }
0x31: {  	v22 =	vor.u32 v3, v19;
	_ =	swait.ge [sflag:s17], $0x2000  }
0x32: {  	v23 =	vor.u32 v2, v19;
	[sflag:s17] =	ssyncset.done $0x0  }
0x33: {  	v24 =	vor.u32 v4, v19;
	[sflag:s17] =	ssyncadd.s32 $0xFFFFE000  }
0x34: {  	v16 =	vshll.u32 v16, $0x7;
	v27 =	vor.u32 v6, v19;
	v18 =	vld.idx.msk [tilespmem:v17+s13+$0x0], $0xffff  }
0x35: {  	v16 =	vand.u32 $0x1F80, v16;
	v34 =	vor.u32 v7, v19;
	v26 =	vld.idx.msk [tilespmem:v20+s13+$0x0], $0xffff  }
0x36: {  	s29 =	simm.s32 $0x1;
	v21 =	vor.u32 v8, v19;
	v19 =	vor.u32 v13, v16;
	v33 =	vor.u32 v0, v16;
	v25 =	vld.idx.msk [tilespmem:v22+s13+$0x0], $0xffff  }
0x37: {  	v29 =	vor.u32 v10, v16;
	v35 =	vor.u32 v9, v16;
	v20 =	vadd.s32 s29, v0;
	v31 =	vld.idx.msk [tilespmem:v23+s13+$0x0], $0xffff  }
0x38: {  	v36 =	vor.u32 v11, v16;
	v17 =	vor.u32 v12, v16;
	v30 =	vld.idx.msk [tilespmem:v24+s13+$0x0], $0xffff;
	v28 =	vand.u32 $0x3F, v20  }
0x39: {  	v32 =	vld.idx.msk [tilespmem:v27+s13+$0x0], $0xffff;
	v22 =	vshll.u32 v20, $0x7;
	v23 =	vor.u32 v1, v28;
	v20 =	vor.u32 v2, v28  }
0x3a: {  	s3 =	simm.s32 $0x2;
	s5 =	sshll.u32 s11, $0x2;
	v34 =	vld.idx.msk [tilespmem:v34+s13+$0x0], $0xffff;
	v24 =	vand.u32 $0x1F80, v22;
	v27 =	vor.u32 v3, v28;
	v22 =	vor.u32 v4, v28  }
.LBB2_3:
0x3b: {  	p1 =	sne.s32 s3, $0x3F;
	v37 =	vor.u32 v5, v28;
	v38 =	vor.u32 v6, v28;
	v39 =	vor.u32 v12, v24;
	v40 =	vld.idx.msk [tilespmem:v21+s13+$0x0], $0xffff;
	s9 =	smov.u32 s3;
	s3 =	sadd.s32 $0x1, s3  }
0x3c: {  	v41 =	vor.u32 v7, v28;
	v21 =	vor.u32 v8, v28;
	[tilespmem:v33+s18+$0x0] =	vst.idx.msk $0xffff, v26  }
0x3d: {  	v26 =	vor.u32 v14, v16;
	[tilespmem:v35+s18+$0x0] =	vst.idx.msk $0xffff, v31  }
0x3e: {  	[tilespmem:v29+s18+$0x0] =	vst.idx.msk $0xffff, v25;
	v25 =	vor.u32 v15, v16;
	v16 =	vmov v24  }
0x3f: {  	[tilespmem:v36+s18+$0x0] =	vst.idx.msk $0xffff, v30  }
0x40: {  	[tilespmem:v17+s18+$0x0] =	vst.idx.msk $0xffff, v18;
	v17 =	vmov v39  }
0x41: {  	[tilespmem:v19+s18+$0x0] =	vst.idx.msk $0xffff, v32  }
0x42: {  	[tilespmem:v26+s18+$0x0] =	vst.idx.msk $0xffff, v34  }
0x43: {  	[tilespmem:v25+s18+$0x0] =	vst.idx.msk $0xffff, v40  }
0x44: {  	v18 =	vld.idx.msk [tilespmem:v37+s13+$0x0], $0xffff  }
0x45: {  	v26 =	vld.idx.msk [tilespmem:v23+s13+$0x0], $0xffff  }
.Ltmp2:
0x46: {  	v19 =	vor.u32 v13, v16;
	v25 =	vld.idx.msk [tilespmem:v27+s13+$0x0], $0xffff;
	(pc) =	sbr.rel @p1 .LBB2_3-.Ltmp2, $4  }
0x47: {  	v33 =	vor.u32 v0, v16;
	v29 =	vor.u32 v10, v16;
	v23 =	vadd.s32 s9, v0;
	v31 =	vld.idx.msk [tilespmem:v20+s13+$0x0], $0xffff  }
0x48: {  	v35 =	vor.u32 v9, v16;
	v28 =	vand.u32 $0x3F, v23;
	v24 =	vshll.u32 v23, $0x7;
	v30 =	vld.idx.msk [tilespmem:v22+s13+$0x0], $0xffff  }
0x49: {  	v23 =	vor.u32 v1, v28;
	v20 =	vor.u32 v2, v28;
	v24 =	vand.u32 $0x1F80, v24;
	v32 =	vld.idx.msk [tilespmem:v38+s13+$0x0], $0xffff  }
0x4a: {  	v36 =	vor.u32 v11, v16;
	v27 =	vor.u32 v3, v28;
	v22 =	vor.u32 v4, v28;
	v34 =	vld.idx.msk [tilespmem:v41+s13+$0x0], $0xffff  }
0x4b: {  	_ =	sdelay $0x3  }
0x4c: {  	v21 =	vld.idx.msk [tilespmem:v21+s13+$0x0], $0xffff;
	[tilespmem:v33+s18+$0x0] =	vst.idx.msk $0xffff, v26  }
0x4d: {  	v26 =	vor.u32 v14, v16;
	[tilespmem:v35+s18+$0x0] =	vst.idx.msk $0xffff, v31  }
0x4e: {  	v16 =	vor.u32 v15, v16;
	[tilespmem:v29+s18+$0x0] =	vst.idx.msk $0xffff, v25  }
0x4f: {  	v25 =	vor.u32 v5, v28;
	[tilespmem:v36+s18+$0x0] =	vst.idx.msk $0xffff, v30  }
0x50: {  	[tilespmem:v17+s18+$0x0] =	vst.idx.msk $0xffff, v18  }
0x51: {  	[tilespmem:v19+s18+$0x0] =	vst.idx.msk $0xffff, v32  }
0x52: {  	[tilespmem:v26+s18+$0x0] =	vst.idx.msk $0xffff, v34  }
0x53: {  	[tilespmem:v16+s18+$0x0] =	vst.idx.msk $0xffff, v21  }
0x54: {  	v18 =	vor.u32 v7, v28;
	v17 =	vld.idx.msk [tilespmem:v25+s13+$0x0], $0xffff  }
0x55: {  	v16 =	vor.u32 v6, v28;
	v19 =	vld.idx.msk [tilespmem:v23+s13+$0x0], $0xffff  }
0x56: {  	v21 =	vor.u32 v8, v28;
	v23 =	vld.idx.msk [tilespmem:v27+s13+$0x0], $0xffff;
	v25 =	vor.u32 v0, v24  }
0x57: {  	v26 =	vor.u32 v9, v24;
	v20 =	vld.idx.msk [tilespmem:v20+s13+$0x0], $0xffff  }
0x58: {  	v22 =	vld.idx.msk [tilespmem:v22+s13+$0x0], $0xffff;
	v27 =	vor.u32 v10, v24  }
0x59: {  	v28 =	vor.u32 v11, v24;
	v18 =	vld.idx.msk [tilespmem:v18+s13+$0x0], $0xffff  }
0x5a: {  	v29 =	vor.u32 v12, v24;
	v16 =	vld.idx.msk [tilespmem:v16+s13+$0x0], $0xffff  }
0x5b: {  	v30 =	vor.u32 v13, v24;
	v21 =	vld.idx.msk [tilespmem:v21+s13+$0x0], $0xffff;
	[tilespmem:v25+s18+$0x0] =	vst.idx.msk $0xffff, v19  }
0x5c: {  	v19 =	vor.u32 v14, v24;
	[tilespmem:v26+s18+$0x0] =	vst.idx.msk $0xffff, v20  }
0x5d: {  	v20 =	vor.u32 v15, v24;
	[tilespmem:v27+s18+$0x0] =	vst.idx.msk $0xffff, v23  }
0x5e: {  	[tilespmem:v28+s18+$0x0] =	vst.idx.msk $0xffff, v22  }
0x5f: {  	s3 =	sshll.u32 s11, $0x14;
	[tilespmem:v29+s18+$0x0] =	vst.idx.msk $0xffff, v17  }
0x60: {  	s3 =	sor.u32 s6, s3;
	[tilespmem:v30+s18+$0x0] =	vst.idx.msk $0xffff, v16  }
0x61: {  	s15 =	sor.u32 $0x3, s5;
	s3 =	sshrl.u32 s3, $0x3;
	[tilespmem:v19+s18+$0x0] =	vst.idx.msk $0xffff, v18  }
0x62: {  	s5 =	sshll.u32 s15, $0x7;
	s9 =	sadd.s32 s2, s3;
	[tilespmem:v20+s18+$0x0] =	vst.idx.msk $0xffff, v21  }
0x63: {  	[hbm4b:s9+s19] =	stream.strided.scatter [tilespmem:s18], [sflag:$0x5], $0x2000, s20, s19, $0x38;
	[tilespmem:$0x16400] =	vst v63  }
0x64: {  	s12 =	simm.s32 $0x0;
	s5 =	sand.u32 $0x3FFFFF80, s5;
	s9 =	simm.s32 @!p0 $0x6  }
0x65: {  	v16 =	vadd.s32 s12, v0;
	[tilespmem:s21], [sflag:$0x4] =	stream.indirect.gather [hbm4b:s4+s10], $0x40, s5, s10, $0xb8;
	[tilespmem:$0x16400] =	vst v63  }
0x66: {  	v19 =	vand.u32 $0x3F, v16;
	_ =	swait.ge @!p0 [sflag:s9], $0x2000  }
0x67: {  	v17 =	vor.u32 v5, v19;
	[sflag:s9] =	ssyncset.done @!p0 $0x0  }
0x68: {  	v20 =	vor.u32 v1, v19;
	[sflag:s9] =	ssyncadd.s32 @!p0 $0xFFFFE000  }
0x69: {  	v22 =	vor.u32 v3, v19;
	_ =	swait.ge [sflag:s22], $0x2000  }
0x6a: {  	v23 =	vor.u32 v2, v19;
	[sflag:s22] =	ssyncset.done $0x0  }
0x6b: {  	v24 =	vor.u32 v4, v19;
	[sflag:s22] =	ssyncadd.s32 $0xFFFFE000  }
0x6c: {  	v16 =	vshll.u32 v16, $0x7;
	v26 =	vor.u32 v6, v19;
	v18 =	vld.idx.msk [tilespmem:v17+s14+$0x0], $0xffff  }
0x6d: {  	v16 =	vand.u32 $0x1F80, v16;
	v63 =	vor.u32 v7, v19;
	v27 =	vld.idx.msk [tilespmem:v20+s14+$0x0], $0xffff  }
0x6e: {  	s29 =	simm.s32 $0x1;
	v21 =	vor.u32 v8, v19;
	v19 =	vor.u32 v13, v16;
	v33 =	vor.u32 v0, v16;
	v25 =	vld.idx.msk [tilespmem:v22+s14+$0x0], $0xffff  }
0x6f: {  	v29 =	vor.u32 v10, v16;
	v35 =	vor.u32 v9, v16;
	v20 =	vadd.s32 s29, v0;
	v31 =	vld.idx.msk [tilespmem:v23+s14+$0x0], $0xffff  }
0x70: {  	v36 =	vor.u32 v11, v16;
	v17 =	vor.u32 v12, v16;
	v30 =	vld.idx.msk [tilespmem:v24+s14+$0x0], $0xffff;
	v28 =	vand.u32 $0x3F, v20  }
0x71: {  	v32 =	vld.idx.msk [tilespmem:v26+s14+$0x0], $0xffff;
	v22 =	vshll.u32 v20, $0x7;
	v23 =	vor.u32 v1, v28;
	v20 =	vor.u32 v2, v28  }
0x72: {  	s5 =	simm.s32 $0x2;
	v34 =	vld.idx.msk [tilespmem:v63+s14+$0x0], $0xffff;
	v24 =	vand.u32 $0x1F80, v22;
	v26 =	vor.u32 v3, v28;
	v22 =	vor.u32 v4, v28  }
.LBB2_5:
0x73: {  	p0 =	sne.s32 s5, $0x3F;
	v37 =	vor.u32 v5, v28;
	v38 =	vor.u32 v6, v28;
	v39 =	vor.u32 v12, v24;
	v40 =	vld.idx.msk [tilespmem:v21+s14+$0x0], $0xffff;
	s9 =	smov.u32 s5;
	s5 =	sadd.s32 $0x1, s5  }
0x74: {  	v41 =	vor.u32 v7, v28;
	v21 =	vor.u32 v8, v28;
	[tilespmem:v33+s23+$0x0] =	vst.idx.msk $0xffff, v27  }
0x75: {  	v27 =	vor.u32 v14, v16;
	[tilespmem:v35+s23+$0x0] =	vst.idx.msk $0xffff, v31  }
0x76: {  	[tilespmem:v29+s23+$0x0] =	vst.idx.msk $0xffff, v25;
	v25 =	vor.u32 v15, v16;
	v16 =	vmov v24  }
0x77: {  	[tilespmem:v36+s23+$0x0] =	vst.idx.msk $0xffff, v30  }
0x78: {  	[tilespmem:v17+s23+$0x0] =	vst.idx.msk $0xffff, v18;
	v17 =	vmov v39  }
0x79: {  	[tilespmem:v19+s23+$0x0] =	vst.idx.msk $0xffff, v32  }
0x7a: {  	[tilespmem:v27+s23+$0x0] =	vst.idx.msk $0xffff, v34  }
0x7b: {  	[tilespmem:v25+s23+$0x0] =	vst.idx.msk $0xffff, v40  }
0x7c: {  	v18 =	vld.idx.msk [tilespmem:v37+s14+$0x0], $0xffff  }
0x7d: {  	v27 =	vld.idx.msk [tilespmem:v23+s14+$0x0], $0xffff  }
.Ltmp3:
0x7e: {  	v19 =	vor.u32 v13, v16;
	v25 =	vld.idx.msk [tilespmem:v26+s14+$0x0], $0xffff;
	(pc) =	sbr.rel @p0 .LBB2_5-.Ltmp3, $4  }
0x7f: {  	v33 =	vor.u32 v0, v16;
	v29 =	vor.u32 v10, v16;
	v23 =	vadd.s32 s9, v0;
	v31 =	vld.idx.msk [tilespmem:v20+s14+$0x0], $0xffff  }
0x80: {  	v35 =	vor.u32 v9, v16;
	v28 =	vand.u32 $0x3F, v23;
	v24 =	vshll.u32 v23, $0x7;
	v30 =	vld.idx.msk [tilespmem:v22+s14+$0x0], $0xffff  }
0x81: {  	v23 =	vor.u32 v1, v28;
	v20 =	vor.u32 v2, v28;
	v24 =	vand.u32 $0x1F80, v24;
	v32 =	vld.idx.msk [tilespmem:v38+s14+$0x0], $0xffff  }
0x82: {  	v36 =	vor.u32 v11, v16;
	v26 =	vor.u32 v3, v28;
	v22 =	vor.u32 v4, v28;
	v34 =	vld.idx.msk [tilespmem:v41+s14+$0x0], $0xffff  }
0x83: {  	_ =	sdelay $0x3  }
0x84: {  	v21 =	vld.idx.msk [tilespmem:v21+s14+$0x0], $0xffff;
	[tilespmem:v33+s23+$0x0] =	vst.idx.msk $0xffff, v27  }
0x85: {  	v27 =	vor.u32 v14, v16;
	[tilespmem:v35+s23+$0x0] =	vst.idx.msk $0xffff, v31  }
0x86: {  	v16 =	vor.u32 v15, v16;
	[tilespmem:v29+s23+$0x0] =	vst.idx.msk $0xffff, v25  }
0x87: {  	v25 =	vor.u32 v5, v28;
	[tilespmem:v36+s23+$0x0] =	vst.idx.msk $0xffff, v30  }
0x88: {  	[tilespmem:v17+s23+$0x0] =	vst.idx.msk $0xffff, v18  }
0x89: {  	[tilespmem:v19+s23+$0x0] =	vst.idx.msk $0xffff, v32  }
0x8a: {  	[tilespmem:v27+s23+$0x0] =	vst.idx.msk $0xffff, v34  }
0x8b: {  	[tilespmem:v16+s23+$0x0] =	vst.idx.msk $0xffff, v21  }
0x8c: {  	v18 =	vor.u32 v7, v28;
	v17 =	vld.idx.msk [tilespmem:v25+s14+$0x0], $0xffff  }
0x8d: {  	v16 =	vor.u32 v6, v28;
	v19 =	vld.idx.msk [tilespmem:v23+s14+$0x0], $0xffff  }
0x8e: {  	v21 =	vor.u32 v8, v28;
	v23 =	vld.idx.msk [tilespmem:v26+s14+$0x0], $0xffff;
	v25 =	vor.u32 v0, v24  }
0x8f: {  	v20 =	vld.idx.msk [tilespmem:v20+s14+$0x0], $0xffff;
	v26 =	vor.u32 v9, v24  }
0x90: {  	v27 =	vor.u32 v10, v24;
	v22 =	vld.idx.msk [tilespmem:v22+s14+$0x0], $0xffff  }
0x91: {  	v28 =	vor.u32 v11, v24;
	v18 =	vld.idx.msk [tilespmem:v18+s14+$0x0], $0xffff  }
0x92: {  	v29 =	vor.u32 v12, v24;
	v16 =	vld.idx.msk [tilespmem:v16+s14+$0x0], $0xffff  }
0x93: {  	v30 =	vor.u32 v13, v24;
	v21 =	vld.idx.msk [tilespmem:v21+s14+$0x0], $0xffff;
	[tilespmem:v25+s23+$0x0] =	vst.idx.msk $0xffff, v19  }
0x94: {  	v19 =	vor.u32 v14, v24;
	[tilespmem:v26+s23+$0x0] =	vst.idx.msk $0xffff, v20  }
0x95: {  	v20 =	vor.u32 v15, v24;
	[tilespmem:v27+s23+$0x0] =	vst.idx.msk $0xffff, v23  }
0x96: {  	[tilespmem:v28+s23+$0x0] =	vst.idx.msk $0xffff, v22  }
0x97: {  	[tilespmem:v29+s23+$0x0] =	vst.idx.msk $0xffff, v17  }
0x98: {  	[tilespmem:v30+s23+$0x0] =	vst.idx.msk $0xffff, v16  }
0x99: {  	[tilespmem:v19+s23+$0x0] =	vst.idx.msk $0xffff, v18  }
0x9a: {  	s5 =	sadd.s32 s3, s7;
	p0 =	seq.s32 s11, $0x31;
	[tilespmem:v20+s23+$0x0] =	vst.idx.msk $0xffff, v21  }
0x9b: {  	[hbm4b:s5+s19] =	stream.strided.scatter [tilespmem:s23], [sflag:$0x6], $0x2000, s20, s19, $0x38;
	[tilespmem:$0x16400] =	vst v63  }
0x9c: {  	s5 =	sshll.u32 @!p0 s11, $0x9  }
0x9d: {  	s5 =	sand.u32 @!p0 $0x3FFFFE00, s5  }
0x9e: {  	s12 =	simm.s32 @!p0 $0x80;
	s29 =	simm.s32 @!p0 $0x6400;
	s9 =	sadd.s32 @!p0 $0x200, s5  }
0x9f: {  	[tilespmem:s29], [sflag:$0x1] =	stream.indirect.gather @!p0 [hbm4b:s4+s12], $0x40, s9, s12, $0xb8;
	[tilespmem:$0x16400] =	vst v63  }
0xa0: {  	p1 =	seq.s32 @!p0 s11, $0x0;
	s12 =	simm.s32 $0x0  }
0xa1: {  	p1 =	por p0, !p1;
	v16 =	vadd.s32 s12, v0  }
0xa2: {  	_ =	swait.ge @p1 [sflag:s31], $0x2000;
	v19 =	vand.u32 $0x3F, v16  }
0xa3: {  	[sflag:s31] =	ssyncset.done @p1 $0x0;
	v17 =	vor.u32 v5, v19  }
0xa4: {  	[sflag:s31] =	ssyncadd.s32 @p1 $0xFFFFE000;
	v20 =	vor.u32 v1, v19  }
0xa5: {  	v22 =	vor.u32 v3, v19;
	_ =	swait.ge [sflag:s24], $0x2000  }
0xa6: {  	v23 =	vor.u32 v2, v19;
	[sflag:s24] =	ssyncset.done $0x0  }
0xa7: {  	v24 =	vor.u32 v4, v19;
	[sflag:s24] =	ssyncadd.s32 $0xFFFFE000  }
0xa8: {  	v16 =	vshll.u32 v16, $0x7;
	v26 =	vor.u32 v6, v19;
	v18 =	vld.idx.msk [tilespmem:v17+s16+$0x0], $0xffff  }
0xa9: {  	v16 =	vand.u32 $0x1F80, v16;
	v63 =	vor.u32 v7, v19;
	v27 =	vld.idx.msk [tilespmem:v20+s16+$0x0], $0xffff  }
0xaa: {  	s29 =	simm.s32 $0x1;
	v21 =	vor.u32 v8, v19;
	v19 =	vor.u32 v13, v16;
	v33 =	vor.u32 v0, v16;
	v25 =	vld.idx.msk [tilespmem:v22+s16+$0x0], $0xffff  }
0xab: {  	v29 =	vor.u32 v10, v16;
	v35 =	vor.u32 v9, v16;
	v20 =	vadd.s32 s29, v0;
	v31 =	vld.idx.msk [tilespmem:v23+s16+$0x0], $0xffff  }
0xac: {  	v36 =	vor.u32 v11, v16;
	v17 =	vor.u32 v12, v16;
	v30 =	vld.idx.msk [tilespmem:v24+s16+$0x0], $0xffff;
	v28 =	vand.u32 $0x3F, v20  }
0xad: {  	v32 =	vld.idx.msk [tilespmem:v26+s16+$0x0], $0xffff;
	v22 =	vshll.u32 v20, $0x7;
	v23 =	vor.u32 v1, v28;
	v20 =	vor.u32 v2, v28  }
0xae: {  	s9 =	simm.s32 $0x2;
	v34 =	vld.idx.msk [tilespmem:v63+s16+$0x0], $0xffff;
	v24 =	vand.u32 $0x1F80, v22;
	v26 =	vor.u32 v3, v28;
	v22 =	vor.u32 v4, v28  }
.LBB2_7:
0xaf: {  	p2 =	sne.s32 s9, $0x3F;
	v37 =	vor.u32 v5, v28;
	v38 =	vor.u32 v6, v28;
	v39 =	vor.u32 v12, v24;
	v40 =	vld.idx.msk [tilespmem:v21+s16+$0x0], $0xffff;
	s12 =	smov.u32 s9;
	s9 =	sadd.s32 $0x1, s9  }
0xb0: {  	v41 =	vor.u32 v7, v28;
	v21 =	vor.u32 v8, v28;
	[tilespmem:v33+s25+$0x0] =	vst.idx.msk $0xffff, v27  }
0xb1: {  	v27 =	vor.u32 v14, v16;
	[tilespmem:v35+s25+$0x0] =	vst.idx.msk $0xffff, v31  }
0xb2: {  	[tilespmem:v29+s25+$0x0] =	vst.idx.msk $0xffff, v25;
	v25 =	vor.u32 v15, v16;
	v16 =	vmov v24  }
0xb3: {  	[tilespmem:v36+s25+$0x0] =	vst.idx.msk $0xffff, v30  }
0xb4: {  	[tilespmem:v17+s25+$0x0] =	vst.idx.msk $0xffff, v18;
	v17 =	vmov v39  }
0xb5: {  	[tilespmem:v19+s25+$0x0] =	vst.idx.msk $0xffff, v32  }
0xb6: {  	[tilespmem:v27+s25+$0x0] =	vst.idx.msk $0xffff, v34  }
0xb7: {  	[tilespmem:v25+s25+$0x0] =	vst.idx.msk $0xffff, v40  }
0xb8: {  	v18 =	vld.idx.msk [tilespmem:v37+s16+$0x0], $0xffff  }
0xb9: {  	v27 =	vld.idx.msk [tilespmem:v23+s16+$0x0], $0xffff  }
.Ltmp4:
0xba: {  	v19 =	vor.u32 v13, v16;
	v25 =	vld.idx.msk [tilespmem:v26+s16+$0x0], $0xffff;
	(pc) =	sbr.rel @p2 .LBB2_7-.Ltmp4, $4  }
0xbb: {  	v33 =	vor.u32 v0, v16;
	v29 =	vor.u32 v10, v16;
	v23 =	vadd.s32 s12, v0;
	v31 =	vld.idx.msk [tilespmem:v20+s16+$0x0], $0xffff  }
0xbc: {  	v35 =	vor.u32 v9, v16;
	v28 =	vand.u32 $0x3F, v23;
	v24 =	vshll.u32 v23, $0x7;
	v30 =	vld.idx.msk [tilespmem:v22+s16+$0x0], $0xffff  }
0xbd: {  	v23 =	vor.u32 v1, v28;
	v20 =	vor.u32 v2, v28;
	v24 =	vand.u32 $0x1F80, v24;
	v32 =	vld.idx.msk [tilespmem:v38+s16+$0x0], $0xffff  }
0xbe: {  	v36 =	vor.u32 v11, v16;
	v26 =	vor.u32 v3, v28;
	v22 =	vor.u32 v4, v28;
	v34 =	vld.idx.msk [tilespmem:v41+s16+$0x0], $0xffff  }
0xbf: {  	_ =	sdelay $0x3  }
0xc0: {  	v21 =	vld.idx.msk [tilespmem:v21+s16+$0x0], $0xffff;
	[tilespmem:v33+s25+$0x0] =	vst.idx.msk $0xffff, v27  }
0xc1: {  	v27 =	vor.u32 v14, v16;
	[tilespmem:v35+s25+$0x0] =	vst.idx.msk $0xffff, v31  }
0xc2: {  	v16 =	vor.u32 v15, v16;
	[tilespmem:v29+s25+$0x0] =	vst.idx.msk $0xffff, v25  }
0xc3: {  	v25 =	vor.u32 v5, v28;
	[tilespmem:v36+s25+$0x0] =	vst.idx.msk $0xffff, v30  }
0xc4: {  	[tilespmem:v17+s25+$0x0] =	vst.idx.msk $0xffff, v18  }
0xc5: {  	[tilespmem:v19+s25+$0x0] =	vst.idx.msk $0xffff, v32  }
0xc6: {  	[tilespmem:v27+s25+$0x0] =	vst.idx.msk $0xffff, v34  }
0xc7: {  	[tilespmem:v16+s25+$0x0] =	vst.idx.msk $0xffff, v21  }
0xc8: {  	v18 =	vor.u32 v7, v28;
	v17 =	vld.idx.msk [tilespmem:v25+s16+$0x0], $0xffff  }
0xc9: {  	v16 =	vor.u32 v6, v28;
	v19 =	vld.idx.msk [tilespmem:v23+s16+$0x0], $0xffff  }
0xca: {  	v21 =	vor.u32 v8, v28;
	v23 =	vld.idx.msk [tilespmem:v26+s16+$0x0], $0xffff;
	v25 =	vor.u32 v0, v24  }
0xcb: {  	v20 =	vld.idx.msk [tilespmem:v20+s16+$0x0], $0xffff;
	v26 =	vor.u32 v9, v24  }
0xcc: {  	v27 =	vor.u32 v10, v24;
	v22 =	vld.idx.msk [tilespmem:v22+s16+$0x0], $0xffff  }
0xcd: {  	v28 =	vor.u32 v11, v24;
	v18 =	vld.idx.msk [tilespmem:v18+s16+$0x0], $0xffff  }
0xce: {  	v29 =	vor.u32 v12, v24;
	v16 =	vld.idx.msk [tilespmem:v16+s16+$0x0], $0xffff  }
0xcf: {  	v30 =	vor.u32 v13, v24;
	v21 =	vld.idx.msk [tilespmem:v21+s16+$0x0], $0xffff;
	[tilespmem:v25+s25+$0x0] =	vst.idx.msk $0xffff, v19  }
0xd0: {  	v19 =	vor.u32 v14, v24;
	[tilespmem:v26+s25+$0x0] =	vst.idx.msk $0xffff, v20  }
0xd1: {  	v20 =	vor.u32 v15, v24;
	[tilespmem:v27+s25+$0x0] =	vst.idx.msk $0xffff, v23  }
0xd2: {  	[tilespmem:v28+s25+$0x0] =	vst.idx.msk $0xffff, v22  }
0xd3: {  	[tilespmem:v29+s25+$0x0] =	vst.idx.msk $0xffff, v17  }
0xd4: {  	[tilespmem:v30+s25+$0x0] =	vst.idx.msk $0xffff, v16  }
0xd5: {  	[tilespmem:v19+s25+$0x0] =	vst.idx.msk $0xffff, v18  }
0xd6: {  	s3 =	sadd.s32 s3, s8;
	s9 =	simm.s32 @!p0 $0x8400;
	[tilespmem:v20+s25+$0x0] =	vst.idx.msk $0xffff, v21  }
0xd7: {  	[hbm4b:s3+s19] =	stream.strided.scatter [tilespmem:s25], [sflag:$0x7], $0x2000, s20, s19, $0x38;
	[tilespmem:$0x16400] =	vst v63  }
0xd8: {  	s12 =	simm.s32 $0x0;
	s3 =	sadd.s32 @!p0 $0x280, s5;
	s5 =	simm.s32 @!p0 $0x80  }
0xd9: {  	v16 =	vadd.s32 s12, v0;
	[tilespmem:s9], [sflag:$0x2] =	stream.indirect.gather @!p0 [hbm4b:s4+s5], $0x40, s3, s5, $0xb8;
	[tilespmem:$0x16400] =	vst v63  }
0xda: {  	v19 =	vand.u32 $0x3F, v16;
	_ =	swait.ge @p1 [sflag:s1], $0x2000  }
0xdb: {  	v17 =	vor.u32 v5, v19;
	[sflag:s1] =	ssyncset.done @p1 $0x0  }
0xdc: {  	v20 =	vor.u32 v1, v19;
	[sflag:s1] =	ssyncadd.s32 @p1 $0xFFFFE000  }
0xdd: {  	v22 =	vor.u32 v3, v19;
	_ =	swait.ge [sflag:s26], $0x2000  }
0xde: {  	v23 =	vor.u32 v2, v19;
	[sflag:s26] =	ssyncset.done $0x0  }
0xdf: {  	v24 =	vor.u32 v4, v19;
	[sflag:s26] =	ssyncadd.s32 $0xFFFFE000  }
0xe0: {  	v16 =	vshll.u32 v16, $0x7;
	v26 =	vor.u32 v6, v19;
	v18 =	vld.idx.msk [tilespmem:v17+s21+$0x0], $0xffff  }
0xe1: {  	v16 =	vand.u32 $0x1F80, v16;
	v63 =	vor.u32 v7, v19;
	v27 =	vld.idx.msk [tilespmem:v20+s21+$0x0], $0xffff  }
0xe2: {  	s29 =	simm.s32 $0x1;
	v21 =	vor.u32 v8, v19;
	v19 =	vor.u32 v13, v16;
	v33 =	vor.u32 v0, v16;
	v25 =	vld.idx.msk [tilespmem:v22+s21+$0x0], $0xffff  }
0xe3: {  	v29 =	vor.u32 v10, v16;
	v35 =	vor.u32 v9, v16;
	v20 =	vadd.s32 s29, v0;
	v31 =	vld.idx.msk [tilespmem:v23+s21+$0x0], $0xffff  }
0xe4: {  	v36 =	vor.u32 v11, v16;
	v17 =	vor.u32 v12, v16;
	v30 =	vld.idx.msk [tilespmem:v24+s21+$0x0], $0xffff;
	v28 =	vand.u32 $0x3F, v20  }
0xe5: {  	v32 =	vld.idx.msk [tilespmem:v26+s21+$0x0], $0xffff;
	v22 =	vshll.u32 v20, $0x7;
	v23 =	vor.u32 v1, v28;
	v20 =	vor.u32 v2, v28  }
0xe6: {  	s3 =	simm.s32 $0x2;
	v34 =	vld.idx.msk [tilespmem:v63+s21+$0x0], $0xffff;
	v24 =	vand.u32 $0x1F80, v22;
	v26 =	vor.u32 v3, v28;
	v22 =	vor.u32 v4, v28  }
.LBB2_9:
0xe7: {  	p1 =	sne.s32 s3, $0x3F;
	v37 =	vor.u32 v5, v28;
	v38 =	vor.u32 v6, v28;
	v39 =	vor.u32 v12, v24;
	v40 =	vld.idx.msk [tilespmem:v21+s21+$0x0], $0xffff;
	s5 =	smov.u32 s3;
	s3 =	sadd.s32 $0x1, s3  }
0xe8: {  	v41 =	vor.u32 v7, v28;
	v21 =	vor.u32 v8, v28;
	[tilespmem:v33+s28+$0x0] =	vst.idx.msk $0xffff, v27  }
0xe9: {  	v27 =	vor.u32 v14, v16;
	[tilespmem:v35+s28+$0x0] =	vst.idx.msk $0xffff, v31  }
0xea: {  	[tilespmem:v29+s28+$0x0] =	vst.idx.msk $0xffff, v25;
	v25 =	vor.u32 v15, v16;
	v16 =	vmov v24  }
0xeb: {  	[tilespmem:v36+s28+$0x0] =	vst.idx.msk $0xffff, v30  }
0xec: {  	[tilespmem:v17+s28+$0x0] =	vst.idx.msk $0xffff, v18;
	v17 =	vmov v39  }
0xed: {  	[tilespmem:v19+s28+$0x0] =	vst.idx.msk $0xffff, v32  }
0xee: {  	[tilespmem:v27+s28+$0x0] =	vst.idx.msk $0xffff, v34  }
0xef: {  	[tilespmem:v25+s28+$0x0] =	vst.idx.msk $0xffff, v40  }
0xf0: {  	v18 =	vld.idx.msk [tilespmem:v37+s21+$0x0], $0xffff  }
0xf1: {  	v27 =	vld.idx.msk [tilespmem:v23+s21+$0x0], $0xffff  }
.Ltmp5:
0xf2: {  	v19 =	vor.u32 v13, v16;
	v25 =	vld.idx.msk [tilespmem:v26+s21+$0x0], $0xffff;
	(pc) =	sbr.rel @p1 .LBB2_9-.Ltmp5, $4  }
0xf3: {  	v33 =	vor.u32 v0, v16;
	v29 =	vor.u32 v10, v16;
	v23 =	vadd.s32 s5, v0;
	v31 =	vld.idx.msk [tilespmem:v20+s21+$0x0], $0xffff  }
0xf4: {  	v35 =	vor.u32 v9, v16;
	v28 =	vand.u32 $0x3F, v23;
	v24 =	vshll.u32 v23, $0x7;
	v30 =	vld.idx.msk [tilespmem:v22+s21+$0x0], $0xffff  }
0xf5: {  	v23 =	vor.u32 v1, v28;
	v20 =	vor.u32 v2, v28;
	v24 =	vand.u32 $0x1F80, v24;
	v32 =	vld.idx.msk [tilespmem:v38+s21+$0x0], $0xffff  }
0xf6: {  	v36 =	vor.u32 v11, v16;
	v26 =	vor.u32 v3, v28;
	v22 =	vor.u32 v4, v28;
	v34 =	vld.idx.msk [tilespmem:v41+s21+$0x0], $0xffff  }
0xf7: {  	_ =	sdelay $0x3  }
0xf8: {  	v21 =	vld.idx.msk [tilespmem:v21+s21+$0x0], $0xffff;
	[tilespmem:v33+s28+$0x0] =	vst.idx.msk $0xffff, v27  }
0xf9: {  	v51 =	vor.u32 v14, v16;
	[tilespmem:v35+s28+$0x0] =	vst.idx.msk $0xffff, v31  }
0xfa: {  	v16 =	vor.u32 v15, v16;
	[tilespmem:v29+s28+$0x0] =	vst.idx.msk $0xffff, v25  }
0xfb: {  	v52 =	vor.u32 v5, v28;
	[tilespmem:v36+s28+$0x0] =	vst.idx.msk $0xffff, v30  }
0xfc: {  	[tilespmem:v17+s28+$0x0] =	vst.idx.msk $0xffff, v18  }
0xfd: {  	[tilespmem:v19+s28+$0x0] =	vst.idx.msk $0xffff, v32  }
0xfe: {  	[tilespmem:v51+s28+$0x0] =	vst.idx.msk $0xffff, v34  }
0xff: {  	[tilespmem:v16+s28+$0x0] =	vst.idx.msk $0xffff, v21  }
0x100: {  	v53 =	vor.u32 v7, v28;
	v17 =	vld.idx.msk [tilespmem:v52+s21+$0x0], $0xffff  }
0x101: {  	v54 =	vor.u32 v8, v28;
	v19 =	vld.idx.msk [tilespmem:v23+s21+$0x0], $0xffff  }
0x102: {  	v56 =	vor.u32 v0, v24;
	v16 =	vor.u32 v6, v28;
	v55 =	vld.idx.msk [tilespmem:v26+s21+$0x0], $0xffff  }
0x103: {  	v57 =	vor.u32 v9, v24;
	v20 =	vld.idx.msk [tilespmem:v20+s21+$0x0], $0xffff  }
0x104: {  	v58 =	vor.u32 v10, v24;
	v22 =	vld.idx.msk [tilespmem:v22+s21+$0x0], $0xffff  }
0x105: {  	v59 =	vor.u32 v11, v24;
	v18 =	vld.idx.msk [tilespmem:v53+s21+$0x0], $0xffff  }
0x106: {  	v60 =	vor.u32 v12, v24;
	v21 =	vld.idx.msk [tilespmem:v54+s21+$0x0], $0xffff  }
0x107: {  	v61 =	vor.u32 v13, v24;
	v16 =	vld.idx.msk [tilespmem:v16+s21+$0x0], $0xffff;
	[tilespmem:v56+s28+$0x0] =	vst.idx.msk $0xffff, v19  }
0x108: {  	v62 =	vor.u32 v14, v24;
	[tilespmem:v57+s28+$0x0] =	vst.idx.msk $0xffff, v20  }
0x109: {  	v63 =	vor.u32 v15, v24;
	[tilespmem:v58+s28+$0x0] =	vst.idx.msk $0xffff, v55  }
0x10a: {  	[tilespmem:v59+s28+$0x0] =	vst.idx.msk $0xffff, v22  }
.Ltmp6:
0x10b: {  	s3 =	sshll.u32 s15, $0x12;
	[tilespmem:v60+s28+$0x0] =	vst.idx.msk $0xffff, v17;
	(pc) =	sbr.rel @p0 .LBB2_12-.Ltmp6, $4  }
0x10c: {  	s3 =	sor.u32 s6, s3;
	[tilespmem:v61+s28+$0x0] =	vst.idx.msk $0xffff, v16  }
0x10d: {  	s3 =	sshrl.u32 s3, $0x3;
	[tilespmem:v62+s28+$0x0] =	vst.idx.msk $0xffff, v18  }
0x10e: {  	s3 =	sadd.s32 s2, s3;
	[tilespmem:v63+s28+$0x0] =	vst.idx.msk $0xffff, v21  }
0x10f: {  	[hbm4b:s3+s19] =	stream.strided.scatter [tilespmem:s28], [sflag:$0x8], $0x2000, s20, s19, $0x38;
	[tilespmem:$0x16400] =	vst v63  }
.Ltmp7:
0x110: {  	(pc) =	sbr.rel .LBB2_2-.Ltmp7, $4  }
0x111: {  	s3 =	sshll.u32 s11, $0x9  }
0x112: {  	s3 =	sand.u32 $0x3FFFFE00, s3  }
0x113: {  	s11 =	sadd.s32 $0x1, s11;
	s3 =	sadd.s32 $0x300, s3  }
0x114: {  	[tilespmem:s16], [sflag:$0x3] =	stream.indirect.gather [hbm4b:s4+s10], $0x40, s3, s10, $0xb8;
	[tilespmem:$0x16400] =	vst v63  }
.LBB2_13:
0x115: {  	_ =	sfence.sel $0x180000  }
0x116: {  	[bflag:$0x0] =	sbarrier.arrive $0xFFFF  }
0x117: {  	_ =	strace $0x9000004A  }
0x118: {  	s0 =	stileid.u32;
	[bflag:$0x2] =	sbarrier.arrive $0xFFFF  }
0x119: {  	p0 =	sne.s32 s0, $0x0;
	s0 =	rddreg [dreg:$0x2]  }
0x11a: {  	s0 =	sadd.s32 @!p0 $0x100000, s0  }
0x11b: {  	[sflag:s0] =	ssyncadd.tile.s32 @!p0 $0x1;
	_ =	shalt  }
.Lfunc_end2:
_tile_overlayer_lowered:
.L_overlay_start_2:
0x11c: {  	(tag) =	ssettag $0x2  }
0x11d: {  	s0 =	rddreg [dreg:$0x0];
	s2 =	stileid.u32  }
0x11e: {  	s1 =	rddreg [dreg:$0x1];
	p0 =	sne.s32 s2, $0x0  }
0x11f: {  	s3 =	rddreg [dreg:$0x2];
	[bflag:$0x3] =	sbarrier.arrive $0xFFFF;
	s2 =	simm.s32 @!p0 $0x1C09  }
0x120: {  	[timem:s3], [sflag:s2] =	dma.local @!p0 [hbm:s0], s1  }
0x121: {  	s0 =	simm.s32 @!p0 $0x9  }
0x122: {  	_ =	swait.ge @!p0 [sflag:s0], s1  }
0x123: {  	s1 =	ssub.s32 @!p0 $0x0, s1;
	[sflag:s0] =	ssyncset.done @!p0 $0x0  }
0x124: {  	[sflag:s0] =	ssyncadd.s32 @!p0 s1  }
0x125: {  	[bflag:$0x3] =	sbarrier.arrive $0xFFFF  }
0x126: {  	_ =	shalt  }

</sc_bundles>
